<compile_context>
chip_gen: v7x
topology: tpu7x:2x2x1
jax: 0.10.2.dev20260603
libtpu: 0.0.44.dev20260713+nightly
codegen_flags: <defaults>
</compile_context>

<pallas_src>
import functools
import jax
import jax.numpy as jnp
from jax import lax
from jax.experimental import pallas as pl
from jax.experimental.pallas import tpu as pltpu
from jax.experimental.pallas import tpu_sc as plsc

N = 10000
E = 160000
F = 128
S = 4
H = 32
G = 64
OUT = 8
NP = 10240
BLK = 400
NSTEP = N // BLK


def _t1_body(x_ref, w_ref, pdeg_ref, t1_ref, r1_ref, ac_ref):
    dego = jnp.sum(pdeg_ref[0], axis=1, keepdims=True)
    degi = jnp.sum(pdeg_ref[1], axis=1, keepdims=True)
    a = lax.rsqrt(jnp.maximum(dego, 1.0))
    c = lax.rsqrt(jnp.maximum(degi, 1.0))
    ac = jnp.concatenate([jnp.broadcast_to(a, (BLK, 8)),
                          jnp.broadcast_to(c, (BLK, 8))], axis=1)
    ac_ref[...] = ac
    t = jnp.dot(x_ref[...], w_ref[...], preferred_element_type=jnp.float32)
    y = a * t[:, :H]
    t1_ref[...] = jnp.concatenate(
        [y, t[:, H:6 * H], jnp.zeros((BLK, 64), jnp.float32)], axis=1)
    r1_ref[...] = t[:, 6 * H:7 * H]


def _t1_call(x, wcat1, pdeg):
    return pl.pallas_call(
        _t1_body,
        grid=(NSTEP,),
        in_specs=[
            pl.BlockSpec((BLK, F), lambda i: (i, 0)),
            pl.BlockSpec((F, 7 * H), lambda i: (0, 0)),
            pl.BlockSpec((2, BLK, 16), lambda i: (0, i, 0)),
        ],
        out_specs=[
            pl.BlockSpec((BLK, 8 * H), lambda i: (i, 0)),
            pl.BlockSpec((BLK, H), lambda i: (i, 0)),
            pl.BlockSpec((BLK, 16), lambda i: (i, 0)),
        ],
        out_shape=[
            jax.ShapeDtypeStruct((N, 8 * H), jnp.float32),
            jax.ShapeDtypeStruct((N, H), jnp.float32),
            jax.ShapeDtypeStruct((N, 16), jnp.float32),
        ],
    )(x, wcat1, pdeg)


H2 = 2 * H


def _t2_body(p1_ref, ac_ref, r1_ref, w_ref, b1_ref, be1_ref, t2_ref, r2_ref):
    p = p1_ref[...]
    ac = ac_ref[...]
    a, c = ac[:, 0:1], ac[:, 8:9]
    out1 = jnp.maximum(c * p[:, :H] + b1_ref[...], 0.0)
    out3 = jnp.maximum(p[:, H:] + r1_ref[...] + be1_ref[...], 0.0)
    o = jnp.concatenate([out1, out3], axis=1)
    t = jnp.dot(o, w_ref[...], preferred_element_type=jnp.float32)
    y2 = a * t[:, :H2]
    t2_ref[...] = jnp.concatenate([y2, t[:, H2:6 * H2]], axis=1)
    r2_ref[...] = t[:, 6 * H2:7 * H2]


def _t2_call(p1, ac, r1, wcat2, b1, be1):
    return pl.pallas_call(
        _t2_body,
        grid=(NSTEP,),
        in_specs=[
            pl.BlockSpec((BLK, 2 * H), lambda i: (i, 0)),
            pl.BlockSpec((BLK, 16), lambda i: (i, 0)),
            pl.BlockSpec((BLK, H), lambda i: (i, 0)),
            pl.BlockSpec((2 * H, 7 * H2), lambda i: (0, 0)),
            pl.BlockSpec((1, H), lambda i: (0, 0)),
            pl.BlockSpec((1, H), lambda i: (0, 0)),
        ],
        out_specs=[
            pl.BlockSpec((BLK, 6 * H2), lambda i: (i, 0)),
            pl.BlockSpec((BLK, H2), lambda i: (i, 0)),
        ],
        out_shape=[
            jax.ShapeDtypeStruct((N, 6 * H2), jnp.float32),
            jax.ShapeDtypeStruct((N, H2), jnp.float32),
        ],
    )(p1, ac, r1, wcat2, b1, be1)


def _head_body(p2_ref, ac_ref, r2_ref, gid_ref, b2_ref, be2_ref,
               wd1_ref, bd1_ref, wd2_ref, bd2_ref, wo_ref, bo_ref,
               out_ref, pool_ref):
    i = pl.program_id(0)

    @pl.when(i == 0)
    def _():
        pool_ref[...] = jnp.zeros_like(pool_ref)

    p = p2_ref[...]
    ac = ac_ref[...]
    c = ac[:, 8:9]
    out2 = jnp.maximum(c * p[:, :H2] + b2_ref[...], 0.0)
    out4 = jnp.maximum(p[:, H2:] + r2_ref[...] + be2_ref[...], 0.0)
    o = jnp.concatenate([out2, out4], axis=1)
    gid = gid_ref[0, 0]
    rows = lax.broadcasted_iota(jnp.int32, (G, BLK), 0)
    m = (rows == gid[None, :]).astype(jnp.float32)
    pool_ref[...] += jnp.dot(m, o, preferred_element_type=jnp.float32,
                             precision=lax.Precision.HIGHEST)

    @pl.when(i == NSTEP - 1)
    def _():
        h = pool_ref[...]
        h = jnp.maximum(jnp.dot(h, wd1_ref[...],
                                preferred_element_type=jnp.float32)
                        + bd1_ref[...], 0.0)
        h = jnp.maximum(jnp.dot(h, wd2_ref[...],
                                preferred_element_type=jnp.float32)
                        + bd2_ref[...], 0.0)
        z = jnp.dot(h, wo_ref[...], preferred_element_type=jnp.float32) \
            + bo_ref[...]
        out_ref[...] = jax.nn.sigmoid(z)


def _head_call(p2, ac, r2, gid3, b2, be2, wd1, bd1, wd2, bd2, wo, bo):
    full = lambda shape: pl.BlockSpec(shape, lambda i: tuple(0 for _ in shape))
    return pl.pallas_call(
        _head_body,
        grid=(NSTEP,),
        in_specs=[
            pl.BlockSpec((BLK, 2 * H2), lambda i: (i, 0)),
            pl.BlockSpec((BLK, 16), lambda i: (i, 0)),
            pl.BlockSpec((BLK, H2), lambda i: (i, 0)),
            pl.BlockSpec((1, 1, BLK), lambda i: (i, 0, 0)),
            full((1, H2)), full((1, H2)),
            full((4 * H, H)), full((1, H)),
            full((H, H // 2)), full((1, H // 2)),
            full((H // 2, OUT)), full((1, OUT)),
        ],
        out_specs=pl.BlockSpec((G, OUT), lambda i: (0, 0)),
        out_shape=jax.ShapeDtypeStruct((G, OUT), jnp.float32),
        scratch_shapes=[pltpu.VMEM((G, 4 * H), jnp.float32)],
    )(p2, ac, r2, gid3, b2, be2, wd1, bd1, wd2, bd2, wo, bo)


NT = 32
NTPW = NP // NT
SB = 2000
NSB = E // SB
NCH = SB // 16

_SC_MESH = plsc.VectorSubcoreMesh(core_axis_name="c", subcore_axis_name="s")


@functools.partial(
    pl.kernel,
    out_type=jax.ShapeDtypeStruct((2, NP * 16), jnp.float32),
    mesh=_SC_MESH,
    compiler_params=pltpu.CompilerParams(needs_layout_passes=False),
    scratch_types=[
        pltpu.VMEM((SB,), jnp.int32),
        pltpu.VMEM((NTPW * 16 + 16,), jnp.float32),
        pltpu.VMEM((NTPW * 16 + 16,), jnp.float32),
    ],
)
def _deg_kernel(src_hbm, dst_hbm, out_hbm, ibuf, ho, hi):
    cid = lax.axis_index("c")
    sid = lax.axis_index("s")
    tid = sid * 2 + cid
    lo = tid * NTPW
    lanes = lax.iota(jnp.int32, 16)
    ones = jnp.ones((16,), jnp.float32)
    zv = jnp.zeros((16,), jnp.float32)

    @pl.loop(0, NTPW + 1)
    def _(i):
        ho[pl.ds(i * 16, 16)] = zv
        hi[pl.ds(i * 16, 16)] = zv

    for hist, arr in ((ho, src_hbm), (hi, dst_hbm)):
        @pl.loop(0, NSB)
        def _(b):
            pltpu.sync_copy(arr.at[pl.ds(b * SB, SB)], ibuf)

            @pl.loop(0, NCH)
            def _(ch):
                v = ibuf[pl.ds(ch * 16, 16)] - lo
                m = (v >= 0) & (v < NTPW)
                addr = jnp.where(m, v * 16, NTPW * 16) + lanes
                plsc.addupdate_scatter(hist, [addr], ones)

    pltpu.sync_copy(ho.at[pl.ds(0, NTPW * 16)],
                    out_hbm.at[0, pl.ds(lo * 16, NTPW * 16)])
    pltpu.sync_copy(hi.at[pl.ds(0, NTPW * 16)],
                    out_hbm.at[1, pl.ds(lo * 16, NTPW * 16)])



def _lane_take(vec, lv):
    return lax.gather(
        vec, lv[:, None],
        lax.GatherDimensionNumbers(offset_dims=(), collapsed_slice_dims=(0,),
                                   start_index_map=(0,)),
        (1,), mode=lax.GatherScatterMode.PROMISE_IN_BOUNDS)


def _make_edge_sc(wg):
    wt = ((6 * wg + 127) // 128) * 128
    wm = 2 * wg

    @functools.partial(
        pl.kernel,
        out_type=jax.ShapeDtypeStruct((NP * wm,), jnp.float32),
        mesh=_SC_MESH,
        compiler_params=pltpu.CompilerParams(needs_layout_passes=False),
        scratch_types=[
            pltpu.VMEM((SB,), jnp.int32),
            pltpu.VMEM((SB,), jnp.int32),
            pltpu.VMEM((4 * SB,), jnp.float32),
            pltpu.VMEM((256,), jnp.int32),
            pltpu.VMEM((256,), jnp.int32),
            pltpu.VMEM((4 * 256,), jnp.float32),
            pltpu.VMEM((128, wt), jnp.float32),
            pltpu.VMEM(((NTPW + 1) * wm,), jnp.float32),
            pltpu.SemaphoreType.DMA,
        ],
    )
    def _edge_kernel(table_hbm, src_hbm, dst_hbm, attr_hbm, out_hbm,
                     dbuf, sbuf, abuf, csrc, cdst, cattr, rows, acc, sem):
        cid = lax.axis_index("c")
        sid = lax.axis_index("s")
        tid = sid * 2 + cid
        lo = tid * NTPW
        lanes = lax.iota(jnp.int32, 16)
        zv = jnp.zeros((16,), jnp.float32)

        @pl.loop(0, (NTPW + 1) * wm // 16)
        def _(i):
            acc[pl.ds(i * 16, 16)] = zv

        def drain():
            pltpu.async_copy(table_hbm.at[csrc.at[pl.ds(0, 128)]], rows,
                             sem).wait()

            @pl.loop(0, 128)
            def _(i):
                gbase = (i // 16) * 16
                lane = i - gbase
                lv = jnp.full((16,), lane, jnp.int32)
                dlv = _lane_take(cdst[pl.ds(gbase, 16)], lv)
                evs = [_lane_take(cattr[pl.ds(s * 256 + gbase, 16)], lv)
                       for s in range(S)]
                for c in range(wg // 16):
                    v = rows[i, pl.ds(5 * wg + c * 16, 16)]
                    for s in range(S):
                        v = v + evs[s] * rows[i, pl.ds((1 + s) * wg + c * 16, 16)]
                    plsc.addupdate_scatter(
                        acc, [dlv * wm + (lanes + (wg + c * 16))], v)
                for c in range(wg // 16):
                    plsc.addupdate_scatter(acc, [dlv * wm + (lanes + c * 16)],
                                           rows[i, pl.ds(c * 16, 16)])

            csrc[pl.ds(0, 16)] = csrc[pl.ds(128, 16)]
            cdst[pl.ds(0, 16)] = cdst[pl.ds(128, 16)]
            for s in range(S):
                cattr[pl.ds(s * 256, 16)] = cattr[pl.ds(s * 256 + 128, 16)]

        def _scan_block(b, off):
            base = b * SB
            pltpu.sync_copy(dst_hbm.at[pl.ds(base, SB)], dbuf)
            pltpu.sync_copy(src_hbm.at[pl.ds(base, SB)], sbuf)
            for s in range(S):
                pltpu.sync_copy(attr_hbm.at[pl.ds(s * E + base, SB)],
                                abuf.at[pl.ds(s * SB, SB)])

            @pl.loop(0, NCH, init_carry=off)
            def off2(ch, off):
                dl = dbuf[pl.ds(ch * 16, 16)] - lo
                m = (dl >= 0) & (dl < NTPW)
                plsc.store_compressed(csrc.at[pl.ds(off, 16)],
                                      sbuf[pl.ds(ch * 16, 16)], mask=m)
                plsc.store_compressed(cdst.at[pl.ds(off, 16)], dl, mask=m)
                for s in range(S):
                    plsc.store_compressed(cattr.at[pl.ds(s * 256 + off, 16)],
                                          abuf[pl.ds(s * SB + ch * 16, 16)],
                                          mask=m)
                off = off + jnp.sum(jnp.where(m, 1, 0).astype(jnp.int32))
                pl.when(off >= 128)(drain)
                return jnp.where(off >= 128, off - 128, off)

            return off2

        off = pl.loop(0, NSB, init_carry=jnp.int32(0))(_scan_block)

        @pl.when(off > 0)
        def _():
            for ch in range(8):
                pos = lanes + ch * 16
                keep = pos < off
                csrc[pl.ds(ch * 16, 16)] = jnp.where(
                    keep, csrc[pl.ds(ch * 16, 16)], 0)
                cdst[pl.ds(ch * 16, 16)] = jnp.where(
                    keep, cdst[pl.ds(ch * 16, 16)], NTPW)
                for s in range(S):
                    cattr[pl.ds(s * 256 + ch * 16, 16)] = jnp.where(
                        keep, cattr[pl.ds(s * 256 + ch * 16, 16)], 0.0)
            drain()

        pltpu.sync_copy(acc.at[pl.ds(0, NTPW * wm)],
                        out_hbm.at[pl.ds(lo * wm, NTPW * wm)])

    return _edge_kernel


_edge_sc_1 = _make_edge_sc(H)
_edge_sc_2 = _make_edge_sc(H2)


def kernel(x, edge_index, edge_attr, graph_ids, W_gcn1, b_gcn1, W_gcn2,
           b_gcn2, Wk1, bk1, root1, be1, Wk2, bk2, root2, be2, Wd1, bd1,
           Wd2, bd2, Wo, bo):
    src, dst = edge_index[0], edge_index[1]

    wk1 = Wk1.reshape(S, F, H)
    wcat1 = jnp.concatenate(
        [W_gcn1] + [wk1[s] for s in range(S)]
        + [bk1.reshape(F, H), root1], axis=1)
    wk2 = Wk2.reshape(S, H, H2)
    right = jnp.concatenate([wk2[s] for s in range(S)]
                            + [bk2.reshape(H, H2), root2], axis=1)
    wcat2 = jnp.zeros((2 * H, 7 * H2), jnp.float32)
    wcat2 = wcat2.at[:H, :H2].set(W_gcn2).at[H:, H2:].set(right)

    gid3 = graph_ids.reshape(NSTEP, 1, BLK)
    attr_t = edge_attr.T.reshape(-1)

    pdeg = _deg_kernel(src, dst).reshape(2, NP, 16)
    t1, r1, ac = _t1_call(x, wcat1, pdeg)
    p1 = _edge_sc_1(t1, src, dst, attr_t).reshape(NP, 2 * H)
    t2, r2 = _t2_call(p1[:N], ac, r1, wcat2,
                      b_gcn1.reshape(1, H), be1.reshape(1, H))
    p2 = _edge_sc_2(t2, src, dst, attr_t).reshape(NP, 2 * H2)
    out = _head_call(p2[:N], ac, r2, gid3,
                     b_gcn2.reshape(1, H2), be2.reshape(1, H2),
                     Wd1, bd1.reshape(1, H), Wd2, bd2.reshape(1, H // 2),
                     Wo, bo.reshape(1, OUT))
    return out

# --- scband reference (transcript-rebuilt; emitter-appended) ---
"""Pipeline reference for scband-nnmodel-35227321762106 (READ-ONLY COPY).

The authoritative reference and input builder live on the scoring server;
editing this copy changes nothing except your own understanding.
"""

import jax, jax.numpy as jnp
import numpy as np

N = 10000
E = 160000
F = 128
S = 4
H = 32
G = 64
OUT = 8

def _gcn(x, src, dst, W, b, n):
    xw = x @ W
    ones = jnp.ones((src.shape[0],), jnp.float32)
    deg_out = jnp.zeros((n,), jnp.float32).at[src].add(ones)
    deg_in = jnp.zeros((n,), jnp.float32).at[dst].add(ones)
    norm = jax.lax.rsqrt(jnp.maximum(deg_out[src], 1.0) * jnp.maximum(deg_in[dst], 1.0))
    msg = xw[src] * norm[:, None]
    agg = jnp.zeros((n, W.shape[1]), jnp.float32).at[dst].add(msg)
    return jax.nn.relu(agg + b)

def _ecc(x, e, src, dst, Wk, bk, root, b, n, f_in, f_out):
    # Edge-conditioned conv: per-edge kernel K_e = reshape(e_e @ Wk + bk, (f_in, f_out))
    # message_e = x[src_e] @ K_e, computed with reordered einsum to avoid materializing [E, f_in, f_out]
    xs = x[src]
    Wk3 = Wk.reshape(S, f_in, f_out)
    t = jnp.einsum('ei,sio->eso', xs, Wk3)
    msg = jnp.einsum('es,eso->eo', e, t) + xs @ bk.reshape(f_in, f_out)
    agg = jnp.zeros((n, f_out), jnp.float32).at[dst].add(msg)
    return jax.nn.relu(agg + x @ root + b)

def setup_inputs(seed: int = 0):
    key = jax.random.key(seed)
    k = lambda i: jax.random.fold_in(key, i)
    inp = {}
    inp['x'] = jax.random.normal(k(0), (N, F), jnp.float32)
    inp['edge_index'] = jax.random.randint(k(1), (2, E), 0, N, jnp.int32)
    inp['edge_attr'] = jax.random.normal(k(2), (E, S), jnp.float32)
    inp['graph_ids'] = jnp.sort(jax.random.randint(k(3), (N,), 0, G, jnp.int32))
    sc = 0.1
    inp['W_gcn1'] = jax.random.normal(k(4), (F, H), jnp.float32) * sc
    inp['b_gcn1'] = jnp.zeros((H,), jnp.float32)
    inp['W_gcn2'] = jax.random.normal(k(5), (H, 2 * H), jnp.float32) * sc
    inp['b_gcn2'] = jnp.zeros((2 * H,), jnp.float32)
    inp['Wk1'] = jax.random.normal(k(6), (S, F * H), jnp.float32) * sc
    inp['bk1'] = jax.random.normal(k(7), (F * H,), jnp.float32) * 0.01
    inp['root1'] = jax.random.normal(k(8), (F, H), jnp.float32) * sc
    inp['be1'] = jnp.zeros((H,), jnp.float32)
    inp['Wk2'] = jax.random.normal(k(9), (S, H * 2 * H), jnp.float32) * sc
    inp['bk2'] = jax.random.normal(k(10), (H * 2 * H,), jnp.float32) * 0.01
    inp['root2'] = jax.random.normal(k(11), (H, 2 * H), jnp.float32) * sc
    inp['be2'] = jnp.zeros((2 * H,), jnp.float32)
    inp['Wd1'] = jax.random.normal(k(12), (4 * H, H), jnp.float32) * sc
    inp['bd1'] = jnp.zeros((H,), jnp.float32)
    inp['Wd2'] = jax.random.normal(k(13), (H, H // 2), jnp.float32) * sc
    inp['bd2'] = jnp.zeros((H // 2,), jnp.float32)
    inp['Wo'] = jax.random.normal(k(14), (H // 2, OUT), jnp.float32) * sc
    inp['bo'] = jnp.zeros((OUT,), jnp.float32)
    return inp

def reference(x, edge_index, edge_attr, graph_ids, W_gcn1, b_gcn1, W_gcn2, b_gcn2, Wk1, bk1, root1, be1, Wk2, bk2, root2, be2, Wd1, bd1, Wd2, bd2, Wo, bo):
    src, dst = edge_index[0], edge_index[1]
    out1 = _gcn(x, src, dst, W_gcn1, b_gcn1, N)
    out2 = _gcn(out1, src, dst, W_gcn2, b_gcn2, N)
    out3 = _ecc(x, edge_attr, src, dst, Wk1, bk1, root1, be1, N, F, H)
    out4 = _ecc(out3, edge_attr, src, dst, Wk2, bk2, root2, be2, N, H, 2 * H)
    out5 = jax.ops.segment_sum(out2, graph_ids, num_segments=G)
    out6 = jax.ops.segment_sum(out4, graph_ids, num_segments=G)
    h = jnp.concatenate([out5, out6], axis=1)
    h = jax.nn.relu(h @ Wd1 + bd1)
    h = jax.nn.relu(h @ Wd2 + bd2)
    return jax.nn.sigmoid(h @ Wo + bo)

if __name__ == "__main__":
    import jax
    _d = setup_inputs()
    print(jax.jit(kernel)(*tuple(_d.values())))

</pallas_src>

<mosaic_0001>
#map = affine_map<(d0, d1) -> (0, 0)>
#map1 = affine_map<(d0, d1) -> (0)>
module attributes {stable_mosaic.version = 14 : i64} {
  func.func @_edge_kernel(%arg0: i32, %arg1: i32, %arg2: memref<10000x256xf32, #tpu.memory_space<hbm>>, %arg3: memref<160000xi32, #tpu.memory_space<hbm>>, %arg4: memref<160000xi32, #tpu.memory_space<hbm>>, %arg5: memref<640000xf32, #tpu.memory_space<hbm>>, %arg6: memref<655360xf32, #tpu.memory_space<hbm>>, %arg7: memref<2000xi32, #tpu.memory_space<vmem>>, %arg8: memref<2000xi32, #tpu.memory_space<vmem>>, %arg9: memref<8000xf32, #tpu.memory_space<vmem>>, %arg10: memref<256xi32, #tpu.memory_space<vmem>>, %arg11: memref<256xi32, #tpu.memory_space<vmem>>, %arg12: memref<1024xf32, #tpu.memory_space<vmem>>, %arg13: memref<128x256xf32, #tpu.memory_space<vmem>>, %arg14: memref<20544xf32, #tpu.memory_space<vmem>>, %arg15: memref<!tpu.dma_semaphore, #tpu.memory_space<semaphore_mem>>) attributes {dimension_semantics = [#tpu.dimension_semantics<core_parallel>, #tpu.dimension_semantics<subcore_parallel>], iteration_bounds = array<i64: 2, 16>, scalar_prefetch = 0 : i64, scratch_operands = 9 : i64, tpu.core_type = #tpu.core_type<sc_vector_subcore>, window_params = [{transform_indices = #map}, {transform_indices = #map1}, {transform_indices = #map1}, {transform_indices = #map1}, {transform_indices = #map1}]} {
    %mul3A = arith.constant 2 : i32
    %mul3A_0 = arith.muli %arg1, %mul3A : i32
    %add3A = arith.addi %mul3A_0, %arg0 : i32
    %mul3A_1 = arith.constant 320 : i32
    %mul3A_2 = arith.muli %add3A, %mul3A_1 : i32
    %iota3A = tpu.iota {dimensions = array<i32: 0>} : vector<16xi32>
    %broadcast_in_dim3A = arith.constant 0.000000e+00 : f32
    %broadcast_in_dim3A_3 = vector.broadcast %broadcast_in_dim3A : f32 to vector<16xf32>
    %scan3A = arith.constant 0 : i32
    %scan3A_4 = arith.constant 1284 : i32
    %scan3A_5 = arith.addi %scan3A, %scan3A_4 : i32
    %scan3A_6 = arith.constant 1 : i32
    scf.for %scan3A_19 = %scan3A to %scan3A_5 step %scan3A_6  : i32 {
      %mul3A_20 = arith.constant 1 : i32
      %mul3A_21 = arith.muli %scan3A_19, %mul3A_20 : i32
      %add3A_22 = arith.constant 0 : i32
      %add3A_23 = arith.addi %add3A_22, %mul3A_21 : i32
      %mul3A_24 = arith.constant 16 : i32
      %mul3A_25 = arith.muli %add3A_23, %mul3A_24 : i32
      %swap3A = arith.index_cast %mul3A_25 : i32 to index
      %swap3A_26 = tpu.vector_load %arg14[%swap3A] {strides = array<i32>} : memref<20544xf32, #tpu.memory_space<vmem>>, vector<16xf32>,
      tpu.vector_store %arg14[%swap3A], %broadcast_in_dim3A_3 {strides = array<i32>} : memref<20544xf32, #tpu.memory_space<vmem>>, vector<16xf32>,
    }
    %scan3A_7 = arith.constant 1284 : i32
    %scan3A_8 = arith.constant 0 : i32
    %scan3A_9 = arith.constant 0 : i32
    %scan3A_10 = arith.constant 80 : i32
    %scan3A_11 = arith.addi %scan3A_9, %scan3A_10 : i32
    %scan3A_12 = arith.constant 1 : i32
    %scan3A_13 = scf.for %scan3A_19 = %scan3A_9 to %scan3A_11 step %scan3A_12 iter_args(%scan3A_20 = %scan3A_8) -> (i32)  : i32 {
      %mul3A_21 = arith.constant 1 : i32
      %mul3A_22 = arith.muli %scan3A_19, %mul3A_21 : i32
      %add3A_23 = arith.constant 0 : i32
      %add3A_24 = arith.addi %add3A_23, %mul3A_22 : i32
      %mul3A_25 = arith.constant 2000 : i32
      %mul3A_26 = arith.muli %add3A_24, %mul3A_25 : i32
      "tpu.region"() ({
        %run_scoped3A = tpu.sem_alloc : memref<!tpu.dma_semaphore, #tpu.memory_space<semaphore_mem>>
        %dma_start3A = tpu.memref_slice %arg4[%mul3A_26] : memref<160000xi32, #tpu.memory_space<hbm>> -> memref<2000xi32, #tpu.memory_space<hbm>>
        %dma_start3A_41 = tpu.memref_slice %arg4[%mul3A_26] : memref<160000xi32, #tpu.memory_space<hbm>> -> memref<2000xi32, #tpu.memory_space<hbm>>
        tpu.enqueue_dma source(%dma_start3A_41 : memref<2000xi32, #tpu.memory_space<hbm>>) target(%arg7 : memref<2000xi32, #tpu.memory_space<vmem>>) target_semaphore(%run_scoped3A : memref<!tpu.dma_semaphore, #tpu.memory_space<semaphore_mem>>)
        %dma_wait3A = tpu.memref_slice %arg4[%mul3A_26] : memref<160000xi32, #tpu.memory_space<hbm>> -> memref<2000xi32, #tpu.memory_space<hbm>>
        %dma_wait3A_42 = tpu.memref_slice %arg4[%mul3A_26] : memref<160000xi32, #tpu.memory_space<hbm>> -> memref<2000xi32, #tpu.memory_space<hbm>>
        tpu.wait_dma2 semaphore(%run_scoped3A : memref<!tpu.dma_semaphore, #tpu.memory_space<semaphore_mem>>) src(%dma_wait3A_42 : memref<2000xi32, #tpu.memory_space<hbm>>) dst(%arg7 : memref<2000xi32, #tpu.memory_space<vmem>>)
        tpu.yield
      }) : () -> ()
      "tpu.region"() ({
        %run_scoped3A = tpu.sem_alloc : memref<!tpu.dma_semaphore, #tpu.memory_space<semaphore_mem>>
        %dma_start3A = tpu.memref_slice %arg3[%mul3A_26] : memref<160000xi32, #tpu.memory_space<hbm>> -> memref<2000xi32, #tpu.memory_space<hbm>>
        %dma_start3A_41 = tpu.memref_slice %arg3[%mul3A_26] : memref<160000xi32, #tpu.memory_space<hbm>> -> memref<2000xi32, #tpu.memory_space<hbm>>
        tpu.enqueue_dma source(%dma_start3A_41 : memref<2000xi32, #tpu.memory_space<hbm>>) target(%arg8 : memref<2000xi32, #tpu.memory_space<vmem>>) target_semaphore(%run_scoped3A : memref<!tpu.dma_semaphore, #tpu.memory_space<semaphore_mem>>)
        %dma_wait3A = tpu.memref_slice %arg3[%mul3A_26] : memref<160000xi32, #tpu.memory_space<hbm>> -> memref<2000xi32, #tpu.memory_space<hbm>>
        %dma_wait3A_42 = tpu.memref_slice %arg3[%mul3A_26] : memref<160000xi32, #tpu.memory_space<hbm>> -> memref<2000xi32, #tpu.memory_space<hbm>>
        tpu.wait_dma2 semaphore(%run_scoped3A : memref<!tpu.dma_semaphore, #tpu.memory_space<semaphore_mem>>) src(%dma_wait3A_42 : memref<2000xi32, #tpu.memory_space<hbm>>) dst(%arg8 : memref<2000xi32, #tpu.memory_space<vmem>>)
        tpu.yield
      }) : () -> ()
      %add3A_27 = arith.constant 0 : i32
      %add3A_28 = arith.addi %add3A_27, %mul3A_26 : i32
      "tpu.region"() ({
        %run_scoped3A = tpu.sem_alloc : memref<!tpu.dma_semaphore, #tpu.memory_space<semaphore_mem>>
        %dma_start3A = arith.constant 0 : i32
        %dma_start3A_41 = tpu.memref_slice %arg9[%dma_start3A] : memref<8000xf32, #tpu.memory_space<vmem>> -> memref<2000xf32, #tpu.memory_space<vmem>>
        %dma_start3A_42 = tpu.memref_slice %arg5[%add3A_28] : memref<640000xf32, #tpu.memory_space<hbm>> -> memref<2000xf32, #tpu.memory_space<hbm>>
        %dma_start3A_43 = arith.constant 0 : i32
        %dma_start3A_44 = tpu.memref_slice %arg9[%dma_start3A_43] : memref<8000xf32, #tpu.memory_space<vmem>> -> memref<2000xf32, #tpu.memory_space<vmem>>
        %dma_start3A_45 = tpu.memref_slice %arg5[%add3A_28] : memref<640000xf32, #tpu.memory_space<hbm>> -> memref<2000xf32, #tpu.memory_space<hbm>>
        tpu.enqueue_dma source(%dma_start3A_45 : memref<2000xf32, #tpu.memory_space<hbm>>) target(%dma_start3A_44 : memref<2000xf32, #tpu.memory_space<vmem>>) target_semaphore(%run_scoped3A : memref<!tpu.dma_semaphore, #tpu.memory_space<semaphore_mem>>)
        %dma_wait3A = arith.constant 0 : i32
        %dma_wait3A_46 = tpu.memref_slice %arg9[%dma_wait3A] : memref<8000xf32, #tpu.memory_space<vmem>> -> memref<2000xf32, #tpu.memory_space<vmem>>
        %dma_wait3A_47 = tpu.memref_slice %arg5[%add3A_28] : memref<640000xf32, #tpu.memory_space<hbm>> -> memref<2000xf32, #tpu.memory_space<hbm>>
        %dma_wait3A_48 = arith.constant 0 : i32
        %dma_wait3A_49 = tpu.memref_slice %arg9[%dma_wait3A_48] : memref<8000xf32, #tpu.memory_space<vmem>> -> memref<2000xf32, #tpu.memory_space<vmem>>
        %dma_wait3A_50 = tpu.memref_slice %arg5[%add3A_28] : memref<640000xf32, #tpu.memory_space<hbm>> -> memref<2000xf32, #tpu.memory_space<hbm>>
        tpu.wait_dma2 semaphore(%run_scoped3A : memref<!tpu.dma_semaphore, #tpu.memory_space<semaphore_mem>>) src(%dma_wait3A_50 : memref<2000xf32, #tpu.memory_space<hbm>>) dst(%dma_wait3A_49 : memref<2000xf32, #tpu.memory_space<vmem>>)
        tpu.yield
      }) : () -> ()
      %add3A_29 = arith.constant 160000 : i32
      %add3A_30 = arith.addi %add3A_29, %mul3A_26 : i32
      "tpu.region"() ({
        %run_scoped3A = tpu.sem_alloc : memref<!tpu.dma_semaphore, #tpu.memory_space<semaphore_mem>>
        %dma_start3A = arith.constant 2000 : i32
        %dma_start3A_41 = tpu.memref_slice %arg9[%dma_start3A] : memref<8000xf32, #tpu.memory_space<vmem>> -> memref<2000xf32, #tpu.memory_space<vmem>>
        %dma_start3A_42 = tpu.memref_slice %arg5[%add3A_30] : memref<640000xf32, #tpu.memory_space<hbm>> -> memref<2000xf32, #tpu.memory_space<hbm>>
        %dma_start3A_43 = arith.constant 2000 : i32
        %dma_start3A_44 = tpu.memref_slice %arg9[%dma_start3A_43] : memref<8000xf32, #tpu.memory_space<vmem>> -> memref<2000xf32, #tpu.memory_space<vmem>>
        %dma_start3A_45 = tpu.memref_slice %arg5[%add3A_30] : memref<640000xf32, #tpu.memory_space<hbm>> -> memref<2000xf32, #tpu.memory_space<hbm>>
        tpu.enqueue_dma source(%dma_start3A_45 : memref<2000xf32, #tpu.memory_space<hbm>>) target(%dma_start3A_44 : memref<2000xf32, #tpu.memory_space<vmem>>) target_semaphore(%run_scoped3A : memref<!tpu.dma_semaphore, #tpu.memory_space<semaphore_mem>>)
        %dma_wait3A = arith.constant 2000 : i32
        %dma_wait3A_46 = tpu.memref_slice %arg9[%dma_wait3A] : memref<8000xf32, #tpu.memory_space<vmem>> -> memref<2000xf32, #tpu.memory_space<vmem>>
        %dma_wait3A_47 = tpu.memref_slice %arg5[%add3A_30] : memref<640000xf32, #tpu.memory_space<hbm>> -> memref<2000xf32, #tpu.memory_space<hbm>>
        %dma_wait3A_48 = arith.constant 2000 : i32
        %dma_wait3A_49 = tpu.memref_slice %arg9[%dma_wait3A_48] : memref<8000xf32, #tpu.memory_space<vmem>> -> memref<2000xf32, #tpu.memory_space<vmem>>
        %dma_wait3A_50 = tpu.memref_slice %arg5[%add3A_30] : memref<640000xf32, #tpu.memory_space<hbm>> -> memref<2000xf32, #tpu.memory_space<hbm>>
        tpu.wait_dma2 semaphore(%run_scoped3A : memref<!tpu.dma_semaphore, #tpu.memory_space<semaphore_mem>>) src(%dma_wait3A_50 : memref<2000xf32, #tpu.memory_space<hbm>>) dst(%dma_wait3A_49 : memref<2000xf32, #tpu.memory_space<vmem>>)
        tpu.yield
      }) : () -> ()
      %add3A_31 = arith.constant 320000 : i32
      %add3A_32 = arith.addi %add3A_31, %mul3A_26 : i32
      "tpu.region"() ({
        %run_scoped3A = tpu.sem_alloc : memref<!tpu.dma_semaphore, #tpu.memory_space<semaphore_mem>>
        %dma_start3A = arith.constant 4000 : i32
        %dma_start3A_41 = tpu.memref_slice %arg9[%dma_start3A] : memref<8000xf32, #tpu.memory_space<vmem>> -> memref<2000xf32, #tpu.memory_space<vmem>>
        %dma_start3A_42 = tpu.memref_slice %arg5[%add3A_32] : memref<640000xf32, #tpu.memory_space<hbm>> -> memref<2000xf32, #tpu.memory_space<hbm>>
        %dma_start3A_43 = arith.constant 4000 : i32
        %dma_start3A_44 = tpu.memref_slice %arg9[%dma_start3A_43] : memref<8000xf32, #tpu.memory_space<vmem>> -> memref<2000xf32, #tpu.memory_space<vmem>>
        %dma_start3A_45 = tpu.memref_slice %arg5[%add3A_32] : memref<640000xf32, #tpu.memory_space<hbm>> -> memref<2000xf32, #tpu.memory_space<hbm>>
        tpu.enqueue_dma source(%dma_start3A_45 : memref<2000xf32, #tpu.memory_space<hbm>>) target(%dma_start3A_44 : memref<2000xf32, #tpu.memory_space<vmem>>) target_semaphore(%run_scoped3A : memref<!tpu.dma_semaphore, #tpu.memory_space<semaphore_mem>>)
        %dma_wait3A = arith.constant 4000 : i32
        %dma_wait3A_46 = tpu.memref_slice %arg9[%dma_wait3A] : memref<8000xf32, #tpu.memory_space<vmem>> -> memref<2000xf32, #tpu.memory_space<vmem>>
        %dma_wait3A_47 = tpu.memref_slice %arg5[%add3A_32] : memref<640000xf32, #tpu.memory_space<hbm>> -> memref<2000xf32, #tpu.memory_space<hbm>>
        %dma_wait3A_48 = arith.constant 4000 : i32
        %dma_wait3A_49 = tpu.memref_slice %arg9[%dma_wait3A_48] : memref<8000xf32, #tpu.memory_space<vmem>> -> memref<2000xf32, #tpu.memory_space<vmem>>
        %dma_wait3A_50 = tpu.memref_slice %arg5[%add3A_32] : memref<640000xf32, #tpu.memory_space<hbm>> -> memref<2000xf32, #tpu.memory_space<hbm>>
        tpu.wait_dma2 semaphore(%run_scoped3A : memref<!tpu.dma_semaphore, #tpu.memory_space<semaphore_mem>>) src(%dma_wait3A_50 : memref<2000xf32, #tpu.memory_space<hbm>>) dst(%dma_wait3A_49 : memref<2000xf32, #tpu.memory_space<vmem>>)
        tpu.yield
      }) : () -> ()
      %add3A_33 = arith.constant 480000 : i32
      %add3A_34 = arith.addi %add3A_33, %mul3A_26 : i32
      "tpu.region"() ({
        %run_scoped3A = tpu.sem_alloc : memref<!tpu.dma_semaphore, #tpu.memory_space<semaphore_mem>>
        %dma_start3A = arith.constant 6000 : i32
        %dma_start3A_41 = tpu.memref_slice %arg9[%dma_start3A] : memref<8000xf32, #tpu.memory_space<vmem>> -> memref<2000xf32, #tpu.memory_space<vmem>>
        %dma_start3A_42 = tpu.memref_slice %arg5[%add3A_34] : memref<640000xf32, #tpu.memory_space<hbm>> -> memref<2000xf32, #tpu.memory_space<hbm>>
        %dma_start3A_43 = arith.constant 6000 : i32
        %dma_start3A_44 = tpu.memref_slice %arg9[%dma_start3A_43] : memref<8000xf32, #tpu.memory_space<vmem>> -> memref<2000xf32, #tpu.memory_space<vmem>>
        %dma_start3A_45 = tpu.memref_slice %arg5[%add3A_34] : memref<640000xf32, #tpu.memory_space<hbm>> -> memref<2000xf32, #tpu.memory_space<hbm>>
        tpu.enqueue_dma source(%dma_start3A_45 : memref<2000xf32, #tpu.memory_space<hbm>>) target(%dma_start3A_44 : memref<2000xf32, #tpu.memory_space<vmem>>) target_semaphore(%run_scoped3A : memref<!tpu.dma_semaphore, #tpu.memory_space<semaphore_mem>>)
        %dma_wait3A = arith.constant 6000 : i32
        %dma_wait3A_46 = tpu.memref_slice %arg9[%dma_wait3A] : memref<8000xf32, #tpu.memory_space<vmem>> -> memref<2000xf32, #tpu.memory_space<vmem>>
        %dma_wait3A_47 = tpu.memref_slice %arg5[%add3A_34] : memref<640000xf32, #tpu.memory_space<hbm>> -> memref<2000xf32, #tpu.memory_space<hbm>>
        %dma_wait3A_48 = arith.constant 6000 : i32
        %dma_wait3A_49 = tpu.memref_slice %arg9[%dma_wait3A_48] : memref<8000xf32, #tpu.memory_space<vmem>> -> memref<2000xf32, #tpu.memory_space<vmem>>
        %dma_wait3A_50 = tpu.memref_slice %arg5[%add3A_34] : memref<640000xf32, #tpu.memory_space<hbm>> -> memref<2000xf32, #tpu.memory_space<hbm>>
        tpu.wait_dma2 semaphore(%run_scoped3A : memref<!tpu.dma_semaphore, #tpu.memory_space<semaphore_mem>>) src(%dma_wait3A_50 : memref<2000xf32, #tpu.memory_space<hbm>>) dst(%dma_wait3A_49 : memref<2000xf32, #tpu.memory_space<vmem>>)
        tpu.yield
      }) : () -> ()
      %scan3A_35 = arith.constant 0 : i32
      %scan3A_36 = arith.constant 125 : i32
      %scan3A_37 = arith.addi %scan3A_35, %scan3A_36 : i32
      %scan3A_38 = arith.constant 1 : i32
      %scan3A_39 = scf.for %scan3A_41 = %scan3A_35 to %scan3A_37 step %scan3A_38 iter_args(%scan3A_42 = %scan3A_20) -> (i32)  : i32 {
        %mul3A_43 = arith.constant 1 : i32
        %mul3A_44 = arith.muli %scan3A_41, %mul3A_43 : i32
        %add3A_45 = arith.constant 0 : i32
        %add3A_46 = arith.addi %add3A_45, %mul3A_44 : i32
        %mul3A_47 = arith.constant 16 : i32
        %mul3A_48 = arith.muli %add3A_46, %mul3A_47 : i32
        %get3A = arith.index_cast %mul3A_48 : i32 to index
        %get3A_49 = tpu.vector_load %arg7[%get3A] {strides = array<i32>} : memref<2000xi32, #tpu.memory_space<vmem>>, vector<16xi32>,
        %sub3A = vector.broadcast %mul3A_2 : i32 to vector<16xi32>
        %sub3A_50 = arith.subi %get3A_49, %sub3A : vector<16xi32>
        %ge3A = arith.constant 0 : i32
        %ge3A_51 = vector.broadcast %ge3A : i32 to vector<16xi32>
        %ge3A_52 = arith.cmpi sge, %sub3A_50, %ge3A_51 : vector<16xi32>
        %lt3A = arith.constant 320 : i32
        %lt3A_53 = vector.broadcast %lt3A : i32 to vector<16xi32>
        %lt3A_54 = arith.cmpi slt, %sub3A_50, %lt3A_53 : vector<16xi32>
        %and3A = arith.andi %ge3A_52, %lt3A_54 : vector<16xi1>
        %mul3A_55 = arith.constant 16 : i32
        %mul3A_56 = arith.muli %add3A_46, %mul3A_55 : i32
        %get3A_57 = arith.index_cast %mul3A_56 : i32 to index
        %get3A_58 = tpu.vector_load %arg8[%get3A_57] {strides = array<i32>} : memref<2000xi32, #tpu.memory_space<vmem>>, vector<16xi32>,
        %swap3A = arith.index_cast %scan3A_42 : i32 to index
        %swap3A_59 = tpu.vector_load %arg10[%swap3A] masked %and3A {strides = array<i32>} : memref<256xi32, #tpu.memory_space<vmem>>, vector<16xi32>, vector<16xi1>
        tpu.vector_store %arg10[%swap3A], %get3A_58 masked %and3A {strides = array<i32>} : memref<256xi32, #tpu.memory_space<vmem>>, vector<16xi32>, vector<16xi1>
        %swap3A_60 = arith.index_cast %scan3A_42 : i32 to index
        %swap3A_61 = tpu.vector_load %arg11[%swap3A_60] masked %and3A {strides = array<i32>} : memref<256xi32, #tpu.memory_space<vmem>>, vector<16xi32>, vector<16xi1>
        tpu.vector_store %arg11[%swap3A_60], %sub3A_50 masked %and3A {strides = array<i32>} : memref<256xi32, #tpu.memory_space<vmem>>, vector<16xi32>, vector<16xi1>
        %add3A_62 = arith.constant 0 : i32
        %add3A_63 = arith.addi %add3A_62, %scan3A_42 : i32
        %mul3A_64 = arith.constant 16 : i32
        %mul3A_65 = arith.muli %add3A_46, %mul3A_64 : i32
        %add3A_66 = arith.constant 0 : i32
        %add3A_67 = arith.addi %add3A_66, %mul3A_65 : i32
        %get3A_68 = arith.index_cast %add3A_67 : i32 to index
        %get3A_69 = tpu.vector_load %arg9[%get3A_68] {strides = array<i32>} : memref<8000xf32, #tpu.memory_space<vmem>>, vector<16xf32>,
        %swap3A_70 = arith.index_cast %add3A_63 : i32 to index
        %swap3A_71 = tpu.vector_load %arg12[%swap3A_70] masked %and3A {strides = array<i32>} : memref<1024xf32, #tpu.memory_space<vmem>>, vector<16xf32>, vector<16xi1>
        tpu.vector_store %arg12[%swap3A_70], %get3A_69 masked %and3A {strides = array<i32>} : memref<1024xf32, #tpu.memory_space<vmem>>, vector<16xf32>, vector<16xi1>
        %add3A_72 = arith.constant 256 : i32
        %add3A_73 = arith.addi %add3A_72, %scan3A_42 : i32
        %mul3A_74 = arith.constant 16 : i32
        %mul3A_75 = arith.muli %add3A_46, %mul3A_74 : i32
        %add3A_76 = arith.constant 2000 : i32
        %add3A_77 = arith.addi %add3A_76, %mul3A_75 : i32
        %get3A_78 = arith.index_cast %add3A_77 : i32 to index
        %get3A_79 = tpu.vector_load %arg9[%get3A_78] {strides = array<i32>} : memref<8000xf32, #tpu.memory_space<vmem>>, vector<16xf32>,
        %swap3A_80 = arith.index_cast %add3A_73 : i32 to index
        %swap3A_81 = tpu.vector_load %arg12[%swap3A_80] masked %and3A {strides = array<i32>} : memref<1024xf32, #tpu.memory_space<vmem>>, vector<16xf32>, vector<16xi1>
        tpu.vector_store %arg12[%swap3A_80], %get3A_79 masked %and3A {strides = array<i32>} : memref<1024xf32, #tpu.memory_space<vmem>>, vector<16xf32>, vector<16xi1>
        %add3A_82 = arith.constant 512 : i32
        %add3A_83 = arith.addi %add3A_82, %scan3A_42 : i32
        %mul3A_84 = arith.constant 16 : i32
        %mul3A_85 = arith.muli %add3A_46, %mul3A_84 : i32
        %add3A_86 = arith.constant 4000 : i32
        %add3A_87 = arith.addi %add3A_86, %mul3A_85 : i32
        %get3A_88 = arith.index_cast %add3A_87 : i32 to index
        %get3A_89 = tpu.vector_load %arg9[%get3A_88] {strides = array<i32>} : memref<8000xf32, #tpu.memory_space<vmem>>, vector<16xf32>,
        %swap3A_90 = arith.index_cast %add3A_83 : i32 to index
        %swap3A_91 = tpu.vector_load %arg12[%swap3A_90] masked %and3A {strides = array<i32>} : memref<1024xf32, #tpu.memory_space<vmem>>, vector<16xf32>, vector<16xi1>
        tpu.vector_store %arg12[%swap3A_90], %get3A_89 masked %and3A {strides = array<i32>} : memref<1024xf32, #tpu.memory_space<vmem>>, vector<16xf32>, vector<16xi1>
        %add3A_92 = arith.constant 768 : i32
        %add3A_93 = arith.addi %add3A_92, %scan3A_42 : i32
        %mul3A_94 = arith.constant 16 : i32
        %mul3A_95 = arith.muli %add3A_46, %mul3A_94 : i32
        %add3A_96 = arith.constant 6000 : i32
        %add3A_97 = arith.addi %add3A_96, %mul3A_95 : i32
        %get3A_98 = arith.index_cast %add3A_97 : i32 to index
        %get3A_99 = tpu.vector_load %arg9[%get3A_98] {strides = array<i32>} : memref<8000xf32, #tpu.memory_space<vmem>>, vector<16xf32>,
        %swap3A_100 = arith.index_cast %add3A_93 : i32 to index
        %swap3A_101 = tpu.vector_load %arg12[%swap3A_100] masked %and3A {strides = array<i32>} : memref<1024xf32, #tpu.memory_space<vmem>>, vector<16xf32>, vector<16xi1>
        tpu.vector_store %arg12[%swap3A_100], %get3A_99 masked %and3A {strides = array<i32>} : memref<1024xf32, #tpu.memory_space<vmem>>, vector<16xf32>, vector<16xi1>
        %jit3A = arith.constant 1 : i32
        %jit3A_102 = arith.constant 0 : i32
        %broadcast_in_dim3A_103 = vector.broadcast %jit3A : i32 to vector<16xi32>
        %broadcast_in_dim3A_104 = vector.broadcast %jit3A_102 : i32 to vector<16xi32>
        %select_n3A = arith.select %and3A, %broadcast_in_dim3A_103, %broadcast_in_dim3A_104 : vector<16xi1>, vector<16xi32>
        %reduce_sum3A = arith.constant true
        %reduce_sum3A_105 = vector.broadcast %reduce_sum3A : i1 to vector<16xi1>
        %reduce_sum3A_106 = tpu.scan <sum>, %select_n3A masked %reduce_sum3A_105 : vector<16xi32>, vector<16xi1> -> vector<16xi32>
        %reduce_sum3A_107 = vector.extract %reduce_sum3A_106[15] : i32 from vector<16xi32>
        %add3A_108 = arith.addi %scan3A_42, %reduce_sum3A_107 : i32
        %ge3A_109 = arith.constant 128 : i32
        %ge3A_110 = arith.cmpi sge, %add3A_108, %ge3A_109 : i32
        %convert_element_type3A_111 = arith.extui %ge3A_110 : i1 to i32
        %cond3A_112 = arith.constant 0 : i32
        %cond3A_113 = arith.cmpi ne, %convert_element_type3A_111, %cond3A_112 : i32
        scf.if %cond3A_113 {
          %dma_start3A = arith.constant 0 : i32
          %dma_start3A_119 = tpu.memref_slice %arg10[%dma_start3A] : memref<256xi32, #tpu.memory_space<vmem>> -> memref<128xi32, #tpu.memory_space<vmem>>
          %dma_start3A_120 = arith.constant 0 : i32
          %dma_start3A_121 = arith.constant 0 : i32
          %dma_start3A_122 = tpu.memref_slice %arg2[%dma_start3A_120, %dma_start3A_121] : memref<10000x256xf32, #tpu.memory_space<hbm>> -> memref<10000x256xf32, #tpu.memory_space<hbm>>
          tpu.enqueue_indirect_dma source(%dma_start3A_122 : memref<10000x256xf32, #tpu.memory_space<hbm>>) target(%arg13 : memref<128x256xf32, #tpu.memory_space<vmem>>) offsets(%dma_start3A_119 : memref<128xi32, #tpu.memory_space<vmem>>) semaphore(%arg15 : memref<!tpu.dma_semaphore, #tpu.memory_space<semaphore_mem>>)
          %dma_wait3A = arith.constant 0 : i32
          %dma_wait3A_123 = tpu.memref_slice %arg10[%dma_wait3A] : memref<256xi32, #tpu.memory_space<vmem>> -> memref<128xi32, #tpu.memory_space<vmem>>
          %dma_wait3A_124 = arith.constant 0 : i32
          %dma_wait3A_125 = arith.constant 0 : i32
          %dma_wait3A_126 = tpu.memref_slice %arg2[%dma_wait3A_124, %dma_wait3A_125] : memref<10000x256xf32, #tpu.memory_space<hbm>> -> memref<10000x256xf32, #tpu.memory_space<hbm>>
          tpu.wait_indirect_dma semaphore(%arg15 : memref<!tpu.dma_semaphore, #tpu.memory_space<semaphore_mem>>) src(%dma_wait3A_126 : memref<10000x256xf32, #tpu.memory_space<hbm>>) dst(%arg13 : memref<128x256xf32, #tpu.memory_space<vmem>>)
          %scan3A_127 = arith.constant 0 : i32
          %scan3A_128 = arith.constant 128 : i32
          %scan3A_129 = arith.addi %scan3A_127, %scan3A_128 : i32
          %scan3A_130 = arith.constant 1 : i32
          scf.for %scan3A_156 = %scan3A_127 to %scan3A_129 step %scan3A_130  : i32 {
            %mul3A_157 = arith.constant 1 : i32
            %mul3A_158 = arith.muli %scan3A_156, %mul3A_157 : i32
            %add3A_159 = arith.constant 0 : i32
            %add3A_160 = arith.addi %add3A_159, %mul3A_158 : i32
            %jit3A_161 = arith.constant 16 : i32
            %div3A = arith.divsi %add3A_160, %jit3A_161 : i32
            %sign3A = arith.constant 0 : i32
            %sign3A_162 = arith.cmpi sgt, %add3A_160, %sign3A : i32
            %sign3A_163 = arith.extui %sign3A_162 : i1 to i32
            %sign3A_164 = arith.constant 0 : i32
            %sign3A_165 = arith.cmpi slt, %add3A_160, %sign3A_164 : i32
            %sign3A_166 = arith.extui %sign3A_165 : i1 to i32
            %sign3A_167 = arith.subi %sign3A_163, %sign3A_166 : i32
            %sign3A_168 = arith.constant 0 : i32
            %sign3A_169 = arith.cmpi sgt, %jit3A_161, %sign3A_168 : i32
            %sign3A_170 = arith.extui %sign3A_169 : i1 to i32
            %sign3A_171 = arith.constant 0 : i32
            %sign3A_172 = arith.cmpi slt, %jit3A_161, %sign3A_171 : i32
            %sign3A_173 = arith.extui %sign3A_172 : i1 to i32
            %sign3A_174 = arith.subi %sign3A_170, %sign3A_173 : i32
            %ne3A = arith.cmpi ne, %sign3A_167, %sign3A_174 : i32
            %rem3A = arith.remsi %add3A_160, %jit3A_161 : i32
            %ne3A_175 = arith.constant 0 : i32
            %ne3A_176 = arith.cmpi ne, %rem3A, %ne3A_175 : i32
            %and3A_177 = arith.andi %ne3A, %ne3A_176 : i1
            %sub3A_178 = arith.constant 1 : i32
            %sub3A_179 = arith.subi %div3A, %sub3A_178 : i32
            %select_n3A_180 = arith.select %and3A_177, %sub3A_179, %div3A : i32
            %mul3A_181 = arith.constant 16 : i32
            %mul3A_182 = arith.muli %select_n3A_180, %mul3A_181 : i32
            %sub3A_183 = arith.subi %add3A_160, %mul3A_182 : i32
            %broadcast_in_dim3A_184 = vector.broadcast %sub3A_183 : i32 to vector<16xi32>
            %get3A_185 = arith.index_cast %mul3A_182 : i32 to index
            %get3A_186 = tpu.vector_load %arg11[%get3A_185] {strides = array<i32>} : memref<256xi32, #tpu.memory_space<vmem>>, vector<16xi32>,
            %broadcast_in_dim3A_187 = vector.shape_cast %broadcast_in_dim3A_184 : vector<16xi32> to vector<16x1xi32>
            %gather3A = vector.shape_cast %broadcast_in_dim3A_187 : vector<16x1xi32> to vector<16xi32>
            %gather3A_188 = tpu.dynamic_gather %get3A_186[%gather3A] in [0] : vector<16xi32>, vector<16xi32> -> vector<16xi32>
            %add3A_189 = arith.constant 0 : i32
            %add3A_190 = arith.addi %add3A_189, %mul3A_182 : i32
            %get3A_191 = arith.index_cast %add3A_190 : i32 to index
            %get3A_192 = tpu.vector_load %arg12[%get3A_191] {strides = array<i32>} : memref<1024xf32, #tpu.memory_space<vmem>>, vector<16xf32>,
            %broadcast_in_dim3A_193 = vector.shape_cast %broadcast_in_dim3A_184 : vector<16xi32> to vector<16x1xi32>
            %gather3A_194 = vector.shape_cast %broadcast_in_dim3A_193 : vector<16x1xi32> to vector<16xi32>
            %gather3A_195 = tpu.dynamic_gather %get3A_192[%gather3A_194] in [0] : vector<16xf32>, vector<16xi32> -> vector<16xf32>
            %add3A_196 = arith.constant 256 : i32
            %add3A_197 = arith.addi %add3A_196, %mul3A_182 : i32
            %get3A_198 = arith.index_cast %add3A_197 : i32 to index
            %get3A_199 = tpu.vector_load %arg12[%get3A_198] {strides = array<i32>} : memref<1024xf32, #tpu.memory_space<vmem>>, vector<16xf32>,
            %broadcast_in_dim3A_200 = vector.shape_cast %broadcast_in_dim3A_184 : vector<16xi32> to vector<16x1xi32>
            %gather3A_201 = vector.shape_cast %broadcast_in_dim3A_200 : vector<16x1xi32> to vector<16xi32>
            %gather3A_202 = tpu.dynamic_gather %get3A_199[%gather3A_201] in [0] : vector<16xf32>, vector<16xi32> -> vector<16xf32>
            %add3A_203 = arith.constant 512 : i32
            %add3A_204 = arith.addi %add3A_203, %mul3A_182 : i32
            %get3A_205 = arith.index_cast %add3A_204 : i32 to index
            %get3A_206 = tpu.vector_load %arg12[%get3A_205] {strides = array<i32>} : memref<1024xf32, #tpu.memory_space<vmem>>, vector<16xf32>,
            %broadcast_in_dim3A_207 = vector.shape_cast %broadcast_in_dim3A_184 : vector<16xi32> to vector<16x1xi32>
            %gather3A_208 = vector.shape_cast %broadcast_in_dim3A_207 : vector<16x1xi32> to vector<16xi32>
            %gather3A_209 = tpu.dynamic_gather %get3A_206[%gather3A_208] in [0] : vector<16xf32>, vector<16xi32> -> vector<16xf32>
            %add3A_210 = arith.constant 768 : i32
            %add3A_211 = arith.addi %add3A_210, %mul3A_182 : i32
            %get3A_212 = arith.index_cast %add3A_211 : i32 to index
            %get3A_213 = tpu.vector_load %arg12[%get3A_212] {strides = array<i32>} : memref<1024xf32, #tpu.memory_space<vmem>>, vector<16xf32>,
            %broadcast_in_dim3A_214 = vector.shape_cast %broadcast_in_dim3A_184 : vector<16xi32> to vector<16x1xi32>
            %gather3A_215 = vector.shape_cast %broadcast_in_dim3A_214 : vector<16x1xi32> to vector<16xi32>
            %gather3A_216 = tpu.dynamic_gather %get3A_213[%gather3A_215] in [0] : vector<16xf32>, vector<16xi32> -> vector<16xf32>
            %get3A_217 = arith.index_cast %add3A_160 : i32 to index
            %get3A_218 = arith.constant 160 : index
            %get3A_219 = tpu.vector_load %arg13[%get3A_217, %get3A_218] {strides = array<i32>} : memref<128x256xf32, #tpu.memory_space<vmem>>, vector<16xf32>,
            %get3A_220 = arith.index_cast %add3A_160 : i32 to index
            %get3A_221 = arith.constant 32 : index
            %get3A_222 = tpu.vector_load %arg13[%get3A_220, %get3A_221] {strides = array<i32>} : memref<128x256xf32, #tpu.memory_space<vmem>>, vector<16xf32>,
            %mul3A_223 = arith.mulf %gather3A_195, %get3A_222 : vector<16xf32>
            %add3A_224 = arith.addf %get3A_219, %mul3A_223 : vector<16xf32>
            %get3A_225 = arith.index_cast %add3A_160 : i32 to index
            %get3A_226 = arith.constant 64 : index
            %get3A_227 = tpu.vector_load %arg13[%get3A_225, %get3A_226] {strides = array<i32>} : memref<128x256xf32, #tpu.memory_space<vmem>>, vector<16xf32>,
            %mul3A_228 = arith.mulf %gather3A_202, %get3A_227 : vector<16xf32>
            %add3A_229 = arith.addf %add3A_224, %mul3A_228 : vector<16xf32>
            %get3A_230 = arith.index_cast %add3A_160 : i32 to index
            %get3A_231 = arith.constant 96 : index
            %get3A_232 = tpu.vector_load %arg13[%get3A_230, %get3A_231] {strides = array<i32>} : memref<128x256xf32, #tpu.memory_space<vmem>>, vector<16xf32>,
            %mul3A_233 = arith.mulf %gather3A_209, %get3A_232 : vector<16xf32>
            %add3A_234 = arith.addf %add3A_229, %mul3A_233 : vector<16xf32>
            %get3A_235 = arith.index_cast %add3A_160 : i32 to index
            %get3A_236 = arith.constant 128 : index
            %get3A_237 = tpu.vector_load %arg13[%get3A_235, %get3A_236] {strides = array<i32>} : memref<128x256xf32, #tpu.memory_space<vmem>>, vector<16xf32>,
            %mul3A_238 = arith.mulf %gather3A_216, %get3A_237 : vector<16xf32>
            %add3A_239 = arith.addf %add3A_234, %mul3A_238 : vector<16xf32>
            %mul3A_240 = arith.constant 64 : i32
            %mul3A_241 = vector.broadcast %mul3A_240 : i32 to vector<16xi32>
            %mul3A_242 = arith.muli %gather3A_188, %mul3A_241 : vector<16xi32>
            %add3A_243 = arith.constant 32 : i32
            %add3A_244 = vector.broadcast %add3A_243 : i32 to vector<16xi32>
            %add3A_245 = arith.addi %iota3A, %add3A_244 : vector<16xi32>
            %add3A_246 = arith.addi %mul3A_242, %add3A_245 : vector<16xi32>
            tpu.vector_store_idx %arg14[%add3A_246], %add3A_239 {add = true} : memref<20544xf32, #tpu.memory_space<vmem>>[vector<16xi32>], vector<16xf32>,
            %get3A_247 = arith.index_cast %add3A_160 : i32 to index
            %get3A_248 = arith.constant 176 : index
            %get3A_249 = tpu.vector_load %arg13[%get3A_247, %get3A_248] {strides = array<i32>} : memref<128x256xf32, #tpu.memory_space<vmem>>, vector<16xf32>,
            %get3A_250 = arith.index_cast %add3A_160 : i32 to index
            %get3A_251 = arith.constant 48 : index
            %get3A_252 = tpu.vector_load %arg13[%get3A_250, %get3A_251] {strides = array<i32>} : memref<128x256xf32, #tpu.memory_space<vmem>>, vector<16xf32>,
            %mul3A_253 = arith.mulf %gather3A_195, %get3A_252 : vector<16xf32>
            %add3A_254 = arith.addf %get3A_249, %mul3A_253 : vector<16xf32>
            %get3A_255 = arith.index_cast %add3A_160 : i32 to index
            %get3A_256 = arith.constant 80 : index
            %get3A_257 = tpu.vector_load %arg13[%get3A_255, %get3A_256] {strides = array<i32>} : memref<128x256xf32, #tpu.memory_space<vmem>>, vector<16xf32>,
            %mul3A_258 = arith.mulf %gather3A_202, %get3A_257 : vector<16xf32>
            %add3A_259 = arith.addf %add3A_254, %mul3A_258 : vector<16xf32>
            %get3A_260 = arith.index_cast %add3A_160 : i32 to index
            %get3A_261 = arith.constant 112 : index
            %get3A_262 = tpu.vector_load %arg13[%get3A_260, %get3A_261] {strides = array<i32>} : memref<128x256xf32, #tpu.memory_space<vmem>>, vector<16xf32>,
            %mul3A_263 = arith.mulf %gather3A_209, %get3A_262 : vector<16xf32>
            %add3A_264 = arith.addf %add3A_259, %mul3A_263 : vector<16xf32>
            %get3A_265 = arith.index_cast %add3A_160 : i32 to index
            %get3A_266 = arith.constant 144 : index
            %get3A_267 = tpu.vector_load %arg13[%get3A_265, %get3A_266] {strides = array<i32>} : memref<128x256xf32, #tpu.memory_space<vmem>>, vector<16xf32>,
            %mul3A_268 = arith.mulf %gather3A_216, %get3A_267 : vector<16xf32>
            %add3A_269 = arith.addf %add3A_264, %mul3A_268 : vector<16xf32>
            %mul3A_270 = arith.constant 64 : i32
            %mul3A_271 = vector.broadcast %mul3A_270 : i32 to vector<16xi32>
            %mul3A_272 = arith.muli %gather3A_188, %mul3A_271 : vector<16xi32>
            %add3A_273 = arith.constant 48 : i32
            %add3A_274 = vector.broadcast %add3A_273 : i32 to vector<16xi32>
            %add3A_275 = arith.addi %iota3A, %add3A_274 : vector<16xi32>
            %add3A_276 = arith.addi %mul3A_272, %add3A_275 : vector<16xi32>
            tpu.vector_store_idx %arg14[%add3A_276], %add3A_269 {add = true} : memref<20544xf32, #tpu.memory_space<vmem>>[vector<16xi32>], vector<16xf32>,
            %mul3A_277 = arith.constant 64 : i32
            %mul3A_278 = vector.broadcast %mul3A_277 : i32 to vector<16xi32>
            %mul3A_279 = arith.muli %gather3A_188, %mul3A_278 : vector<16xi32>
            %add3A_280 = arith.constant 0 : i32
            %add3A_281 = vector.broadcast %add3A_280 : i32 to vector<16xi32>
            %add3A_282 = arith.addi %iota3A, %add3A_281 : vector<16xi32>
            %add3A_283 = arith.addi %mul3A_279, %add3A_282 : vector<16xi32>
            %get3A_284 = arith.index_cast %add3A_160 : i32 to index
            %get3A_285 = arith.constant 0 : index
            %get3A_286 = tpu.vector_load %arg13[%get3A_284, %get3A_285] {strides = array<i32>} : memref<128x256xf32, #tpu.memory_space<vmem>>, vector<16xf32>,
            tpu.vector_store_idx %arg14[%add3A_283], %get3A_286 {add = true} : memref<20544xf32, #tpu.memory_space<vmem>>[vector<16xi32>], vector<16xf32>,
            %mul3A_287 = arith.constant 64 : i32
            %mul3A_288 = vector.broadcast %mul3A_287 : i32 to vector<16xi32>
            %mul3A_289 = arith.muli %gather3A_188, %mul3A_288 : vector<16xi32>
            %add3A_290 = arith.constant 16 : i32
            %add3A_291 = vector.broadcast %add3A_290 : i32 to vector<16xi32>
            %add3A_292 = arith.addi %iota3A, %add3A_291 : vector<16xi32>
            %add3A_293 = arith.addi %mul3A_289, %add3A_292 : vector<16xi32>
            %get3A_294 = arith.index_cast %add3A_160 : i32 to index
            %get3A_295 = arith.constant 16 : index
            %get3A_296 = tpu.vector_load %arg13[%get3A_294, %get3A_295] {strides = array<i32>} : memref<128x256xf32, #tpu.memory_space<vmem>>, vector<16xf32>,
            tpu.vector_store_idx %arg14[%add3A_293], %get3A_296 {add = true} : memref<20544xf32, #tpu.memory_space<vmem>>[vector<16xi32>], vector<16xf32>,
          }
          %scan3A_131 = arith.constant 128 : i32
          %get3A_132 = arith.constant 128 : index
          %get3A_133 = tpu.vector_load %arg10[%get3A_132] {strides = array<i32>} : memref<256xi32, #tpu.memory_space<vmem>>, vector<16xi32>,
          %swap3A_134 = arith.constant 0 : index
          %swap3A_135 = tpu.vector_load %arg10[%swap3A_134] {strides = array<i32>} : memref<256xi32, #tpu.memory_space<vmem>>, vector<16xi32>,
          tpu.vector_store %arg10[%swap3A_134], %get3A_133 {strides = array<i32>} : memref<256xi32, #tpu.memory_space<vmem>>, vector<16xi32>,
          %get3A_136 = arith.constant 128 : index
          %get3A_137 = tpu.vector_load %arg11[%get3A_136] {strides = array<i32>} : memref<256xi32, #tpu.memory_space<vmem>>, vector<16xi32>,
          %swap3A_138 = arith.constant 0 : index
          %swap3A_139 = tpu.vector_load %arg11[%swap3A_138] {strides = array<i32>} : memref<256xi32, #tpu.memory_space<vmem>>, vector<16xi32>,
          tpu.vector_store %arg11[%swap3A_138], %get3A_137 {strides = array<i32>} : memref<256xi32, #tpu.memory_space<vmem>>, vector<16xi32>,
          %get3A_140 = arith.constant 128 : index
          %get3A_141 = tpu.vector_load %arg12[%get3A_140] {strides = array<i32>} : memref<1024xf32, #tpu.memory_space<vmem>>, vector<16xf32>,
          %swap3A_142 = arith.constant 0 : index
          %swap3A_143 = tpu.vector_load %arg12[%swap3A_142] {strides = array<i32>} : memref<1024xf32, #tpu.memory_space<vmem>>, vector<16xf32>,
          tpu.vector_store %arg12[%swap3A_142], %get3A_141 {strides = array<i32>} : memref<1024xf32, #tpu.memory_space<vmem>>, vector<16xf32>,
          %get3A_144 = arith.constant 384 : index
          %get3A_145 = tpu.vector_load %arg12[%get3A_144] {strides = array<i32>} : memref<1024xf32, #tpu.memory_space<vmem>>, vector<16xf32>,
          %swap3A_146 = arith.constant 256 : index
          %swap3A_147 = tpu.vector_load %arg12[%swap3A_146] {strides = array<i32>} : memref<1024xf32, #tpu.memory_space<vmem>>, vector<16xf32>,
          tpu.vector_store %arg12[%swap3A_146], %get3A_145 {strides = array<i32>} : memref<1024xf32, #tpu.memory_space<vmem>>, vector<16xf32>,
          %get3A_148 = arith.constant 640 : index
          %get3A_149 = tpu.vector_load %arg12[%get3A_148] {strides = array<i32>} : memref<1024xf32, #tpu.memory_space<vmem>>, vector<16xf32>,
          %swap3A_150 = arith.constant 512 : index
          %swap3A_151 = tpu.vector_load %arg12[%swap3A_150] {strides = array<i32>} : memref<1024xf32, #tpu.memory_space<vmem>>, vector<16xf32>,
          tpu.vector_store %arg12[%swap3A_150], %get3A_149 {strides = array<i32>} : memref<1024xf32, #tpu.memory_space<vmem>>, vector<16xf32>,
          %get3A_152 = arith.constant 896 : index
          %get3A_153 = tpu.vector_load %arg12[%get3A_152] {strides = array<i32>} : memref<1024xf32, #tpu.memory_space<vmem>>, vector<16xf32>,
          %swap3A_154 = arith.constant 768 : index
          %swap3A_155 = tpu.vector_load %arg12[%swap3A_154] {strides = array<i32>} : memref<1024xf32, #tpu.memory_space<vmem>>, vector<16xf32>,
          tpu.vector_store %arg12[%swap3A_154], %get3A_153 {strides = array<i32>} : memref<1024xf32, #tpu.memory_space<vmem>>, vector<16xf32>,
        } else {
        }
        %ge3A_114 = arith.constant 128 : i32
        %ge3A_115 = arith.cmpi sge, %add3A_108, %ge3A_114 : i32
        %sub3A_116 = arith.constant 128 : i32
        %sub3A_117 = arith.subi %add3A_108, %sub3A_116 : i32
        %select_n3A_118 = arith.select %ge3A_115, %sub3A_117, %add3A_108 : i32
        scf.yield %select_n3A_118 : i32
      }
      %scan3A_40 = arith.constant 125 : i32
      scf.yield %scan3A_39 : i32
    }
    %scan3A_14 = arith.constant 80 : i32
    %gt3A = arith.constant 0 : i32
    %gt3A_15 = arith.cmpi sgt, %scan3A_13, %gt3A : i32
    %convert_element_type3A = arith.extui %gt3A_15 : i1 to i32
    %cond3A = arith.constant 0 : i32
    %cond3A_16 = arith.cmpi ne, %convert_element_type3A, %cond3A : i32
    scf.if %cond3A_16 {
      %add3A_19 = arith.constant 0 : i32
      %add3A_20 = vector.broadcast %add3A_19 : i32 to vector<16xi32>
      %add3A_21 = arith.addi %iota3A, %add3A_20 : vector<16xi32>
      %lt3A = vector.broadcast %scan3A_13 : i32 to vector<16xi32>
      %lt3A_22 = arith.cmpi slt, %add3A_21, %lt3A : vector<16xi32>
      %get3A = arith.constant 0 : index
      %get3A_23 = tpu.vector_load %arg10[%get3A] {strides = array<i32>} : memref<256xi32, #tpu.memory_space<vmem>>, vector<16xi32>,
      %jit3A = arith.constant 0 : i32
      %broadcast_in_dim3A_24 = vector.broadcast %jit3A : i32 to vector<16xi32>
      %select_n3A = arith.select %lt3A_22, %get3A_23, %broadcast_in_dim3A_24 : vector<16xi1>, vector<16xi32>
      %swap3A = arith.constant 0 : index
      %swap3A_25 = tpu.vector_load %arg10[%swap3A] {strides = array<i32>} : memref<256xi32, #tpu.memory_space<vmem>>, vector<16xi32>,
      tpu.vector_store %arg10[%swap3A], %select_n3A {strides = array<i32>} : memref<256xi32, #tpu.memory_space<vmem>>, vector<16xi32>,
      %get3A_26 = arith.constant 0 : index
      %get3A_27 = tpu.vector_load %arg11[%get3A_26] {strides = array<i32>} : memref<256xi32, #tpu.memory_space<vmem>>, vector<16xi32>,
      %jit3A_28 = arith.constant 320 : i32
      %broadcast_in_dim3A_29 = vector.broadcast %jit3A_28 : i32 to vector<16xi32>
      %select_n3A_30 = arith.select %lt3A_22, %get3A_27, %broadcast_in_dim3A_29 : vector<16xi1>, vector<16xi32>
      %swap3A_31 = arith.constant 0 : index
      %swap3A_32 = tpu.vector_load %arg11[%swap3A_31] {strides = array<i32>} : memref<256xi32, #tpu.memory_space<vmem>>, vector<16xi32>,
      tpu.vector_store %arg11[%swap3A_31], %select_n3A_30 {strides = array<i32>} : memref<256xi32, #tpu.memory_space<vmem>>, vector<16xi32>,
      %get3A_33 = arith.constant 0 : index
      %get3A_34 = tpu.vector_load %arg12[%get3A_33] {strides = array<i32>} : memref<1024xf32, #tpu.memory_space<vmem>>, vector<16xf32>,
      %jit3A_35 = arith.constant 0.000000e+00 : f32
      %broadcast_in_dim3A_36 = vector.broadcast %jit3A_35 : f32 to vector<16xf32>
      %select_n3A_37 = arith.select %lt3A_22, %get3A_34, %broadcast_in_dim3A_36 : vector<16xi1>, vector<16xf32>
      %swap3A_38 = arith.constant 0 : index
      %swap3A_39 = tpu.vector_load %arg12[%swap3A_38] {strides = array<i32>} : memref<1024xf32, #tpu.memory_space<vmem>>, vector<16xf32>,
      tpu.vector_store %arg12[%swap3A_38], %select_n3A_37 {strides = array<i32>} : memref<1024xf32, #tpu.memory_space<vmem>>, vector<16xf32>,
      %get3A_40 = arith.constant 256 : index
      %get3A_41 = tpu.vector_load %arg12[%get3A_40] {strides = array<i32>} : memref<1024xf32, #tpu.memory_space<vmem>>, vector<16xf32>,
      %jit3A_42 = arith.constant 0.000000e+00 : f32
      %broadcast_in_dim3A_43 = vector.broadcast %jit3A_42 : f32 to vector<16xf32>
      %select_n3A_44 = arith.select %lt3A_22, %get3A_41, %broadcast_in_dim3A_43 : vector<16xi1>, vector<16xf32>
      %swap3A_45 = arith.constant 256 : index
      %swap3A_46 = tpu.vector_load %arg12[%swap3A_45] {strides = array<i32>} : memref<1024xf32, #tpu.memory_space<vmem>>, vector<16xf32>,
      tpu.vector_store %arg12[%swap3A_45], %select_n3A_44 {strides = array<i32>} : memref<1024xf32, #tpu.memory_space<vmem>>, vector<16xf32>,
      %get3A_47 = arith.constant 512 : index
      %get3A_48 = tpu.vector_load %arg12[%get3A_47] {strides = array<i32>} : memref<1024xf32, #tpu.memory_space<vmem>>, vector<16xf32>,
      %jit3A_49 = arith.constant 0.000000e+00 : f32
      %broadcast_in_dim3A_50 = vector.broadcast %jit3A_49 : f32 to vector<16xf32>
      %select_n3A_51 = arith.select %lt3A_22, %get3A_48, %broadcast_in_dim3A_50 : vector<16xi1>, vector<16xf32>
      %swap3A_52 = arith.constant 512 : index
      %swap3A_53 = tpu.vector_load %arg12[%swap3A_52] {strides = array<i32>} : memref<1024xf32, #tpu.memory_space<vmem>>, vector<16xf32>,
      tpu.vector_store %arg12[%swap3A_52], %select_n3A_51 {strides = array<i32>} : memref<1024xf32, #tpu.memory_space<vmem>>, vector<16xf32>,
      %get3A_54 = arith.constant 768 : index
      %get3A_55 = tpu.vector_load %arg12[%get3A_54] {strides = array<i32>} : memref<1024xf32, #tpu.memory_space<vmem>>, vector<16xf32>,
      %jit3A_56 = arith.constant 0.000000e+00 : f32
      %broadcast_in_dim3A_57 = vector.broadcast %jit3A_56 : f32 to vector<16xf32>
      %select_n3A_58 = arith.select %lt3A_22, %get3A_55, %broadcast_in_dim3A_57 : vector<16xi1>, vector<16xf32>
      %swap3A_59 = arith.constant 768 : index
      %swap3A_60 = tpu.vector_load %arg12[%swap3A_59] {strides = array<i32>} : memref<1024xf32, #tpu.memory_space<vmem>>, vector<16xf32>,
      tpu.vector_store %arg12[%swap3A_59], %select_n3A_58 {strides = array<i32>} : memref<1024xf32, #tpu.memory_space<vmem>>, vector<16xf32>,
      %add3A_61 = arith.constant 16 : i32
      %add3A_62 = vector.broadcast %add3A_61 : i32 to vector<16xi32>
      %add3A_63 = arith.addi %iota3A, %add3A_62 : vector<16xi32>
      %lt3A_64 = vector.broadcast %scan3A_13 : i32 to vector<16xi32>
      %lt3A_65 = arith.cmpi slt, %add3A_63, %lt3A_64 : vector<16xi32>
      %get3A_66 = arith.constant 16 : index
      %get3A_67 = tpu.vector_load %arg10[%get3A_66] {strides = array<i32>} : memref<256xi32, #tpu.memory_space<vmem>>, vector<16xi32>,
      %jit3A_68 = arith.constant 0 : i32
      %broadcast_in_dim3A_69 = vector.broadcast %jit3A_68 : i32 to vector<16xi32>
      %select_n3A_70 = arith.select %lt3A_65, %get3A_67, %broadcast_in_dim3A_69 : vector<16xi1>, vector<16xi32>
      %swap3A_71 = arith.constant 16 : index
      %swap3A_72 = tpu.vector_load %arg10[%swap3A_71] {strides = array<i32>} : memref<256xi32, #tpu.memory_space<vmem>>, vector<16xi32>,
      tpu.vector_store %arg10[%swap3A_71], %select_n3A_70 {strides = array<i32>} : memref<256xi32, #tpu.memory_space<vmem>>, vector<16xi32>,
      %get3A_73 = arith.constant 16 : index
      %get3A_74 = tpu.vector_load %arg11[%get3A_73] {strides = array<i32>} : memref<256xi32, #tpu.memory_space<vmem>>, vector<16xi32>,
      %jit3A_75 = arith.constant 320 : i32
      %broadcast_in_dim3A_76 = vector.broadcast %jit3A_75 : i32 to vector<16xi32>
      %select_n3A_77 = arith.select %lt3A_65, %get3A_74, %broadcast_in_dim3A_76 : vector<16xi1>, vector<16xi32>
      %swap3A_78 = arith.constant 16 : index
      %swap3A_79 = tpu.vector_load %arg11[%swap3A_78] {strides = array<i32>} : memref<256xi32, #tpu.memory_space<vmem>>, vector<16xi32>,
      tpu.vector_store %arg11[%swap3A_78], %select_n3A_77 {strides = array<i32>} : memref<256xi32, #tpu.memory_space<vmem>>, vector<16xi32>,
      %get3A_80 = arith.constant 16 : index
      %get3A_81 = tpu.vector_load %arg12[%get3A_80] {strides = array<i32>} : memref<1024xf32, #tpu.memory_space<vmem>>, vector<16xf32>,
      %jit3A_82 = arith.constant 0.000000e+00 : f32
      %broadcast_in_dim3A_83 = vector.broadcast %jit3A_82 : f32 to vector<16xf32>
      %select_n3A_84 = arith.select %lt3A_65, %get3A_81, %broadcast_in_dim3A_83 : vector<16xi1>, vector<16xf32>
      %swap3A_85 = arith.constant 16 : index
      %swap3A_86 = tpu.vector_load %arg12[%swap3A_85] {strides = array<i32>} : memref<1024xf32, #tpu.memory_space<vmem>>, vector<16xf32>,
      tpu.vector_store %arg12[%swap3A_85], %select_n3A_84 {strides = array<i32>} : memref<1024xf32, #tpu.memory_space<vmem>>, vector<16xf32>,
      %get3A_87 = arith.constant 272 : index
      %get3A_88 = tpu.vector_load %arg12[%get3A_87] {strides = array<i32>} : memref<1024xf32, #tpu.memory_space<vmem>>, vector<16xf32>,
      %jit3A_89 = arith.constant 0.000000e+00 : f32
      %broadcast_in_dim3A_90 = vector.broadcast %jit3A_89 : f32 to vector<16xf32>
      %select_n3A_91 = arith.select %lt3A_65, %get3A_88, %broadcast_in_dim3A_90 : vector<16xi1>, vector<16xf32>
      %swap3A_92 = arith.constant 272 : index
      %swap3A_93 = tpu.vector_load %arg12[%swap3A_92] {strides = array<i32>} : memref<1024xf32, #tpu.memory_space<vmem>>, vector<16xf32>,
      tpu.vector_store %arg12[%swap3A_92], %select_n3A_91 {strides = array<i32>} : memref<1024xf32, #tpu.memory_space<vmem>>, vector<16xf32>,
      %get3A_94 = arith.constant 528 : index
      %get3A_95 = tpu.vector_load %arg12[%get3A_94] {strides = array<i32>} : memref<1024xf32, #tpu.memory_space<vmem>>, vector<16xf32>,
      %jit3A_96 = arith.constant 0.000000e+00 : f32
      %broadcast_in_dim3A_97 = vector.broadcast %jit3A_96 : f32 to vector<16xf32>
      %select_n3A_98 = arith.select %lt3A_65, %get3A_95, %broadcast_in_dim3A_97 : vector<16xi1>, vector<16xf32>
      %swap3A_99 = arith.constant 528 : index
      %swap3A_100 = tpu.vector_load %arg12[%swap3A_99] {strides = array<i32>} : memref<1024xf32, #tpu.memory_space<vmem>>, vector<16xf32>,
      tpu.vector_store %arg12[%swap3A_99], %select_n3A_98 {strides = array<i32>} : memref<1024xf32, #tpu.memory_space<vmem>>, vector<16xf32>,
      %get3A_101 = arith.constant 784 : index
      %get3A_102 = tpu.vector_load %arg12[%get3A_101] {strides = array<i32>} : memref<1024xf32, #tpu.memory_space<vmem>>, vector<16xf32>,
      %jit3A_103 = arith.constant 0.000000e+00 : f32
      %broadcast_in_dim3A_104 = vector.broadcast %jit3A_103 : f32 to vector<16xf32>
      %select_n3A_105 = arith.select %lt3A_65, %get3A_102, %broadcast_in_dim3A_104 : vector<16xi1>, vector<16xf32>
      %swap3A_106 = arith.constant 784 : index
      %swap3A_107 = tpu.vector_load %arg12[%swap3A_106] {strides = array<i32>} : memref<1024xf32, #tpu.memory_space<vmem>>, vector<16xf32>,
      tpu.vector_store %arg12[%swap3A_106], %select_n3A_105 {strides = array<i32>} : memref<1024xf32, #tpu.memory_space<vmem>>, vector<16xf32>,
      %add3A_108 = arith.constant 32 : i32
      %add3A_109 = vector.broadcast %add3A_108 : i32 to vector<16xi32>
      %add3A_110 = arith.addi %iota3A, %add3A_109 : vector<16xi32>
      %lt3A_111 = vector.broadcast %scan3A_13 : i32 to vector<16xi32>
      %lt3A_112 = arith.cmpi slt, %add3A_110, %lt3A_111 : vector<16xi32>
      %get3A_113 = arith.constant 32 : index
      %get3A_114 = tpu.vector_load %arg10[%get3A_113] {strides = array<i32>} : memref<256xi32, #tpu.memory_space<vmem>>, vector<16xi32>,
      %jit3A_115 = arith.constant 0 : i32
      %broadcast_in_dim3A_116 = vector.broadcast %jit3A_115 : i32 to vector<16xi32>
      %select_n3A_117 = arith.select %lt3A_112, %get3A_114, %broadcast_in_dim3A_116 : vector<16xi1>, vector<16xi32>
      %swap3A_118 = arith.constant 32 : index
      %swap3A_119 = tpu.vector_load %arg10[%swap3A_118] {strides = array<i32>} : memref<256xi32, #tpu.memory_space<vmem>>, vector<16xi32>,
      tpu.vector_store %arg10[%swap3A_118], %select_n3A_117 {strides = array<i32>} : memref<256xi32, #tpu.memory_space<vmem>>, vector<16xi32>,
      %get3A_120 = arith.constant 32 : index
      %get3A_121 = tpu.vector_load %arg11[%get3A_120] {strides = array<i32>} : memref<256xi32, #tpu.memory_space<vmem>>, vector<16xi32>,
      %jit3A_122 = arith.constant 320 : i32
      %broadcast_in_dim3A_123 = vector.broadcast %jit3A_122 : i32 to vector<16xi32>
      %select_n3A_124 = arith.select %lt3A_112, %get3A_121, %broadcast_in_dim3A_123 : vector<16xi1>, vector<16xi32>
      %swap3A_125 = arith.constant 32 : index
      %swap3A_126 = tpu.vector_load %arg11[%swap3A_125] {strides = array<i32>} : memref<256xi32, #tpu.memory_space<vmem>>, vector<16xi32>,
      tpu.vector_store %arg11[%swap3A_125], %select_n3A_124 {strides = array<i32>} : memref<256xi32, #tpu.memory_space<vmem>>, vector<16xi32>,
      %get3A_127 = arith.constant 32 : index
      %get3A_128 = tpu.vector_load %arg12[%get3A_127] {strides = array<i32>} : memref<1024xf32, #tpu.memory_space<vmem>>, vector<16xf32>,
      %jit3A_129 = arith.constant 0.000000e+00 : f32
      %broadcast_in_dim3A_130 = vector.broadcast %jit3A_129 : f32 to vector<16xf32>
      %select_n3A_131 = arith.select %lt3A_112, %get3A_128, %broadcast_in_dim3A_130 : vector<16xi1>, vector<16xf32>
      %swap3A_132 = arith.constant 32 : index
      %swap3A_133 = tpu.vector_load %arg12[%swap3A_132] {strides = array<i32>} : memref<1024xf32, #tpu.memory_space<vmem>>, vector<16xf32>,
      tpu.vector_store %arg12[%swap3A_132], %select_n3A_131 {strides = array<i32>} : memref<1024xf32, #tpu.memory_space<vmem>>, vector<16xf32>,
      %get3A_134 = arith.constant 288 : index
      %get3A_135 = tpu.vector_load %arg12[%get3A_134] {strides = array<i32>} : memref<1024xf32, #tpu.memory_space<vmem>>, vector<16xf32>,
      %jit3A_136 = arith.constant 0.000000e+00 : f32
      %broadcast_in_dim3A_137 = vector.broadcast %jit3A_136 : f32 to vector<16xf32>
      %select_n3A_138 = arith.select %lt3A_112, %get3A_135, %broadcast_in_dim3A_137 : vector<16xi1>, vector<16xf32>
      %swap3A_139 = arith.constant 288 : index
      %swap3A_140 = tpu.vector_load %arg12[%swap3A_139] {strides = array<i32>} : memref<1024xf32, #tpu.memory_space<vmem>>, vector<16xf32>,
      tpu.vector_store %arg12[%swap3A_139], %select_n3A_138 {strides = array<i32>} : memref<1024xf32, #tpu.memory_space<vmem>>, vector<16xf32>,
      %get3A_141 = arith.constant 544 : index
      %get3A_142 = tpu.vector_load %arg12[%get3A_141] {strides = array<i32>} : memref<1024xf32, #tpu.memory_space<vmem>>, vector<16xf32>,
      %jit3A_143 = arith.constant 0.000000e+00 : f32
      %broadcast_in_dim3A_144 = vector.broadcast %jit3A_143 : f32 to vector<16xf32>
      %select_n3A_145 = arith.select %lt3A_112, %get3A_142, %broadcast_in_dim3A_144 : vector<16xi1>, vector<16xf32>
      %swap3A_146 = arith.constant 544 : index
      %swap3A_147 = tpu.vector_load %arg12[%swap3A_146] {strides = array<i32>} : memref<1024xf32, #tpu.memory_space<vmem>>, vector<16xf32>,
      tpu.vector_store %arg12[%swap3A_146], %select_n3A_145 {strides = array<i32>} : memref<1024xf32, #tpu.memory_space<vmem>>, vector<16xf32>,
      %get3A_148 = arith.constant 800 : index
      %get3A_149 = tpu.vector_load %arg12[%get3A_148] {strides = array<i32>} : memref<1024xf32, #tpu.memory_space<vmem>>, vector<16xf32>,
      %jit3A_150 = arith.constant 0.000000e+00 : f32
      %broadcast_in_dim3A_151 = vector.broadcast %jit3A_150 : f32 to vector<16xf32>
      %select_n3A_152 = arith.select %lt3A_112, %get3A_149, %broadcast_in_dim3A_151 : vector<16xi1>, vector<16xf32>
      %swap3A_153 = arith.constant 800 : index
      %swap3A_154 = tpu.vector_load %arg12[%swap3A_153] {strides = array<i32>} : memref<1024xf32, #tpu.memory_space<vmem>>, vector<16xf32>,
      tpu.vector_store %arg12[%swap3A_153], %select_n3A_152 {strides = array<i32>} : memref<1024xf32, #tpu.memory_space<vmem>>, vector<16xf32>,
      %add3A_155 = arith.constant 48 : i32
      %add3A_156 = vector.broadcast %add3A_155 : i32 to vector<16xi32>
      %add3A_157 = arith.addi %iota3A, %add3A_156 : vector<16xi32>
      %lt3A_158 = vector.broadcast %scan3A_13 : i32 to vector<16xi32>
      %lt3A_159 = arith.cmpi slt, %add3A_157, %lt3A_158 : vector<16xi32>
      %get3A_160 = arith.constant 48 : index
      %get3A_161 = tpu.vector_load %arg10[%get3A_160] {strides = array<i32>} : memref<256xi32, #tpu.memory_space<vmem>>, vector<16xi32>,
      %jit3A_162 = arith.constant 0 : i32
      %broadcast_in_dim3A_163 = vector.broadcast %jit3A_162 : i32 to vector<16xi32>
      %select_n3A_164 = arith.select %lt3A_159, %get3A_161, %broadcast_in_dim3A_163 : vector<16xi1>, vector<16xi32>
      %swap3A_165 = arith.constant 48 : index
      %swap3A_166 = tpu.vector_load %arg10[%swap3A_165] {strides = array<i32>} : memref<256xi32, #tpu.memory_space<vmem>>, vector<16xi32>,
      tpu.vector_store %arg10[%swap3A_165], %select_n3A_164 {strides = array<i32>} : memref<256xi32, #tpu.memory_space<vmem>>, vector<16xi32>,
      %get3A_167 = arith.constant 48 : index
      %get3A_168 = tpu.vector_load %arg11[%get3A_167] {strides = array<i32>} : memref<256xi32, #tpu.memory_space<vmem>>, vector<16xi32>,
      %jit3A_169 = arith.constant 320 : i32
      %broadcast_in_dim3A_170 = vector.broadcast %jit3A_169 : i32 to vector<16xi32>
      %select_n3A_171 = arith.select %lt3A_159, %get3A_168, %broadcast_in_dim3A_170 : vector<16xi1>, vector<16xi32>
      %swap3A_172 = arith.constant 48 : index
      %swap3A_173 = tpu.vector_load %arg11[%swap3A_172] {strides = array<i32>} : memref<256xi32, #tpu.memory_space<vmem>>, vector<16xi32>,
      tpu.vector_store %arg11[%swap3A_172], %select_n3A_171 {strides = array<i32>} : memref<256xi32, #tpu.memory_space<vmem>>, vector<16xi32>,
      %get3A_174 = arith.constant 48 : index
      %get3A_175 = tpu.vector_load %arg12[%get3A_174] {strides = array<i32>} : memref<1024xf32, #tpu.memory_space<vmem>>, vector<16xf32>,
      %jit3A_176 = arith.constant 0.000000e+00 : f32
      %broadcast_in_dim3A_177 = vector.broadcast %jit3A_176 : f32 to vector<16xf32>
      %select_n3A_178 = arith.select %lt3A_159, %get3A_175, %broadcast_in_dim3A_177 : vector<16xi1>, vector<16xf32>
      %swap3A_179 = arith.constant 48 : index
      %swap3A_180 = tpu.vector_load %arg12[%swap3A_179] {strides = array<i32>} : memref<1024xf32, #tpu.memory_space<vmem>>, vector<16xf32>,
      tpu.vector_store %arg12[%swap3A_179], %select_n3A_178 {strides = array<i32>} : memref<1024xf32, #tpu.memory_space<vmem>>, vector<16xf32>,
      %get3A_181 = arith.constant 304 : index
      %get3A_182 = tpu.vector_load %arg12[%get3A_181] {strides = array<i32>} : memref<1024xf32, #tpu.memory_space<vmem>>, vector<16xf32>,
      %jit3A_183 = arith.constant 0.000000e+00 : f32
      %broadcast_in_dim3A_184 = vector.broadcast %jit3A_183 : f32 to vector<16xf32>
      %select_n3A_185 = arith.select %lt3A_159, %get3A_182, %broadcast_in_dim3A_184 : vector<16xi1>, vector<16xf32>
      %swap3A_186 = arith.constant 304 : index
      %swap3A_187 = tpu.vector_load %arg12[%swap3A_186] {strides = array<i32>} : memref<1024xf32, #tpu.memory_space<vmem>>, vector<16xf32>,
      tpu.vector_store %arg12[%swap3A_186], %select_n3A_185 {strides = array<i32>} : memref<1024xf32, #tpu.memory_space<vmem>>, vector<16xf32>,
      %get3A_188 = arith.constant 560 : index
      %get3A_189 = tpu.vector_load %arg12[%get3A_188] {strides = array<i32>} : memref<1024xf32, #tpu.memory_space<vmem>>, vector<16xf32>,
      %jit3A_190 = arith.constant 0.000000e+00 : f32
      %broadcast_in_dim3A_191 = vector.broadcast %jit3A_190 : f32 to vector<16xf32>
      %select_n3A_192 = arith.select %lt3A_159, %get3A_189, %broadcast_in_dim3A_191 : vector<16xi1>, vector<16xf32>
      %swap3A_193 = arith.constant 560 : index
      %swap3A_194 = tpu.vector_load %arg12[%swap3A_193] {strides = array<i32>} : memref<1024xf32, #tpu.memory_space<vmem>>, vector<16xf32>,
      tpu.vector_store %arg12[%swap3A_193], %select_n3A_192 {strides = array<i32>} : memref<1024xf32, #tpu.memory_space<vmem>>, vector<16xf32>,
      %get3A_195 = arith.constant 816 : index
      %get3A_196 = tpu.vector_load %arg12[%get3A_195] {strides = array<i32>} : memref<1024xf32, #tpu.memory_space<vmem>>, vector<16xf32>,
      %jit3A_197 = arith.constant 0.000000e+00 : f32
      %broadcast_in_dim3A_198 = vector.broadcast %jit3A_197 : f32 to vector<16xf32>
      %select_n3A_199 = arith.select %lt3A_159, %get3A_196, %broadcast_in_dim3A_198 : vector<16xi1>, vector<16xf32>
      %swap3A_200 = arith.constant 816 : index
      %swap3A_201 = tpu.vector_load %arg12[%swap3A_200] {strides = array<i32>} : memref<1024xf32, #tpu.memory_space<vmem>>, vector<16xf32>,
      tpu.vector_store %arg12[%swap3A_200], %select_n3A_199 {strides = array<i32>} : memref<1024xf32, #tpu.memory_space<vmem>>, vector<16xf32>,
      %add3A_202 = arith.constant 64 : i32
      %add3A_203 = vector.broadcast %add3A_202 : i32 to vector<16xi32>
      %add3A_204 = arith.addi %iota3A, %add3A_203 : vector<16xi32>
      %lt3A_205 = vector.broadcast %scan3A_13 : i32 to vector<16xi32>
      %lt3A_206 = arith.cmpi slt, %add3A_204, %lt3A_205 : vector<16xi32>
      %get3A_207 = arith.constant 64 : index
      %get3A_208 = tpu.vector_load %arg10[%get3A_207] {strides = array<i32>} : memref<256xi32, #tpu.memory_space<vmem>>, vector<16xi32>,
      %jit3A_209 = arith.constant 0 : i32
      %broadcast_in_dim3A_210 = vector.broadcast %jit3A_209 : i32 to vector<16xi32>
      %select_n3A_211 = arith.select %lt3A_206, %get3A_208, %broadcast_in_dim3A_210 : vector<16xi1>, vector<16xi32>
      %swap3A_212 = arith.constant 64 : index
      %swap3A_213 = tpu.vector_load %arg10[%swap3A_212] {strides = array<i32>} : memref<256xi32, #tpu.memory_space<vmem>>, vector<16xi32>,
      tpu.vector_store %arg10[%swap3A_212], %select_n3A_211 {strides = array<i32>} : memref<256xi32, #tpu.memory_space<vmem>>, vector<16xi32>,
      %get3A_214 = arith.constant 64 : index
      %get3A_215 = tpu.vector_load %arg11[%get3A_214] {strides = array<i32>} : memref<256xi32, #tpu.memory_space<vmem>>, vector<16xi32>,
      %jit3A_216 = arith.constant 320 : i32
      %broadcast_in_dim3A_217 = vector.broadcast %jit3A_216 : i32 to vector<16xi32>
      %select_n3A_218 = arith.select %lt3A_206, %get3A_215, %broadcast_in_dim3A_217 : vector<16xi1>, vector<16xi32>
      %swap3A_219 = arith.constant 64 : index
      %swap3A_220 = tpu.vector_load %arg11[%swap3A_219] {strides = array<i32>} : memref<256xi32, #tpu.memory_space<vmem>>, vector<16xi32>,
      tpu.vector_store %arg11[%swap3A_219], %select_n3A_218 {strides = array<i32>} : memref<256xi32, #tpu.memory_space<vmem>>, vector<16xi32>,
      %get3A_221 = arith.constant 64 : index
      %get3A_222 = tpu.vector_load %arg12[%get3A_221] {strides = array<i32>} : memref<1024xf32, #tpu.memory_space<vmem>>, vector<16xf32>,
      %jit3A_223 = arith.constant 0.000000e+00 : f32
      %broadcast_in_dim3A_224 = vector.broadcast %jit3A_223 : f32 to vector<16xf32>
      %select_n3A_225 = arith.select %lt3A_206, %get3A_222, %broadcast_in_dim3A_224 : vector<16xi1>, vector<16xf32>
      %swap3A_226 = arith.constant 64 : index
      %swap3A_227 = tpu.vector_load %arg12[%swap3A_226] {strides = array<i32>} : memref<1024xf32, #tpu.memory_space<vmem>>, vector<16xf32>,
      tpu.vector_store %arg12[%swap3A_226], %select_n3A_225 {strides = array<i32>} : memref<1024xf32, #tpu.memory_space<vmem>>, vector<16xf32>,
      %get3A_228 = arith.constant 320 : index
      %get3A_229 = tpu.vector_load %arg12[%get3A_228] {strides = array<i32>} : memref<1024xf32, #tpu.memory_space<vmem>>, vector<16xf32>,
      %jit3A_230 = arith.constant 0.000000e+00 : f32
      %broadcast_in_dim3A_231 = vector.broadcast %jit3A_230 : f32 to vector<16xf32>
      %select_n3A_232 = arith.select %lt3A_206, %get3A_229, %broadcast_in_dim3A_231 : vector<16xi1>, vector<16xf32>
      %swap3A_233 = arith.constant 320 : index
      %swap3A_234 = tpu.vector_load %arg12[%swap3A_233] {strides = array<i32>} : memref<1024xf32, #tpu.memory_space<vmem>>, vector<16xf32>,
      tpu.vector_store %arg12[%swap3A_233], %select_n3A_232 {strides = array<i32>} : memref<1024xf32, #tpu.memory_space<vmem>>, vector<16xf32>,
      %get3A_235 = arith.constant 576 : index
      %get3A_236 = tpu.vector_load %arg12[%get3A_235] {strides = array<i32>} : memref<1024xf32, #tpu.memory_space<vmem>>, vector<16xf32>,
      %jit3A_237 = arith.constant 0.000000e+00 : f32
      %broadcast_in_dim3A_238 = vector.broadcast %jit3A_237 : f32 to vector<16xf32>
      %select_n3A_239 = arith.select %lt3A_206, %get3A_236, %broadcast_in_dim3A_238 : vector<16xi1>, vector<16xf32>
      %swap3A_240 = arith.constant 576 : index
      %swap3A_241 = tpu.vector_load %arg12[%swap3A_240] {strides = array<i32>} : memref<1024xf32, #tpu.memory_space<vmem>>, vector<16xf32>,
      tpu.vector_store %arg12[%swap3A_240], %select_n3A_239 {strides = array<i32>} : memref<1024xf32, #tpu.memory_space<vmem>>, vector<16xf32>,
      %get3A_242 = arith.constant 832 : index
      %get3A_243 = tpu.vector_load %arg12[%get3A_242] {strides = array<i32>} : memref<1024xf32, #tpu.memory_space<vmem>>, vector<16xf32>,
      %jit3A_244 = arith.constant 0.000000e+00 : f32
      %broadcast_in_dim3A_245 = vector.broadcast %jit3A_244 : f32 to vector<16xf32>
      %select_n3A_246 = arith.select %lt3A_206, %get3A_243, %broadcast_in_dim3A_245 : vector<16xi1>, vector<16xf32>
      %swap3A_247 = arith.constant 832 : index
      %swap3A_248 = tpu.vector_load %arg12[%swap3A_247] {strides = array<i32>} : memref<1024xf32, #tpu.memory_space<vmem>>, vector<16xf32>,
      tpu.vector_store %arg12[%swap3A_247], %select_n3A_246 {strides = array<i32>} : memref<1024xf32, #tpu.memory_space<vmem>>, vector<16xf32>,
      %add3A_249 = arith.constant 80 : i32
      %add3A_250 = vector.broadcast %add3A_249 : i32 to vector<16xi32>
      %add3A_251 = arith.addi %iota3A, %add3A_250 : vector<16xi32>
      %lt3A_252 = vector.broadcast %scan3A_13 : i32 to vector<16xi32>
      %lt3A_253 = arith.cmpi slt, %add3A_251, %lt3A_252 : vector<16xi32>
      %get3A_254 = arith.constant 80 : index
      %get3A_255 = tpu.vector_load %arg10[%get3A_254] {strides = array<i32>} : memref<256xi32, #tpu.memory_space<vmem>>, vector<16xi32>,
      %jit3A_256 = arith.constant 0 : i32
      %broadcast_in_dim3A_257 = vector.broadcast %jit3A_256 : i32 to vector<16xi32>
      %select_n3A_258 = arith.select %lt3A_253, %get3A_255, %broadcast_in_dim3A_257 : vector<16xi1>, vector<16xi32>
      %swap3A_259 = arith.constant 80 : index
      %swap3A_260 = tpu.vector_load %arg10[%swap3A_259] {strides = array<i32>} : memref<256xi32, #tpu.memory_space<vmem>>, vector<16xi32>,
      tpu.vector_store %arg10[%swap3A_259], %select_n3A_258 {strides = array<i32>} : memref<256xi32, #tpu.memory_space<vmem>>, vector<16xi32>,
      %get3A_261 = arith.constant 80 : index
      %get3A_262 = tpu.vector_load %arg11[%get3A_261] {strides = array<i32>} : memref<256xi32, #tpu.memory_space<vmem>>, vector<16xi32>,
      %jit3A_263 = arith.constant 320 : i32
      %broadcast_in_dim3A_264 = vector.broadcast %jit3A_263 : i32 to vector<16xi32>
      %select_n3A_265 = arith.select %lt3A_253, %get3A_262, %broadcast_in_dim3A_264 : vector<16xi1>, vector<16xi32>
      %swap3A_266 = arith.constant 80 : index
      %swap3A_267 = tpu.vector_load %arg11[%swap3A_266] {strides = array<i32>} : memref<256xi32, #tpu.memory_space<vmem>>, vector<16xi32>,
      tpu.vector_store %arg11[%swap3A_266], %select_n3A_265 {strides = array<i32>} : memref<256xi32, #tpu.memory_space<vmem>>, vector<16xi32>,
      %get3A_268 = arith.constant 80 : index
      %get3A_269 = tpu.vector_load %arg12[%get3A_268] {strides = array<i32>} : memref<1024xf32, #tpu.memory_space<vmem>>, vector<16xf32>,
      %jit3A_270 = arith.constant 0.000000e+00 : f32
      %broadcast_in_dim3A_271 = vector.broadcast %jit3A_270 : f32 to vector<16xf32>
      %select_n3A_272 = arith.select %lt3A_253, %get3A_269, %broadcast_in_dim3A_271 : vector<16xi1>, vector<16xf32>
      %swap3A_273 = arith.constant 80 : index
      %swap3A_274 = tpu.vector_load %arg12[%swap3A_273] {strides = array<i32>} : memref<1024xf32, #tpu.memory_space<vmem>>, vector<16xf32>,
      tpu.vector_store %arg12[%swap3A_273], %select_n3A_272 {strides = array<i32>} : memref<1024xf32, #tpu.memory_space<vmem>>, vector<16xf32>,
      %get3A_275 = arith.constant 336 : index
      %get3A_276 = tpu.vector_load %arg12[%get3A_275] {strides = array<i32>} : memref<1024xf32, #tpu.memory_space<vmem>>, vector<16xf32>,
      %jit3A_277 = arith.constant 0.000000e+00 : f32
      %broadcast_in_dim3A_278 = vector.broadcast %jit3A_277 : f32 to vector<16xf32>
      %select_n3A_279 = arith.select %lt3A_253, %get3A_276, %broadcast_in_dim3A_278 : vector<16xi1>, vector<16xf32>
      %swap3A_280 = arith.constant 336 : index
      %swap3A_281 = tpu.vector_load %arg12[%swap3A_280] {strides = array<i32>} : memref<1024xf32, #tpu.memory_space<vmem>>, vector<16xf32>,
      tpu.vector_store %arg12[%swap3A_280], %select_n3A_279 {strides = array<i32>} : memref<1024xf32, #tpu.memory_space<vmem>>, vector<16xf32>,
      %get3A_282 = arith.constant 592 : index
      %get3A_283 = tpu.vector_load %arg12[%get3A_282] {strides = array<i32>} : memref<1024xf32, #tpu.memory_space<vmem>>, vector<16xf32>,
      %jit3A_284 = arith.constant 0.000000e+00 : f32
      %broadcast_in_dim3A_285 = vector.broadcast %jit3A_284 : f32 to vector<16xf32>
      %select_n3A_286 = arith.select %lt3A_253, %get3A_283, %broadcast_in_dim3A_285 : vector<16xi1>, vector<16xf32>
      %swap3A_287 = arith.constant 592 : index
      %swap3A_288 = tpu.vector_load %arg12[%swap3A_287] {strides = array<i32>} : memref<1024xf32, #tpu.memory_space<vmem>>, vector<16xf32>,
      tpu.vector_store %arg12[%swap3A_287], %select_n3A_286 {strides = array<i32>} : memref<1024xf32, #tpu.memory_space<vmem>>, vector<16xf32>,
      %get3A_289 = arith.constant 848 : index
      %get3A_290 = tpu.vector_load %arg12[%get3A_289] {strides = array<i32>} : memref<1024xf32, #tpu.memory_space<vmem>>, vector<16xf32>,
      %jit3A_291 = arith.constant 0.000000e+00 : f32
      %broadcast_in_dim3A_292 = vector.broadcast %jit3A_291 : f32 to vector<16xf32>
      %select_n3A_293 = arith.select %lt3A_253, %get3A_290, %broadcast_in_dim3A_292 : vector<16xi1>, vector<16xf32>
      %swap3A_294 = arith.constant 848 : index
      %swap3A_295 = tpu.vector_load %arg12[%swap3A_294] {strides = array<i32>} : memref<1024xf32, #tpu.memory_space<vmem>>, vector<16xf32>,
      tpu.vector_store %arg12[%swap3A_294], %select_n3A_293 {strides = array<i32>} : memref<1024xf32, #tpu.memory_space<vmem>>, vector<16xf32>,
      %add3A_296 = arith.constant 96 : i32
      %add3A_297 = vector.broadcast %add3A_296 : i32 to vector<16xi32>
      %add3A_298 = arith.addi %iota3A, %add3A_297 : vector<16xi32>
      %lt3A_299 = vector.broadcast %scan3A_13 : i32 to vector<16xi32>
      %lt3A_300 = arith.cmpi slt, %add3A_298, %lt3A_299 : vector<16xi32>
      %get3A_301 = arith.constant 96 : index
      %get3A_302 = tpu.vector_load %arg10[%get3A_301] {strides = array<i32>} : memref<256xi32, #tpu.memory_space<vmem>>, vector<16xi32>,
      %jit3A_303 = arith.constant 0 : i32
      %broadcast_in_dim3A_304 = vector.broadcast %jit3A_303 : i32 to vector<16xi32>
      %select_n3A_305 = arith.select %lt3A_300, %get3A_302, %broadcast_in_dim3A_304 : vector<16xi1>, vector<16xi32>
      %swap3A_306 = arith.constant 96 : index
      %swap3A_307 = tpu.vector_load %arg10[%swap3A_306] {strides = array<i32>} : memref<256xi32, #tpu.memory_space<vmem>>, vector<16xi32>,
      tpu.vector_store %arg10[%swap3A_306], %select_n3A_305 {strides = array<i32>} : memref<256xi32, #tpu.memory_space<vmem>>, vector<16xi32>,
      %get3A_308 = arith.constant 96 : index
      %get3A_309 = tpu.vector_load %arg11[%get3A_308] {strides = array<i32>} : memref<256xi32, #tpu.memory_space<vmem>>, vector<16xi32>,
      %jit3A_310 = arith.constant 320 : i32
      %broadcast_in_dim3A_311 = vector.broadcast %jit3A_310 : i32 to vector<16xi32>
      %select_n3A_312 = arith.select %lt3A_300, %get3A_309, %broadcast_in_dim3A_311 : vector<16xi1>, vector<16xi32>
      %swap3A_313 = arith.constant 96 : index
      %swap3A_314 = tpu.vector_load %arg11[%swap3A_313] {strides = array<i32>} : memref<256xi32, #tpu.memory_space<vmem>>, vector<16xi32>,
      tpu.vector_store %arg11[%swap3A_313], %select_n3A_312 {strides = array<i32>} : memref<256xi32, #tpu.memory_space<vmem>>, vector<16xi32>,
      %get3A_315 = arith.constant 96 : index
      %get3A_316 = tpu.vector_load %arg12[%get3A_315] {strides = array<i32>} : memref<1024xf32, #tpu.memory_space<vmem>>, vector<16xf32>,
      %jit3A_317 = arith.constant 0.000000e+00 : f32
      %broadcast_in_dim3A_318 = vector.broadcast %jit3A_317 : f32 to vector<16xf32>
      %select_n3A_319 = arith.select %lt3A_300, %get3A_316, %broadcast_in_dim3A_318 : vector<16xi1>, vector<16xf32>
      %swap3A_320 = arith.constant 96 : index
      %swap3A_321 = tpu.vector_load %arg12[%swap3A_320] {strides = array<i32>} : memref<1024xf32, #tpu.memory_space<vmem>>, vector<16xf32>,
      tpu.vector_store %arg12[%swap3A_320], %select_n3A_319 {strides = array<i32>} : memref<1024xf32, #tpu.memory_space<vmem>>, vector<16xf32>,
      %get3A_322 = arith.constant 352 : index
      %get3A_323 = tpu.vector_load %arg12[%get3A_322] {strides = array<i32>} : memref<1024xf32, #tpu.memory_space<vmem>>, vector<16xf32>,
      %jit3A_324 = arith.constant 0.000000e+00 : f32
      %broadcast_in_dim3A_325 = vector.broadcast %jit3A_324 : f32 to vector<16xf32>
      %select_n3A_326 = arith.select %lt3A_300, %get3A_323, %broadcast_in_dim3A_325 : vector<16xi1>, vector<16xf32>
      %swap3A_327 = arith.constant 352 : index
      %swap3A_328 = tpu.vector_load %arg12[%swap3A_327] {strides = array<i32>} : memref<1024xf32, #tpu.memory_space<vmem>>, vector<16xf32>,
      tpu.vector_store %arg12[%swap3A_327], %select_n3A_326 {strides = array<i32>} : memref<1024xf32, #tpu.memory_space<vmem>>, vector<16xf32>,
      %get3A_329 = arith.constant 608 : index
      %get3A_330 = tpu.vector_load %arg12[%get3A_329] {strides = array<i32>} : memref<1024xf32, #tpu.memory_space<vmem>>, vector<16xf32>,
      %jit3A_331 = arith.constant 0.000000e+00 : f32
      %broadcast_in_dim3A_332 = vector.broadcast %jit3A_331 : f32 to vector<16xf32>
      %select_n3A_333 = arith.select %lt3A_300, %get3A_330, %broadcast_in_dim3A_332 : vector<16xi1>, vector<16xf32>
      %swap3A_334 = arith.constant 608 : index
      %swap3A_335 = tpu.vector_load %arg12[%swap3A_334] {strides = array<i32>} : memref<1024xf32, #tpu.memory_space<vmem>>, vector<16xf32>,
      tpu.vector_store %arg12[%swap3A_334], %select_n3A_333 {strides = array<i32>} : memref<1024xf32, #tpu.memory_space<vmem>>, vector<16xf32>,
      %get3A_336 = arith.constant 864 : index
      %get3A_337 = tpu.vector_load %arg12[%get3A_336] {strides = array<i32>} : memref<1024xf32, #tpu.memory_space<vmem>>, vector<16xf32>,
      %jit3A_338 = arith.constant 0.000000e+00 : f32
      %broadcast_in_dim3A_339 = vector.broadcast %jit3A_338 : f32 to vector<16xf32>
      %select_n3A_340 = arith.select %lt3A_300, %get3A_337, %broadcast_in_dim3A_339 : vector<16xi1>, vector<16xf32>
      %swap3A_341 = arith.constant 864 : index
      %swap3A_342 = tpu.vector_load %arg12[%swap3A_341] {strides = array<i32>} : memref<1024xf32, #tpu.memory_space<vmem>>, vector<16xf32>,
      tpu.vector_store %arg12[%swap3A_341], %select_n3A_340 {strides = array<i32>} : memref<1024xf32, #tpu.memory_space<vmem>>, vector<16xf32>,
      %add3A_343 = arith.constant 112 : i32
      %add3A_344 = vector.broadcast %add3A_343 : i32 to vector<16xi32>
      %add3A_345 = arith.addi %iota3A, %add3A_344 : vector<16xi32>
      %lt3A_346 = vector.broadcast %scan3A_13 : i32 to vector<16xi32>
      %lt3A_347 = arith.cmpi slt, %add3A_345, %lt3A_346 : vector<16xi32>
      %get3A_348 = arith.constant 112 : index
      %get3A_349 = tpu.vector_load %arg10[%get3A_348] {strides = array<i32>} : memref<256xi32, #tpu.memory_space<vmem>>, vector<16xi32>,
      %jit3A_350 = arith.constant 0 : i32
      %broadcast_in_dim3A_351 = vector.broadcast %jit3A_350 : i32 to vector<16xi32>
      %select_n3A_352 = arith.select %lt3A_347, %get3A_349, %broadcast_in_dim3A_351 : vector<16xi1>, vector<16xi32>
      %swap3A_353 = arith.constant 112 : index
      %swap3A_354 = tpu.vector_load %arg10[%swap3A_353] {strides = array<i32>} : memref<256xi32, #tpu.memory_space<vmem>>, vector<16xi32>,
      tpu.vector_store %arg10[%swap3A_353], %select_n3A_352 {strides = array<i32>} : memref<256xi32, #tpu.memory_space<vmem>>, vector<16xi32>,
      %get3A_355 = arith.constant 112 : index
      %get3A_356 = tpu.vector_load %arg11[%get3A_355] {strides = array<i32>} : memref<256xi32, #tpu.memory_space<vmem>>, vector<16xi32>,
      %jit3A_357 = arith.constant 320 : i32
      %broadcast_in_dim3A_358 = vector.broadcast %jit3A_357 : i32 to vector<16xi32>
      %select_n3A_359 = arith.select %lt3A_347, %get3A_356, %broadcast_in_dim3A_358 : vector<16xi1>, vector<16xi32>
      %swap3A_360 = arith.constant 112 : index
      %swap3A_361 = tpu.vector_load %arg11[%swap3A_360] {strides = array<i32>} : memref<256xi32, #tpu.memory_space<vmem>>, vector<16xi32>,
      tpu.vector_store %arg11[%swap3A_360], %select_n3A_359 {strides = array<i32>} : memref<256xi32, #tpu.memory_space<vmem>>, vector<16xi32>,
      %get3A_362 = arith.constant 112 : index
      %get3A_363 = tpu.vector_load %arg12[%get3A_362] {strides = array<i32>} : memref<1024xf32, #tpu.memory_space<vmem>>, vector<16xf32>,
      %jit3A_364 = arith.constant 0.000000e+00 : f32
      %broadcast_in_dim3A_365 = vector.broadcast %jit3A_364 : f32 to vector<16xf32>
      %select_n3A_366 = arith.select %lt3A_347, %get3A_363, %broadcast_in_dim3A_365 : vector<16xi1>, vector<16xf32>
      %swap3A_367 = arith.constant 112 : index
      %swap3A_368 = tpu.vector_load %arg12[%swap3A_367] {strides = array<i32>} : memref<1024xf32, #tpu.memory_space<vmem>>, vector<16xf32>,
      tpu.vector_store %arg12[%swap3A_367], %select_n3A_366 {strides = array<i32>} : memref<1024xf32, #tpu.memory_space<vmem>>, vector<16xf32>,
      %get3A_369 = arith.constant 368 : index
      %get3A_370 = tpu.vector_load %arg12[%get3A_369] {strides = array<i32>} : memref<1024xf32, #tpu.memory_space<vmem>>, vector<16xf32>,
      %jit3A_371 = arith.constant 0.000000e+00 : f32
      %broadcast_in_dim3A_372 = vector.broadcast %jit3A_371 : f32 to vector<16xf32>
      %select_n3A_373 = arith.select %lt3A_347, %get3A_370, %broadcast_in_dim3A_372 : vector<16xi1>, vector<16xf32>
      %swap3A_374 = arith.constant 368 : index
      %swap3A_375 = tpu.vector_load %arg12[%swap3A_374] {strides = array<i32>} : memref<1024xf32, #tpu.memory_space<vmem>>, vector<16xf32>,
      tpu.vector_store %arg12[%swap3A_374], %select_n3A_373 {strides = array<i32>} : memref<1024xf32, #tpu.memory_space<vmem>>, vector<16xf32>,
      %get3A_376 = arith.constant 624 : index
      %get3A_377 = tpu.vector_load %arg12[%get3A_376] {strides = array<i32>} : memref<1024xf32, #tpu.memory_space<vmem>>, vector<16xf32>,
      %jit3A_378 = arith.constant 0.000000e+00 : f32
      %broadcast_in_dim3A_379 = vector.broadcast %jit3A_378 : f32 to vector<16xf32>
      %select_n3A_380 = arith.select %lt3A_347, %get3A_377, %broadcast_in_dim3A_379 : vector<16xi1>, vector<16xf32>
      %swap3A_381 = arith.constant 624 : index
      %swap3A_382 = tpu.vector_load %arg12[%swap3A_381] {strides = array<i32>} : memref<1024xf32, #tpu.memory_space<vmem>>, vector<16xf32>,
      tpu.vector_store %arg12[%swap3A_381], %select_n3A_380 {strides = array<i32>} : memref<1024xf32, #tpu.memory_space<vmem>>, vector<16xf32>,
      %get3A_383 = arith.constant 880 : index
      %get3A_384 = tpu.vector_load %arg12[%get3A_383] {strides = array<i32>} : memref<1024xf32, #tpu.memory_space<vmem>>, vector<16xf32>,
      %jit3A_385 = arith.constant 0.000000e+00 : f32
      %broadcast_in_dim3A_386 = vector.broadcast %jit3A_385 : f32 to vector<16xf32>
      %select_n3A_387 = arith.select %lt3A_347, %get3A_384, %broadcast_in_dim3A_386 : vector<16xi1>, vector<16xf32>
      %swap3A_388 = arith.constant 880 : index
      %swap3A_389 = tpu.vector_load %arg12[%swap3A_388] {strides = array<i32>} : memref<1024xf32, #tpu.memory_space<vmem>>, vector<16xf32>,
      tpu.vector_store %arg12[%swap3A_388], %select_n3A_387 {strides = array<i32>} : memref<1024xf32, #tpu.memory_space<vmem>>, vector<16xf32>,
      %dma_start3A = arith.constant 0 : i32
      %dma_start3A_390 = tpu.memref_slice %arg10[%dma_start3A] : memref<256xi32, #tpu.memory_space<vmem>> -> memref<128xi32, #tpu.memory_space<vmem>>
      %dma_start3A_391 = arith.constant 0 : i32
      %dma_start3A_392 = arith.constant 0 : i32
      %dma_start3A_393 = tpu.memref_slice %arg2[%dma_start3A_391, %dma_start3A_392] : memref<10000x256xf32, #tpu.memory_space<hbm>> -> memref<10000x256xf32, #tpu.memory_space<hbm>>
      tpu.enqueue_indirect_dma source(%dma_start3A_393 : memref<10000x256xf32, #tpu.memory_space<hbm>>) target(%arg13 : memref<128x256xf32, #tpu.memory_space<vmem>>) offsets(%dma_start3A_390 : memref<128xi32, #tpu.memory_space<vmem>>) semaphore(%arg15 : memref<!tpu.dma_semaphore, #tpu.memory_space<semaphore_mem>>)
      %dma_wait3A = arith.constant 0 : i32
      %dma_wait3A_394 = tpu.memref_slice %arg10[%dma_wait3A] : memref<256xi32, #tpu.memory_space<vmem>> -> memref<128xi32, #tpu.memory_space<vmem>>
      %dma_wait3A_395 = arith.constant 0 : i32
      %dma_wait3A_396 = arith.constant 0 : i32
      %dma_wait3A_397 = tpu.memref_slice %arg2[%dma_wait3A_395, %dma_wait3A_396] : memref<10000x256xf32, #tpu.memory_space<hbm>> -> memref<10000x256xf32, #tpu.memory_space<hbm>>
      tpu.wait_indirect_dma semaphore(%arg15 : memref<!tpu.dma_semaphore, #tpu.memory_space<semaphore_mem>>) src(%dma_wait3A_397 : memref<10000x256xf32, #tpu.memory_space<hbm>>) dst(%arg13 : memref<128x256xf32, #tpu.memory_space<vmem>>)
      %scan3A_398 = arith.constant 0 : i32
      %scan3A_399 = arith.constant 128 : i32
      %scan3A_400 = arith.addi %scan3A_398, %scan3A_399 : i32
      %scan3A_401 = arith.constant 1 : i32
      scf.for %scan3A_427 = %scan3A_398 to %scan3A_400 step %scan3A_401  : i32 {
        %mul3A_428 = arith.constant 1 : i32
        %mul3A_429 = arith.muli %scan3A_427, %mul3A_428 : i32
        %add3A_430 = arith.constant 0 : i32
        %add3A_431 = arith.addi %add3A_430, %mul3A_429 : i32
        %jit3A_432 = arith.constant 16 : i32
        %div3A = arith.divsi %add3A_431, %jit3A_432 : i32
        %sign3A = arith.constant 0 : i32
        %sign3A_433 = arith.cmpi sgt, %add3A_431, %sign3A : i32
        %sign3A_434 = arith.extui %sign3A_433 : i1 to i32
        %sign3A_435 = arith.constant 0 : i32
        %sign3A_436 = arith.cmpi slt, %add3A_431, %sign3A_435 : i32
        %sign3A_437 = arith.extui %sign3A_436 : i1 to i32
        %sign3A_438 = arith.subi %sign3A_434, %sign3A_437 : i32
        %sign3A_439 = arith.constant 0 : i32
        %sign3A_440 = arith.cmpi sgt, %jit3A_432, %sign3A_439 : i32
        %sign3A_441 = arith.extui %sign3A_440 : i1 to i32
        %sign3A_442 = arith.constant 0 : i32
        %sign3A_443 = arith.cmpi slt, %jit3A_432, %sign3A_442 : i32
        %sign3A_444 = arith.extui %sign3A_443 : i1 to i32
        %sign3A_445 = arith.subi %sign3A_441, %sign3A_444 : i32
        %ne3A = arith.cmpi ne, %sign3A_438, %sign3A_445 : i32
        %rem3A = arith.remsi %add3A_431, %jit3A_432 : i32
        %ne3A_446 = arith.constant 0 : i32
        %ne3A_447 = arith.cmpi ne, %rem3A, %ne3A_446 : i32
        %and3A = arith.andi %ne3A, %ne3A_447 : i1
        %sub3A = arith.constant 1 : i32
        %sub3A_448 = arith.subi %div3A, %sub3A : i32
        %select_n3A_449 = arith.select %and3A, %sub3A_448, %div3A : i32
        %mul3A_450 = arith.constant 16 : i32
        %mul3A_451 = arith.muli %select_n3A_449, %mul3A_450 : i32
        %sub3A_452 = arith.subi %add3A_431, %mul3A_451 : i32
        %broadcast_in_dim3A_453 = vector.broadcast %sub3A_452 : i32 to vector<16xi32>
        %get3A_454 = arith.index_cast %mul3A_451 : i32 to index
        %get3A_455 = tpu.vector_load %arg11[%get3A_454] {strides = array<i32>} : memref<256xi32, #tpu.memory_space<vmem>>, vector<16xi32>,
        %broadcast_in_dim3A_456 = vector.shape_cast %broadcast_in_dim3A_453 : vector<16xi32> to vector<16x1xi32>
        %gather3A = vector.shape_cast %broadcast_in_dim3A_456 : vector<16x1xi32> to vector<16xi32>
        %gather3A_457 = tpu.dynamic_gather %get3A_455[%gather3A] in [0] : vector<16xi32>, vector<16xi32> -> vector<16xi32>
        %add3A_458 = arith.constant 0 : i32
        %add3A_459 = arith.addi %add3A_458, %mul3A_451 : i32
        %get3A_460 = arith.index_cast %add3A_459 : i32 to index
        %get3A_461 = tpu.vector_load %arg12[%get3A_460] {strides = array<i32>} : memref<1024xf32, #tpu.memory_space<vmem>>, vector<16xf32>,
        %broadcast_in_dim3A_462 = vector.shape_cast %broadcast_in_dim3A_453 : vector<16xi32> to vector<16x1xi32>
        %gather3A_463 = vector.shape_cast %broadcast_in_dim3A_462 : vector<16x1xi32> to vector<16xi32>
        %gather3A_464 = tpu.dynamic_gather %get3A_461[%gather3A_463] in [0] : vector<16xf32>, vector<16xi32> -> vector<16xf32>
        %add3A_465 = arith.constant 256 : i32
        %add3A_466 = arith.addi %add3A_465, %mul3A_451 : i32
        %get3A_467 = arith.index_cast %add3A_466 : i32 to index
        %get3A_468 = tpu.vector_load %arg12[%get3A_467] {strides = array<i32>} : memref<1024xf32, #tpu.memory_space<vmem>>, vector<16xf32>,
        %broadcast_in_dim3A_469 = vector.shape_cast %broadcast_in_dim3A_453 : vector<16xi32> to vector<16x1xi32>
        %gather3A_470 = vector.shape_cast %broadcast_in_dim3A_469 : vector<16x1xi32> to vector<16xi32>
        %gather3A_471 = tpu.dynamic_gather %get3A_468[%gather3A_470] in [0] : vector<16xf32>, vector<16xi32> -> vector<16xf32>
        %add3A_472 = arith.constant 512 : i32
        %add3A_473 = arith.addi %add3A_472, %mul3A_451 : i32
        %get3A_474 = arith.index_cast %add3A_473 : i32 to index
        %get3A_475 = tpu.vector_load %arg12[%get3A_474] {strides = array<i32>} : memref<1024xf32, #tpu.memory_space<vmem>>, vector<16xf32>,
        %broadcast_in_dim3A_476 = vector.shape_cast %broadcast_in_dim3A_453 : vector<16xi32> to vector<16x1xi32>
        %gather3A_477 = vector.shape_cast %broadcast_in_dim3A_476 : vector<16x1xi32> to vector<16xi32>
        %gather3A_478 = tpu.dynamic_gather %get3A_475[%gather3A_477] in [0] : vector<16xf32>, vector<16xi32> -> vector<16xf32>
        %add3A_479 = arith.constant 768 : i32
        %add3A_480 = arith.addi %add3A_479, %mul3A_451 : i32
        %get3A_481 = arith.index_cast %add3A_480 : i32 to index
        %get3A_482 = tpu.vector_load %arg12[%get3A_481] {strides = array<i32>} : memref<1024xf32, #tpu.memory_space<vmem>>, vector<16xf32>,
        %broadcast_in_dim3A_483 = vector.shape_cast %broadcast_in_dim3A_453 : vector<16xi32> to vector<16x1xi32>
        %gather3A_484 = vector.shape_cast %broadcast_in_dim3A_483 : vector<16x1xi32> to vector<16xi32>
        %gather3A_485 = tpu.dynamic_gather %get3A_482[%gather3A_484] in [0] : vector<16xf32>, vector<16xi32> -> vector<16xf32>
        %get3A_486 = arith.index_cast %add3A_431 : i32 to index
        %get3A_487 = arith.constant 160 : index
        %get3A_488 = tpu.vector_load %arg13[%get3A_486, %get3A_487] {strides = array<i32>} : memref<128x256xf32, #tpu.memory_space<vmem>>, vector<16xf32>,
        %get3A_489 = arith.index_cast %add3A_431 : i32 to index
        %get3A_490 = arith.constant 32 : index
        %get3A_491 = tpu.vector_load %arg13[%get3A_489, %get3A_490] {strides = array<i32>} : memref<128x256xf32, #tpu.memory_space<vmem>>, vector<16xf32>,
        %mul3A_492 = arith.mulf %gather3A_464, %get3A_491 : vector<16xf32>
        %add3A_493 = arith.addf %get3A_488, %mul3A_492 : vector<16xf32>
        %get3A_494 = arith.index_cast %add3A_431 : i32 to index
        %get3A_495 = arith.constant 64 : index
        %get3A_496 = tpu.vector_load %arg13[%get3A_494, %get3A_495] {strides = array<i32>} : memref<128x256xf32, #tpu.memory_space<vmem>>, vector<16xf32>,
        %mul3A_497 = arith.mulf %gather3A_471, %get3A_496 : vector<16xf32>
        %add3A_498 = arith.addf %add3A_493, %mul3A_497 : vector<16xf32>
        %get3A_499 = arith.index_cast %add3A_431 : i32 to index
        %get3A_500 = arith.constant 96 : index
        %get3A_501 = tpu.vector_load %arg13[%get3A_499, %get3A_500] {strides = array<i32>} : memref<128x256xf32, #tpu.memory_space<vmem>>, vector<16xf32>,
        %mul3A_502 = arith.mulf %gather3A_478, %get3A_501 : vector<16xf32>
        %add3A_503 = arith.addf %add3A_498, %mul3A_502 : vector<16xf32>
        %get3A_504 = arith.index_cast %add3A_431 : i32 to index
        %get3A_505 = arith.constant 128 : index
        %get3A_506 = tpu.vector_load %arg13[%get3A_504, %get3A_505] {strides = array<i32>} : memref<128x256xf32, #tpu.memory_space<vmem>>, vector<16xf32>,
        %mul3A_507 = arith.mulf %gather3A_485, %get3A_506 : vector<16xf32>
        %add3A_508 = arith.addf %add3A_503, %mul3A_507 : vector<16xf32>
        %mul3A_509 = arith.constant 64 : i32
        %mul3A_510 = vector.broadcast %mul3A_509 : i32 to vector<16xi32>
        %mul3A_511 = arith.muli %gather3A_457, %mul3A_510 : vector<16xi32>
        %add3A_512 = arith.constant 32 : i32
        %add3A_513 = vector.broadcast %add3A_512 : i32 to vector<16xi32>
        %add3A_514 = arith.addi %iota3A, %add3A_513 : vector<16xi32>
        %add3A_515 = arith.addi %mul3A_511, %add3A_514 : vector<16xi32>
        tpu.vector_store_idx %arg14[%add3A_515], %add3A_508 {add = true} : memref<20544xf32, #tpu.memory_space<vmem>>[vector<16xi32>], vector<16xf32>,
        %get3A_516 = arith.index_cast %add3A_431 : i32 to index
        %get3A_517 = arith.constant 176 : index
        %get3A_518 = tpu.vector_load %arg13[%get3A_516, %get3A_517] {strides = array<i32>} : memref<128x256xf32, #tpu.memory_space<vmem>>, vector<16xf32>,
        %get3A_519 = arith.index_cast %add3A_431 : i32 to index
        %get3A_520 = arith.constant 48 : index
        %get3A_521 = tpu.vector_load %arg13[%get3A_519, %get3A_520] {strides = array<i32>} : memref<128x256xf32, #tpu.memory_space<vmem>>, vector<16xf32>,
        %mul3A_522 = arith.mulf %gather3A_464, %get3A_521 : vector<16xf32>
        %add3A_523 = arith.addf %get3A_518, %mul3A_522 : vector<16xf32>
        %get3A_524 = arith.index_cast %add3A_431 : i32 to index
        %get3A_525 = arith.constant 80 : index
        %get3A_526 = tpu.vector_load %arg13[%get3A_524, %get3A_525] {strides = array<i32>} : memref<128x256xf32, #tpu.memory_space<vmem>>, vector<16xf32>,
        %mul3A_527 = arith.mulf %gather3A_471, %get3A_526 : vector<16xf32>
        %add3A_528 = arith.addf %add3A_523, %mul3A_527 : vector<16xf32>
        %get3A_529 = arith.index_cast %add3A_431 : i32 to index
        %get3A_530 = arith.constant 112 : index
        %get3A_531 = tpu.vector_load %arg13[%get3A_529, %get3A_530] {strides = array<i32>} : memref<128x256xf32, #tpu.memory_space<vmem>>, vector<16xf32>,
        %mul3A_532 = arith.mulf %gather3A_478, %get3A_531 : vector<16xf32>
        %add3A_533 = arith.addf %add3A_528, %mul3A_532 : vector<16xf32>
        %get3A_534 = arith.index_cast %add3A_431 : i32 to index
        %get3A_535 = arith.constant 144 : index
        %get3A_536 = tpu.vector_load %arg13[%get3A_534, %get3A_535] {strides = array<i32>} : memref<128x256xf32, #tpu.memory_space<vmem>>, vector<16xf32>,
        %mul3A_537 = arith.mulf %gather3A_485, %get3A_536 : vector<16xf32>
        %add3A_538 = arith.addf %add3A_533, %mul3A_537 : vector<16xf32>
        %mul3A_539 = arith.constant 64 : i32
        %mul3A_540 = vector.broadcast %mul3A_539 : i32 to vector<16xi32>
        %mul3A_541 = arith.muli %gather3A_457, %mul3A_540 : vector<16xi32>
        %add3A_542 = arith.constant 48 : i32
        %add3A_543 = vector.broadcast %add3A_542 : i32 to vector<16xi32>
        %add3A_544 = arith.addi %iota3A, %add3A_543 : vector<16xi32>
        %add3A_545 = arith.addi %mul3A_541, %add3A_544 : vector<16xi32>
        tpu.vector_store_idx %arg14[%add3A_545], %add3A_538 {add = true} : memref<20544xf32, #tpu.memory_space<vmem>>[vector<16xi32>], vector<16xf32>,
        %mul3A_546 = arith.constant 64 : i32
        %mul3A_547 = vector.broadcast %mul3A_546 : i32 to vector<16xi32>
        %mul3A_548 = arith.muli %gather3A_457, %mul3A_547 : vector<16xi32>
        %add3A_549 = arith.constant 0 : i32
        %add3A_550 = vector.broadcast %add3A_549 : i32 to vector<16xi32>
        %add3A_551 = arith.addi %iota3A, %add3A_550 : vector<16xi32>
        %add3A_552 = arith.addi %mul3A_548, %add3A_551 : vector<16xi32>
        %get3A_553 = arith.index_cast %add3A_431 : i32 to index
        %get3A_554 = arith.constant 0 : index
        %get3A_555 = tpu.vector_load %arg13[%get3A_553, %get3A_554] {strides = array<i32>} : memref<128x256xf32, #tpu.memory_space<vmem>>, vector<16xf32>,
        tpu.vector_store_idx %arg14[%add3A_552], %get3A_555 {add = true} : memref<20544xf32, #tpu.memory_space<vmem>>[vector<16xi32>], vector<16xf32>,
        %mul3A_556 = arith.constant 64 : i32
        %mul3A_557 = vector.broadcast %mul3A_556 : i32 to vector<16xi32>
        %mul3A_558 = arith.muli %gather3A_457, %mul3A_557 : vector<16xi32>
        %add3A_559 = arith.constant 16 : i32
        %add3A_560 = vector.broadcast %add3A_559 : i32 to vector<16xi32>
        %add3A_561 = arith.addi %iota3A, %add3A_560 : vector<16xi32>
        %add3A_562 = arith.addi %mul3A_558, %add3A_561 : vector<16xi32>
        %get3A_563 = arith.index_cast %add3A_431 : i32 to index
        %get3A_564 = arith.constant 16 : index
        %get3A_565 = tpu.vector_load %arg13[%get3A_563, %get3A_564] {strides = array<i32>} : memref<128x256xf32, #tpu.memory_space<vmem>>, vector<16xf32>,
        tpu.vector_store_idx %arg14[%add3A_562], %get3A_565 {add = true} : memref<20544xf32, #tpu.memory_space<vmem>>[vector<16xi32>], vector<16xf32>,
      }
      %scan3A_402 = arith.constant 128 : i32
      %get3A_403 = arith.constant 128 : index
      %get3A_404 = tpu.vector_load %arg10[%get3A_403] {strides = array<i32>} : memref<256xi32, #tpu.memory_space<vmem>>, vector<16xi32>,
      %swap3A_405 = arith.constant 0 : index
      %swap3A_406 = tpu.vector_load %arg10[%swap3A_405] {strides = array<i32>} : memref<256xi32, #tpu.memory_space<vmem>>, vector<16xi32>,
      tpu.vector_store %arg10[%swap3A_405], %get3A_404 {strides = array<i32>} : memref<256xi32, #tpu.memory_space<vmem>>, vector<16xi32>,
      %get3A_407 = arith.constant 128 : index
      %get3A_408 = tpu.vector_load %arg11[%get3A_407] {strides = array<i32>} : memref<256xi32, #tpu.memory_space<vmem>>, vector<16xi32>,
      %swap3A_409 = arith.constant 0 : index
      %swap3A_410 = tpu.vector_load %arg11[%swap3A_409] {strides = array<i32>} : memref<256xi32, #tpu.memory_space<vmem>>, vector<16xi32>,
      tpu.vector_store %arg11[%swap3A_409], %get3A_408 {strides = array<i32>} : memref<256xi32, #tpu.memory_space<vmem>>, vector<16xi32>,
      %get3A_411 = arith.constant 128 : index
      %get3A_412 = tpu.vector_load %arg12[%get3A_411] {strides = array<i32>} : memref<1024xf32, #tpu.memory_space<vmem>>, vector<16xf32>,
      %swap3A_413 = arith.constant 0 : index
      %swap3A_414 = tpu.vector_load %arg12[%swap3A_413] {strides = array<i32>} : memref<1024xf32, #tpu.memory_space<vmem>>, vector<16xf32>,
      tpu.vector_store %arg12[%swap3A_413], %get3A_412 {strides = array<i32>} : memref<1024xf32, #tpu.memory_space<vmem>>, vector<16xf32>,
      %get3A_415 = arith.constant 384 : index
      %get3A_416 = tpu.vector_load %arg12[%get3A_415] {strides = array<i32>} : memref<1024xf32, #tpu.memory_space<vmem>>, vector<16xf32>,
      %swap3A_417 = arith.constant 256 : index
      %swap3A_418 = tpu.vector_load %arg12[%swap3A_417] {strides = array<i32>} : memref<1024xf32, #tpu.memory_space<vmem>>, vector<16xf32>,
      tpu.vector_store %arg12[%swap3A_417], %get3A_416 {strides = array<i32>} : memref<1024xf32, #tpu.memory_space<vmem>>, vector<16xf32>,
      %get3A_419 = arith.constant 640 : index
      %get3A_420 = tpu.vector_load %arg12[%get3A_419] {strides = array<i32>} : memref<1024xf32, #tpu.memory_space<vmem>>, vector<16xf32>,
      %swap3A_421 = arith.constant 512 : index
      %swap3A_422 = tpu.vector_load %arg12[%swap3A_421] {strides = array<i32>} : memref<1024xf32, #tpu.memory_space<vmem>>, vector<16xf32>,
      tpu.vector_store %arg12[%swap3A_421], %get3A_420 {strides = array<i32>} : memref<1024xf32, #tpu.memory_space<vmem>>, vector<16xf32>,
      %get3A_423 = arith.constant 896 : index
      %get3A_424 = tpu.vector_load %arg12[%get3A_423] {strides = array<i32>} : memref<1024xf32, #tpu.memory_space<vmem>>, vector<16xf32>,
      %swap3A_425 = arith.constant 768 : index
      %swap3A_426 = tpu.vector_load %arg12[%swap3A_425] {strides = array<i32>} : memref<1024xf32, #tpu.memory_space<vmem>>, vector<16xf32>,
      tpu.vector_store %arg12[%swap3A_425], %get3A_424 {strides = array<i32>} : memref<1024xf32, #tpu.memory_space<vmem>>, vector<16xf32>,
    } else {
    }
    %mul3A_17 = arith.constant 64 : i32
    %mul3A_18 = arith.muli %mul3A_2, %mul3A_17 : i32
    "tpu.region"() ({
      %run_scoped3A = tpu.sem_alloc : memref<!tpu.dma_semaphore, #tpu.memory_space<semaphore_mem>>
      %dma_start3A = arith.constant 0 : i32
      %dma_start3A_19 = tpu.memref_slice %arg14[%dma_start3A] : memref<20544xf32, #tpu.memory_space<vmem>> -> memref<20480xf32, #tpu.memory_space<vmem>>
      %dma_start3A_20 = tpu.memref_slice %arg6[%mul3A_18] : memref<655360xf32, #tpu.memory_space<hbm>> -> memref<20480xf32, #tpu.memory_space<hbm>>
      %dma_start3A_21 = tpu.memref_slice %arg6[%mul3A_18] : memref<655360xf32, #tpu.memory_space<hbm>> -> memref<20480xf32, #tpu.memory_space<hbm>>
      %dma_start3A_22 = arith.constant 0 : i32
      %dma_start3A_23 = tpu.memref_slice %arg14[%dma_start3A_22] : memref<20544xf32, #tpu.memory_space<vmem>> -> memref<20480xf32, #tpu.memory_space<vmem>>
      tpu.enqueue_dma source(%dma_start3A_23 : memref<20480xf32, #tpu.memory_space<vmem>>) target(%dma_start3A_21 : memref<20480xf32, #tpu.memory_space<hbm>>) target_semaphore(%run_scoped3A : memref<!tpu.dma_semaphore, #tpu.memory_space<semaphore_mem>>)
      %dma_wait3A = arith.constant 0 : i32
      %dma_wait3A_24 = tpu.memref_slice %arg14[%dma_wait3A] : memref<20544xf32, #tpu.memory_space<vmem>> -> memref<20480xf32, #tpu.memory_space<vmem>>
      %dma_wait3A_25 = tpu.memref_slice %arg6[%mul3A_18] : memref<655360xf32, #tpu.memory_space<hbm>> -> memref<20480xf32, #tpu.memory_space<hbm>>
      %dma_wait3A_26 = tpu.memref_slice %arg6[%mul3A_18] : memref<655360xf32, #tpu.memory_space<hbm>> -> memref<20480xf32, #tpu.memory_space<hbm>>
      %dma_wait3A_27 = arith.constant 0 : i32
      %dma_wait3A_28 = tpu.memref_slice %arg14[%dma_wait3A_27] : memref<20544xf32, #tpu.memory_space<vmem>> -> memref<20480xf32, #tpu.memory_space<vmem>>
      tpu.wait_dma2 semaphore(%run_scoped3A : memref<!tpu.dma_semaphore, #tpu.memory_space<semaphore_mem>>) src(%dma_wait3A_28 : memref<20480xf32, #tpu.memory_space<vmem>>) dst(%dma_wait3A_26 : memref<20480xf32, #tpu.memory_space<hbm>>)
      tpu.yield
    }) : () -> ()
    return
  }
}

#map = affine_map<(d0, d1) -> (0)>
#map1 = affine_map<(d0, d1) -> (0, 0)>
module attributes {stable_mosaic.version = 14 : i64} {
  func.func @_deg_kernel(%arg0: i32, %arg1: i32, %arg2: memref<160000xi32, #tpu.memory_space<hbm>>, %arg3: memref<160000xi32, #tpu.memory_space<hbm>>, %arg4: memref<2x163840xf32, #tpu.memory_space<hbm>>, %arg5: memref<2000xi32, #tpu.memory_space<vmem>>, %arg6: memref<5136xf32, #tpu.memory_space<vmem>>, %arg7: memref<5136xf32, #tpu.memory_space<vmem>>) attributes {dimension_semantics = [#tpu.dimension_semantics<core_parallel>, #tpu.dimension_semantics<subcore_parallel>], iteration_bounds = array<i64: 2, 16>, scalar_prefetch = 0 : i64, scratch_operands = 3 : i64, tpu.core_type = #tpu.core_type<sc_vector_subcore>, window_params = [{transform_indices = #map}, {transform_indices = #map}, {transform_indices = #map1}]} {
    %mul3A = arith.constant 2 : i32
    %mul3A_0 = arith.muli %arg1, %mul3A : i32
    %add3A = arith.addi %mul3A_0, %arg0 : i32
    %mul3A_1 = arith.constant 320 : i32
    %mul3A_2 = arith.muli %add3A, %mul3A_1 : i32
    %iota3A = tpu.iota {dimensions = array<i32: 0>} : vector<16xi32>
    %broadcast_in_dim3A = arith.constant 1.000000e+00 : f32
    %broadcast_in_dim3A_3 = vector.broadcast %broadcast_in_dim3A : f32 to vector<16xf32>
    %broadcast_in_dim3A_4 = arith.constant 0.000000e+00 : f32
    %broadcast_in_dim3A_5 = vector.broadcast %broadcast_in_dim3A_4 : f32 to vector<16xf32>
    %scan3A = arith.constant 0 : i32
    %scan3A_6 = arith.constant 321 : i32
    %scan3A_7 = arith.addi %scan3A, %scan3A_6 : i32
    %scan3A_8 = arith.constant 1 : i32
    scf.for %scan3A_25 = %scan3A to %scan3A_7 step %scan3A_8  : i32 {
      %mul3A_26 = arith.constant 1 : i32
      %mul3A_27 = arith.muli %scan3A_25, %mul3A_26 : i32
      %add3A_28 = arith.constant 0 : i32
      %add3A_29 = arith.addi %add3A_28, %mul3A_27 : i32
      %mul3A_30 = arith.constant 16 : i32
      %mul3A_31 = arith.muli %add3A_29, %mul3A_30 : i32
      %swap3A = arith.index_cast %mul3A_31 : i32 to index
      %swap3A_32 = tpu.vector_load %arg6[%swap3A] {strides = array<i32>} : memref<5136xf32, #tpu.memory_space<vmem>>, vector<16xf32>,
      tpu.vector_store %arg6[%swap3A], %broadcast_in_dim3A_5 {strides = array<i32>} : memref<5136xf32, #tpu.memory_space<vmem>>, vector<16xf32>,
      %mul3A_33 = arith.constant 16 : i32
      %mul3A_34 = arith.muli %add3A_29, %mul3A_33 : i32
      %swap3A_35 = arith.index_cast %mul3A_34 : i32 to index
      %swap3A_36 = tpu.vector_load %arg7[%swap3A_35] {strides = array<i32>} : memref<5136xf32, #tpu.memory_space<vmem>>, vector<16xf32>,
      tpu.vector_store %arg7[%swap3A_35], %broadcast_in_dim3A_5 {strides = array<i32>} : memref<5136xf32, #tpu.memory_space<vmem>>, vector<16xf32>,
    }
    %scan3A_9 = arith.constant 321 : i32
    %scan3A_10 = arith.constant 0 : i32
    %scan3A_11 = arith.constant 80 : i32
    %scan3A_12 = arith.addi %scan3A_10, %scan3A_11 : i32
    %scan3A_13 = arith.constant 1 : i32
    scf.for %scan3A_25 = %scan3A_10 to %scan3A_12 step %scan3A_13  : i32 {
      %mul3A_26 = arith.constant 1 : i32
      %mul3A_27 = arith.muli %scan3A_25, %mul3A_26 : i32
      %add3A_28 = arith.constant 0 : i32
      %add3A_29 = arith.addi %add3A_28, %mul3A_27 : i32
      %mul3A_30 = arith.constant 2000 : i32
      %mul3A_31 = arith.muli %add3A_29, %mul3A_30 : i32
      "tpu.region"() ({
        %run_scoped3A_37 = tpu.sem_alloc : memref<!tpu.dma_semaphore, #tpu.memory_space<semaphore_mem>>
        %dma_start3A = tpu.memref_slice %arg2[%mul3A_31] : memref<160000xi32, #tpu.memory_space<hbm>> -> memref<2000xi32, #tpu.memory_space<hbm>>
        %dma_start3A_38 = tpu.memref_slice %arg2[%mul3A_31] : memref<160000xi32, #tpu.memory_space<hbm>> -> memref<2000xi32, #tpu.memory_space<hbm>>
        tpu.enqueue_dma source(%dma_start3A_38 : memref<2000xi32, #tpu.memory_space<hbm>>) target(%arg5 : memref<2000xi32, #tpu.memory_space<vmem>>) target_semaphore(%run_scoped3A_37 : memref<!tpu.dma_semaphore, #tpu.memory_space<semaphore_mem>>)
        %dma_wait3A = tpu.memref_slice %arg2[%mul3A_31] : memref<160000xi32, #tpu.memory_space<hbm>> -> memref<2000xi32, #tpu.memory_space<hbm>>
        %dma_wait3A_39 = tpu.memref_slice %arg2[%mul3A_31] : memref<160000xi32, #tpu.memory_space<hbm>> -> memref<2000xi32, #tpu.memory_space<hbm>>
        tpu.wait_dma2 semaphore(%run_scoped3A_37 : memref<!tpu.dma_semaphore, #tpu.memory_space<semaphore_mem>>) src(%dma_wait3A_39 : memref<2000xi32, #tpu.memory_space<hbm>>) dst(%arg5 : memref<2000xi32, #tpu.memory_space<vmem>>)
        tpu.yield
      }) : () -> ()
      %scan3A_32 = arith.constant 0 : i32
      %scan3A_33 = arith.constant 125 : i32
      %scan3A_34 = arith.addi %scan3A_32, %scan3A_33 : i32
      %scan3A_35 = arith.constant 1 : i32
      scf.for %scan3A_37 = %scan3A_32 to %scan3A_34 step %scan3A_35  : i32 {
        %mul3A_38 = arith.constant 1 : i32
        %mul3A_39 = arith.muli %scan3A_37, %mul3A_38 : i32
        %add3A_40 = arith.constant 0 : i32
        %add3A_41 = arith.addi %add3A_40, %mul3A_39 : i32
        %mul3A_42 = arith.constant 16 : i32
        %mul3A_43 = arith.muli %add3A_41, %mul3A_42 : i32
        %get3A = arith.index_cast %mul3A_43 : i32 to index
        %get3A_44 = tpu.vector_load %arg5[%get3A] {strides = array<i32>} : memref<2000xi32, #tpu.memory_space<vmem>>, vector<16xi32>,
        %sub3A = vector.broadcast %mul3A_2 : i32 to vector<16xi32>
        %sub3A_45 = arith.subi %get3A_44, %sub3A : vector<16xi32>
        %ge3A = arith.constant 0 : i32
        %ge3A_46 = vector.broadcast %ge3A : i32 to vector<16xi32>
        %ge3A_47 = arith.cmpi sge, %sub3A_45, %ge3A_46 : vector<16xi32>
        %lt3A = arith.constant 320 : i32
        %lt3A_48 = vector.broadcast %lt3A : i32 to vector<16xi32>
        %lt3A_49 = arith.cmpi slt, %sub3A_45, %lt3A_48 : vector<16xi32>
        %and3A = arith.andi %ge3A_47, %lt3A_49 : vector<16xi1>
        %mul3A_50 = arith.constant 16 : i32
        %mul3A_51 = vector.broadcast %mul3A_50 : i32 to vector<16xi32>
        %mul3A_52 = arith.muli %sub3A_45, %mul3A_51 : vector<16xi32>
        %jit3A = arith.constant 5120 : i32
        %broadcast_in_dim3A_53 = vector.broadcast %jit3A : i32 to vector<16xi32>
        %select_n3A = arith.select %and3A, %mul3A_52, %broadcast_in_dim3A_53 : vector<16xi1>, vector<16xi32>
        %add3A_54 = arith.addi %select_n3A, %iota3A : vector<16xi32>
        tpu.vector_store_idx %arg6[%add3A_54], %broadcast_in_dim3A_3 {add = true} : memref<5136xf32, #tpu.memory_space<vmem>>[vector<16xi32>], vector<16xf32>,
      }
      %scan3A_36 = arith.constant 125 : i32
    }
    %scan3A_14 = arith.constant 80 : i32
    %scan3A_15 = arith.constant 0 : i32
    %scan3A_16 = arith.constant 80 : i32
    %scan3A_17 = arith.addi %scan3A_15, %scan3A_16 : i32
    %scan3A_18 = arith.constant 1 : i32
    scf.for %scan3A_25 = %scan3A_15 to %scan3A_17 step %scan3A_18  : i32 {
      %mul3A_26 = arith.constant 1 : i32
      %mul3A_27 = arith.muli %scan3A_25, %mul3A_26 : i32
      %add3A_28 = arith.constant 0 : i32
      %add3A_29 = arith.addi %add3A_28, %mul3A_27 : i32
      %mul3A_30 = arith.constant 2000 : i32
      %mul3A_31 = arith.muli %add3A_29, %mul3A_30 : i32
      "tpu.region"() ({
        %run_scoped3A_37 = tpu.sem_alloc : memref<!tpu.dma_semaphore, #tpu.memory_space<semaphore_mem>>
        %dma_start3A = tpu.memref_slice %arg3[%mul3A_31] : memref<160000xi32, #tpu.memory_space<hbm>> -> memref<2000xi32, #tpu.memory_space<hbm>>
        %dma_start3A_38 = tpu.memref_slice %arg3[%mul3A_31] : memref<160000xi32, #tpu.memory_space<hbm>> -> memref<2000xi32, #tpu.memory_space<hbm>>
        tpu.enqueue_dma source(%dma_start3A_38 : memref<2000xi32, #tpu.memory_space<hbm>>) target(%arg5 : memref<2000xi32, #tpu.memory_space<vmem>>) target_semaphore(%run_scoped3A_37 : memref<!tpu.dma_semaphore, #tpu.memory_space<semaphore_mem>>)
        %dma_wait3A = tpu.memref_slice %arg3[%mul3A_31] : memref<160000xi32, #tpu.memory_space<hbm>> -> memref<2000xi32, #tpu.memory_space<hbm>>
        %dma_wait3A_39 = tpu.memref_slice %arg3[%mul3A_31] : memref<160000xi32, #tpu.memory_space<hbm>> -> memref<2000xi32, #tpu.memory_space<hbm>>
        tpu.wait_dma2 semaphore(%run_scoped3A_37 : memref<!tpu.dma_semaphore, #tpu.memory_space<semaphore_mem>>) src(%dma_wait3A_39 : memref<2000xi32, #tpu.memory_space<hbm>>) dst(%arg5 : memref<2000xi32, #tpu.memory_space<vmem>>)
        tpu.yield
      }) : () -> ()
      %scan3A_32 = arith.constant 0 : i32
      %scan3A_33 = arith.constant 125 : i32
      %scan3A_34 = arith.addi %scan3A_32, %scan3A_33 : i32
      %scan3A_35 = arith.constant 1 : i32
      scf.for %scan3A_37 = %scan3A_32 to %scan3A_34 step %scan3A_35  : i32 {
        %mul3A_38 = arith.constant 1 : i32
        %mul3A_39 = arith.muli %scan3A_37, %mul3A_38 : i32
        %add3A_40 = arith.constant 0 : i32
        %add3A_41 = arith.addi %add3A_40, %mul3A_39 : i32
        %mul3A_42 = arith.constant 16 : i32
        %mul3A_43 = arith.muli %add3A_41, %mul3A_42 : i32
        %get3A = arith.index_cast %mul3A_43 : i32 to index
        %get3A_44 = tpu.vector_load %arg5[%get3A] {strides = array<i32>} : memref<2000xi32, #tpu.memory_space<vmem>>, vector<16xi32>,
        %sub3A = vector.broadcast %mul3A_2 : i32 to vector<16xi32>
        %sub3A_45 = arith.subi %get3A_44, %sub3A : vector<16xi32>
        %ge3A = arith.constant 0 : i32
        %ge3A_46 = vector.broadcast %ge3A : i32 to vector<16xi32>
        %ge3A_47 = arith.cmpi sge, %sub3A_45, %ge3A_46 : vector<16xi32>
        %lt3A = arith.constant 320 : i32
        %lt3A_48 = vector.broadcast %lt3A : i32 to vector<16xi32>
        %lt3A_49 = arith.cmpi slt, %sub3A_45, %lt3A_48 : vector<16xi32>
        %and3A = arith.andi %ge3A_47, %lt3A_49 : vector<16xi1>
        %mul3A_50 = arith.constant 16 : i32
        %mul3A_51 = vector.broadcast %mul3A_50 : i32 to vector<16xi32>
        %mul3A_52 = arith.muli %sub3A_45, %mul3A_51 : vector<16xi32>
        %jit3A = arith.constant 5120 : i32
        %broadcast_in_dim3A_53 = vector.broadcast %jit3A : i32 to vector<16xi32>
        %select_n3A = arith.select %and3A, %mul3A_52, %broadcast_in_dim3A_53 : vector<16xi1>, vector<16xi32>
        %add3A_54 = arith.addi %select_n3A, %iota3A : vector<16xi32>
        tpu.vector_store_idx %arg7[%add3A_54], %broadcast_in_dim3A_3 {add = true} : memref<5136xf32, #tpu.memory_space<vmem>>[vector<16xi32>], vector<16xf32>,
      }
      %scan3A_36 = arith.constant 125 : i32
    }
    %scan3A_19 = arith.constant 80 : i32
    %mul3A_20 = arith.constant 16 : i32
    %mul3A_21 = arith.muli %mul3A_2, %mul3A_20 : i32
    %run_scoped3A = arith.constant 0 : i32
    "tpu.region"() ({
      %run_scoped3A_25 = tpu.sem_alloc : memref<!tpu.dma_semaphore, #tpu.memory_space<semaphore_mem>>
      %dma_start3A = arith.constant 0 : i32
      %dma_start3A_26 = tpu.memref_slice %arg6[%dma_start3A] : memref<5136xf32, #tpu.memory_space<vmem>> -> memref<5120xf32, #tpu.memory_space<vmem>>
      %dma_start3A_27 = tpu.memref_slice %arg4[%run_scoped3A, %mul3A_21] : memref<2x163840xf32, #tpu.memory_space<hbm>> -> memref<1x5120xf32, #tpu.memory_space<hbm>>
      %dma_start3A_28 = tpu.memref_squeeze %dma_start3A_27 : memref<1x5120xf32, #tpu.memory_space<hbm>> -> memref<5120xf32, #tpu.memory_space<hbm>>
      %dma_start3A_29 = tpu.memref_slice %arg4[%run_scoped3A, %mul3A_21] : memref<2x163840xf32, #tpu.memory_space<hbm>> -> memref<1x5120xf32, #tpu.memory_space<hbm>>
      %dma_start3A_30 = tpu.memref_squeeze %dma_start3A_29 : memref<1x5120xf32, #tpu.memory_space<hbm>> -> memref<5120xf32, #tpu.memory_space<hbm>>
      %dma_start3A_31 = arith.constant 0 : i32
      %dma_start3A_32 = tpu.memref_slice %arg6[%dma_start3A_31] : memref<5136xf32, #tpu.memory_space<vmem>> -> memref<5120xf32, #tpu.memory_space<vmem>>
      tpu.enqueue_dma source(%dma_start3A_32 : memref<5120xf32, #tpu.memory_space<vmem>>) target(%dma_start3A_30 : memref<5120xf32, #tpu.memory_space<hbm>>) target_semaphore(%run_scoped3A_25 : memref<!tpu.dma_semaphore, #tpu.memory_space<semaphore_mem>>)
      %dma_wait3A = arith.constant 0 : i32
      %dma_wait3A_33 = tpu.memref_slice %arg6[%dma_wait3A] : memref<5136xf32, #tpu.memory_space<vmem>> -> memref<5120xf32, #tpu.memory_space<vmem>>
      %dma_wait3A_34 = tpu.memref_slice %arg4[%run_scoped3A, %mul3A_21] : memref<2x163840xf32, #tpu.memory_space<hbm>> -> memref<1x5120xf32, #tpu.memory_space<hbm>>
      %dma_wait3A_35 = tpu.memref_squeeze %dma_wait3A_34 : memref<1x5120xf32, #tpu.memory_space<hbm>> -> memref<5120xf32, #tpu.memory_space<hbm>>
      %dma_wait3A_36 = tpu.memref_slice %arg4[%run_scoped3A, %mul3A_21] : memref<2x163840xf32, #tpu.memory_space<hbm>> -> memref<1x5120xf32, #tpu.memory_space<hbm>>
      %dma_wait3A_37 = tpu.memref_squeeze %dma_wait3A_36 : memref<1x5120xf32, #tpu.memory_space<hbm>> -> memref<5120xf32, #tpu.memory_space<hbm>>
      %dma_wait3A_38 = arith.constant 0 : i32
      %dma_wait3A_39 = tpu.memref_slice %arg6[%dma_wait3A_38] : memref<5136xf32, #tpu.memory_space<vmem>> -> memref<5120xf32, #tpu.memory_space<vmem>>
      tpu.wait_dma2 semaphore(%run_scoped3A_25 : memref<!tpu.dma_semaphore, #tpu.memory_space<semaphore_mem>>) src(%dma_wait3A_39 : memref<5120xf32, #tpu.memory_space<vmem>>) dst(%dma_wait3A_37 : memref<5120xf32, #tpu.memory_space<hbm>>)
      tpu.yield
    }) : () -> ()
    %mul3A_22 = arith.constant 16 : i32
    %mul3A_23 = arith.muli %mul3A_2, %mul3A_22 : i32
    %run_scoped3A_24 = arith.constant 1 : i32
    "tpu.region"() ({
      %run_scoped3A_25 = tpu.sem_alloc : memref<!tpu.dma_semaphore, #tpu.memory_space<semaphore_mem>>
      %dma_start3A = arith.constant 0 : i32
      %dma_start3A_26 = tpu.memref_slice %arg7[%dma_start3A] : memref<5136xf32, #tpu.memory_space<vmem>> -> memref<5120xf32, #tpu.memory_space<vmem>>
      %dma_start3A_27 = tpu.memref_slice %arg4[%run_scoped3A_24, %mul3A_23] : memref<2x163840xf32, #tpu.memory_space<hbm>> -> memref<1x5120xf32, #tpu.memory_space<hbm>>
      %dma_start3A_28 = tpu.memref_squeeze %dma_start3A_27 : memref<1x5120xf32, #tpu.memory_space<hbm>> -> memref<5120xf32, #tpu.memory_space<hbm>>
      %dma_start3A_29 = tpu.memref_slice %arg4[%run_scoped3A_24, %mul3A_23] : memref<2x163840xf32, #tpu.memory_space<hbm>> -> memref<1x5120xf32, #tpu.memory_space<hbm>>
      %dma_start3A_30 = tpu.memref_squeeze %dma_start3A_29 : memref<1x5120xf32, #tpu.memory_space<hbm>> -> memref<5120xf32, #tpu.memory_space<hbm>>
      %dma_start3A_31 = arith.constant 0 : i32
      %dma_start3A_32 = tpu.memref_slice %arg7[%dma_start3A_31] : memref<5136xf32, #tpu.memory_space<vmem>> -> memref<5120xf32, #tpu.memory_space<vmem>>
      tpu.enqueue_dma source(%dma_start3A_32 : memref<5120xf32, #tpu.memory_space<vmem>>) target(%dma_start3A_30 : memref<5120xf32, #tpu.memory_space<hbm>>) target_semaphore(%run_scoped3A_25 : memref<!tpu.dma_semaphore, #tpu.memory_space<semaphore_mem>>)
      %dma_wait3A = arith.constant 0 : i32
      %dma_wait3A_33 = tpu.memref_slice %arg7[%dma_wait3A] : memref<5136xf32, #tpu.memory_space<vmem>> -> memref<5120xf32, #tpu.memory_space<vmem>>
      %dma_wait3A_34 = tpu.memref_slice %arg4[%run_scoped3A_24, %mul3A_23] : memref<2x163840xf32, #tpu.memory_space<hbm>> -> memref<1x5120xf32, #tpu.memory_space<hbm>>
      %dma_wait3A_35 = tpu.memref_squeeze %dma_wait3A_34 : memref<1x5120xf32, #tpu.memory_space<hbm>> -> memref<5120xf32, #tpu.memory_space<hbm>>
      %dma_wait3A_36 = tpu.memref_slice %arg4[%run_scoped3A_24, %mul3A_23] : memref<2x163840xf32, #tpu.memory_space<hbm>> -> memref<1x5120xf32, #tpu.memory_space<hbm>>
      %dma_wait3A_37 = tpu.memref_squeeze %dma_wait3A_36 : memref<1x5120xf32, #tpu.memory_space<hbm>> -> memref<5120xf32, #tpu.memory_space<hbm>>
      %dma_wait3A_38 = arith.constant 0 : i32
      %dma_wait3A_39 = tpu.memref_slice %arg7[%dma_wait3A_38] : memref<5136xf32, #tpu.memory_space<vmem>> -> memref<5120xf32, #tpu.memory_space<vmem>>
      tpu.wait_dma2 semaphore(%run_scoped3A_25 : memref<!tpu.dma_semaphore, #tpu.memory_space<semaphore_mem>>) src(%dma_wait3A_39 : memref<5120xf32, #tpu.memory_space<vmem>>) dst(%dma_wait3A_37 : memref<5120xf32, #tpu.memory_space<hbm>>)
      tpu.yield
    }) : () -> ()
    return
  }
}

#map = affine_map<(d0, d1) -> (0, 0)>
#map1 = affine_map<(d0, d1) -> (0)>
module attributes {stable_mosaic.version = 14 : i64} {
  func.func @_edge_kernel(%arg0: i32, %arg1: i32, %arg2: memref<10000x384xf32, #tpu.memory_space<hbm>>, %arg3: memref<160000xi32, #tpu.memory_space<hbm>>, %arg4: memref<160000xi32, #tpu.memory_space<hbm>>, %arg5: memref<640000xf32, #tpu.memory_space<hbm>>, %arg6: memref<1310720xf32, #tpu.memory_space<hbm>>, %arg7: memref<2000xi32, #tpu.memory_space<vmem>>, %arg8: memref<2000xi32, #tpu.memory_space<vmem>>, %arg9: memref<8000xf32, #tpu.memory_space<vmem>>, %arg10: memref<256xi32, #tpu.memory_space<vmem>>, %arg11: memref<256xi32, #tpu.memory_space<vmem>>, %arg12: memref<1024xf32, #tpu.memory_space<vmem>>, %arg13: memref<128x384xf32, #tpu.memory_space<vmem>>, %arg14: memref<41088xf32, #tpu.memory_space<vmem>>, %arg15: memref<!tpu.dma_semaphore, #tpu.memory_space<semaphore_mem>>) attributes {dimension_semantics = [#tpu.dimension_semantics<core_parallel>, #tpu.dimension_semantics<subcore_parallel>], iteration_bounds = array<i64: 2, 16>, scalar_prefetch = 0 : i64, scratch_operands = 9 : i64, tpu.core_type = #tpu.core_type<sc_vector_subcore>, window_params = [{transform_indices = #map}, {transform_indices = #map1}, {transform_indices = #map1}, {transform_indices = #map1}, {transform_indices = #map1}]} {
    %mul3A = arith.constant 2 : i32
    %mul3A_0 = arith.muli %arg1, %mul3A : i32
    %add3A = arith.addi %mul3A_0, %arg0 : i32
    %mul3A_1 = arith.constant 320 : i32
    %mul3A_2 = arith.muli %add3A, %mul3A_1 : i32
    %iota3A = tpu.iota {dimensions = array<i32: 0>} : vector<16xi32>
    %broadcast_in_dim3A = arith.constant 0.000000e+00 : f32
    %broadcast_in_dim3A_3 = vector.broadcast %broadcast_in_dim3A : f32 to vector<16xf32>
    %scan3A = arith.constant 0 : i32
    %scan3A_4 = arith.constant 2568 : i32
    %scan3A_5 = arith.addi %scan3A, %scan3A_4 : i32
    %scan3A_6 = arith.constant 1 : i32
    scf.for %scan3A_19 = %scan3A to %scan3A_5 step %scan3A_6  : i32 {
      %mul3A_20 = arith.constant 1 : i32
      %mul3A_21 = arith.muli %scan3A_19, %mul3A_20 : i32
      %add3A_22 = arith.constant 0 : i32
      %add3A_23 = arith.addi %add3A_22, %mul3A_21 : i32
      %mul3A_24 = arith.constant 16 : i32
      %mul3A_25 = arith.muli %add3A_23, %mul3A_24 : i32
      %swap3A = arith.index_cast %mul3A_25 : i32 to index
      %swap3A_26 = tpu.vector_load %arg14[%swap3A] {strides = array<i32>} : memref<41088xf32, #tpu.memory_space<vmem>>, vector<16xf32>,
      tpu.vector_store %arg14[%swap3A], %broadcast_in_dim3A_3 {strides = array<i32>} : memref<41088xf32, #tpu.memory_space<vmem>>, vector<16xf32>,
    }
    %scan3A_7 = arith.constant 2568 : i32
    %scan3A_8 = arith.constant 0 : i32
    %scan3A_9 = arith.constant 0 : i32
    %scan3A_10 = arith.constant 80 : i32
    %scan3A_11 = arith.addi %scan3A_9, %scan3A_10 : i32
    %scan3A_12 = arith.constant 1 : i32
    %scan3A_13 = scf.for %scan3A_19 = %scan3A_9 to %scan3A_11 step %scan3A_12 iter_args(%scan3A_20 = %scan3A_8) -> (i32)  : i32 {
      %mul3A_21 = arith.constant 1 : i32
      %mul3A_22 = arith.muli %scan3A_19, %mul3A_21 : i32
      %add3A_23 = arith.constant 0 : i32
      %add3A_24 = arith.addi %add3A_23, %mul3A_22 : i32
      %mul3A_25 = arith.constant 2000 : i32
      %mul3A_26 = arith.muli %add3A_24, %mul3A_25 : i32
      "tpu.region"() ({
        %run_scoped3A = tpu.sem_alloc : memref<!tpu.dma_semaphore, #tpu.memory_space<semaphore_mem>>
        %dma_start3A = tpu.memref_slice %arg4[%mul3A_26] : memref<160000xi32, #tpu.memory_space<hbm>> -> memref<2000xi32, #tpu.memory_space<hbm>>
        %dma_start3A_41 = tpu.memref_slice %arg4[%mul3A_26] : memref<160000xi32, #tpu.memory_space<hbm>> -> memref<2000xi32, #tpu.memory_space<hbm>>
        tpu.enqueue_dma source(%dma_start3A_41 : memref<2000xi32, #tpu.memory_space<hbm>>) target(%arg7 : memref<2000xi32, #tpu.memory_space<vmem>>) target_semaphore(%run_scoped3A : memref<!tpu.dma_semaphore, #tpu.memory_space<semaphore_mem>>)
        %dma_wait3A = tpu.memref_slice %arg4[%mul3A_26] : memref<160000xi32, #tpu.memory_space<hbm>> -> memref<2000xi32, #tpu.memory_space<hbm>>
        %dma_wait3A_42 = tpu.memref_slice %arg4[%mul3A_26] : memref<160000xi32, #tpu.memory_space<hbm>> -> memref<2000xi32, #tpu.memory_space<hbm>>
        tpu.wait_dma2 semaphore(%run_scoped3A : memref<!tpu.dma_semaphore, #tpu.memory_space<semaphore_mem>>) src(%dma_wait3A_42 : memref<2000xi32, #tpu.memory_space<hbm>>) dst(%arg7 : memref<2000xi32, #tpu.memory_space<vmem>>)
        tpu.yield
      }) : () -> ()
      "tpu.region"() ({
        %run_scoped3A = tpu.sem_alloc : memref<!tpu.dma_semaphore, #tpu.memory_space<semaphore_mem>>
        %dma_start3A = tpu.memref_slice %arg3[%mul3A_26] : memref<160000xi32, #tpu.memory_space<hbm>> -> memref<2000xi32, #tpu.memory_space<hbm>>
        %dma_start3A_41 = tpu.memref_slice %arg3[%mul3A_26] : memref<160000xi32, #tpu.memory_space<hbm>> -> memref<2000xi32, #tpu.memory_space<hbm>>
        tpu.enqueue_dma source(%dma_start3A_41 : memref<2000xi32, #tpu.memory_space<hbm>>) target(%arg8 : memref<2000xi32, #tpu.memory_space<vmem>>) target_semaphore(%run_scoped3A : memref<!tpu.dma_semaphore, #tpu.memory_space<semaphore_mem>>)
        %dma_wait3A = tpu.memref_slice %arg3[%mul3A_26] : memref<160000xi32, #tpu.memory_space<hbm>> -> memref<2000xi32, #tpu.memory_space<hbm>>
        %dma_wait3A_42 = tpu.memref_slice %arg3[%mul3A_26] : memref<160000xi32, #tpu.memory_space<hbm>> -> memref<2000xi32, #tpu.memory_space<hbm>>
        tpu.wait_dma2 semaphore(%run_scoped3A : memref<!tpu.dma_semaphore, #tpu.memory_space<semaphore_mem>>) src(%dma_wait3A_42 : memref<2000xi32, #tpu.memory_space<hbm>>) dst(%arg8 : memref<2000xi32, #tpu.memory_space<vmem>>)
        tpu.yield
      }) : () -> ()
      %add3A_27 = arith.constant 0 : i32
      %add3A_28 = arith.addi %add3A_27, %mul3A_26 : i32
      "tpu.region"() ({
        %run_scoped3A = tpu.sem_alloc : memref<!tpu.dma_semaphore, #tpu.memory_space<semaphore_mem>>
        %dma_start3A = arith.constant 0 : i32
        %dma_start3A_41 = tpu.memref_slice %arg9[%dma_start3A] : memref<8000xf32, #tpu.memory_space<vmem>> -> memref<2000xf32, #tpu.memory_space<vmem>>
        %dma_start3A_42 = tpu.memref_slice %arg5[%add3A_28] : memref<640000xf32, #tpu.memory_space<hbm>> -> memref<2000xf32, #tpu.memory_space<hbm>>
        %dma_start3A_43 = arith.constant 0 : i32
        %dma_start3A_44 = tpu.memref_slice %arg9[%dma_start3A_43] : memref<8000xf32, #tpu.memory_space<vmem>> -> memref<2000xf32, #tpu.memory_space<vmem>>
        %dma_start3A_45 = tpu.memref_slice %arg5[%add3A_28] : memref<640000xf32, #tpu.memory_space<hbm>> -> memref<2000xf32, #tpu.memory_space<hbm>>
        tpu.enqueue_dma source(%dma_start3A_45 : memref<2000xf32, #tpu.memory_space<hbm>>) target(%dma_start3A_44 : memref<2000xf32, #tpu.memory_space<vmem>>) target_semaphore(%run_scoped3A : memref<!tpu.dma_semaphore, #tpu.memory_space<semaphore_mem>>)
        %dma_wait3A = arith.constant 0 : i32
        %dma_wait3A_46 = tpu.memref_slice %arg9[%dma_wait3A] : memref<8000xf32, #tpu.memory_space<vmem>> -> memref<2000xf32, #tpu.memory_space<vmem>>
        %dma_wait3A_47 = tpu.memref_slice %arg5[%add3A_28] : memref<640000xf32, #tpu.memory_space<hbm>> -> memref<2000xf32, #tpu.memory_space<hbm>>
        %dma_wait3A_48 = arith.constant 0 : i32
        %dma_wait3A_49 = tpu.memref_slice %arg9[%dma_wait3A_48] : memref<8000xf32, #tpu.memory_space<vmem>> -> memref<2000xf32, #tpu.memory_space<vmem>>
        %dma_wait3A_50 = tpu.memref_slice %arg5[%add3A_28] : memref<640000xf32, #tpu.memory_space<hbm>> -> memref<2000xf32, #tpu.memory_space<hbm>>
        tpu.wait_dma2 semaphore(%run_scoped3A : memref<!tpu.dma_semaphore, #tpu.memory_space<semaphore_mem>>) src(%dma_wait3A_50 : memref<2000xf32, #tpu.memory_space<hbm>>) dst(%dma_wait3A_49 : memref<2000xf32, #tpu.memory_space<vmem>>)
        tpu.yield
      }) : () -> ()
      %add3A_29 = arith.constant 160000 : i32
      %add3A_30 = arith.addi %add3A_29, %mul3A_26 : i32
      "tpu.region"() ({
        %run_scoped3A = tpu.sem_alloc : memref<!tpu.dma_semaphore, #tpu.memory_space<semaphore_mem>>
        %dma_start3A = arith.constant 2000 : i32
        %dma_start3A_41 = tpu.memref_slice %arg9[%dma_start3A] : memref<8000xf32, #tpu.memory_space<vmem>> -> memref<2000xf32, #tpu.memory_space<vmem>>
        %dma_start3A_42 = tpu.memref_slice %arg5[%add3A_30] : memref<640000xf32, #tpu.memory_space<hbm>> -> memref<2000xf32, #tpu.memory_space<hbm>>
        %dma_start3A_43 = arith.constant 2000 : i32
        %dma_start3A_44 = tpu.memref_slice %arg9[%dma_start3A_43] : memref<8000xf32, #tpu.memory_space<vmem>> -> memref<2000xf32, #tpu.memory_space<vmem>>
        %dma_start3A_45 = tpu.memref_slice %arg5[%add3A_30] : memref<640000xf32, #tpu.memory_space<hbm>> -> memref<2000xf32, #tpu.memory_space<hbm>>
        tpu.enqueue_dma source(%dma_start3A_45 : memref<2000xf32, #tpu.memory_space<hbm>>) target(%dma_start3A_44 : memref<2000xf32, #tpu.memory_space<vmem>>) target_semaphore(%run_scoped3A : memref<!tpu.dma_semaphore, #tpu.memory_space<semaphore_mem>>)
        %dma_wait3A = arith.constant 2000 : i32
        %dma_wait3A_46 = tpu.memref_slice %arg9[%dma_wait3A] : memref<8000xf32, #tpu.memory_space<vmem>> -> memref<2000xf32, #tpu.memory_space<vmem>>
        %dma_wait3A_47 = tpu.memref_slice %arg5[%add3A_30] : memref<640000xf32, #tpu.memory_space<hbm>> -> memref<2000xf32, #tpu.memory_space<hbm>>
        %dma_wait3A_48 = arith.constant 2000 : i32
        %dma_wait3A_49 = tpu.memref_slice %arg9[%dma_wait3A_48] : memref<8000xf32, #tpu.memory_space<vmem>> -> memref<2000xf32, #tpu.memory_space<vmem>>
        %dma_wait3A_50 = tpu.memref_slice %arg5[%add3A_30] : memref<640000xf32, #tpu.memory_space<hbm>> -> memref<2000xf32, #tpu.memory_space<hbm>>
        tpu.wait_dma2 semaphore(%run_scoped3A : memref<!tpu.dma_semaphore, #tpu.memory_space<semaphore_mem>>) src(%dma_wait3A_50 : memref<2000xf32, #tpu.memory_space<hbm>>) dst(%dma_wait3A_49 : memref<2000xf32, #tpu.memory_space<vmem>>)
        tpu.yield
      }) : () -> ()
      %add3A_31 = arith.constant 320000 : i32
      %add3A_32 = arith.addi %add3A_31, %mul3A_26 : i32
      "tpu.region"() ({
        %run_scoped3A = tpu.sem_alloc : memref<!tpu.dma_semaphore, #tpu.memory_space<semaphore_mem>>
        %dma_start3A = arith.constant 4000 : i32
        %dma_start3A_41 = tpu.memref_slice %arg9[%dma_start3A] : memref<8000xf32, #tpu.memory_space<vmem>> -> memref<2000xf32, #tpu.memory_space<vmem>>
        %dma_start3A_42 = tpu.memref_slice %arg5[%add3A_32] : memref<640000xf32, #tpu.memory_space<hbm>> -> memref<2000xf32, #tpu.memory_space<hbm>>
        %dma_start3A_43 = arith.constant 4000 : i32
        %dma_start3A_44 = tpu.memref_slice %arg9[%dma_start3A_43] : memref<8000xf32, #tpu.memory_space<vmem>> -> memref<2000xf32, #tpu.memory_space<vmem>>
        %dma_start3A_45 = tpu.memref_slice %arg5[%add3A_32] : memref<640000xf32, #tpu.memory_space<hbm>> -> memref<2000xf32, #tpu.memory_space<hbm>>
        tpu.enqueue_dma source(%dma_start3A_45 : memref<2000xf32, #tpu.memory_space<hbm>>) target(%dma_start3A_44 : memref<2000xf32, #tpu.memory_space<vmem>>) target_semaphore(%run_scoped3A : memref<!tpu.dma_semaphore, #tpu.memory_space<semaphore_mem>>)
        %dma_wait3A = arith.constant 4000 : i32
        %dma_wait3A_46 = tpu.memref_slice %arg9[%dma_wait3A] : memref<8000xf32, #tpu.memory_space<vmem>> -> memref<2000xf32, #tpu.memory_space<vmem>>
        %dma_wait3A_47 = tpu.memref_slice %arg5[%add3A_32] : memref<640000xf32, #tpu.memory_space<hbm>> -> memref<2000xf32, #tpu.memory_space<hbm>>
        %dma_wait3A_48 = arith.constant 4000 : i32
        %dma_wait3A_49 = tpu.memref_slice %arg9[%dma_wait3A_48] : memref<8000xf32, #tpu.memory_space<vmem>> -> memref<2000xf32, #tpu.memory_space<vmem>>
        %dma_wait3A_50 = tpu.memref_slice %arg5[%add3A_32] : memref<640000xf32, #tpu.memory_space<hbm>> -> memref<2000xf32, #tpu.memory_space<hbm>>
        tpu.wait_dma2 semaphore(%run_scoped3A : memref<!tpu.dma_semaphore, #tpu.memory_space<semaphore_mem>>) src(%dma_wait3A_50 : memref<2000xf32, #tpu.memory_space<hbm>>) dst(%dma_wait3A_49 : memref<2000xf32, #tpu.memory_space<vmem>>)
        tpu.yield
      }) : () -> ()
      %add3A_33 = arith.constant 480000 : i32
      %add3A_34 = arith.addi %add3A_33, %mul3A_26 : i32
      "tpu.region"() ({
        %run_scoped3A = tpu.sem_alloc : memref<!tpu.dma_semaphore, #tpu.memory_space<semaphore_mem>>
        %dma_start3A = arith.constant 6000 : i32
        %dma_start3A_41 = tpu.memref_slice %arg9[%dma_start3A] : memref<8000xf32, #tpu.memory_space<vmem>> -> memref<2000xf32, #tpu.memory_space<vmem>>
        %dma_start3A_42 = tpu.memref_slice %arg5[%add3A_34] : memref<640000xf32, #tpu.memory_space<hbm>> -> memref<2000xf32, #tpu.memory_space<hbm>>
        %dma_start3A_43 = arith.constant 6000 : i32
        %dma_start3A_44 = tpu.memref_slice %arg9[%dma_start3A_43] : memref<8000xf32, #tpu.memory_space<vmem>> -> memref<2000xf32, #tpu.memory_space<vmem>>
        %dma_start3A_45 = tpu.memref_slice %arg5[%add3A_34] : memref<640000xf32, #tpu.memory_space<hbm>> -> memref<2000xf32, #tpu.memory_space<hbm>>
        tpu.enqueue_dma source(%dma_start3A_45 : memref<2000xf32, #tpu.memory_space<hbm>>) target(%dma_start3A_44 : memref<2000xf32, #tpu.memory_space<vmem>>) target_semaphore(%run_scoped3A : memref<!tpu.dma_semaphore, #tpu.memory_space<semaphore_mem>>)
        %dma_wait3A = arith.constant 6000 : i32
        %dma_wait3A_46 = tpu.memref_slice %arg9[%dma_wait3A] : memref<8000xf32, #tpu.memory_space<vmem>> -> memref<2000xf32, #tpu.memory_space<vmem>>
        %dma_wait3A_47 = tpu.memref_slice %arg5[%add3A_34] : memref<640000xf32, #tpu.memory_space<hbm>> -> memref<2000xf32, #tpu.memory_space<hbm>>
        %dma_wait3A_48 = arith.constant 6000 : i32
        %dma_wait3A_49 = tpu.memref_slice %arg9[%dma_wait3A_48] : memref<8000xf32, #tpu.memory_space<vmem>> -> memref<2000xf32, #tpu.memory_space<vmem>>
        %dma_wait3A_50 = tpu.memref_slice %arg5[%add3A_34] : memref<640000xf32, #tpu.memory_space<hbm>> -> memref<2000xf32, #tpu.memory_space<hbm>>
        tpu.wait_dma2 semaphore(%run_scoped3A : memref<!tpu.dma_semaphore, #tpu.memory_space<semaphore_mem>>) src(%dma_wait3A_50 : memref<2000xf32, #tpu.memory_space<hbm>>) dst(%dma_wait3A_49 : memref<2000xf32, #tpu.memory_space<vmem>>)
        tpu.yield
      }) : () -> ()
      %scan3A_35 = arith.constant 0 : i32
      %scan3A_36 = arith.constant 125 : i32
      %scan3A_37 = arith.addi %scan3A_35, %scan3A_36 : i32
      %scan3A_38 = arith.constant 1 : i32
      %scan3A_39 = scf.for %scan3A_41 = %scan3A_35 to %scan3A_37 step %scan3A_38 iter_args(%scan3A_42 = %scan3A_20) -> (i32)  : i32 {
        %mul3A_43 = arith.constant 1 : i32
        %mul3A_44 = arith.muli %scan3A_41, %mul3A_43 : i32
        %add3A_45 = arith.constant 0 : i32
        %add3A_46 = arith.addi %add3A_45, %mul3A_44 : i32
        %mul3A_47 = arith.constant 16 : i32
        %mul3A_48 = arith.muli %add3A_46, %mul3A_47 : i32
        %get3A = arith.index_cast %mul3A_48 : i32 to index
        %get3A_49 = tpu.vector_load %arg7[%get3A] {strides = array<i32>} : memref<2000xi32, #tpu.memory_space<vmem>>, vector<16xi32>,
        %sub3A = vector.broadcast %mul3A_2 : i32 to vector<16xi32>
        %sub3A_50 = arith.subi %get3A_49, %sub3A : vector<16xi32>
        %ge3A = arith.constant 0 : i32
        %ge3A_51 = vector.broadcast %ge3A : i32 to vector<16xi32>
        %ge3A_52 = arith.cmpi sge, %sub3A_50, %ge3A_51 : vector<16xi32>
        %lt3A = arith.constant 320 : i32
        %lt3A_53 = vector.broadcast %lt3A : i32 to vector<16xi32>
        %lt3A_54 = arith.cmpi slt, %sub3A_50, %lt3A_53 : vector<16xi32>
        %and3A = arith.andi %ge3A_52, %lt3A_54 : vector<16xi1>
        %mul3A_55 = arith.constant 16 : i32
        %mul3A_56 = arith.muli %add3A_46, %mul3A_55 : i32
        %get3A_57 = arith.index_cast %mul3A_56 : i32 to index
        %get3A_58 = tpu.vector_load %arg8[%get3A_57] {strides = array<i32>} : memref<2000xi32, #tpu.memory_space<vmem>>, vector<16xi32>,
        %swap3A = arith.index_cast %scan3A_42 : i32 to index
        %swap3A_59 = tpu.vector_load %arg10[%swap3A] masked %and3A {strides = array<i32>} : memref<256xi32, #tpu.memory_space<vmem>>, vector<16xi32>, vector<16xi1>
        tpu.vector_store %arg10[%swap3A], %get3A_58 masked %and3A {strides = array<i32>} : memref<256xi32, #tpu.memory_space<vmem>>, vector<16xi32>, vector<16xi1>
        %swap3A_60 = arith.index_cast %scan3A_42 : i32 to index
        %swap3A_61 = tpu.vector_load %arg11[%swap3A_60] masked %and3A {strides = array<i32>} : memref<256xi32, #tpu.memory_space<vmem>>, vector<16xi32>, vector<16xi1>
        tpu.vector_store %arg11[%swap3A_60], %sub3A_50 masked %and3A {strides = array<i32>} : memref<256xi32, #tpu.memory_space<vmem>>, vector<16xi32>, vector<16xi1>
        %add3A_62 = arith.constant 0 : i32
        %add3A_63 = arith.addi %add3A_62, %scan3A_42 : i32
        %mul3A_64 = arith.constant 16 : i32
        %mul3A_65 = arith.muli %add3A_46, %mul3A_64 : i32
        %add3A_66 = arith.constant 0 : i32
        %add3A_67 = arith.addi %add3A_66, %mul3A_65 : i32
        %get3A_68 = arith.index_cast %add3A_67 : i32 to index
        %get3A_69 = tpu.vector_load %arg9[%get3A_68] {strides = array<i32>} : memref<8000xf32, #tpu.memory_space<vmem>>, vector<16xf32>,
        %swap3A_70 = arith.index_cast %add3A_63 : i32 to index
        %swap3A_71 = tpu.vector_load %arg12[%swap3A_70] masked %and3A {strides = array<i32>} : memref<1024xf32, #tpu.memory_space<vmem>>, vector<16xf32>, vector<16xi1>
        tpu.vector_store %arg12[%swap3A_70], %get3A_69 masked %and3A {strides = array<i32>} : memref<1024xf32, #tpu.memory_space<vmem>>, vector<16xf32>, vector<16xi1>
        %add3A_72 = arith.constant 256 : i32
        %add3A_73 = arith.addi %add3A_72, %scan3A_42 : i32
        %mul3A_74 = arith.constant 16 : i32
        %mul3A_75 = arith.muli %add3A_46, %mul3A_74 : i32
        %add3A_76 = arith.constant 2000 : i32
        %add3A_77 = arith.addi %add3A_76, %mul3A_75 : i32
        %get3A_78 = arith.index_cast %add3A_77 : i32 to index
        %get3A_79 = tpu.vector_load %arg9[%get3A_78] {strides = array<i32>} : memref<8000xf32, #tpu.memory_space<vmem>>, vector<16xf32>,
        %swap3A_80 = arith.index_cast %add3A_73 : i32 to index
        %swap3A_81 = tpu.vector_load %arg12[%swap3A_80] masked %and3A {strides = array<i32>} : memref<1024xf32, #tpu.memory_space<vmem>>, vector<16xf32>, vector<16xi1>
        tpu.vector_store %arg12[%swap3A_80], %get3A_79 masked %and3A {strides = array<i32>} : memref<1024xf32, #tpu.memory_space<vmem>>, vector<16xf32>, vector<16xi1>
        %add3A_82 = arith.constant 512 : i32
        %add3A_83 = arith.addi %add3A_82, %scan3A_42 : i32
        %mul3A_84 = arith.constant 16 : i32
        %mul3A_85 = arith.muli %add3A_46, %mul3A_84 : i32
        %add3A_86 = arith.constant 4000 : i32
        %add3A_87 = arith.addi %add3A_86, %mul3A_85 : i32
        %get3A_88 = arith.index_cast %add3A_87 : i32 to index
        %get3A_89 = tpu.vector_load %arg9[%get3A_88] {strides = array<i32>} : memref<8000xf32, #tpu.memory_space<vmem>>, vector<16xf32>,
        %swap3A_90 = arith.index_cast %add3A_83 : i32 to index
        %swap3A_91 = tpu.vector_load %arg12[%swap3A_90] masked %and3A {strides = array<i32>} : memref<1024xf32, #tpu.memory_space<vmem>>, vector<16xf32>, vector<16xi1>
        tpu.vector_store %arg12[%swap3A_90], %get3A_89 masked %and3A {strides = array<i32>} : memref<1024xf32, #tpu.memory_space<vmem>>, vector<16xf32>, vector<16xi1>
        %add3A_92 = arith.constant 768 : i32
        %add3A_93 = arith.addi %add3A_92, %scan3A_42 : i32
        %mul3A_94 = arith.constant 16 : i32
        %mul3A_95 = arith.muli %add3A_46, %mul3A_94 : i32
        %add3A_96 = arith.constant 6000 : i32
        %add3A_97 = arith.addi %add3A_96, %mul3A_95 : i32
        %get3A_98 = arith.index_cast %add3A_97 : i32 to index
        %get3A_99 = tpu.vector_load %arg9[%get3A_98] {strides = array<i32>} : memref<8000xf32, #tpu.memory_space<vmem>>, vector<16xf32>,
        %swap3A_100 = arith.index_cast %add3A_93 : i32 to index
        %swap3A_101 = tpu.vector_load %arg12[%swap3A_100] masked %and3A {strides = array<i32>} : memref<1024xf32, #tpu.memory_space<vmem>>, vector<16xf32>, vector<16xi1>
        tpu.vector_store %arg12[%swap3A_100], %get3A_99 masked %and3A {strides = array<i32>} : memref<1024xf32, #tpu.memory_space<vmem>>, vector<16xf32>, vector<16xi1>
        %jit3A = arith.constant 1 : i32
        %jit3A_102 = arith.constant 0 : i32
        %broadcast_in_dim3A_103 = vector.broadcast %jit3A : i32 to vector<16xi32>
        %broadcast_in_dim3A_104 = vector.broadcast %jit3A_102 : i32 to vector<16xi32>
        %select_n3A = arith.select %and3A, %broadcast_in_dim3A_103, %broadcast_in_dim3A_104 : vector<16xi1>, vector<16xi32>
        %reduce_sum3A = arith.constant true
        %reduce_sum3A_105 = vector.broadcast %reduce_sum3A : i1 to vector<16xi1>
        %reduce_sum3A_106 = tpu.scan <sum>, %select_n3A masked %reduce_sum3A_105 : vector<16xi32>, vector<16xi1> -> vector<16xi32>
        %reduce_sum3A_107 = vector.extract %reduce_sum3A_106[15] : i32 from vector<16xi32>
        %add3A_108 = arith.addi %scan3A_42, %reduce_sum3A_107 : i32
        %ge3A_109 = arith.constant 128 : i32
        %ge3A_110 = arith.cmpi sge, %add3A_108, %ge3A_109 : i32
        %convert_element_type3A_111 = arith.extui %ge3A_110 : i1 to i32
        %cond3A_112 = arith.constant 0 : i32
        %cond3A_113 = arith.cmpi ne, %convert_element_type3A_111, %cond3A_112 : i32
        scf.if %cond3A_113 {
          %dma_start3A = arith.constant 0 : i32
          %dma_start3A_119 = tpu.memref_slice %arg10[%dma_start3A] : memref<256xi32, #tpu.memory_space<vmem>> -> memref<128xi32, #tpu.memory_space<vmem>>
          %dma_start3A_120 = arith.constant 0 : i32
          %dma_start3A_121 = arith.constant 0 : i32
          %dma_start3A_122 = tpu.memref_slice %arg2[%dma_start3A_120, %dma_start3A_121] : memref<10000x384xf32, #tpu.memory_space<hbm>> -> memref<10000x384xf32, #tpu.memory_space<hbm>>
          tpu.enqueue_indirect_dma source(%dma_start3A_122 : memref<10000x384xf32, #tpu.memory_space<hbm>>) target(%arg13 : memref<128x384xf32, #tpu.memory_space<vmem>>) offsets(%dma_start3A_119 : memref<128xi32, #tpu.memory_space<vmem>>) semaphore(%arg15 : memref<!tpu.dma_semaphore, #tpu.memory_space<semaphore_mem>>)
          %dma_wait3A = arith.constant 0 : i32
          %dma_wait3A_123 = tpu.memref_slice %arg10[%dma_wait3A] : memref<256xi32, #tpu.memory_space<vmem>> -> memref<128xi32, #tpu.memory_space<vmem>>
          %dma_wait3A_124 = arith.constant 0 : i32
          %dma_wait3A_125 = arith.constant 0 : i32
          %dma_wait3A_126 = tpu.memref_slice %arg2[%dma_wait3A_124, %dma_wait3A_125] : memref<10000x384xf32, #tpu.memory_space<hbm>> -> memref<10000x384xf32, #tpu.memory_space<hbm>>
          tpu.wait_indirect_dma semaphore(%arg15 : memref<!tpu.dma_semaphore, #tpu.memory_space<semaphore_mem>>) src(%dma_wait3A_126 : memref<10000x384xf32, #tpu.memory_space<hbm>>) dst(%arg13 : memref<128x384xf32, #tpu.memory_space<vmem>>)
          %scan3A_127 = arith.constant 0 : i32
          %scan3A_128 = arith.constant 128 : i32
          %scan3A_129 = arith.addi %scan3A_127, %scan3A_128 : i32
          %scan3A_130 = arith.constant 1 : i32
          scf.for %scan3A_156 = %scan3A_127 to %scan3A_129 step %scan3A_130  : i32 {
            %mul3A_157 = arith.constant 1 : i32
            %mul3A_158 = arith.muli %scan3A_156, %mul3A_157 : i32
            %add3A_159 = arith.constant 0 : i32
            %add3A_160 = arith.addi %add3A_159, %mul3A_158 : i32
            %jit3A_161 = arith.constant 16 : i32
            %div3A = arith.divsi %add3A_160, %jit3A_161 : i32
            %sign3A = arith.constant 0 : i32
            %sign3A_162 = arith.cmpi sgt, %add3A_160, %sign3A : i32
            %sign3A_163 = arith.extui %sign3A_162 : i1 to i32
            %sign3A_164 = arith.constant 0 : i32
            %sign3A_165 = arith.cmpi slt, %add3A_160, %sign3A_164 : i32
            %sign3A_166 = arith.extui %sign3A_165 : i1 to i32
            %sign3A_167 = arith.subi %sign3A_163, %sign3A_166 : i32
            %sign3A_168 = arith.constant 0 : i32
            %sign3A_169 = arith.cmpi sgt, %jit3A_161, %sign3A_168 : i32
            %sign3A_170 = arith.extui %sign3A_169 : i1 to i32
            %sign3A_171 = arith.constant 0 : i32
            %sign3A_172 = arith.cmpi slt, %jit3A_161, %sign3A_171 : i32
            %sign3A_173 = arith.extui %sign3A_172 : i1 to i32
            %sign3A_174 = arith.subi %sign3A_170, %sign3A_173 : i32
            %ne3A = arith.cmpi ne, %sign3A_167, %sign3A_174 : i32
            %rem3A = arith.remsi %add3A_160, %jit3A_161 : i32
            %ne3A_175 = arith.constant 0 : i32
            %ne3A_176 = arith.cmpi ne, %rem3A, %ne3A_175 : i32
            %and3A_177 = arith.andi %ne3A, %ne3A_176 : i1
            %sub3A_178 = arith.constant 1 : i32
            %sub3A_179 = arith.subi %div3A, %sub3A_178 : i32
            %select_n3A_180 = arith.select %and3A_177, %sub3A_179, %div3A : i32
            %mul3A_181 = arith.constant 16 : i32
            %mul3A_182 = arith.muli %select_n3A_180, %mul3A_181 : i32
            %sub3A_183 = arith.subi %add3A_160, %mul3A_182 : i32
            %broadcast_in_dim3A_184 = vector.broadcast %sub3A_183 : i32 to vector<16xi32>
            %get3A_185 = arith.index_cast %mul3A_182 : i32 to index
            %get3A_186 = tpu.vector_load %arg11[%get3A_185] {strides = array<i32>} : memref<256xi32, #tpu.memory_space<vmem>>, vector<16xi32>,
            %broadcast_in_dim3A_187 = vector.shape_cast %broadcast_in_dim3A_184 : vector<16xi32> to vector<16x1xi32>
            %gather3A = vector.shape_cast %broadcast_in_dim3A_187 : vector<16x1xi32> to vector<16xi32>
            %gather3A_188 = tpu.dynamic_gather %get3A_186[%gather3A] in [0] : vector<16xi32>, vector<16xi32> -> vector<16xi32>
            %add3A_189 = arith.constant 0 : i32
            %add3A_190 = arith.addi %add3A_189, %mul3A_182 : i32
            %get3A_191 = arith.index_cast %add3A_190 : i32 to index
            %get3A_192 = tpu.vector_load %arg12[%get3A_191] {strides = array<i32>} : memref<1024xf32, #tpu.memory_space<vmem>>, vector<16xf32>,
            %broadcast_in_dim3A_193 = vector.shape_cast %broadcast_in_dim3A_184 : vector<16xi32> to vector<16x1xi32>
            %gather3A_194 = vector.shape_cast %broadcast_in_dim3A_193 : vector<16x1xi32> to vector<16xi32>
            %gather3A_195 = tpu.dynamic_gather %get3A_192[%gather3A_194] in [0] : vector<16xf32>, vector<16xi32> -> vector<16xf32>
            %add3A_196 = arith.constant 256 : i32
            %add3A_197 = arith.addi %add3A_196, %mul3A_182 : i32
            %get3A_198 = arith.index_cast %add3A_197 : i32 to index
            %get3A_199 = tpu.vector_load %arg12[%get3A_198] {strides = array<i32>} : memref<1024xf32, #tpu.memory_space<vmem>>, vector<16xf32>,
            %broadcast_in_dim3A_200 = vector.shape_cast %broadcast_in_dim3A_184 : vector<16xi32> to vector<16x1xi32>
            %gather3A_201 = vector.shape_cast %broadcast_in_dim3A_200 : vector<16x1xi32> to vector<16xi32>
            %gather3A_202 = tpu.dynamic_gather %get3A_199[%gather3A_201] in [0] : vector<16xf32>, vector<16xi32> -> vector<16xf32>
            %add3A_203 = arith.constant 512 : i32
            %add3A_204 = arith.addi %add3A_203, %mul3A_182 : i32
            %get3A_205 = arith.index_cast %add3A_204 : i32 to index
            %get3A_206 = tpu.vector_load %arg12[%get3A_205] {strides = array<i32>} : memref<1024xf32, #tpu.memory_space<vmem>>, vector<16xf32>,
            %broadcast_in_dim3A_207 = vector.shape_cast %broadcast_in_dim3A_184 : vector<16xi32> to vector<16x1xi32>
            %gather3A_208 = vector.shape_cast %broadcast_in_dim3A_207 : vector<16x1xi32> to vector<16xi32>
            %gather3A_209 = tpu.dynamic_gather %get3A_206[%gather3A_208] in [0] : vector<16xf32>, vector<16xi32> -> vector<16xf32>
            %add3A_210 = arith.constant 768 : i32
            %add3A_211 = arith.addi %add3A_210, %mul3A_182 : i32
            %get3A_212 = arith.index_cast %add3A_211 : i32 to index
            %get3A_213 = tpu.vector_load %arg12[%get3A_212] {strides = array<i32>} : memref<1024xf32, #tpu.memory_space<vmem>>, vector<16xf32>,
            %broadcast_in_dim3A_214 = vector.shape_cast %broadcast_in_dim3A_184 : vector<16xi32> to vector<16x1xi32>
            %gather3A_215 = vector.shape_cast %broadcast_in_dim3A_214 : vector<16x1xi32> to vector<16xi32>
            %gather3A_216 = tpu.dynamic_gather %get3A_213[%gather3A_215] in [0] : vector<16xf32>, vector<16xi32> -> vector<16xf32>
            %get3A_217 = arith.index_cast %add3A_160 : i32 to index
            %get3A_218 = arith.constant 320 : index
            %get3A_219 = tpu.vector_load %arg13[%get3A_217, %get3A_218] {strides = array<i32>} : memref<128x384xf32, #tpu.memory_space<vmem>>, vector<16xf32>,
            %get3A_220 = arith.index_cast %add3A_160 : i32 to index
            %get3A_221 = arith.constant 64 : index
            %get3A_222 = tpu.vector_load %arg13[%get3A_220, %get3A_221] {strides = array<i32>} : memref<128x384xf32, #tpu.memory_space<vmem>>, vector<16xf32>,
            %mul3A_223 = arith.mulf %gather3A_195, %get3A_222 : vector<16xf32>
            %add3A_224 = arith.addf %get3A_219, %mul3A_223 : vector<16xf32>
            %get3A_225 = arith.index_cast %add3A_160 : i32 to index
            %get3A_226 = arith.constant 128 : index
            %get3A_227 = tpu.vector_load %arg13[%get3A_225, %get3A_226] {strides = array<i32>} : memref<128x384xf32, #tpu.memory_space<vmem>>, vector<16xf32>,
            %mul3A_228 = arith.mulf %gather3A_202, %get3A_227 : vector<16xf32>
            %add3A_229 = arith.addf %add3A_224, %mul3A_228 : vector<16xf32>
            %get3A_230 = arith.index_cast %add3A_160 : i32 to index
            %get3A_231 = arith.constant 192 : index
            %get3A_232 = tpu.vector_load %arg13[%get3A_230, %get3A_231] {strides = array<i32>} : memref<128x384xf32, #tpu.memory_space<vmem>>, vector<16xf32>,
            %mul3A_233 = arith.mulf %gather3A_209, %get3A_232 : vector<16xf32>
            %add3A_234 = arith.addf %add3A_229, %mul3A_233 : vector<16xf32>
            %get3A_235 = arith.index_cast %add3A_160 : i32 to index
            %get3A_236 = arith.constant 256 : index
            %get3A_237 = tpu.vector_load %arg13[%get3A_235, %get3A_236] {strides = array<i32>} : memref<128x384xf32, #tpu.memory_space<vmem>>, vector<16xf32>,
            %mul3A_238 = arith.mulf %gather3A_216, %get3A_237 : vector<16xf32>
            %add3A_239 = arith.addf %add3A_234, %mul3A_238 : vector<16xf32>
            %mul3A_240 = arith.constant 128 : i32
            %mul3A_241 = vector.broadcast %mul3A_240 : i32 to vector<16xi32>
            %mul3A_242 = arith.muli %gather3A_188, %mul3A_241 : vector<16xi32>
            %add3A_243 = arith.constant 64 : i32
            %add3A_244 = vector.broadcast %add3A_243 : i32 to vector<16xi32>
            %add3A_245 = arith.addi %iota3A, %add3A_244 : vector<16xi32>
            %add3A_246 = arith.addi %mul3A_242, %add3A_245 : vector<16xi32>
            tpu.vector_store_idx %arg14[%add3A_246], %add3A_239 {add = true} : memref<41088xf32, #tpu.memory_space<vmem>>[vector<16xi32>], vector<16xf32>,
            %get3A_247 = arith.index_cast %add3A_160 : i32 to index
            %get3A_248 = arith.constant 336 : index
            %get3A_249 = tpu.vector_load %arg13[%get3A_247, %get3A_248] {strides = array<i32>} : memref<128x384xf32, #tpu.memory_space<vmem>>, vector<16xf32>,
            %get3A_250 = arith.index_cast %add3A_160 : i32 to index
            %get3A_251 = arith.constant 80 : index
            %get3A_252 = tpu.vector_load %arg13[%get3A_250, %get3A_251] {strides = array<i32>} : memref<128x384xf32, #tpu.memory_space<vmem>>, vector<16xf32>,
            %mul3A_253 = arith.mulf %gather3A_195, %get3A_252 : vector<16xf32>
            %add3A_254 = arith.addf %get3A_249, %mul3A_253 : vector<16xf32>
            %get3A_255 = arith.index_cast %add3A_160 : i32 to index
            %get3A_256 = arith.constant 144 : index
            %get3A_257 = tpu.vector_load %arg13[%get3A_255, %get3A_256] {strides = array<i32>} : memref<128x384xf32, #tpu.memory_space<vmem>>, vector<16xf32>,
            %mul3A_258 = arith.mulf %gather3A_202, %get3A_257 : vector<16xf32>
            %add3A_259 = arith.addf %add3A_254, %mul3A_258 : vector<16xf32>
            %get3A_260 = arith.index_cast %add3A_160 : i32 to index
            %get3A_261 = arith.constant 208 : index
            %get3A_262 = tpu.vector_load %arg13[%get3A_260, %get3A_261] {strides = array<i32>} : memref<128x384xf32, #tpu.memory_space<vmem>>, vector<16xf32>,
            %mul3A_263 = arith.mulf %gather3A_209, %get3A_262 : vector<16xf32>
            %add3A_264 = arith.addf %add3A_259, %mul3A_263 : vector<16xf32>
            %get3A_265 = arith.index_cast %add3A_160 : i32 to index
            %get3A_266 = arith.constant 272 : index
            %get3A_267 = tpu.vector_load %arg13[%get3A_265, %get3A_266] {strides = array<i32>} : memref<128x384xf32, #tpu.memory_space<vmem>>, vector<16xf32>,
            %mul3A_268 = arith.mulf %gather3A_216, %get3A_267 : vector<16xf32>
            %add3A_269 = arith.addf %add3A_264, %mul3A_268 : vector<16xf32>
            %mul3A_270 = arith.constant 128 : i32
            %mul3A_271 = vector.broadcast %mul3A_270 : i32 to vector<16xi32>
            %mul3A_272 = arith.muli %gather3A_188, %mul3A_271 : vector<16xi32>
            %add3A_273 = arith.constant 80 : i32
            %add3A_274 = vector.broadcast %add3A_273 : i32 to vector<16xi32>
            %add3A_275 = arith.addi %iota3A, %add3A_274 : vector<16xi32>
            %add3A_276 = arith.addi %mul3A_272, %add3A_275 : vector<16xi32>
            tpu.vector_store_idx %arg14[%add3A_276], %add3A_269 {add = true} : memref<41088xf32, #tpu.memory_space<vmem>>[vector<16xi32>], vector<16xf32>,
            %get3A_277 = arith.index_cast %add3A_160 : i32 to index
            %get3A_278 = arith.constant 352 : index
            %get3A_279 = tpu.vector_load %arg13[%get3A_277, %get3A_278] {strides = array<i32>} : memref<128x384xf32, #tpu.memory_space<vmem>>, vector<16xf32>,
            %get3A_280 = arith.index_cast %add3A_160 : i32 to index
            %get3A_281 = arith.constant 96 : index
            %get3A_282 = tpu.vector_load %arg13[%get3A_280, %get3A_281] {strides = array<i32>} : memref<128x384xf32, #tpu.memory_space<vmem>>, vector<16xf32>,
            %mul3A_283 = arith.mulf %gather3A_195, %get3A_282 : vector<16xf32>
            %add3A_284 = arith.addf %get3A_279, %mul3A_283 : vector<16xf32>
            %get3A_285 = arith.index_cast %add3A_160 : i32 to index
            %get3A_286 = arith.constant 160 : index
            %get3A_287 = tpu.vector_load %arg13[%get3A_285, %get3A_286] {strides = array<i32>} : memref<128x384xf32, #tpu.memory_space<vmem>>, vector<16xf32>,
            %mul3A_288 = arith.mulf %gather3A_202, %get3A_287 : vector<16xf32>
            %add3A_289 = arith.addf %add3A_284, %mul3A_288 : vector<16xf32>
            %get3A_290 = arith.index_cast %add3A_160 : i32 to index
            %get3A_291 = arith.constant 224 : index
            %get3A_292 = tpu.vector_load %arg13[%get3A_290, %get3A_291] {strides = array<i32>} : memref<128x384xf32, #tpu.memory_space<vmem>>, vector<16xf32>,
            %mul3A_293 = arith.mulf %gather3A_209, %get3A_292 : vector<16xf32>
            %add3A_294 = arith.addf %add3A_289, %mul3A_293 : vector<16xf32>
            %get3A_295 = arith.index_cast %add3A_160 : i32 to index
            %get3A_296 = arith.constant 288 : index
            %get3A_297 = tpu.vector_load %arg13[%get3A_295, %get3A_296] {strides = array<i32>} : memref<128x384xf32, #tpu.memory_space<vmem>>, vector<16xf32>,
            %mul3A_298 = arith.mulf %gather3A_216, %get3A_297 : vector<16xf32>
            %add3A_299 = arith.addf %add3A_294, %mul3A_298 : vector<16xf32>
            %mul3A_300 = arith.constant 128 : i32
            %mul3A_301 = vector.broadcast %mul3A_300 : i32 to vector<16xi32>
            %mul3A_302 = arith.muli %gather3A_188, %mul3A_301 : vector<16xi32>
            %add3A_303 = arith.constant 96 : i32
            %add3A_304 = vector.broadcast %add3A_303 : i32 to vector<16xi32>
            %add3A_305 = arith.addi %iota3A, %add3A_304 : vector<16xi32>
            %add3A_306 = arith.addi %mul3A_302, %add3A_305 : vector<16xi32>
            tpu.vector_store_idx %arg14[%add3A_306], %add3A_299 {add = true} : memref<41088xf32, #tpu.memory_space<vmem>>[vector<16xi32>], vector<16xf32>,
            %get3A_307 = arith.index_cast %add3A_160 : i32 to index
            %get3A_308 = arith.constant 368 : index
            %get3A_309 = tpu.vector_load %arg13[%get3A_307, %get3A_308] {strides = array<i32>} : memref<128x384xf32, #tpu.memory_space<vmem>>, vector<16xf32>,
            %get3A_310 = arith.index_cast %add3A_160 : i32 to index
            %get3A_311 = arith.constant 112 : index
            %get3A_312 = tpu.vector_load %arg13[%get3A_310, %get3A_311] {strides = array<i32>} : memref<128x384xf32, #tpu.memory_space<vmem>>, vector<16xf32>,
            %mul3A_313 = arith.mulf %gather3A_195, %get3A_312 : vector<16xf32>
            %add3A_314 = arith.addf %get3A_309, %mul3A_313 : vector<16xf32>
            %get3A_315 = arith.index_cast %add3A_160 : i32 to index
            %get3A_316 = arith.constant 176 : index
            %get3A_317 = tpu.vector_load %arg13[%get3A_315, %get3A_316] {strides = array<i32>} : memref<128x384xf32, #tpu.memory_space<vmem>>, vector<16xf32>,
            %mul3A_318 = arith.mulf %gather3A_202, %get3A_317 : vector<16xf32>
            %add3A_319 = arith.addf %add3A_314, %mul3A_318 : vector<16xf32>
            %get3A_320 = arith.index_cast %add3A_160 : i32 to index
            %get3A_321 = arith.constant 240 : index
            %get3A_322 = tpu.vector_load %arg13[%get3A_320, %get3A_321] {strides = array<i32>} : memref<128x384xf32, #tpu.memory_space<vmem>>, vector<16xf32>,
            %mul3A_323 = arith.mulf %gather3A_209, %get3A_322 : vector<16xf32>
            %add3A_324 = arith.addf %add3A_319, %mul3A_323 : vector<16xf32>
            %get3A_325 = arith.index_cast %add3A_160 : i32 to index
            %get3A_326 = arith.constant 304 : index
            %get3A_327 = tpu.vector_load %arg13[%get3A_325, %get3A_326] {strides = array<i32>} : memref<128x384xf32, #tpu.memory_space<vmem>>, vector<16xf32>,
            %mul3A_328 = arith.mulf %gather3A_216, %get3A_327 : vector<16xf32>
            %add3A_329 = arith.addf %add3A_324, %mul3A_328 : vector<16xf32>
            %mul3A_330 = arith.constant 128 : i32
            %mul3A_331 = vector.broadcast %mul3A_330 : i32 to vector<16xi32>
            %mul3A_332 = arith.muli %gather3A_188, %mul3A_331 : vector<16xi32>
            %add3A_333 = arith.constant 112 : i32
            %add3A_334 = vector.broadcast %add3A_333 : i32 to vector<16xi32>
            %add3A_335 = arith.addi %iota3A, %add3A_334 : vector<16xi32>
            %add3A_336 = arith.addi %mul3A_332, %add3A_335 : vector<16xi32>
            tpu.vector_store_idx %arg14[%add3A_336], %add3A_329 {add = true} : memref<41088xf32, #tpu.memory_space<vmem>>[vector<16xi32>], vector<16xf32>,
            %mul3A_337 = arith.constant 128 : i32
            %mul3A_338 = vector.broadcast %mul3A_337 : i32 to vector<16xi32>
            %mul3A_339 = arith.muli %gather3A_188, %mul3A_338 : vector<16xi32>
            %add3A_340 = arith.constant 0 : i32
            %add3A_341 = vector.broadcast %add3A_340 : i32 to vector<16xi32>
            %add3A_342 = arith.addi %iota3A, %add3A_341 : vector<16xi32>
            %add3A_343 = arith.addi %mul3A_339, %add3A_342 : vector<16xi32>
            %get3A_344 = arith.index_cast %add3A_160 : i32 to index
            %get3A_345 = arith.constant 0 : index
            %get3A_346 = tpu.vector_load %arg13[%get3A_344, %get3A_345] {strides = array<i32>} : memref<128x384xf32, #tpu.memory_space<vmem>>, vector<16xf32>,
            tpu.vector_store_idx %arg14[%add3A_343], %get3A_346 {add = true} : memref<41088xf32, #tpu.memory_space<vmem>>[vector<16xi32>], vector<16xf32>,
            %mul3A_347 = arith.constant 128 : i32
            %mul3A_348 = vector.broadcast %mul3A_347 : i32 to vector<16xi32>
            %mul3A_349 = arith.muli %gather3A_188, %mul3A_348 : vector<16xi32>
            %add3A_350 = arith.constant 16 : i32
            %add3A_351 = vector.broadcast %add3A_350 : i32 to vector<16xi32>
            %add3A_352 = arith.addi %iota3A, %add3A_351 : vector<16xi32>
            %add3A_353 = arith.addi %mul3A_349, %add3A_352 : vector<16xi32>
            %get3A_354 = arith.index_cast %add3A_160 : i32 to index
            %get3A_355 = arith.constant 16 : index
            %get3A_356 = tpu.vector_load %arg13[%get3A_354, %get3A_355] {strides = array<i32>} : memref<128x384xf32, #tpu.memory_space<vmem>>, vector<16xf32>,
            tpu.vector_store_idx %arg14[%add3A_353], %get3A_356 {add = true} : memref<41088xf32, #tpu.memory_space<vmem>>[vector<16xi32>], vector<16xf32>,
            %mul3A_357 = arith.constant 128 : i32
            %mul3A_358 = vector.broadcast %mul3A_357 : i32 to vector<16xi32>
            %mul3A_359 = arith.muli %gather3A_188, %mul3A_358 : vector<16xi32>
            %add3A_360 = arith.constant 32 : i32
            %add3A_361 = vector.broadcast %add3A_360 : i32 to vector<16xi32>
            %add3A_362 = arith.addi %iota3A, %add3A_361 : vector<16xi32>
            %add3A_363 = arith.addi %mul3A_359, %add3A_362 : vector<16xi32>
            %get3A_364 = arith.index_cast %add3A_160 : i32 to index
            %get3A_365 = arith.constant 32 : index
            %get3A_366 = tpu.vector_load %arg13[%get3A_364, %get3A_365] {strides = array<i32>} : memref<128x384xf32, #tpu.memory_space<vmem>>, vector<16xf32>,
            tpu.vector_store_idx %arg14[%add3A_363], %get3A_366 {add = true} : memref<41088xf32, #tpu.memory_space<vmem>>[vector<16xi32>], vector<16xf32>,
            %mul3A_367 = arith.constant 128 : i32
            %mul3A_368 = vector.broadcast %mul3A_367 : i32 to vector<16xi32>
            %mul3A_369 = arith.muli %gather3A_188, %mul3A_368 : vector<16xi32>
            %add3A_370 = arith.constant 48 : i32
            %add3A_371 = vector.broadcast %add3A_370 : i32 to vector<16xi32>
            %add3A_372 = arith.addi %iota3A, %add3A_371 : vector<16xi32>
            %add3A_373 = arith.addi %mul3A_369, %add3A_372 : vector<16xi32>
            %get3A_374 = arith.index_cast %add3A_160 : i32 to index
            %get3A_375 = arith.constant 48 : index
            %get3A_376 = tpu.vector_load %arg13[%get3A_374, %get3A_375] {strides = array<i32>} : memref<128x384xf32, #tpu.memory_space<vmem>>, vector<16xf32>,
            tpu.vector_store_idx %arg14[%add3A_373], %get3A_376 {add = true} : memref<41088xf32, #tpu.memory_space<vmem>>[vector<16xi32>], vector<16xf32>,
          }
          %scan3A_131 = arith.constant 128 : i32
          %get3A_132 = arith.constant 128 : index
          %get3A_133 = tpu.vector_load %arg10[%get3A_132] {strides = array<i32>} : memref<256xi32, #tpu.memory_space<vmem>>, vector<16xi32>,
          %swap3A_134 = arith.constant 0 : index
          %swap3A_135 = tpu.vector_load %arg10[%swap3A_134] {strides = array<i32>} : memref<256xi32, #tpu.memory_space<vmem>>, vector<16xi32>,
          tpu.vector_store %arg10[%swap3A_134], %get3A_133 {strides = array<i32>} : memref<256xi32, #tpu.memory_space<vmem>>, vector<16xi32>,
          %get3A_136 = arith.constant 128 : index
          %get3A_137 = tpu.vector_load %arg11[%get3A_136] {strides = array<i32>} : memref<256xi32, #tpu.memory_space<vmem>>, vector<16xi32>,
          %swap3A_138 = arith.constant 0 : index
          %swap3A_139 = tpu.vector_load %arg11[%swap3A_138] {strides = array<i32>} : memref<256xi32, #tpu.memory_space<vmem>>, vector<16xi32>,
          tpu.vector_store %arg11[%swap3A_138], %get3A_137 {strides = array<i32>} : memref<256xi32, #tpu.memory_space<vmem>>, vector<16xi32>,
          %get3A_140 = arith.constant 128 : index
          %get3A_141 = tpu.vector_load %arg12[%get3A_140] {strides = array<i32>} : memref<1024xf32, #tpu.memory_space<vmem>>, vector<16xf32>,
          %swap3A_142 = arith.constant 0 : index
          %swap3A_143 = tpu.vector_load %arg12[%swap3A_142] {strides = array<i32>} : memref<1024xf32, #tpu.memory_space<vmem>>, vector<16xf32>,
          tpu.vector_store %arg12[%swap3A_142], %get3A_141 {strides = array<i32>} : memref<1024xf32, #tpu.memory_space<vmem>>, vector<16xf32>,
          %get3A_144 = arith.constant 384 : index
          %get3A_145 = tpu.vector_load %arg12[%get3A_144] {strides = array<i32>} : memref<1024xf32, #tpu.memory_space<vmem>>, vector<16xf32>,
          %swap3A_146 = arith.constant 256 : index
          %swap3A_147 = tpu.vector_load %arg12[%swap3A_146] {strides = array<i32>} : memref<1024xf32, #tpu.memory_space<vmem>>, vector<16xf32>,
          tpu.vector_store %arg12[%swap3A_146], %get3A_145 {strides = array<i32>} : memref<1024xf32, #tpu.memory_space<vmem>>, vector<16xf32>,
          %get3A_148 = arith.constant 640 : index
          %get3A_149 = tpu.vector_load %arg12[%get3A_148] {strides = array<i32>} : memref<1024xf32, #tpu.memory_space<vmem>>, vector<16xf32>,
          %swap3A_150 = arith.constant 512 : index
          %swap3A_151 = tpu.vector_load %arg12[%swap3A_150] {strides = array<i32>} : memref<1024xf32, #tpu.memory_space<vmem>>, vector<16xf32>,
          tpu.vector_store %arg12[%swap3A_150], %get3A_149 {strides = array<i32>} : memref<1024xf32, #tpu.memory_space<vmem>>, vector<16xf32>,
          %get3A_152 = arith.constant 896 : index
          %get3A_153 = tpu.vector_load %arg12[%get3A_152] {strides = array<i32>} : memref<1024xf32, #tpu.memory_space<vmem>>, vector<16xf32>,
          %swap3A_154 = arith.constant 768 : index
          %swap3A_155 = tpu.vector_load %arg12[%swap3A_154] {strides = array<i32>} : memref<1024xf32, #tpu.memory_space<vmem>>, vector<16xf32>,
          tpu.vector_store %arg12[%swap3A_154], %get3A_153 {strides = array<i32>} : memref<1024xf32, #tpu.memory_space<vmem>>, vector<16xf32>,
        } else {
        }
        %ge3A_114 = arith.constant 128 : i32
        %ge3A_115 = arith.cmpi sge, %add3A_108, %ge3A_114 : i32
        %sub3A_116 = arith.constant 128 : i32
        %sub3A_117 = arith.subi %add3A_108, %sub3A_116 : i32
        %select_n3A_118 = arith.select %ge3A_115, %sub3A_117, %add3A_108 : i32
        scf.yield %select_n3A_118 : i32
      }
      %scan3A_40 = arith.constant 125 : i32
      scf.yield %scan3A_39 : i32
    }
    %scan3A_14 = arith.constant 80 : i32
    %gt3A = arith.constant 0 : i32
    %gt3A_15 = arith.cmpi sgt, %scan3A_13, %gt3A : i32
    %convert_element_type3A = arith.extui %gt3A_15 : i1 to i32
    %cond3A = arith.constant 0 : i32
    %cond3A_16 = arith.cmpi ne, %convert_element_type3A, %cond3A : i32
    scf.if %cond3A_16 {
      %add3A_19 = arith.constant 0 : i32
      %add3A_20 = vector.broadcast %add3A_19 : i32 to vector<16xi32>
      %add3A_21 = arith.addi %iota3A, %add3A_20 : vector<16xi32>
      %lt3A = vector.broadcast %scan3A_13 : i32 to vector<16xi32>
      %lt3A_22 = arith.cmpi slt, %add3A_21, %lt3A : vector<16xi32>
      %get3A = arith.constant 0 : index
      %get3A_23 = tpu.vector_load %arg10[%get3A] {strides = array<i32>} : memref<256xi32, #tpu.memory_space<vmem>>, vector<16xi32>,
      %jit3A = arith.constant 0 : i32
      %broadcast_in_dim3A_24 = vector.broadcast %jit3A : i32 to vector<16xi32>
      %select_n3A = arith.select %lt3A_22, %get3A_23, %broadcast_in_dim3A_24 : vector<16xi1>, vector<16xi32>
      %swap3A = arith.constant 0 : index
      %swap3A_25 = tpu.vector_load %arg10[%swap3A] {strides = array<i32>} : memref<256xi32, #tpu.memory_space<vmem>>, vector<16xi32>,
      tpu.vector_store %arg10[%swap3A], %select_n3A {strides = array<i32>} : memref<256xi32, #tpu.memory_space<vmem>>, vector<16xi32>,
      %get3A_26 = arith.constant 0 : index
      %get3A_27 = tpu.vector_load %arg11[%get3A_26] {strides = array<i32>} : memref<256xi32, #tpu.memory_space<vmem>>, vector<16xi32>,
      %jit3A_28 = arith.constant 320 : i32
      %broadcast_in_dim3A_29 = vector.broadcast %jit3A_28 : i32 to vector<16xi32>
      %select_n3A_30 = arith.select %lt3A_22, %get3A_27, %broadcast_in_dim3A_29 : vector<16xi1>, vector<16xi32>
      %swap3A_31 = arith.constant 0 : index
      %swap3A_32 = tpu.vector_load %arg11[%swap3A_31] {strides = array<i32>} : memref<256xi32, #tpu.memory_space<vmem>>, vector<16xi32>,
      tpu.vector_store %arg11[%swap3A_31], %select_n3A_30 {strides = array<i32>} : memref<256xi32, #tpu.memory_space<vmem>>, vector<16xi32>,
      %get3A_33 = arith.constant 0 : index
      %get3A_34 = tpu.vector_load %arg12[%get3A_33] {strides = array<i32>} : memref<1024xf32, #tpu.memory_space<vmem>>, vector<16xf32>,
      %jit3A_35 = arith.constant 0.000000e+00 : f32
      %broadcast_in_dim3A_36 = vector.broadcast %jit3A_35 : f32 to vector<16xf32>
      %select_n3A_37 = arith.select %lt3A_22, %get3A_34, %broadcast_in_dim3A_36 : vector<16xi1>, vector<16xf32>
      %swap3A_38 = arith.constant 0 : index
      %swap3A_39 = tpu.vector_load %arg12[%swap3A_38] {strides = array<i32>} : memref<1024xf32, #tpu.memory_space<vmem>>, vector<16xf32>,
      tpu.vector_store %arg12[%swap3A_38], %select_n3A_37 {strides = array<i32>} : memref<1024xf32, #tpu.memory_space<vmem>>, vector<16xf32>,
      %get3A_40 = arith.constant 256 : index
      %get3A_41 = tpu.vector_load %arg12[%get3A_40] {strides = array<i32>} : memref<1024xf32, #tpu.memory_space<vmem>>, vector<16xf32>,
      %jit3A_42 = arith.constant 0.000000e+00 : f32
      %broadcast_in_dim3A_43 = vector.broadcast %jit3A_42 : f32 to vector<16xf32>
      %select_n3A_44 = arith.select %lt3A_22, %get3A_41, %broadcast_in_dim3A_43 : vector<16xi1>, vector<16xf32>
      %swap3A_45 = arith.constant 256 : index
      %swap3A_46 = tpu.vector_load %arg12[%swap3A_45] {strides = array<i32>} : memref<1024xf32, #tpu.memory_space<vmem>>, vector<16xf32>,
      tpu.vector_store %arg12[%swap3A_45], %select_n3A_44 {strides = array<i32>} : memref<1024xf32, #tpu.memory_space<vmem>>, vector<16xf32>,
      %get3A_47 = arith.constant 512 : index
      %get3A_48 = tpu.vector_load %arg12[%get3A_47] {strides = array<i32>} : memref<1024xf32, #tpu.memory_space<vmem>>, vector<16xf32>,
      %jit3A_49 = arith.constant 0.000000e+00 : f32
      %broadcast_in_dim3A_50 = vector.broadcast %jit3A_49 : f32 to vector<16xf32>
      %select_n3A_51 = arith.select %lt3A_22, %get3A_48, %broadcast_in_dim3A_50 : vector<16xi1>, vector<16xf32>
      %swap3A_52 = arith.constant 512 : index
      %swap3A_53 = tpu.vector_load %arg12[%swap3A_52] {strides = array<i32>} : memref<1024xf32, #tpu.memory_space<vmem>>, vector<16xf32>,
      tpu.vector_store %arg12[%swap3A_52], %select_n3A_51 {strides = array<i32>} : memref<1024xf32, #tpu.memory_space<vmem>>, vector<16xf32>,
      %get3A_54 = arith.constant 768 : index
      %get3A_55 = tpu.vector_load %arg12[%get3A_54] {strides = array<i32>} : memref<1024xf32, #tpu.memory_space<vmem>>, vector<16xf32>,
      %jit3A_56 = arith.constant 0.000000e+00 : f32
      %broadcast_in_dim3A_57 = vector.broadcast %jit3A_56 : f32 to vector<16xf32>
      %select_n3A_58 = arith.select %lt3A_22, %get3A_55, %broadcast_in_dim3A_57 : vector<16xi1>, vector<16xf32>
      %swap3A_59 = arith.constant 768 : index
      %swap3A_60 = tpu.vector_load %arg12[%swap3A_59] {strides = array<i32>} : memref<1024xf32, #tpu.memory_space<vmem>>, vector<16xf32>,
      tpu.vector_store %arg12[%swap3A_59], %select_n3A_58 {strides = array<i32>} : memref<1024xf32, #tpu.memory_space<vmem>>, vector<16xf32>,
      %add3A_61 = arith.constant 16 : i32
      %add3A_62 = vector.broadcast %add3A_61 : i32 to vector<16xi32>
      %add3A_63 = arith.addi %iota3A, %add3A_62 : vector<16xi32>
      %lt3A_64 = vector.broadcast %scan3A_13 : i32 to vector<16xi32>
      %lt3A_65 = arith.cmpi slt, %add3A_63, %lt3A_64 : vector<16xi32>
      %get3A_66 = arith.constant 16 : index
      %get3A_67 = tpu.vector_load %arg10[%get3A_66] {strides = array<i32>} : memref<256xi32, #tpu.memory_space<vmem>>, vector<16xi32>,
      %jit3A_68 = arith.constant 0 : i32
      %broadcast_in_dim3A_69 = vector.broadcast %jit3A_68 : i32 to vector<16xi32>
      %select_n3A_70 = arith.select %lt3A_65, %get3A_67, %broadcast_in_dim3A_69 : vector<16xi1>, vector<16xi32>
      %swap3A_71 = arith.constant 16 : index
      %swap3A_72 = tpu.vector_load %arg10[%swap3A_71] {strides = array<i32>} : memref<256xi32, #tpu.memory_space<vmem>>, vector<16xi32>,
      tpu.vector_store %arg10[%swap3A_71], %select_n3A_70 {strides = array<i32>} : memref<256xi32, #tpu.memory_space<vmem>>, vector<16xi32>,
      %get3A_73 = arith.constant 16 : index
      %get3A_74 = tpu.vector_load %arg11[%get3A_73] {strides = array<i32>} : memref<256xi32, #tpu.memory_space<vmem>>, vector<16xi32>,
      %jit3A_75 = arith.constant 320 : i32
      %broadcast_in_dim3A_76 = vector.broadcast %jit3A_75 : i32 to vector<16xi32>
      %select_n3A_77 = arith.select %lt3A_65, %get3A_74, %broadcast_in_dim3A_76 : vector<16xi1>, vector<16xi32>
      %swap3A_78 = arith.constant 16 : index
      %swap3A_79 = tpu.vector_load %arg11[%swap3A_78] {strides = array<i32>} : memref<256xi32, #tpu.memory_space<vmem>>, vector<16xi32>,
      tpu.vector_store %arg11[%swap3A_78], %select_n3A_77 {strides = array<i32>} : memref<256xi32, #tpu.memory_space<vmem>>, vector<16xi32>,
      %get3A_80 = arith.constant 16 : index
      %get3A_81 = tpu.vector_load %arg12[%get3A_80] {strides = array<i32>} : memref<1024xf32, #tpu.memory_space<vmem>>, vector<16xf32>,
      %jit3A_82 = arith.constant 0.000000e+00 : f32
      %broadcast_in_dim3A_83 = vector.broadcast %jit3A_82 : f32 to vector<16xf32>
      %select_n3A_84 = arith.select %lt3A_65, %get3A_81, %broadcast_in_dim3A_83 : vector<16xi1>, vector<16xf32>
      %swap3A_85 = arith.constant 16 : index
      %swap3A_86 = tpu.vector_load %arg12[%swap3A_85] {strides = array<i32>} : memref<1024xf32, #tpu.memory_space<vmem>>, vector<16xf32>,
      tpu.vector_store %arg12[%swap3A_85], %select_n3A_84 {strides = array<i32>} : memref<1024xf32, #tpu.memory_space<vmem>>, vector<16xf32>,
      %get3A_87 = arith.constant 272 : index
      %get3A_88 = tpu.vector_load %arg12[%get3A_87] {strides = array<i32>} : memref<1024xf32, #tpu.memory_space<vmem>>, vector<16xf32>,
      %jit3A_89 = arith.constant 0.000000e+00 : f32
      %broadcast_in_dim3A_90 = vector.broadcast %jit3A_89 : f32 to vector<16xf32>
      %select_n3A_91 = arith.select %lt3A_65, %get3A_88, %broadcast_in_dim3A_90 : vector<16xi1>, vector<16xf32>
      %swap3A_92 = arith.constant 272 : index
      %swap3A_93 = tpu.vector_load %arg12[%swap3A_92] {strides = array<i32>} : memref<1024xf32, #tpu.memory_space<vmem>>, vector<16xf32>,
      tpu.vector_store %arg12[%swap3A_92], %select_n3A_91 {strides = array<i32>} : memref<1024xf32, #tpu.memory_space<vmem>>, vector<16xf32>,
      %get3A_94 = arith.constant 528 : index
      %get3A_95 = tpu.vector_load %arg12[%get3A_94] {strides = array<i32>} : memref<1024xf32, #tpu.memory_space<vmem>>, vector<16xf32>,
      %jit3A_96 = arith.constant 0.000000e+00 : f32
      %broadcast_in_dim3A_97 = vector.broadcast %jit3A_96 : f32 to vector<16xf32>
      %select_n3A_98 = arith.select %lt3A_65, %get3A_95, %broadcast_in_dim3A_97 : vector<16xi1>, vector<16xf32>
      %swap3A_99 = arith.constant 528 : index
      %swap3A_100 = tpu.vector_load %arg12[%swap3A_99] {strides = array<i32>} : memref<1024xf32, #tpu.memory_space<vmem>>, vector<16xf32>,
      tpu.vector_store %arg12[%swap3A_99], %select_n3A_98 {strides = array<i32>} : memref<1024xf32, #tpu.memory_space<vmem>>, vector<16xf32>,
      %get3A_101 = arith.constant 784 : index
      %get3A_102 = tpu.vector_load %arg12[%get3A_101] {strides = array<i32>} : memref<1024xf32, #tpu.memory_space<vmem>>, vector<16xf32>,
      %jit3A_103 = arith.constant 0.000000e+00 : f32
      %broadcast_in_dim3A_104 = vector.broadcast %jit3A_103 : f32 to vector<16xf32>
      %select_n3A_105 = arith.select %lt3A_65, %get3A_102, %broadcast_in_dim3A_104 : vector<16xi1>, vector<16xf32>
      %swap3A_106 = arith.constant 784 : index
      %swap3A_107 = tpu.vector_load %arg12[%swap3A_106] {strides = array<i32>} : memref<1024xf32, #tpu.memory_space<vmem>>, vector<16xf32>,
      tpu.vector_store %arg12[%swap3A_106], %select_n3A_105 {strides = array<i32>} : memref<1024xf32, #tpu.memory_space<vmem>>, vector<16xf32>,
      %add3A_108 = arith.constant 32 : i32
      %add3A_109 = vector.broadcast %add3A_108 : i32 to vector<16xi32>
      %add3A_110 = arith.addi %iota3A, %add3A_109 : vector<16xi32>
      %lt3A_111 = vector.broadcast %scan3A_13 : i32 to vector<16xi32>
      %lt3A_112 = arith.cmpi slt, %add3A_110, %lt3A_111 : vector<16xi32>
      %get3A_113 = arith.constant 32 : index
      %get3A_114 = tpu.vector_load %arg10[%get3A_113] {strides = array<i32>} : memref<256xi32, #tpu.memory_space<vmem>>, vector<16xi32>,
      %jit3A_115 = arith.constant 0 : i32
      %broadcast_in_dim3A_116 = vector.broadcast %jit3A_115 : i32 to vector<16xi32>
      %select_n3A_117 = arith.select %lt3A_112, %get3A_114, %broadcast_in_dim3A_116 : vector<16xi1>, vector<16xi32>
      %swap3A_118 = arith.constant 32 : index
      %swap3A_119 = tpu.vector_load %arg10[%swap3A_118] {strides = array<i32>} : memref<256xi32, #tpu.memory_space<vmem>>, vector<16xi32>,
      tpu.vector_store %arg10[%swap3A_118], %select_n3A_117 {strides = array<i32>} : memref<256xi32, #tpu.memory_space<vmem>>, vector<16xi32>,
      %get3A_120 = arith.constant 32 : index
      %get3A_121 = tpu.vector_load %arg11[%get3A_120] {strides = array<i32>} : memref<256xi32, #tpu.memory_space<vmem>>, vector<16xi32>,
      %jit3A_122 = arith.constant 320 : i32
      %broadcast_in_dim3A_123 = vector.broadcast %jit3A_122 : i32 to vector<16xi32>
      %select_n3A_124 = arith.select %lt3A_112, %get3A_121, %broadcast_in_dim3A_123 : vector<16xi1>, vector<16xi32>
      %swap3A_125 = arith.constant 32 : index
      %swap3A_126 = tpu.vector_load %arg11[%swap3A_125] {strides = array<i32>} : memref<256xi32, #tpu.memory_space<vmem>>, vector<16xi32>,
      tpu.vector_store %arg11[%swap3A_125], %select_n3A_124 {strides = array<i32>} : memref<256xi32, #tpu.memory_space<vmem>>, vector<16xi32>,
      %get3A_127 = arith.constant 32 : index
      %get3A_128 = tpu.vector_load %arg12[%get3A_127] {strides = array<i32>} : memref<1024xf32, #tpu.memory_space<vmem>>, vector<16xf32>,
      %jit3A_129 = arith.constant 0.000000e+00 : f32
      %broadcast_in_dim3A_130 = vector.broadcast %jit3A_129 : f32 to vector<16xf32>
      %select_n3A_131 = arith.select %lt3A_112, %get3A_128, %broadcast_in_dim3A_130 : vector<16xi1>, vector<16xf32>
      %swap3A_132 = arith.constant 32 : index
      %swap3A_133 = tpu.vector_load %arg12[%swap3A_132] {strides = array<i32>} : memref<1024xf32, #tpu.memory_space<vmem>>, vector<16xf32>,
      tpu.vector_store %arg12[%swap3A_132], %select_n3A_131 {strides = array<i32>} : memref<1024xf32, #tpu.memory_space<vmem>>, vector<16xf32>,
      %get3A_134 = arith.constant 288 : index
      %get3A_135 = tpu.vector_load %arg12[%get3A_134] {strides = array<i32>} : memref<1024xf32, #tpu.memory_space<vmem>>, vector<16xf32>,
      %jit3A_136 = arith.constant 0.000000e+00 : f32
      %broadcast_in_dim3A_137 = vector.broadcast %jit3A_136 : f32 to vector<16xf32>
      %select_n3A_138 = arith.select %lt3A_112, %get3A_135, %broadcast_in_dim3A_137 : vector<16xi1>, vector<16xf32>
      %swap3A_139 = arith.constant 288 : index
      %swap3A_140 = tpu.vector_load %arg12[%swap3A_139] {strides = array<i32>} : memref<1024xf32, #tpu.memory_space<vmem>>, vector<16xf32>,
      tpu.vector_store %arg12[%swap3A_139], %select_n3A_138 {strides = array<i32>} : memref<1024xf32, #tpu.memory_space<vmem>>, vector<16xf32>,
      %get3A_141 = arith.constant 544 : index
      %get3A_142 = tpu.vector_load %arg12[%get3A_141] {strides = array<i32>} : memref<1024xf32, #tpu.memory_space<vmem>>, vector<16xf32>,
      %jit3A_143 = arith.constant 0.000000e+00 : f32
      %broadcast_in_dim3A_144 = vector.broadcast %jit3A_143 : f32 to vector<16xf32>
      %select_n3A_145 = arith.select %lt3A_112, %get3A_142, %broadcast_in_dim3A_144 : vector<16xi1>, vector<16xf32>
      %swap3A_146 = arith.constant 544 : index
      %swap3A_147 = tpu.vector_load %arg12[%swap3A_146] {strides = array<i32>} : memref<1024xf32, #tpu.memory_space<vmem>>, vector<16xf32>,
      tpu.vector_store %arg12[%swap3A_146], %select_n3A_145 {strides = array<i32>} : memref<1024xf32, #tpu.memory_space<vmem>>, vector<16xf32>,
      %get3A_148 = arith.constant 800 : index
      %get3A_149 = tpu.vector_load %arg12[%get3A_148] {strides = array<i32>} : memref<1024xf32, #tpu.memory_space<vmem>>, vector<16xf32>,
      %jit3A_150 = arith.constant 0.000000e+00 : f32
      %broadcast_in_dim3A_151 = vector.broadcast %jit3A_150 : f32 to vector<16xf32>
      %select_n3A_152 = arith.select %lt3A_112, %get3A_149, %broadcast_in_dim3A_151 : vector<16xi1>, vector<16xf32>
      %swap3A_153 = arith.constant 800 : index
      %swap3A_154 = tpu.vector_load %arg12[%swap3A_153] {strides = array<i32>} : memref<1024xf32, #tpu.memory_space<vmem>>, vector<16xf32>,
      tpu.vector_store %arg12[%swap3A_153], %select_n3A_152 {strides = array<i32>} : memref<1024xf32, #tpu.memory_space<vmem>>, vector<16xf32>,
      %add3A_155 = arith.constant 48 : i32
      %add3A_156 = vector.broadcast %add3A_155 : i32 to vector<16xi32>
      %add3A_157 = arith.addi %iota3A, %add3A_156 : vector<16xi32>
      %lt3A_158 = vector.broadcast %scan3A_13 : i32 to vector<16xi32>
      %lt3A_159 = arith.cmpi slt, %add3A_157, %lt3A_158 : vector<16xi32>
      %get3A_160 = arith.constant 48 : index
      %get3A_161 = tpu.vector_load %arg10[%get3A_160] {strides = array<i32>} : memref<256xi32, #tpu.memory_space<vmem>>, vector<16xi32>,
      %jit3A_162 = arith.constant 0 : i32
      %broadcast_in_dim3A_163 = vector.broadcast %jit3A_162 : i32 to vector<16xi32>
      %select_n3A_164 = arith.select %lt3A_159, %get3A_161, %broadcast_in_dim3A_163 : vector<16xi1>, vector<16xi32>
      %swap3A_165 = arith.constant 48 : index
      %swap3A_166 = tpu.vector_load %arg10[%swap3A_165] {strides = array<i32>} : memref<256xi32, #tpu.memory_space<vmem>>, vector<16xi32>,
      tpu.vector_store %arg10[%swap3A_165], %select_n3A_164 {strides = array<i32>} : memref<256xi32, #tpu.memory_space<vmem>>, vector<16xi32>,
      %get3A_167 = arith.constant 48 : index
      %get3A_168 = tpu.vector_load %arg11[%get3A_167] {strides = array<i32>} : memref<256xi32, #tpu.memory_space<vmem>>, vector<16xi32>,
      %jit3A_169 = arith.constant 320 : i32
      %broadcast_in_dim3A_170 = vector.broadcast %jit3A_169 : i32 to vector<16xi32>
      %select_n3A_171 = arith.select %lt3A_159, %get3A_168, %broadcast_in_dim3A_170 : vector<16xi1>, vector<16xi32>
      %swap3A_172 = arith.constant 48 : index
      %swap3A_173 = tpu.vector_load %arg11[%swap3A_172] {strides = array<i32>} : memref<256xi32, #tpu.memory_space<vmem>>, vector<16xi32>,
      tpu.vector_store %arg11[%swap3A_172], %select_n3A_171 {strides = array<i32>} : memref<256xi32, #tpu.memory_space<vmem>>, vector<16xi32>,
      %get3A_174 = arith.constant 48 : index
      %get3A_175 = tpu.vector_load %arg12[%get3A_174] {strides = array<i32>} : memref<1024xf32, #tpu.memory_space<vmem>>, vector<16xf32>,
      %jit3A_176 = arith.constant 0.000000e+00 : f32
      %broadcast_in_dim3A_177 = vector.broadcast %jit3A_176 : f32 to vector<16xf32>
      %select_n3A_178 = arith.select %lt3A_159, %get3A_175, %broadcast_in_dim3A_177 : vector<16xi1>, vector<16xf32>
      %swap3A_179 = arith.constant 48 : index
      %swap3A_180 = tpu.vector_load %arg12[%swap3A_179] {strides = array<i32>} : memref<1024xf32, #tpu.memory_space<vmem>>, vector<16xf32>,
      tpu.vector_store %arg12[%swap3A_179], %select_n3A_178 {strides = array<i32>} : memref<1024xf32, #tpu.memory_space<vmem>>, vector<16xf32>,
      %get3A_181 = arith.constant 304 : index
      %get3A_182 = tpu.vector_load %arg12[%get3A_181] {strides = array<i32>} : memref<1024xf32, #tpu.memory_space<vmem>>, vector<16xf32>,
      %jit3A_183 = arith.constant 0.000000e+00 : f32
      %broadcast_in_dim3A_184 = vector.broadcast %jit3A_183 : f32 to vector<16xf32>
      %select_n3A_185 = arith.select %lt3A_159, %get3A_182, %broadcast_in_dim3A_184 : vector<16xi1>, vector<16xf32>
      %swap3A_186 = arith.constant 304 : index
      %swap3A_187 = tpu.vector_load %arg12[%swap3A_186] {strides = array<i32>} : memref<1024xf32, #tpu.memory_space<vmem>>, vector<16xf32>,
      tpu.vector_store %arg12[%swap3A_186], %select_n3A_185 {strides = array<i32>} : memref<1024xf32, #tpu.memory_space<vmem>>, vector<16xf32>,
      %get3A_188 = arith.constant 560 : index
      %get3A_189 = tpu.vector_load %arg12[%get3A_188] {strides = array<i32>} : memref<1024xf32, #tpu.memory_space<vmem>>, vector<16xf32>,
      %jit3A_190 = arith.constant 0.000000e+00 : f32
      %broadcast_in_dim3A_191 = vector.broadcast %jit3A_190 : f32 to vector<16xf32>
      %select_n3A_192 = arith.select %lt3A_159, %get3A_189, %broadcast_in_dim3A_191 : vector<16xi1>, vector<16xf32>
      %swap3A_193 = arith.constant 560 : index
      %swap3A_194 = tpu.vector_load %arg12[%swap3A_193] {strides = array<i32>} : memref<1024xf32, #tpu.memory_space<vmem>>, vector<16xf32>,
      tpu.vector_store %arg12[%swap3A_193], %select_n3A_192 {strides = array<i32>} : memref<1024xf32, #tpu.memory_space<vmem>>, vector<16xf32>,
      %get3A_195 = arith.constant 816 : index
      %get3A_196 = tpu.vector_load %arg12[%get3A_195] {strides = array<i32>} : memref<1024xf32, #tpu.memory_space<vmem>>, vector<16xf32>,
      %jit3A_197 = arith.constant 0.000000e+00 : f32
      %broadcast_in_dim3A_198 = vector.broadcast %jit3A_197 : f32 to vector<16xf32>
      %select_n3A_199 = arith.select %lt3A_159, %get3A_196, %broadcast_in_dim3A_198 : vector<16xi1>, vector<16xf32>
      %swap3A_200 = arith.constant 816 : index
      %swap3A_201 = tpu.vector_load %arg12[%swap3A_200] {strides = array<i32>} : memref<1024xf32, #tpu.memory_space<vmem>>, vector<16xf32>,
      tpu.vector_store %arg12[%swap3A_200], %select_n3A_199 {strides = array<i32>} : memref<1024xf32, #tpu.memory_space<vmem>>, vector<16xf32>,
      %add3A_202 = arith.constant 64 : i32
      %add3A_203 = vector.broadcast %add3A_202 : i32 to vector<16xi32>
      %add3A_204 = arith.addi %iota3A, %add3A_203 : vector<16xi32>
      %lt3A_205 = vector.broadcast %scan3A_13 : i32 to vector<16xi32>
      %lt3A_206 = arith.cmpi slt, %add3A_204, %lt3A_205 : vector<16xi32>
      %get3A_207 = arith.constant 64 : index
      %get3A_208 = tpu.vector_load %arg10[%get3A_207] {strides = array<i32>} : memref<256xi32, #tpu.memory_space<vmem>>, vector<16xi32>,
      %jit3A_209 = arith.constant 0 : i32
      %broadcast_in_dim3A_210 = vector.broadcast %jit3A_209 : i32 to vector<16xi32>
      %select_n3A_211 = arith.select %lt3A_206, %get3A_208, %broadcast_in_dim3A_210 : vector<16xi1>, vector<16xi32>
      %swap3A_212 = arith.constant 64 : index
      %swap3A_213 = tpu.vector_load %arg10[%swap3A_212] {strides = array<i32>} : memref<256xi32, #tpu.memory_space<vmem>>, vector<16xi32>,
      tpu.vector_store %arg10[%swap3A_212], %select_n3A_211 {strides = array<i32>} : memref<256xi32, #tpu.memory_space<vmem>>, vector<16xi32>,
      %get3A_214 = arith.constant 64 : index
      %get3A_215 = tpu.vector_load %arg11[%get3A_214] {strides = array<i32>} : memref<256xi32, #tpu.memory_space<vmem>>, vector<16xi32>,
      %jit3A_216 = arith.constant 320 : i32
      %broadcast_in_dim3A_217 = vector.broadcast %jit3A_216 : i32 to vector<16xi32>
      %select_n3A_218 = arith.select %lt3A_206, %get3A_215, %broadcast_in_dim3A_217 : vector<16xi1>, vector<16xi32>
      %swap3A_219 = arith.constant 64 : index
      %swap3A_220 = tpu.vector_load %arg11[%swap3A_219] {strides = array<i32>} : memref<256xi32, #tpu.memory_space<vmem>>, vector<16xi32>,
      tpu.vector_store %arg11[%swap3A_219], %select_n3A_218 {strides = array<i32>} : memref<256xi32, #tpu.memory_space<vmem>>, vector<16xi32>,
      %get3A_221 = arith.constant 64 : index
      %get3A_222 = tpu.vector_load %arg12[%get3A_221] {strides = array<i32>} : memref<1024xf32, #tpu.memory_space<vmem>>, vector<16xf32>,
      %jit3A_223 = arith.constant 0.000000e+00 : f32
      %broadcast_in_dim3A_224 = vector.broadcast %jit3A_223 : f32 to vector<16xf32>
      %select_n3A_225 = arith.select %lt3A_206, %get3A_222, %broadcast_in_dim3A_224 : vector<16xi1>, vector<16xf32>
      %swap3A_226 = arith.constant 64 : index
      %swap3A_227 = tpu.vector_load %arg12[%swap3A_226] {strides = array<i32>} : memref<1024xf32, #tpu.memory_space<vmem>>, vector<16xf32>,
      tpu.vector_store %arg12[%swap3A_226], %select_n3A_225 {strides = array<i32>} : memref<1024xf32, #tpu.memory_space<vmem>>, vector<16xf32>,
      %get3A_228 = arith.constant 320 : index
      %get3A_229 = tpu.vector_load %arg12[%get3A_228] {strides = array<i32>} : memref<1024xf32, #tpu.memory_space<vmem>>, vector<16xf32>,
      %jit3A_230 = arith.constant 0.000000e+00 : f32
      %broadcast_in_dim3A_231 = vector.broadcast %jit3A_230 : f32 to vector<16xf32>
      %select_n3A_232 = arith.select %lt3A_206, %get3A_229, %broadcast_in_dim3A_231 : vector<16xi1>, vector<16xf32>
      %swap3A_233 = arith.constant 320 : index
      %swap3A_234 = tpu.vector_load %arg12[%swap3A_233] {strides = array<i32>} : memref<1024xf32, #tpu.memory_space<vmem>>, vector<16xf32>,
      tpu.vector_store %arg12[%swap3A_233], %select_n3A_232 {strides = array<i32>} : memref<1024xf32, #tpu.memory_space<vmem>>, vector<16xf32>,
      %get3A_235 = arith.constant 576 : index
      %get3A_236 = tpu.vector_load %arg12[%get3A_235] {strides = array<i32>} : memref<1024xf32, #tpu.memory_space<vmem>>, vector<16xf32>,
      %jit3A_237 = arith.constant 0.000000e+00 : f32
      %broadcast_in_dim3A_238 = vector.broadcast %jit3A_237 : f32 to vector<16xf32>
      %select_n3A_239 = arith.select %lt3A_206, %get3A_236, %broadcast_in_dim3A_238 : vector<16xi1>, vector<16xf32>
      %swap3A_240 = arith.constant 576 : index
      %swap3A_241 = tpu.vector_load %arg12[%swap3A_240] {strides = array<i32>} : memref<1024xf32, #tpu.memory_space<vmem>>, vector<16xf32>,
      tpu.vector_store %arg12[%swap3A_240], %select_n3A_239 {strides = array<i32>} : memref<1024xf32, #tpu.memory_space<vmem>>, vector<16xf32>,
      %get3A_242 = arith.constant 832 : index
      %get3A_243 = tpu.vector_load %arg12[%get3A_242] {strides = array<i32>} : memref<1024xf32, #tpu.memory_space<vmem>>, vector<16xf32>,
      %jit3A_244 = arith.constant 0.000000e+00 : f32
      %broadcast_in_dim3A_245 = vector.broadcast %jit3A_244 : f32 to vector<16xf32>
      %select_n3A_246 = arith.select %lt3A_206, %get3A_243, %broadcast_in_dim3A_245 : vector<16xi1>, vector<16xf32>
      %swap3A_247 = arith.constant 832 : index
      %swap3A_248 = tpu.vector_load %arg12[%swap3A_247] {strides = array<i32>} : memref<1024xf32, #tpu.memory_space<vmem>>, vector<16xf32>,
      tpu.vector_store %arg12[%swap3A_247], %select_n3A_246 {strides = array<i32>} : memref<1024xf32, #tpu.memory_space<vmem>>, vector<16xf32>,
      %add3A_249 = arith.constant 80 : i32
      %add3A_250 = vector.broadcast %add3A_249 : i32 to vector<16xi32>
      %add3A_251 = arith.addi %iota3A, %add3A_250 : vector<16xi32>
      %lt3A_252 = vector.broadcast %scan3A_13 : i32 to vector<16xi32>
      %lt3A_253 = arith.cmpi slt, %add3A_251, %lt3A_252 : vector<16xi32>
      %get3A_254 = arith.constant 80 : index
      %get3A_255 = tpu.vector_load %arg10[%get3A_254] {strides = array<i32>} : memref<256xi32, #tpu.memory_space<vmem>>, vector<16xi32>,
      %jit3A_256 = arith.constant 0 : i32
      %broadcast_in_dim3A_257 = vector.broadcast %jit3A_256 : i32 to vector<16xi32>
      %select_n3A_258 = arith.select %lt3A_253, %get3A_255, %broadcast_in_dim3A_257 : vector<16xi1>, vector<16xi32>
      %swap3A_259 = arith.constant 80 : index
      %swap3A_260 = tpu.vector_load %arg10[%swap3A_259] {strides = array<i32>} : memref<256xi32, #tpu.memory_space<vmem>>, vector<16xi32>,
      tpu.vector_store %arg10[%swap3A_259], %select_n3A_258 {strides = array<i32>} : memref<256xi32, #tpu.memory_space<vmem>>, vector<16xi32>,
      %get3A_261 = arith.constant 80 : index
      %get3A_262 = tpu.vector_load %arg11[%get3A_261] {strides = array<i32>} : memref<256xi32, #tpu.memory_space<vmem>>, vector<16xi32>,
      %jit3A_263 = arith.constant 320 : i32
      %broadcast_in_dim3A_264 = vector.broadcast %jit3A_263 : i32 to vector<16xi32>
      %select_n3A_265 = arith.select %lt3A_253, %get3A_262, %broadcast_in_dim3A_264 : vector<16xi1>, vector<16xi32>
      %swap3A_266 = arith.constant 80 : index
      %swap3A_267 = tpu.vector_load %arg11[%swap3A_266] {strides = array<i32>} : memref<256xi32, #tpu.memory_space<vmem>>, vector<16xi32>,
      tpu.vector_store %arg11[%swap3A_266], %select_n3A_265 {strides = array<i32>} : memref<256xi32, #tpu.memory_space<vmem>>, vector<16xi32>,
      %get3A_268 = arith.constant 80 : index
      %get3A_269 = tpu.vector_load %arg12[%get3A_268] {strides = array<i32>} : memref<1024xf32, #tpu.memory_space<vmem>>, vector<16xf32>,
      %jit3A_270 = arith.constant 0.000000e+00 : f32
      %broadcast_in_dim3A_271 = vector.broadcast %jit3A_270 : f32 to vector<16xf32>
      %select_n3A_272 = arith.select %lt3A_253, %get3A_269, %broadcast_in_dim3A_271 : vector<16xi1>, vector<16xf32>
      %swap3A_273 = arith.constant 80 : index
      %swap3A_274 = tpu.vector_load %arg12[%swap3A_273] {strides = array<i32>} : memref<1024xf32, #tpu.memory_space<vmem>>, vector<16xf32>,
      tpu.vector_store %arg12[%swap3A_273], %select_n3A_272 {strides = array<i32>} : memref<1024xf32, #tpu.memory_space<vmem>>, vector<16xf32>,
      %get3A_275 = arith.constant 336 : index
      %get3A_276 = tpu.vector_load %arg12[%get3A_275] {strides = array<i32>} : memref<1024xf32, #tpu.memory_space<vmem>>, vector<16xf32>,
      %jit3A_277 = arith.constant 0.000000e+00 : f32
      %broadcast_in_dim3A_278 = vector.broadcast %jit3A_277 : f32 to vector<16xf32>
      %select_n3A_279 = arith.select %lt3A_253, %get3A_276, %broadcast_in_dim3A_278 : vector<16xi1>, vector<16xf32>
      %swap3A_280 = arith.constant 336 : index
      %swap3A_281 = tpu.vector_load %arg12[%swap3A_280] {strides = array<i32>} : memref<1024xf32, #tpu.memory_space<vmem>>, vector<16xf32>,
      tpu.vector_store %arg12[%swap3A_280], %select_n3A_279 {strides = array<i32>} : memref<1024xf32, #tpu.memory_space<vmem>>, vector<16xf32>,
      %get3A_282 = arith.constant 592 : index
      %get3A_283 = tpu.vector_load %arg12[%get3A_282] {strides = array<i32>} : memref<1024xf32, #tpu.memory_space<vmem>>, vector<16xf32>,
      %jit3A_284 = arith.constant 0.000000e+00 : f32
      %broadcast_in_dim3A_285 = vector.broadcast %jit3A_284 : f32 to vector<16xf32>
      %select_n3A_286 = arith.select %lt3A_253, %get3A_283, %broadcast_in_dim3A_285 : vector<16xi1>, vector<16xf32>
      %swap3A_287 = arith.constant 592 : index
      %swap3A_288 = tpu.vector_load %arg12[%swap3A_287] {strides = array<i32>} : memref<1024xf32, #tpu.memory_space<vmem>>, vector<16xf32>,
      tpu.vector_store %arg12[%swap3A_287], %select_n3A_286 {strides = array<i32>} : memref<1024xf32, #tpu.memory_space<vmem>>, vector<16xf32>,
      %get3A_289 = arith.constant 848 : index
      %get3A_290 = tpu.vector_load %arg12[%get3A_289] {strides = array<i32>} : memref<1024xf32, #tpu.memory_space<vmem>>, vector<16xf32>,
      %jit3A_291 = arith.constant 0.000000e+00 : f32
      %broadcast_in_dim3A_292 = vector.broadcast %jit3A_291 : f32 to vector<16xf32>
      %select_n3A_293 = arith.select %lt3A_253, %get3A_290, %broadcast_in_dim3A_292 : vector<16xi1>, vector<16xf32>
      %swap3A_294 = arith.constant 848 : index
      %swap3A_295 = tpu.vector_load %arg12[%swap3A_294] {strides = array<i32>} : memref<1024xf32, #tpu.memory_space<vmem>>, vector<16xf32>,
      tpu.vector_store %arg12[%swap3A_294], %select_n3A_293 {strides = array<i32>} : memref<1024xf32, #tpu.memory_space<vmem>>, vector<16xf32>,
      %add3A_296 = arith.constant 96 : i32
      %add3A_297 = vector.broadcast %add3A_296 : i32 to vector<16xi32>
      %add3A_298 = arith.addi %iota3A, %add3A_297 : vector<16xi32>
      %lt3A_299 = vector.broadcast %scan3A_13 : i32 to vector<16xi32>
      %lt3A_300 = arith.cmpi slt, %add3A_298, %lt3A_299 : vector<16xi32>
      %get3A_301 = arith.constant 96 : index
      %get3A_302 = tpu.vector_load %arg10[%get3A_301] {strides = array<i32>} : memref<256xi32, #tpu.memory_space<vmem>>, vector<16xi32>,
      %jit3A_303 = arith.constant 0 : i32
      %broadcast_in_dim3A_304 = vector.broadcast %jit3A_303 : i32 to vector<16xi32>
      %select_n3A_305 = arith.select %lt3A_300, %get3A_302, %broadcast_in_dim3A_304 : vector<16xi1>, vector<16xi32>
      %swap3A_306 = arith.constant 96 : index
      %swap3A_307 = tpu.vector_load %arg10[%swap3A_306] {strides = array<i32>} : memref<256xi32, #tpu.memory_space<vmem>>, vector<16xi32>,
      tpu.vector_store %arg10[%swap3A_306], %select_n3A_305 {strides = array<i32>} : memref<256xi32, #tpu.memory_space<vmem>>, vector<16xi32>,
      %get3A_308 = arith.constant 96 : index
      %get3A_309 = tpu.vector_load %arg11[%get3A_308] {strides = array<i32>} : memref<256xi32, #tpu.memory_space<vmem>>, vector<16xi32>,
      %jit3A_310 = arith.constant 320 : i32
      %broadcast_in_dim3A_311 = vector.broadcast %jit3A_310 : i32 to vector<16xi32>
      %select_n3A_312 = arith.select %lt3A_300, %get3A_309, %broadcast_in_dim3A_311 : vector<16xi1>, vector<16xi32>
      %swap3A_313 = arith.constant 96 : index
      %swap3A_314 = tpu.vector_load %arg11[%swap3A_313] {strides = array<i32>} : memref<256xi32, #tpu.memory_space<vmem>>, vector<16xi32>,
      tpu.vector_store %arg11[%swap3A_313], %select_n3A_312 {strides = array<i32>} : memref<256xi32, #tpu.memory_space<vmem>>, vector<16xi32>,
      %get3A_315 = arith.constant 96 : index
      %get3A_316 = tpu.vector_load %arg12[%get3A_315] {strides = array<i32>} : memref<1024xf32, #tpu.memory_space<vmem>>, vector<16xf32>,
      %jit3A_317 = arith.constant 0.000000e+00 : f32
      %broadcast_in_dim3A_318 = vector.broadcast %jit3A_317 : f32 to vector<16xf32>
      %select_n3A_319 = arith.select %lt3A_300, %get3A_316, %broadcast_in_dim3A_318 : vector<16xi1>, vector<16xf32>
      %swap3A_320 = arith.constant 96 : index
      %swap3A_321 = tpu.vector_load %arg12[%swap3A_320] {strides = array<i32>} : memref<1024xf32, #tpu.memory_space<vmem>>, vector<16xf32>,
      tpu.vector_store %arg12[%swap3A_320], %select_n3A_319 {strides = array<i32>} : memref<1024xf32, #tpu.memory_space<vmem>>, vector<16xf32>,
      %get3A_322 = arith.constant 352 : index
      %get3A_323 = tpu.vector_load %arg12[%get3A_322] {strides = array<i32>} : memref<1024xf32, #tpu.memory_space<vmem>>, vector<16xf32>,
      %jit3A_324 = arith.constant 0.000000e+00 : f32
      %broadcast_in_dim3A_325 = vector.broadcast %jit3A_324 : f32 to vector<16xf32>
      %select_n3A_326 = arith.select %lt3A_300, %get3A_323, %broadcast_in_dim3A_325 : vector<16xi1>, vector<16xf32>
      %swap3A_327 = arith.constant 352 : index
      %swap3A_328 = tpu.vector_load %arg12[%swap3A_327] {strides = array<i32>} : memref<1024xf32, #tpu.memory_space<vmem>>, vector<16xf32>,
      tpu.vector_store %arg12[%swap3A_327], %select_n3A_326 {strides = array<i32>} : memref<1024xf32, #tpu.memory_space<vmem>>, vector<16xf32>,
      %get3A_329 = arith.constant 608 : index
      %get3A_330 = tpu.vector_load %arg12[%get3A_329] {strides = array<i32>} : memref<1024xf32, #tpu.memory_space<vmem>>, vector<16xf32>,
      %jit3A_331 = arith.constant 0.000000e+00 : f32
      %broadcast_in_dim3A_332 = vector.broadcast %jit3A_331 : f32 to vector<16xf32>
      %select_n3A_333 = arith.select %lt3A_300, %get3A_330, %broadcast_in_dim3A_332 : vector<16xi1>, vector<16xf32>
      %swap3A_334 = arith.constant 608 : index
      %swap3A_335 = tpu.vector_load %arg12[%swap3A_334] {strides = array<i32>} : memref<1024xf32, #tpu.memory_space<vmem>>, vector<16xf32>,
      tpu.vector_store %arg12[%swap3A_334], %select_n3A_333 {strides = array<i32>} : memref<1024xf32, #tpu.memory_space<vmem>>, vector<16xf32>,
      %get3A_336 = arith.constant 864 : index
      %get3A_337 = tpu.vector_load %arg12[%get3A_336] {strides = array<i32>} : memref<1024xf32, #tpu.memory_space<vmem>>, vector<16xf32>,
      %jit3A_338 = arith.constant 0.000000e+00 : f32
      %broadcast_in_dim3A_339 = vector.broadcast %jit3A_338 : f32 to vector<16xf32>
      %select_n3A_340 = arith.select %lt3A_300, %get3A_337, %broadcast_in_dim3A_339 : vector<16xi1>, vector<16xf32>
      %swap3A_341 = arith.constant 864 : index
      %swap3A_342 = tpu.vector_load %arg12[%swap3A_341] {strides = array<i32>} : memref<1024xf32, #tpu.memory_space<vmem>>, vector<16xf32>,
      tpu.vector_store %arg12[%swap3A_341], %select_n3A_340 {strides = array<i32>} : memref<1024xf32, #tpu.memory_space<vmem>>, vector<16xf32>,
      %add3A_343 = arith.constant 112 : i32
      %add3A_344 = vector.broadcast %add3A_343 : i32 to vector<16xi32>
      %add3A_345 = arith.addi %iota3A, %add3A_344 : vector<16xi32>
      %lt3A_346 = vector.broadcast %scan3A_13 : i32 to vector<16xi32>
      %lt3A_347 = arith.cmpi slt, %add3A_345, %lt3A_346 : vector<16xi32>
      %get3A_348 = arith.constant 112 : index
      %get3A_349 = tpu.vector_load %arg10[%get3A_348] {strides = array<i32>} : memref<256xi32, #tpu.memory_space<vmem>>, vector<16xi32>,
      %jit3A_350 = arith.constant 0 : i32
      %broadcast_in_dim3A_351 = vector.broadcast %jit3A_350 : i32 to vector<16xi32>
      %select_n3A_352 = arith.select %lt3A_347, %get3A_349, %broadcast_in_dim3A_351 : vector<16xi1>, vector<16xi32>
      %swap3A_353 = arith.constant 112 : index
      %swap3A_354 = tpu.vector_load %arg10[%swap3A_353] {strides = array<i32>} : memref<256xi32, #tpu.memory_space<vmem>>, vector<16xi32>,
      tpu.vector_store %arg10[%swap3A_353], %select_n3A_352 {strides = array<i32>} : memref<256xi32, #tpu.memory_space<vmem>>, vector<16xi32>,
      %get3A_355 = arith.constant 112 : index
      %get3A_356 = tpu.vector_load %arg11[%get3A_355] {strides = array<i32>} : memref<256xi32, #tpu.memory_space<vmem>>, vector<16xi32>,
      %jit3A_357 = arith.constant 320 : i32
      %broadcast_in_dim3A_358 = vector.broadcast %jit3A_357 : i32 to vector<16xi32>
      %select_n3A_359 = arith.select %lt3A_347, %get3A_356, %broadcast_in_dim3A_358 : vector<16xi1>, vector<16xi32>
      %swap3A_360 = arith.constant 112 : index
      %swap3A_361 = tpu.vector_load %arg11[%swap3A_360] {strides = array<i32>} : memref<256xi32, #tpu.memory_space<vmem>>, vector<16xi32>,
      tpu.vector_store %arg11[%swap3A_360], %select_n3A_359 {strides = array<i32>} : memref<256xi32, #tpu.memory_space<vmem>>, vector<16xi32>,
      %get3A_362 = arith.constant 112 : index
      %get3A_363 = tpu.vector_load %arg12[%get3A_362] {strides = array<i32>} : memref<1024xf32, #tpu.memory_space<vmem>>, vector<16xf32>,
      %jit3A_364 = arith.constant 0.000000e+00 : f32
      %broadcast_in_dim3A_365 = vector.broadcast %jit3A_364 : f32 to vector<16xf32>
      %select_n3A_366 = arith.select %lt3A_347, %get3A_363, %broadcast_in_dim3A_365 : vector<16xi1>, vector<16xf32>
      %swap3A_367 = arith.constant 112 : index
      %swap3A_368 = tpu.vector_load %arg12[%swap3A_367] {strides = array<i32>} : memref<1024xf32, #tpu.memory_space<vmem>>, vector<16xf32>,
      tpu.vector_store %arg12[%swap3A_367], %select_n3A_366 {strides = array<i32>} : memref<1024xf32, #tpu.memory_space<vmem>>, vector<16xf32>,
      %get3A_369 = arith.constant 368 : index
      %get3A_370 = tpu.vector_load %arg12[%get3A_369] {strides = array<i32>} : memref<1024xf32, #tpu.memory_space<vmem>>, vector<16xf32>,
      %jit3A_371 = arith.constant 0.000000e+00 : f32
      %broadcast_in_dim3A_372 = vector.broadcast %jit3A_371 : f32 to vector<16xf32>
      %select_n3A_373 = arith.select %lt3A_347, %get3A_370, %broadcast_in_dim3A_372 : vector<16xi1>, vector<16xf32>
      %swap3A_374 = arith.constant 368 : index
      %swap3A_375 = tpu.vector_load %arg12[%swap3A_374] {strides = array<i32>} : memref<1024xf32, #tpu.memory_space<vmem>>, vector<16xf32>,
      tpu.vector_store %arg12[%swap3A_374], %select_n3A_373 {strides = array<i32>} : memref<1024xf32, #tpu.memory_space<vmem>>, vector<16xf32>,
      %get3A_376 = arith.constant 624 : index
      %get3A_377 = tpu.vector_load %arg12[%get3A_376] {strides = array<i32>} : memref<1024xf32, #tpu.memory_space<vmem>>, vector<16xf32>,
      %jit3A_378 = arith.constant 0.000000e+00 : f32
      %broadcast_in_dim3A_379 = vector.broadcast %jit3A_378 : f32 to vector<16xf32>
      %select_n3A_380 = arith.select %lt3A_347, %get3A_377, %broadcast_in_dim3A_379 : vector<16xi1>, vector<16xf32>
      %swap3A_381 = arith.constant 624 : index
      %swap3A_382 = tpu.vector_load %arg12[%swap3A_381] {strides = array<i32>} : memref<1024xf32, #tpu.memory_space<vmem>>, vector<16xf32>,
      tpu.vector_store %arg12[%swap3A_381], %select_n3A_380 {strides = array<i32>} : memref<1024xf32, #tpu.memory_space<vmem>>, vector<16xf32>,
      %get3A_383 = arith.constant 880 : index
      %get3A_384 = tpu.vector_load %arg12[%get3A_383] {strides = array<i32>} : memref<1024xf32, #tpu.memory_space<vmem>>, vector<16xf32>,
      %jit3A_385 = arith.constant 0.000000e+00 : f32
      %broadcast_in_dim3A_386 = vector.broadcast %jit3A_385 : f32 to vector<16xf32>
      %select_n3A_387 = arith.select %lt3A_347, %get3A_384, %broadcast_in_dim3A_386 : vector<16xi1>, vector<16xf32>
      %swap3A_388 = arith.constant 880 : index
      %swap3A_389 = tpu.vector_load %arg12[%swap3A_388] {strides = array<i32>} : memref<1024xf32, #tpu.memory_space<vmem>>, vector<16xf32>,
      tpu.vector_store %arg12[%swap3A_388], %select_n3A_387 {strides = array<i32>} : memref<1024xf32, #tpu.memory_space<vmem>>, vector<16xf32>,
      %dma_start3A = arith.constant 0 : i32
      %dma_start3A_390 = tpu.memref_slice %arg10[%dma_start3A] : memref<256xi32, #tpu.memory_space<vmem>> -> memref<128xi32, #tpu.memory_space<vmem>>
      %dma_start3A_391 = arith.constant 0 : i32
      %dma_start3A_392 = arith.constant 0 : i32
      %dma_start3A_393 = tpu.memref_slice %arg2[%dma_start3A_391, %dma_start3A_392] : memref<10000x384xf32, #tpu.memory_space<hbm>> -> memref<10000x384xf32, #tpu.memory_space<hbm>>
      tpu.enqueue_indirect_dma source(%dma_start3A_393 : memref<10000x384xf32, #tpu.memory_space<hbm>>) target(%arg13 : memref<128x384xf32, #tpu.memory_space<vmem>>) offsets(%dma_start3A_390 : memref<128xi32, #tpu.memory_space<vmem>>) semaphore(%arg15 : memref<!tpu.dma_semaphore, #tpu.memory_space<semaphore_mem>>)
      %dma_wait3A = arith.constant 0 : i32
      %dma_wait3A_394 = tpu.memref_slice %arg10[%dma_wait3A] : memref<256xi32, #tpu.memory_space<vmem>> -> memref<128xi32, #tpu.memory_space<vmem>>
      %dma_wait3A_395 = arith.constant 0 : i32
      %dma_wait3A_396 = arith.constant 0 : i32
      %dma_wait3A_397 = tpu.memref_slice %arg2[%dma_wait3A_395, %dma_wait3A_396] : memref<10000x384xf32, #tpu.memory_space<hbm>> -> memref<10000x384xf32, #tpu.memory_space<hbm>>
      tpu.wait_indirect_dma semaphore(%arg15 : memref<!tpu.dma_semaphore, #tpu.memory_space<semaphore_mem>>) src(%dma_wait3A_397 : memref<10000x384xf32, #tpu.memory_space<hbm>>) dst(%arg13 : memref<128x384xf32, #tpu.memory_space<vmem>>)
      %scan3A_398 = arith.constant 0 : i32
      %scan3A_399 = arith.constant 128 : i32
      %scan3A_400 = arith.addi %scan3A_398, %scan3A_399 : i32
      %scan3A_401 = arith.constant 1 : i32
      scf.for %scan3A_427 = %scan3A_398 to %scan3A_400 step %scan3A_401  : i32 {
        %mul3A_428 = arith.constant 1 : i32
        %mul3A_429 = arith.muli %scan3A_427, %mul3A_428 : i32
        %add3A_430 = arith.constant 0 : i32
        %add3A_431 = arith.addi %add3A_430, %mul3A_429 : i32
        %jit3A_432 = arith.constant 16 : i32
        %div3A = arith.divsi %add3A_431, %jit3A_432 : i32
        %sign3A = arith.constant 0 : i32
        %sign3A_433 = arith.cmpi sgt, %add3A_431, %sign3A : i32
        %sign3A_434 = arith.extui %sign3A_433 : i1 to i32
        %sign3A_435 = arith.constant 0 : i32
        %sign3A_436 = arith.cmpi slt, %add3A_431, %sign3A_435 : i32
        %sign3A_437 = arith.extui %sign3A_436 : i1 to i32
        %sign3A_438 = arith.subi %sign3A_434, %sign3A_437 : i32
        %sign3A_439 = arith.constant 0 : i32
        %sign3A_440 = arith.cmpi sgt, %jit3A_432, %sign3A_439 : i32
        %sign3A_441 = arith.extui %sign3A_440 : i1 to i32
        %sign3A_442 = arith.constant 0 : i32
        %sign3A_443 = arith.cmpi slt, %jit3A_432, %sign3A_442 : i32
        %sign3A_444 = arith.extui %sign3A_443 : i1 to i32
        %sign3A_445 = arith.subi %sign3A_441, %sign3A_444 : i32
        %ne3A = arith.cmpi ne, %sign3A_438, %sign3A_445 : i32
        %rem3A = arith.remsi %add3A_431, %jit3A_432 : i32
        %ne3A_446 = arith.constant 0 : i32
        %ne3A_447 = arith.cmpi ne, %rem3A, %ne3A_446 : i32
        %and3A = arith.andi %ne3A, %ne3A_447 : i1
        %sub3A = arith.constant 1 : i32
        %sub3A_448 = arith.subi %div3A, %sub3A : i32
        %select_n3A_449 = arith.select %and3A, %sub3A_448, %div3A : i32
        %mul3A_450 = arith.constant 16 : i32
        %mul3A_451 = arith.muli %select_n3A_449, %mul3A_450 : i32
        %sub3A_452 = arith.subi %add3A_431, %mul3A_451 : i32
        %broadcast_in_dim3A_453 = vector.broadcast %sub3A_452 : i32 to vector<16xi32>
        %get3A_454 = arith.index_cast %mul3A_451 : i32 to index
        %get3A_455 = tpu.vector_load %arg11[%get3A_454] {strides = array<i32>} : memref<256xi32, #tpu.memory_space<vmem>>, vector<16xi32>,
        %broadcast_in_dim3A_456 = vector.shape_cast %broadcast_in_dim3A_453 : vector<16xi32> to vector<16x1xi32>
        %gather3A = vector.shape_cast %broadcast_in_dim3A_456 : vector<16x1xi32> to vector<16xi32>
        %gather3A_457 = tpu.dynamic_gather %get3A_455[%gather3A] in [0] : vector<16xi32>, vector<16xi32> -> vector<16xi32>
        %add3A_458 = arith.constant 0 : i32
        %add3A_459 = arith.addi %add3A_458, %mul3A_451 : i32
        %get3A_460 = arith.index_cast %add3A_459 : i32 to index
        %get3A_461 = tpu.vector_load %arg12[%get3A_460] {strides = array<i32>} : memref<1024xf32, #tpu.memory_space<vmem>>, vector<16xf32>,
        %broadcast_in_dim3A_462 = vector.shape_cast %broadcast_in_dim3A_453 : vector<16xi32> to vector<16x1xi32>
        %gather3A_463 = vector.shape_cast %broadcast_in_dim3A_462 : vector<16x1xi32> to vector<16xi32>
        %gather3A_464 = tpu.dynamic_gather %get3A_461[%gather3A_463] in [0] : vector<16xf32>, vector<16xi32> -> vector<16xf32>
        %add3A_465 = arith.constant 256 : i32
        %add3A_466 = arith.addi %add3A_465, %mul3A_451 : i32
        %get3A_467 = arith.index_cast %add3A_466 : i32 to index
        %get3A_468 = tpu.vector_load %arg12[%get3A_467] {strides = array<i32>} : memref<1024xf32, #tpu.memory_space<vmem>>, vector<16xf32>,
        %broadcast_in_dim3A_469 = vector.shape_cast %broadcast_in_dim3A_453 : vector<16xi32> to vector<16x1xi32>
        %gather3A_470 = vector.shape_cast %broadcast_in_dim3A_469 : vector<16x1xi32> to vector<16xi32>
        %gather3A_471 = tpu.dynamic_gather %get3A_468[%gather3A_470] in [0] : vector<16xf32>, vector<16xi32> -> vector<16xf32>
        %add3A_472 = arith.constant 512 : i32
        %add3A_473 = arith.addi %add3A_472, %mul3A_451 : i32
        %get3A_474 = arith.index_cast %add3A_473 : i32 to index
        %get3A_475 = tpu.vector_load %arg12[%get3A_474] {strides = array<i32>} : memref<1024xf32, #tpu.memory_space<vmem>>, vector<16xf32>,
        %broadcast_in_dim3A_476 = vector.shape_cast %broadcast_in_dim3A_453 : vector<16xi32> to vector<16x1xi32>
        %gather3A_477 = vector.shape_cast %broadcast_in_dim3A_476 : vector<16x1xi32> to vector<16xi32>
        %gather3A_478 = tpu.dynamic_gather %get3A_475[%gather3A_477] in [0] : vector<16xf32>, vector<16xi32> -> vector<16xf32>
        %add3A_479 = arith.constant 768 : i32
        %add3A_480 = arith.addi %add3A_479, %mul3A_451 : i32
        %get3A_481 = arith.index_cast %add3A_480 : i32 to index
        %get3A_482 = tpu.vector_load %arg12[%get3A_481] {strides = array<i32>} : memref<1024xf32, #tpu.memory_space<vmem>>, vector<16xf32>,
        %broadcast_in_dim3A_483 = vector.shape_cast %broadcast_in_dim3A_453 : vector<16xi32> to vector<16x1xi32>
        %gather3A_484 = vector.shape_cast %broadcast_in_dim3A_483 : vector<16x1xi32> to vector<16xi32>
        %gather3A_485 = tpu.dynamic_gather %get3A_482[%gather3A_484] in [0] : vector<16xf32>, vector<16xi32> -> vector<16xf32>
        %get3A_486 = arith.index_cast %add3A_431 : i32 to index
        %get3A_487 = arith.constant 320 : index
        %get3A_488 = tpu.vector_load %arg13[%get3A_486, %get3A_487] {strides = array<i32>} : memref<128x384xf32, #tpu.memory_space<vmem>>, vector<16xf32>,
        %get3A_489 = arith.index_cast %add3A_431 : i32 to index
        %get3A_490 = arith.constant 64 : index
        %get3A_491 = tpu.vector_load %arg13[%get3A_489, %get3A_490] {strides = array<i32>} : memref<128x384xf32, #tpu.memory_space<vmem>>, vector<16xf32>,
        %mul3A_492 = arith.mulf %gather3A_464, %get3A_491 : vector<16xf32>
        %add3A_493 = arith.addf %get3A_488, %mul3A_492 : vector<16xf32>
        %get3A_494 = arith.index_cast %add3A_431 : i32 to index
        %get3A_495 = arith.constant 128 : index
        %get3A_496 = tpu.vector_load %arg13[%get3A_494, %get3A_495] {strides = array<i32>} : memref<128x384xf32, #tpu.memory_space<vmem>>, vector<16xf32>,
        %mul3A_497 = arith.mulf %gather3A_471, %get3A_496 : vector<16xf32>
        %add3A_498 = arith.addf %add3A_493, %mul3A_497 : vector<16xf32>
        %get3A_499 = arith.index_cast %add3A_431 : i32 to index
        %get3A_500 = arith.constant 192 : index
        %get3A_501 = tpu.vector_load %arg13[%get3A_499, %get3A_500] {strides = array<i32>} : memref<128x384xf32, #tpu.memory_space<vmem>>, vector<16xf32>,
        %mul3A_502 = arith.mulf %gather3A_478, %get3A_501 : vector<16xf32>
        %add3A_503 = arith.addf %add3A_498, %mul3A_502 : vector<16xf32>
        %get3A_504 = arith.index_cast %add3A_431 : i32 to index
        %get3A_505 = arith.constant 256 : index
        %get3A_506 = tpu.vector_load %arg13[%get3A_504, %get3A_505] {strides = array<i32>} : memref<128x384xf32, #tpu.memory_space<vmem>>, vector<16xf32>,
        %mul3A_507 = arith.mulf %gather3A_485, %get3A_506 : vector<16xf32>
        %add3A_508 = arith.addf %add3A_503, %mul3A_507 : vector<16xf32>
        %mul3A_509 = arith.constant 128 : i32
        %mul3A_510 = vector.broadcast %mul3A_509 : i32 to vector<16xi32>
        %mul3A_511 = arith.muli %gather3A_457, %mul3A_510 : vector<16xi32>
        %add3A_512 = arith.constant 64 : i32
        %add3A_513 = vector.broadcast %add3A_512 : i32 to vector<16xi32>
        %add3A_514 = arith.addi %iota3A, %add3A_513 : vector<16xi32>
        %add3A_515 = arith.addi %mul3A_511, %add3A_514 : vector<16xi32>
        tpu.vector_store_idx %arg14[%add3A_515], %add3A_508 {add = true} : memref<41088xf32, #tpu.memory_space<vmem>>[vector<16xi32>], vector<16xf32>,
        %get3A_516 = arith.index_cast %add3A_431 : i32 to index
        %get3A_517 = arith.constant 336 : index
        %get3A_518 = tpu.vector_load %arg13[%get3A_516, %get3A_517] {strides = array<i32>} : memref<128x384xf32, #tpu.memory_space<vmem>>, vector<16xf32>,
        %get3A_519 = arith.index_cast %add3A_431 : i32 to index
        %get3A_520 = arith.constant 80 : index
        %get3A_521 = tpu.vector_load %arg13[%get3A_519, %get3A_520] {strides = array<i32>} : memref<128x384xf32, #tpu.memory_space<vmem>>, vector<16xf32>,
        %mul3A_522 = arith.mulf %gather3A_464, %get3A_521 : vector<16xf32>
        %add3A_523 = arith.addf %get3A_518, %mul3A_522 : vector<16xf32>
        %get3A_524 = arith.index_cast %add3A_431 : i32 to index
        %get3A_525 = arith.constant 144 : index
        %get3A_526 = tpu.vector_load %arg13[%get3A_524, %get3A_525] {strides = array<i32>} : memref<128x384xf32, #tpu.memory_space<vmem>>, vector<16xf32>,
        %mul3A_527 = arith.mulf %gather3A_471, %get3A_526 : vector<16xf32>
        %add3A_528 = arith.addf %add3A_523, %mul3A_527 : vector<16xf32>
        %get3A_529 = arith.index_cast %add3A_431 : i32 to index
        %get3A_530 = arith.constant 208 : index
        %get3A_531 = tpu.vector_load %arg13[%get3A_529, %get3A_530] {strides = array<i32>} : memref<128x384xf32, #tpu.memory_space<vmem>>, vector<16xf32>,
        %mul3A_532 = arith.mulf %gather3A_478, %get3A_531 : vector<16xf32>
        %add3A_533 = arith.addf %add3A_528, %mul3A_532 : vector<16xf32>
        %get3A_534 = arith.index_cast %add3A_431 : i32 to index
        %get3A_535 = arith.constant 272 : index
        %get3A_536 = tpu.vector_load %arg13[%get3A_534, %get3A_535] {strides = array<i32>} : memref<128x384xf32, #tpu.memory_space<vmem>>, vector<16xf32>,
        %mul3A_537 = arith.mulf %gather3A_485, %get3A_536 : vector<16xf32>
        %add3A_538 = arith.addf %add3A_533, %mul3A_537 : vector<16xf32>
        %mul3A_539 = arith.constant 128 : i32
        %mul3A_540 = vector.broadcast %mul3A_539 : i32 to vector<16xi32>
        %mul3A_541 = arith.muli %gather3A_457, %mul3A_540 : vector<16xi32>
        %add3A_542 = arith.constant 80 : i32
        %add3A_543 = vector.broadcast %add3A_542 : i32 to vector<16xi32>
        %add3A_544 = arith.addi %iota3A, %add3A_543 : vector<16xi32>
        %add3A_545 = arith.addi %mul3A_541, %add3A_544 : vector<16xi32>
        tpu.vector_store_idx %arg14[%add3A_545], %add3A_538 {add = true} : memref<41088xf32, #tpu.memory_space<vmem>>[vector<16xi32>], vector<16xf32>,
        %get3A_546 = arith.index_cast %add3A_431 : i32 to index
        %get3A_547 = arith.constant 352 : index
        %get3A_548 = tpu.vector_load %arg13[%get3A_546, %get3A_547] {strides = array<i32>} : memref<128x384xf32, #tpu.memory_space<vmem>>, vector<16xf32>,
        %get3A_549 = arith.index_cast %add3A_431 : i32 to index
        %get3A_550 = arith.constant 96 : index
        %get3A_551 = tpu.vector_load %arg13[%get3A_549, %get3A_550] {strides = array<i32>} : memref<128x384xf32, #tpu.memory_space<vmem>>, vector<16xf32>,
        %mul3A_552 = arith.mulf %gather3A_464, %get3A_551 : vector<16xf32>
        %add3A_553 = arith.addf %get3A_548, %mul3A_552 : vector<16xf32>
        %get3A_554 = arith.index_cast %add3A_431 : i32 to index
        %get3A_555 = arith.constant 160 : index
        %get3A_556 = tpu.vector_load %arg13[%get3A_554, %get3A_555] {strides = array<i32>} : memref<128x384xf32, #tpu.memory_space<vmem>>, vector<16xf32>,
        %mul3A_557 = arith.mulf %gather3A_471, %get3A_556 : vector<16xf32>
        %add3A_558 = arith.addf %add3A_553, %mul3A_557 : vector<16xf32>
        %get3A_559 = arith.index_cast %add3A_431 : i32 to index
        %get3A_560 = arith.constant 224 : index
        %get3A_561 = tpu.vector_load %arg13[%get3A_559, %get3A_560] {strides = array<i32>} : memref<128x384xf32, #tpu.memory_space<vmem>>, vector<16xf32>,
        %mul3A_562 = arith.mulf %gather3A_478, %get3A_561 : vector<16xf32>
        %add3A_563 = arith.addf %add3A_558, %mul3A_562 : vector<16xf32>
        %get3A_564 = arith.index_cast %add3A_431 : i32 to index
        %get3A_565 = arith.constant 288 : index
        %get3A_566 = tpu.vector_load %arg13[%get3A_564, %get3A_565] {strides = array<i32>} : memref<128x384xf32, #tpu.memory_space<vmem>>, vector<16xf32>,
        %mul3A_567 = arith.mulf %gather3A_485, %get3A_566 : vector<16xf32>
        %add3A_568 = arith.addf %add3A_563, %mul3A_567 : vector<16xf32>
        %mul3A_569 = arith.constant 128 : i32
        %mul3A_570 = vector.broadcast %mul3A_569 : i32 to vector<16xi32>
        %mul3A_571 = arith.muli %gather3A_457, %mul3A_570 : vector<16xi32>
        %add3A_572 = arith.constant 96 : i32
        %add3A_573 = vector.broadcast %add3A_572 : i32 to vector<16xi32>
        %add3A_574 = arith.addi %iota3A, %add3A_573 : vector<16xi32>
        %add3A_575 = arith.addi %mul3A_571, %add3A_574 : vector<16xi32>
        tpu.vector_store_idx %arg14[%add3A_575], %add3A_568 {add = true} : memref<41088xf32, #tpu.memory_space<vmem>>[vector<16xi32>], vector<16xf32>,
        %get3A_576 = arith.index_cast %add3A_431 : i32 to index
        %get3A_577 = arith.constant 368 : index
        %get3A_578 = tpu.vector_load %arg13[%get3A_576, %get3A_577] {strides = array<i32>} : memref<128x384xf32, #tpu.memory_space<vmem>>, vector<16xf32>,
        %get3A_579 = arith.index_cast %add3A_431 : i32 to index
        %get3A_580 = arith.constant 112 : index
        %get3A_581 = tpu.vector_load %arg13[%get3A_579, %get3A_580] {strides = array<i32>} : memref<128x384xf32, #tpu.memory_space<vmem>>, vector<16xf32>,
        %mul3A_582 = arith.mulf %gather3A_464, %get3A_581 : vector<16xf32>
        %add3A_583 = arith.addf %get3A_578, %mul3A_582 : vector<16xf32>
        %get3A_584 = arith.index_cast %add3A_431 : i32 to index
        %get3A_585 = arith.constant 176 : index
        %get3A_586 = tpu.vector_load %arg13[%get3A_584, %get3A_585] {strides = array<i32>} : memref<128x384xf32, #tpu.memory_space<vmem>>, vector<16xf32>,
        %mul3A_587 = arith.mulf %gather3A_471, %get3A_586 : vector<16xf32>
        %add3A_588 = arith.addf %add3A_583, %mul3A_587 : vector<16xf32>
        %get3A_589 = arith.index_cast %add3A_431 : i32 to index
        %get3A_590 = arith.constant 240 : index
        %get3A_591 = tpu.vector_load %arg13[%get3A_589, %get3A_590] {strides = array<i32>} : memref<128x384xf32, #tpu.memory_space<vmem>>, vector<16xf32>,
        %mul3A_592 = arith.mulf %gather3A_478, %get3A_591 : vector<16xf32>
        %add3A_593 = arith.addf %add3A_588, %mul3A_592 : vector<16xf32>
        %get3A_594 = arith.index_cast %add3A_431 : i32 to index
        %get3A_595 = arith.constant 304 : index
        %get3A_596 = tpu.vector_load %arg13[%get3A_594, %get3A_595] {strides = array<i32>} : memref<128x384xf32, #tpu.memory_space<vmem>>, vector<16xf32>,
        %mul3A_597 = arith.mulf %gather3A_485, %get3A_596 : vector<16xf32>
        %add3A_598 = arith.addf %add3A_593, %mul3A_597 : vector<16xf32>
        %mul3A_599 = arith.constant 128 : i32
        %mul3A_600 = vector.broadcast %mul3A_599 : i32 to vector<16xi32>
        %mul3A_601 = arith.muli %gather3A_457, %mul3A_600 : vector<16xi32>
        %add3A_602 = arith.constant 112 : i32
        %add3A_603 = vector.broadcast %add3A_602 : i32 to vector<16xi32>
        %add3A_604 = arith.addi %iota3A, %add3A_603 : vector<16xi32>
        %add3A_605 = arith.addi %mul3A_601, %add3A_604 : vector<16xi32>
        tpu.vector_store_idx %arg14[%add3A_605], %add3A_598 {add = true} : memref<41088xf32, #tpu.memory_space<vmem>>[vector<16xi32>], vector<16xf32>,
        %mul3A_606 = arith.constant 128 : i32
        %mul3A_607 = vector.broadcast %mul3A_606 : i32 to vector<16xi32>
        %mul3A_608 = arith.muli %gather3A_457, %mul3A_607 : vector<16xi32>
        %add3A_609 = arith.constant 0 : i32
        %add3A_610 = vector.broadcast %add3A_609 : i32 to vector<16xi32>
        %add3A_611 = arith.addi %iota3A, %add3A_610 : vector<16xi32>
        %add3A_612 = arith.addi %mul3A_608, %add3A_611 : vector<16xi32>
        %get3A_613 = arith.index_cast %add3A_431 : i32 to index
        %get3A_614 = arith.constant 0 : index
        %get3A_615 = tpu.vector_load %arg13[%get3A_613, %get3A_614] {strides = array<i32>} : memref<128x384xf32, #tpu.memory_space<vmem>>, vector<16xf32>,
        tpu.vector_store_idx %arg14[%add3A_612], %get3A_615 {add = true} : memref<41088xf32, #tpu.memory_space<vmem>>[vector<16xi32>], vector<16xf32>,
        %mul3A_616 = arith.constant 128 : i32
        %mul3A_617 = vector.broadcast %mul3A_616 : i32 to vector<16xi32>
        %mul3A_618 = arith.muli %gather3A_457, %mul3A_617 : vector<16xi32>
        %add3A_619 = arith.constant 16 : i32
        %add3A_620 = vector.broadcast %add3A_619 : i32 to vector<16xi32>
        %add3A_621 = arith.addi %iota3A, %add3A_620 : vector<16xi32>
        %add3A_622 = arith.addi %mul3A_618, %add3A_621 : vector<16xi32>
        %get3A_623 = arith.index_cast %add3A_431 : i32 to index
        %get3A_624 = arith.constant 16 : index
        %get3A_625 = tpu.vector_load %arg13[%get3A_623, %get3A_624] {strides = array<i32>} : memref<128x384xf32, #tpu.memory_space<vmem>>, vector<16xf32>,
        tpu.vector_store_idx %arg14[%add3A_622], %get3A_625 {add = true} : memref<41088xf32, #tpu.memory_space<vmem>>[vector<16xi32>], vector<16xf32>,
        %mul3A_626 = arith.constant 128 : i32
        %mul3A_627 = vector.broadcast %mul3A_626 : i32 to vector<16xi32>
        %mul3A_628 = arith.muli %gather3A_457, %mul3A_627 : vector<16xi32>
        %add3A_629 = arith.constant 32 : i32
        %add3A_630 = vector.broadcast %add3A_629 : i32 to vector<16xi32>
        %add3A_631 = arith.addi %iota3A, %add3A_630 : vector<16xi32>
        %add3A_632 = arith.addi %mul3A_628, %add3A_631 : vector<16xi32>
        %get3A_633 = arith.index_cast %add3A_431 : i32 to index
        %get3A_634 = arith.constant 32 : index
        %get3A_635 = tpu.vector_load %arg13[%get3A_633, %get3A_634] {strides = array<i32>} : memref<128x384xf32, #tpu.memory_space<vmem>>, vector<16xf32>,
        tpu.vector_store_idx %arg14[%add3A_632], %get3A_635 {add = true} : memref<41088xf32, #tpu.memory_space<vmem>>[vector<16xi32>], vector<16xf32>,
        %mul3A_636 = arith.constant 128 : i32
        %mul3A_637 = vector.broadcast %mul3A_636 : i32 to vector<16xi32>
        %mul3A_638 = arith.muli %gather3A_457, %mul3A_637 : vector<16xi32>
        %add3A_639 = arith.constant 48 : i32
        %add3A_640 = vector.broadcast %add3A_639 : i32 to vector<16xi32>
        %add3A_641 = arith.addi %iota3A, %add3A_640 : vector<16xi32>
        %add3A_642 = arith.addi %mul3A_638, %add3A_641 : vector<16xi32>
        %get3A_643 = arith.index_cast %add3A_431 : i32 to index
        %get3A_644 = arith.constant 48 : index
        %get3A_645 = tpu.vector_load %arg13[%get3A_643, %get3A_644] {strides = array<i32>} : memref<128x384xf32, #tpu.memory_space<vmem>>, vector<16xf32>,
        tpu.vector_store_idx %arg14[%add3A_642], %get3A_645 {add = true} : memref<41088xf32, #tpu.memory_space<vmem>>[vector<16xi32>], vector<16xf32>,
      }
      %scan3A_402 = arith.constant 128 : i32
      %get3A_403 = arith.constant 128 : index
      %get3A_404 = tpu.vector_load %arg10[%get3A_403] {strides = array<i32>} : memref<256xi32, #tpu.memory_space<vmem>>, vector<16xi32>,
      %swap3A_405 = arith.constant 0 : index
      %swap3A_406 = tpu.vector_load %arg10[%swap3A_405] {strides = array<i32>} : memref<256xi32, #tpu.memory_space<vmem>>, vector<16xi32>,
      tpu.vector_store %arg10[%swap3A_405], %get3A_404 {strides = array<i32>} : memref<256xi32, #tpu.memory_space<vmem>>, vector<16xi32>,
      %get3A_407 = arith.constant 128 : index
      %get3A_408 = tpu.vector_load %arg11[%get3A_407] {strides = array<i32>} : memref<256xi32, #tpu.memory_space<vmem>>, vector<16xi32>,
      %swap3A_409 = arith.constant 0 : index
      %swap3A_410 = tpu.vector_load %arg11[%swap3A_409] {strides = array<i32>} : memref<256xi32, #tpu.memory_space<vmem>>, vector<16xi32>,
      tpu.vector_store %arg11[%swap3A_409], %get3A_408 {strides = array<i32>} : memref<256xi32, #tpu.memory_space<vmem>>, vector<16xi32>,
      %get3A_411 = arith.constant 128 : index
      %get3A_412 = tpu.vector_load %arg12[%get3A_411] {strides = array<i32>} : memref<1024xf32, #tpu.memory_space<vmem>>, vector<16xf32>,
      %swap3A_413 = arith.constant 0 : index
      %swap3A_414 = tpu.vector_load %arg12[%swap3A_413] {strides = array<i32>} : memref<1024xf32, #tpu.memory_space<vmem>>, vector<16xf32>,
      tpu.vector_store %arg12[%swap3A_413], %get3A_412 {strides = array<i32>} : memref<1024xf32, #tpu.memory_space<vmem>>, vector<16xf32>,
      %get3A_415 = arith.constant 384 : index
      %get3A_416 = tpu.vector_load %arg12[%get3A_415] {strides = array<i32>} : memref<1024xf32, #tpu.memory_space<vmem>>, vector<16xf32>,
      %swap3A_417 = arith.constant 256 : index
      %swap3A_418 = tpu.vector_load %arg12[%swap3A_417] {strides = array<i32>} : memref<1024xf32, #tpu.memory_space<vmem>>, vector<16xf32>,
      tpu.vector_store %arg12[%swap3A_417], %get3A_416 {strides = array<i32>} : memref<1024xf32, #tpu.memory_space<vmem>>, vector<16xf32>,
      %get3A_419 = arith.constant 640 : index
      %get3A_420 = tpu.vector_load %arg12[%get3A_419] {strides = array<i32>} : memref<1024xf32, #tpu.memory_space<vmem>>, vector<16xf32>,
      %swap3A_421 = arith.constant 512 : index
      %swap3A_422 = tpu.vector_load %arg12[%swap3A_421] {strides = array<i32>} : memref<1024xf32, #tpu.memory_space<vmem>>, vector<16xf32>,
      tpu.vector_store %arg12[%swap3A_421], %get3A_420 {strides = array<i32>} : memref<1024xf32, #tpu.memory_space<vmem>>, vector<16xf32>,
      %get3A_423 = arith.constant 896 : index
      %get3A_424 = tpu.vector_load %arg12[%get3A_423] {strides = array<i32>} : memref<1024xf32, #tpu.memory_space<vmem>>, vector<16xf32>,
      %swap3A_425 = arith.constant 768 : index
      %swap3A_426 = tpu.vector_load %arg12[%swap3A_425] {strides = array<i32>} : memref<1024xf32, #tpu.memory_space<vmem>>, vector<16xf32>,
      tpu.vector_store %arg12[%swap3A_425], %get3A_424 {strides = array<i32>} : memref<1024xf32, #tpu.memory_space<vmem>>, vector<16xf32>,
    } else {
    }
    %mul3A_17 = arith.constant 128 : i32
    %mul3A_18 = arith.muli %mul3A_2, %mul3A_17 : i32
    "tpu.region"() ({
      %run_scoped3A = tpu.sem_alloc : memref<!tpu.dma_semaphore, #tpu.memory_space<semaphore_mem>>
      %dma_start3A = arith.constant 0 : i32
      %dma_start3A_19 = tpu.memref_slice %arg14[%dma_start3A] : memref<41088xf32, #tpu.memory_space<vmem>> -> memref<40960xf32, #tpu.memory_space<vmem>>
      %dma_start3A_20 = tpu.memref_slice %arg6[%mul3A_18] : memref<1310720xf32, #tpu.memory_space<hbm>> -> memref<40960xf32, #tpu.memory_space<hbm>>
      %dma_start3A_21 = tpu.memref_slice %arg6[%mul3A_18] : memref<1310720xf32, #tpu.memory_space<hbm>> -> memref<40960xf32, #tpu.memory_space<hbm>>
      %dma_start3A_22 = arith.constant 0 : i32
      %dma_start3A_23 = tpu.memref_slice %arg14[%dma_start3A_22] : memref<41088xf32, #tpu.memory_space<vmem>> -> memref<40960xf32, #tpu.memory_space<vmem>>
      tpu.enqueue_dma source(%dma_start3A_23 : memref<40960xf32, #tpu.memory_space<vmem>>) target(%dma_start3A_21 : memref<40960xf32, #tpu.memory_space<hbm>>) target_semaphore(%run_scoped3A : memref<!tpu.dma_semaphore, #tpu.memory_space<semaphore_mem>>)
      %dma_wait3A = arith.constant 0 : i32
      %dma_wait3A_24 = tpu.memref_slice %arg14[%dma_wait3A] : memref<41088xf32, #tpu.memory_space<vmem>> -> memref<40960xf32, #tpu.memory_space<vmem>>
      %dma_wait3A_25 = tpu.memref_slice %arg6[%mul3A_18] : memref<1310720xf32, #tpu.memory_space<hbm>> -> memref<40960xf32, #tpu.memory_space<hbm>>
      %dma_wait3A_26 = tpu.memref_slice %arg6[%mul3A_18] : memref<1310720xf32, #tpu.memory_space<hbm>> -> memref<40960xf32, #tpu.memory_space<hbm>>
      %dma_wait3A_27 = arith.constant 0 : i32
      %dma_wait3A_28 = tpu.memref_slice %arg14[%dma_wait3A_27] : memref<41088xf32, #tpu.memory_space<vmem>> -> memref<40960xf32, #tpu.memory_space<vmem>>
      tpu.wait_dma2 semaphore(%run_scoped3A : memref<!tpu.dma_semaphore, #tpu.memory_space<semaphore_mem>>) src(%dma_wait3A_28 : memref<40960xf32, #tpu.memory_space<vmem>>) dst(%dma_wait3A_26 : memref<40960xf32, #tpu.memory_space<hbm>>)
      tpu.yield
    }) : () -> ()
    return
  }
}

module attributes {stable_mosaic.version = 14 : i64} {
  func.func @_t1_body(%arg0: i32, %arg1: memref<400x128xf32, #tpu.memory_space<vmem>>, %arg2: memref<128x224xf32, #tpu.memory_space<vmem>>, %arg3: memref<2x400x16xf32, #tpu.memory_space<vmem>>, %arg4: memref<400x256xf32, #tpu.memory_space<vmem>>, %arg5: memref<400x32xf32, #tpu.memory_space<vmem>>, %arg6: memref<400x16xf32, #tpu.memory_space<vmem>>) attributes {dimension_semantics = [#tpu.dimension_semantics<arbitrary>], iteration_bounds = array<i64: 25>, scalar_prefetch = 0 : i64, scratch_operands = 0 : i64, tpu.core_type = #tpu.core_type<tc>, window_params = [{transform_indices = @transform_0, window_bounds = array<i64: 400, 128>}, {pipeline_mode = #tpu.pipeline_mode<synchronous>, transform_indices = @transform_1, window_bounds = array<i64: 128, 224>}, {transform_indices = @transform_2, window_bounds = array<i64: 2, 400, 16>}, {transform_indices = @transform_3, window_bounds = array<i64: 400, 256>}, {transform_indices = @transform_4, window_bounds = array<i64: 400, 32>}, {transform_indices = @transform_5, window_bounds = array<i64: 400, 16>}]} {
    %get3A = arith.constant 0 : index
    %get3A_0 = arith.constant 0 : index
    %get3A_1 = arith.constant 0 : index
    %get3A_2 = vector.load %arg3[%get3A, %get3A_0, %get3A_1] : memref<2x400x16xf32, #tpu.memory_space<vmem>>, vector<1x400x16xf32>
    %get3A_3 = vector.shape_cast %get3A_2 : vector<1x400x16xf32> to vector<400x16xf32>
    %reduce_sum3A = arith.constant dense<0.000000e+00> : vector<400xf32>
    %reduce_sum3A_4 = vector.multi_reduction <add>, %get3A_3, %reduce_sum3A [1] : vector<400x16xf32> to vector<400xf32>
    %broadcast_in_dim3A = vector.shape_cast %reduce_sum3A_4 : vector<400xf32> to vector<400x1xf32>
    %get3A_5 = arith.constant 1 : index
    %get3A_6 = arith.constant 0 : index
    %get3A_7 = arith.constant 0 : index
    %get3A_8 = vector.load %arg3[%get3A_5, %get3A_6, %get3A_7] : memref<2x400x16xf32, #tpu.memory_space<vmem>>, vector<1x400x16xf32>
    %get3A_9 = vector.shape_cast %get3A_8 : vector<1x400x16xf32> to vector<400x16xf32>
    %reduce_sum3A_10 = arith.constant dense<0.000000e+00> : vector<400xf32>
    %reduce_sum3A_11 = vector.multi_reduction <add>, %get3A_9, %reduce_sum3A_10 [1] : vector<400x16xf32> to vector<400xf32>
    %broadcast_in_dim3A_12 = vector.shape_cast %reduce_sum3A_11 : vector<400xf32> to vector<400x1xf32>
    %max3A = arith.constant 1.000000e+00 : f32
    %max3A_13 = vector.broadcast %max3A : f32 to vector<400x1xf32>
    %max3A_14 = arith.maximumf %broadcast_in_dim3A, %max3A_13 : vector<400x1xf32>
    %rsqrt3A = math.rsqrt %max3A_14 : vector<400x1xf32>
    %max3A_15 = arith.constant 1.000000e+00 : f32
    %max3A_16 = vector.broadcast %max3A_15 : f32 to vector<400x1xf32>
    %max3A_17 = arith.maximumf %broadcast_in_dim3A_12, %max3A_16 : vector<400x1xf32>
    %rsqrt3A_18 = math.rsqrt %max3A_17 : vector<400x1xf32>
    %broadcast_in_dim3A_19 = vector.shape_cast %rsqrt3A : vector<400x1xf32> to vector<400x1xf32>
    %broadcast_in_dim3A_20 = vector.broadcast %broadcast_in_dim3A_19 : vector<400x1xf32> to vector<400x8xf32>
    %broadcast_in_dim3A_21 = vector.shape_cast %rsqrt3A_18 : vector<400x1xf32> to vector<400x1xf32>
    %broadcast_in_dim3A_22 = vector.broadcast %broadcast_in_dim3A_21 : vector<400x1xf32> to vector<400x8xf32>
    %concatenate3A = tpu.concatenate %broadcast_in_dim3A_20, %broadcast_in_dim3A_22 in 1 : vector<400x8xf32>, vector<400x8xf32> -> vector<400x16xf32>
    %swap3A = arith.constant 0 : index
    %swap3A_23 = arith.constant 0 : index
    %swap3A_24 = vector.load %arg6[%swap3A, %swap3A_23] : memref<400x16xf32, #tpu.memory_space<vmem>>, vector<400x16xf32>
    tpu.vector_store %arg6[%swap3A, %swap3A_23], %concatenate3A {strides = array<i32>} : memref<400x16xf32, #tpu.memory_space<vmem>>, vector<400x16xf32>,
    %get3A_25 = arith.constant 0 : index
    %get3A_26 = arith.constant 0 : index
    %get3A_27 = vector.load %arg1[%get3A_25, %get3A_26] : memref<400x128xf32, #tpu.memory_space<vmem>>, vector<400x128xf32>
    %get3A_28 = arith.constant 0 : index
    %get3A_29 = arith.constant 0 : index
    %get3A_30 = vector.load %arg2[%get3A_28, %get3A_29] : memref<128x224xf32, #tpu.memory_space<vmem>>, vector<128x224xf32>
    %dot_general3A = arith.constant dense<0.000000e+00> : vector<400x224xf32>
    %dot_general3A_31 = tpu.matmul %get3A_27, %get3A_30, %dot_general3A {dimension_numbers = #tpu.dot_dimension_numbers<[1], [0], [0], [1], [0, 0, 1, 1], [], []>, transpose_lhs_hint = false} : vector<400x128xf32>, vector<128x224xf32>, vector<400x224xf32> -> vector<400x224xf32>
    %slice3A = vector.extract_strided_slice %dot_general3A_31 {offsets = [0, 0], sizes = [400, 32], strides = [1, 1]} : vector<400x224xf32> to vector<400x32xf32>
    %mul3A = vector.broadcast %rsqrt3A : vector<400x1xf32> to vector<400x32xf32>
    %mul3A_32 = arith.mulf %mul3A, %slice3A : vector<400x32xf32>
    %slice3A_33 = vector.extract_strided_slice %dot_general3A_31 {offsets = [0, 32], sizes = [400, 160], strides = [1, 1]} : vector<400x224xf32> to vector<400x160xf32>
    %broadcast_in_dim3A_34 = arith.constant 0.000000e+00 : f32
    %broadcast_in_dim3A_35 = vector.broadcast %broadcast_in_dim3A_34 : f32 to vector<400x64xf32>
    %concatenate3A_36 = tpu.concatenate %mul3A_32, %slice3A_33, %broadcast_in_dim3A_35 in 1 : vector<400x32xf32>, vector<400x160xf32>, vector<400x64xf32> -> vector<400x256xf32>
    %swap3A_37 = arith.constant 0 : index
    %swap3A_38 = arith.constant 0 : index
    %swap3A_39 = vector.load %arg4[%swap3A_37, %swap3A_38] : memref<400x256xf32, #tpu.memory_space<vmem>>, vector<400x256xf32>
    tpu.vector_store %arg4[%swap3A_37, %swap3A_38], %concatenate3A_36 {strides = array<i32>} : memref<400x256xf32, #tpu.memory_space<vmem>>, vector<400x256xf32>,
    %slice3A_40 = vector.extract_strided_slice %dot_general3A_31 {offsets = [0, 192], sizes = [400, 32], strides = [1, 1]} : vector<400x224xf32> to vector<400x32xf32>
    %swap3A_41 = arith.constant 0 : index
    %swap3A_42 = arith.constant 0 : index
    %swap3A_43 = vector.load %arg5[%swap3A_41, %swap3A_42] : memref<400x32xf32, #tpu.memory_space<vmem>>, vector<400x32xf32>
    tpu.vector_store %arg5[%swap3A_41, %swap3A_42], %slice3A_40 {strides = array<i32>} : memref<400x32xf32, #tpu.memory_space<vmem>>, vector<400x32xf32>,
    return
  }
  func.func @transform_0(%arg0: i32) -> (i32, i32) {
    %c0_i32 = arith.constant 0 : i32
    %c0_i32_0 = arith.constant 0 : i32
    return %arg0, %c0_i32 : i32, i32
  }
  func.func @transform_1(%arg0: i32) -> (i32, i32) {
    %c0_i32 = arith.constant 0 : i32
    %c0_i32_0 = arith.constant 0 : i32
    %c0_i32_1 = arith.constant 0 : i32
    return %c0_i32, %c0_i32_0 : i32, i32
  }
  func.func @transform_2(%arg0: i32) -> (i32, i32, i32) {
    %c0_i32 = arith.constant 0 : i32
    %c0_i32_0 = arith.constant 0 : i32
    %c0_i32_1 = arith.constant 0 : i32
    return %c0_i32, %arg0, %c0_i32_0 : i32, i32, i32
  }
  func.func @transform_3(%arg0: i32) -> (i32, i32) {
    %c0_i32 = arith.constant 0 : i32
    %c0_i32_0 = arith.constant 0 : i32
    return %arg0, %c0_i32 : i32, i32
  }
  func.func @transform_4(%arg0: i32) -> (i32, i32) {
    %c0_i32 = arith.constant 0 : i32
    %c0_i32_0 = arith.constant 0 : i32
    return %arg0, %c0_i32 : i32, i32
  }
  func.func @transform_5(%arg0: i32) -> (i32, i32) {
    %c0_i32 = arith.constant 0 : i32
    %c0_i32_0 = arith.constant 0 : i32
    return %arg0, %c0_i32 : i32, i32
  }
}

module attributes {stable_mosaic.version = 14 : i64} {
  func.func @_t2_body(%arg0: i32, %arg1: memref<400x64xf32, #tpu.memory_space<vmem>>, %arg2: memref<400x16xf32, #tpu.memory_space<vmem>>, %arg3: memref<400x32xf32, #tpu.memory_space<vmem>>, %arg4: memref<64x448xf32, #tpu.memory_space<vmem>>, %arg5: memref<1x32xf32, #tpu.memory_space<vmem>>, %arg6: memref<1x32xf32, #tpu.memory_space<vmem>>, %arg7: memref<400x384xf32, #tpu.memory_space<vmem>>, %arg8: memref<400x64xf32, #tpu.memory_space<vmem>>) attributes {dimension_semantics = [#tpu.dimension_semantics<arbitrary>], iteration_bounds = array<i64: 25>, scalar_prefetch = 0 : i64, scratch_operands = 0 : i64, tpu.core_type = #tpu.core_type<tc>, window_params = [{transform_indices = @transform_0, window_bounds = array<i64: 400, 64>}, {transform_indices = @transform_1, window_bounds = array<i64: 400, 16>}, {transform_indices = @transform_2, window_bounds = array<i64: 400, 32>}, {pipeline_mode = #tpu.pipeline_mode<synchronous>, transform_indices = @transform_3, window_bounds = array<i64: 64, 448>}, {pipeline_mode = #tpu.pipeline_mode<synchronous>, transform_indices = @transform_4, window_bounds = array<i64: 1, 32>}, {pipeline_mode = #tpu.pipeline_mode<synchronous>, transform_indices = @transform_5, window_bounds = array<i64: 1, 32>}, {transform_indices = @transform_6, window_bounds = array<i64: 400, 384>}, {transform_indices = @transform_7, window_bounds = array<i64: 400, 64>}]} {
    %get3A = arith.constant 0 : index
    %get3A_0 = arith.constant 0 : index
    %get3A_1 = vector.load %arg1[%get3A, %get3A_0] : memref<400x64xf32, #tpu.memory_space<vmem>>, vector<400x64xf32>
    %get3A_2 = arith.constant 0 : index
    %get3A_3 = arith.constant 0 : index
    %get3A_4 = vector.load %arg2[%get3A_2, %get3A_3] : memref<400x16xf32, #tpu.memory_space<vmem>>, vector<400x16xf32>
    %slice3A = vector.extract_strided_slice %get3A_4 {offsets = [0, 0], sizes = [400, 1], strides = [1, 1]} : vector<400x16xf32> to vector<400x1xf32>
    %slice3A_5 = vector.extract_strided_slice %get3A_4 {offsets = [0, 8], sizes = [400, 1], strides = [1, 1]} : vector<400x16xf32> to vector<400x1xf32>
    %slice3A_6 = vector.extract_strided_slice %get3A_1 {offsets = [0, 0], sizes = [400, 32], strides = [1, 1]} : vector<400x64xf32> to vector<400x32xf32>
    %mul3A = vector.broadcast %slice3A_5 : vector<400x1xf32> to vector<400x32xf32>
    %mul3A_7 = arith.mulf %mul3A, %slice3A_6 : vector<400x32xf32>
    %get3A_8 = arith.constant 0 : index
    %get3A_9 = arith.constant 0 : index
    %get3A_10 = vector.load %arg5[%get3A_8, %get3A_9] : memref<1x32xf32, #tpu.memory_space<vmem>>, vector<1x32xf32>
    %add3A = vector.broadcast %get3A_10 : vector<1x32xf32> to vector<400x32xf32>
    %add3A_11 = arith.addf %mul3A_7, %add3A : vector<400x32xf32>
    %max3A = arith.constant 0.000000e+00 : f32
    %max3A_12 = vector.broadcast %max3A : f32 to vector<400x32xf32>
    %max3A_13 = arith.maximumf %add3A_11, %max3A_12 : vector<400x32xf32>
    %slice3A_14 = vector.extract_strided_slice %get3A_1 {offsets = [0, 32], sizes = [400, 32], strides = [1, 1]} : vector<400x64xf32> to vector<400x32xf32>
    %get3A_15 = arith.constant 0 : index
    %get3A_16 = arith.constant 0 : index
    %get3A_17 = vector.load %arg3[%get3A_15, %get3A_16] : memref<400x32xf32, #tpu.memory_space<vmem>>, vector<400x32xf32>
    %add3A_18 = arith.addf %slice3A_14, %get3A_17 : vector<400x32xf32>
    %get3A_19 = arith.constant 0 : index
    %get3A_20 = arith.constant 0 : index
    %get3A_21 = vector.load %arg6[%get3A_19, %get3A_20] : memref<1x32xf32, #tpu.memory_space<vmem>>, vector<1x32xf32>
    %add3A_22 = vector.broadcast %get3A_21 : vector<1x32xf32> to vector<400x32xf32>
    %add3A_23 = arith.addf %add3A_18, %add3A_22 : vector<400x32xf32>
    %max3A_24 = arith.constant 0.000000e+00 : f32
    %max3A_25 = vector.broadcast %max3A_24 : f32 to vector<400x32xf32>
    %max3A_26 = arith.maximumf %add3A_23, %max3A_25 : vector<400x32xf32>
    %concatenate3A = tpu.concatenate %max3A_13, %max3A_26 in 1 : vector<400x32xf32>, vector<400x32xf32> -> vector<400x64xf32>
    %get3A_27 = arith.constant 0 : index
    %get3A_28 = arith.constant 0 : index
    %get3A_29 = vector.load %arg4[%get3A_27, %get3A_28] : memref<64x448xf32, #tpu.memory_space<vmem>>, vector<64x448xf32>
    %dot_general3A = arith.constant dense<0.000000e+00> : vector<400x448xf32>
    %dot_general3A_30 = tpu.matmul %concatenate3A, %get3A_29, %dot_general3A {dimension_numbers = #tpu.dot_dimension_numbers<[1], [0], [0], [1], [0, 0, 1, 1], [], []>, transpose_lhs_hint = false} : vector<400x64xf32>, vector<64x448xf32>, vector<400x448xf32> -> vector<400x448xf32>
    %slice3A_31 = vector.extract_strided_slice %dot_general3A_30 {offsets = [0, 0], sizes = [400, 64], strides = [1, 1]} : vector<400x448xf32> to vector<400x64xf32>
    %mul3A_32 = vector.broadcast %slice3A : vector<400x1xf32> to vector<400x64xf32>
    %mul3A_33 = arith.mulf %mul3A_32, %slice3A_31 : vector<400x64xf32>
    %slice3A_34 = vector.extract_strided_slice %dot_general3A_30 {offsets = [0, 64], sizes = [400, 320], strides = [1, 1]} : vector<400x448xf32> to vector<400x320xf32>
    %concatenate3A_35 = tpu.concatenate %mul3A_33, %slice3A_34 in 1 : vector<400x64xf32>, vector<400x320xf32> -> vector<400x384xf32>
    %swap3A = arith.constant 0 : index
    %swap3A_36 = arith.constant 0 : index
    %swap3A_37 = vector.load %arg7[%swap3A, %swap3A_36] : memref<400x384xf32, #tpu.memory_space<vmem>>, vector<400x384xf32>
    tpu.vector_store %arg7[%swap3A, %swap3A_36], %concatenate3A_35 {strides = array<i32>} : memref<400x384xf32, #tpu.memory_space<vmem>>, vector<400x384xf32>,
    %slice3A_38 = vector.extract_strided_slice %dot_general3A_30 {offsets = [0, 384], sizes = [400, 64], strides = [1, 1]} : vector<400x448xf32> to vector<400x64xf32>
    %swap3A_39 = arith.constant 0 : index
    %swap3A_40 = arith.constant 0 : index
    %swap3A_41 = vector.load %arg8[%swap3A_39, %swap3A_40] : memref<400x64xf32, #tpu.memory_space<vmem>>, vector<400x64xf32>
    tpu.vector_store %arg8[%swap3A_39, %swap3A_40], %slice3A_38 {strides = array<i32>} : memref<400x64xf32, #tpu.memory_space<vmem>>, vector<400x64xf32>,
    return
  }
  func.func @transform_0(%arg0: i32) -> (i32, i32) {
    %c0_i32 = arith.constant 0 : i32
    %c0_i32_0 = arith.constant 0 : i32
    return %arg0, %c0_i32 : i32, i32
  }
  func.func @transform_1(%arg0: i32) -> (i32, i32) {
    %c0_i32 = arith.constant 0 : i32
    %c0_i32_0 = arith.constant 0 : i32
    return %arg0, %c0_i32 : i32, i32
  }
  func.func @transform_2(%arg0: i32) -> (i32, i32) {
    %c0_i32 = arith.constant 0 : i32
    %c0_i32_0 = arith.constant 0 : i32
    return %arg0, %c0_i32 : i32, i32
  }
  func.func @transform_3(%arg0: i32) -> (i32, i32) {
    %c0_i32 = arith.constant 0 : i32
    %c0_i32_0 = arith.constant 0 : i32
    %c0_i32_1 = arith.constant 0 : i32
    return %c0_i32, %c0_i32_0 : i32, i32
  }
  func.func @transform_4(%arg0: i32) -> (i32, i32) {
    %c0_i32 = arith.constant 0 : i32
    %c0_i32_0 = arith.constant 0 : i32
    %c0_i32_1 = arith.constant 0 : i32
    return %c0_i32, %c0_i32_0 : i32, i32
  }
  func.func @transform_5(%arg0: i32) -> (i32, i32) {
    %c0_i32 = arith.constant 0 : i32
    %c0_i32_0 = arith.constant 0 : i32
    %c0_i32_1 = arith.constant 0 : i32
    return %c0_i32, %c0_i32_0 : i32, i32
  }
  func.func @transform_6(%arg0: i32) -> (i32, i32) {
    %c0_i32 = arith.constant 0 : i32
    %c0_i32_0 = arith.constant 0 : i32
    return %arg0, %c0_i32 : i32, i32
  }
  func.func @transform_7(%arg0: i32) -> (i32, i32) {
    %c0_i32 = arith.constant 0 : i32
    %c0_i32_0 = arith.constant 0 : i32
    return %arg0, %c0_i32 : i32, i32
  }
}

module attributes {stable_mosaic.version = 14 : i64} {
  func.func @_head_body(%arg0: i32, %arg1: memref<400x128xf32, #tpu.memory_space<vmem>>, %arg2: memref<400x16xf32, #tpu.memory_space<vmem>>, %arg3: memref<400x64xf32, #tpu.memory_space<vmem>>, %arg4: memref<1x1x400xi32, #tpu.memory_space<vmem>>, %arg5: memref<1x64xf32, #tpu.memory_space<vmem>>, %arg6: memref<1x64xf32, #tpu.memory_space<vmem>>, %arg7: memref<128x32xf32, #tpu.memory_space<vmem>>, %arg8: memref<1x32xf32, #tpu.memory_space<vmem>>, %arg9: memref<32x16xf32, #tpu.memory_space<vmem>>, %arg10: memref<1x16xf32, #tpu.memory_space<vmem>>, %arg11: memref<16x8xf32, #tpu.memory_space<vmem>>, %arg12: memref<1x8xf32, #tpu.memory_space<vmem>>, %arg13: memref<64x8xf32, #tpu.memory_space<vmem>>, %arg14: memref<64x128xf32, #tpu.memory_space<vmem>>) attributes {dimension_semantics = [#tpu.dimension_semantics<arbitrary>], iteration_bounds = array<i64: 25>, scalar_prefetch = 0 : i64, scratch_operands = 1 : i64, tpu.core_type = #tpu.core_type<tc>, window_params = [{transform_indices = @transform_0, window_bounds = array<i64: 400, 128>}, {transform_indices = @transform_1, window_bounds = array<i64: 400, 16>}, {transform_indices = @transform_2, window_bounds = array<i64: 400, 64>}, {transform_indices = @transform_3, window_bounds = array<i64: 1, 1, 400>}, {pipeline_mode = #tpu.pipeline_mode<synchronous>, transform_indices = @transform_4, window_bounds = array<i64: 1, 64>}, {pipeline_mode = #tpu.pipeline_mode<synchronous>, transform_indices = @transform_5, window_bounds = array<i64: 1, 64>}, {pipeline_mode = #tpu.pipeline_mode<synchronous>, transform_indices = @transform_6, window_bounds = array<i64: 128, 32>}, {pipeline_mode = #tpu.pipeline_mode<synchronous>, transform_indices = @transform_7, window_bounds = array<i64: 1, 32>}, {pipeline_mode = #tpu.pipeline_mode<synchronous>, transform_indices = @transform_8, window_bounds = array<i64: 32, 16>}, {pipeline_mode = #tpu.pipeline_mode<synchronous>, transform_indices = @transform_9, window_bounds = array<i64: 1, 16>}, {pipeline_mode = #tpu.pipeline_mode<synchronous>, transform_indices = @transform_10, window_bounds = array<i64: 16, 8>}, {pipeline_mode = #tpu.pipeline_mode<synchronous>, transform_indices = @transform_11, window_bounds = array<i64: 1, 8>}, {pipeline_mode = #tpu.pipeline_mode<synchronous>, transform_indices = @transform_12, window_bounds = array<i64: 64, 8>}]} {
    %eq3A = arith.constant 0 : i32
    %eq3A_0 = arith.cmpi eq, %arg0, %eq3A : i32
    %convert_element_type3A = arith.extui %eq3A_0 : i1 to i32
    %cond3A = arith.constant 0 : i32
    %cond3A_1 = arith.cmpi ne, %convert_element_type3A, %cond3A : i32
    scf.if %cond3A_1 {
      %broadcast_in_dim3A_49 = arith.constant 0.000000e+00 : f32
      %broadcast_in_dim3A_50 = vector.broadcast %broadcast_in_dim3A_49 : f32 to vector<64x128xf32>
      %swap3A_51 = arith.constant 0 : index
      %swap3A_52 = arith.constant 0 : index
      %swap3A_53 = vector.load %arg14[%swap3A_51, %swap3A_52] : memref<64x128xf32, #tpu.memory_space<vmem>>, vector<64x128xf32>
      tpu.vector_store %arg14[%swap3A_51, %swap3A_52], %broadcast_in_dim3A_50 {strides = array<i32>} : memref<64x128xf32, #tpu.memory_space<vmem>>, vector<64x128xf32>,
    } else {
    }
    %get3A = arith.constant 0 : index
    %get3A_2 = arith.constant 0 : index
    %get3A_3 = vector.load %arg1[%get3A, %get3A_2] : memref<400x128xf32, #tpu.memory_space<vmem>>, vector<400x128xf32>
    %get3A_4 = arith.constant 0 : index
    %get3A_5 = arith.constant 0 : index
    %get3A_6 = vector.load %arg2[%get3A_4, %get3A_5] : memref<400x16xf32, #tpu.memory_space<vmem>>, vector<400x16xf32>
    %slice3A = vector.extract_strided_slice %get3A_6 {offsets = [0, 8], sizes = [400, 1], strides = [1, 1]} : vector<400x16xf32> to vector<400x1xf32>
    %slice3A_7 = vector.extract_strided_slice %get3A_3 {offsets = [0, 0], sizes = [400, 64], strides = [1, 1]} : vector<400x128xf32> to vector<400x64xf32>
    %mul3A = vector.broadcast %slice3A : vector<400x1xf32> to vector<400x64xf32>
    %mul3A_8 = arith.mulf %mul3A, %slice3A_7 : vector<400x64xf32>
    %get3A_9 = arith.constant 0 : index
    %get3A_10 = arith.constant 0 : index
    %get3A_11 = vector.load %arg5[%get3A_9, %get3A_10] : memref<1x64xf32, #tpu.memory_space<vmem>>, vector<1x64xf32>
    %add3A = vector.broadcast %get3A_11 : vector<1x64xf32> to vector<400x64xf32>
    %add3A_12 = arith.addf %mul3A_8, %add3A : vector<400x64xf32>
    %max3A = arith.constant 0.000000e+00 : f32
    %max3A_13 = vector.broadcast %max3A : f32 to vector<400x64xf32>
    %max3A_14 = arith.maximumf %add3A_12, %max3A_13 : vector<400x64xf32>
    %slice3A_15 = vector.extract_strided_slice %get3A_3 {offsets = [0, 64], sizes = [400, 64], strides = [1, 1]} : vector<400x128xf32> to vector<400x64xf32>
    %get3A_16 = arith.constant 0 : index
    %get3A_17 = arith.constant 0 : index
    %get3A_18 = vector.load %arg3[%get3A_16, %get3A_17] : memref<400x64xf32, #tpu.memory_space<vmem>>, vector<400x64xf32>
    %add3A_19 = arith.addf %slice3A_15, %get3A_18 : vector<400x64xf32>
    %get3A_20 = arith.constant 0 : index
    %get3A_21 = arith.constant 0 : index
    %get3A_22 = vector.load %arg6[%get3A_20, %get3A_21] : memref<1x64xf32, #tpu.memory_space<vmem>>, vector<1x64xf32>
    %add3A_23 = vector.broadcast %get3A_22 : vector<1x64xf32> to vector<400x64xf32>
    %add3A_24 = arith.addf %add3A_19, %add3A_23 : vector<400x64xf32>
    %max3A_25 = arith.constant 0.000000e+00 : f32
    %max3A_26 = vector.broadcast %max3A_25 : f32 to vector<400x64xf32>
    %max3A_27 = arith.maximumf %add3A_24, %max3A_26 : vector<400x64xf32>
    %concatenate3A = tpu.concatenate %max3A_14, %max3A_27 in 1 : vector<400x64xf32>, vector<400x64xf32> -> vector<400x128xf32>
    %get3A_28 = arith.constant 0 : index
    %get3A_29 = arith.constant 0 : index
    %get3A_30 = arith.constant 0 : index
    %get3A_31 = vector.load %arg4[%get3A_28, %get3A_29, %get3A_30] : memref<1x1x400xi32, #tpu.memory_space<vmem>>, vector<1x1x400xi32>
    %get3A_32 = vector.shape_cast %get3A_31 : vector<1x1x400xi32> to vector<400xi32>
    %iota3A = tpu.iota {dimensions = array<i32: 0>} : vector<64x400xi32>
    %broadcast_in_dim3A = vector.shape_cast %get3A_32 : vector<400xi32> to vector<1x400xi32>
    %eq3A_33 = vector.broadcast %broadcast_in_dim3A : vector<1x400xi32> to vector<64x400xi32>
    %eq3A_34 = arith.cmpi eq, %iota3A, %eq3A_33 : vector<64x400xi32>
    %convert_element_type3A_35 = arith.extui %eq3A_34 : vector<64x400xi1> to vector<64x400xi32>
    %convert_element_type3A_36 = arith.sitofp %convert_element_type3A_35 : vector<64x400xi32> to vector<64x400xf32>
    %get3A_37 = arith.constant 0 : index
    %get3A_38 = arith.constant 0 : index
    %get3A_39 = vector.load %arg14[%get3A_37, %get3A_38] : memref<64x128xf32, #tpu.memory_space<vmem>>, vector<64x128xf32>
    %dot_general3A = arith.constant dense<0.000000e+00> : vector<64x128xf32>
    %dot_general3A_40 = tpu.matmul %convert_element_type3A_36, %concatenate3A, %dot_general3A {dimension_numbers = #tpu.dot_dimension_numbers<[1], [0], [0], [1], [0, 0, 1, 1], [], []>, precision = #tpu.contract_precision<fp32>, transpose_lhs_hint = false} : vector<64x400xf32>, vector<400x128xf32>, vector<64x128xf32> -> vector<64x128xf32>
    %add3A_41 = arith.addf %get3A_39, %dot_general3A_40 : vector<64x128xf32>
    %swap3A = arith.constant 0 : index
    %swap3A_42 = arith.constant 0 : index
    %swap3A_43 = vector.load %arg14[%swap3A, %swap3A_42] : memref<64x128xf32, #tpu.memory_space<vmem>>, vector<64x128xf32>
    tpu.vector_store %arg14[%swap3A, %swap3A_42], %add3A_41 {strides = array<i32>} : memref<64x128xf32, #tpu.memory_space<vmem>>, vector<64x128xf32>,
    %eq3A_44 = arith.constant 24 : i32
    %eq3A_45 = arith.cmpi eq, %arg0, %eq3A_44 : i32
    %convert_element_type3A_46 = arith.extui %eq3A_45 : i1 to i32
    %cond3A_47 = arith.constant 0 : i32
    %cond3A_48 = arith.cmpi ne, %convert_element_type3A_46, %cond3A_47 : i32
    scf.if %cond3A_48 {
      %get3A_49 = arith.constant 0 : index
      %get3A_50 = arith.constant 0 : index
      %get3A_51 = vector.load %arg14[%get3A_49, %get3A_50] : memref<64x128xf32, #tpu.memory_space<vmem>>, vector<64x128xf32>
      %get3A_52 = arith.constant 0 : index
      %get3A_53 = arith.constant 0 : index
      %get3A_54 = vector.load %arg7[%get3A_52, %get3A_53] : memref<128x32xf32, #tpu.memory_space<vmem>>, vector<128x32xf32>
      %dot_general3A_55 = arith.constant dense<0.000000e+00> : vector<64x32xf32>
      %dot_general3A_56 = tpu.matmul %get3A_51, %get3A_54, %dot_general3A_55 {dimension_numbers = #tpu.dot_dimension_numbers<[1], [0], [0], [1], [0, 0, 1, 1], [], []>, transpose_lhs_hint = false} : vector<64x128xf32>, vector<128x32xf32>, vector<64x32xf32> -> vector<64x32xf32>
      %get3A_57 = arith.constant 0 : index
      %get3A_58 = arith.constant 0 : index
      %get3A_59 = vector.load %arg8[%get3A_57, %get3A_58] : memref<1x32xf32, #tpu.memory_space<vmem>>, vector<1x32xf32>
      %add3A_60 = vector.broadcast %get3A_59 : vector<1x32xf32> to vector<64x32xf32>
      %add3A_61 = arith.addf %dot_general3A_56, %add3A_60 : vector<64x32xf32>
      %max3A_62 = arith.constant 0.000000e+00 : f32
      %max3A_63 = vector.broadcast %max3A_62 : f32 to vector<64x32xf32>
      %max3A_64 = arith.maximumf %add3A_61, %max3A_63 : vector<64x32xf32>
      %get3A_65 = arith.constant 0 : index
      %get3A_66 = arith.constant 0 : index
      %get3A_67 = vector.load %arg9[%get3A_65, %get3A_66] : memref<32x16xf32, #tpu.memory_space<vmem>>, vector<32x16xf32>
      %dot_general3A_68 = arith.constant dense<0.000000e+00> : vector<64x16xf32>
      %dot_general3A_69 = tpu.matmul %max3A_64, %get3A_67, %dot_general3A_68 {dimension_numbers = #tpu.dot_dimension_numbers<[1], [0], [0], [1], [0, 0, 1, 1], [], []>, transpose_lhs_hint = false} : vector<64x32xf32>, vector<32x16xf32>, vector<64x16xf32> -> vector<64x16xf32>
      %get3A_70 = arith.constant 0 : index
      %get3A_71 = arith.constant 0 : index
      %get3A_72 = vector.load %arg10[%get3A_70, %get3A_71] : memref<1x16xf32, #tpu.memory_space<vmem>>, vector<1x16xf32>
      %add3A_73 = vector.broadcast %get3A_72 : vector<1x16xf32> to vector<64x16xf32>
      %add3A_74 = arith.addf %dot_general3A_69, %add3A_73 : vector<64x16xf32>
      %max3A_75 = arith.constant 0.000000e+00 : f32
      %max3A_76 = vector.broadcast %max3A_75 : f32 to vector<64x16xf32>
      %max3A_77 = arith.maximumf %add3A_74, %max3A_76 : vector<64x16xf32>
      %get3A_78 = arith.constant 0 : index
      %get3A_79 = arith.constant 0 : index
      %get3A_80 = vector.load %arg11[%get3A_78, %get3A_79] : memref<16x8xf32, #tpu.memory_space<vmem>>, vector<16x8xf32>
      %dot_general3A_81 = arith.constant dense<0.000000e+00> : vector<64x8xf32>
      %dot_general3A_82 = tpu.matmul %max3A_77, %get3A_80, %dot_general3A_81 {dimension_numbers = #tpu.dot_dimension_numbers<[1], [0], [0], [1], [0, 0, 1, 1], [], []>, transpose_lhs_hint = false} : vector<64x16xf32>, vector<16x8xf32>, vector<64x8xf32> -> vector<64x8xf32>
      %get3A_83 = arith.constant 0 : index
      %get3A_84 = arith.constant 0 : index
      %get3A_85 = vector.load %arg12[%get3A_83, %get3A_84] : memref<1x8xf32, #tpu.memory_space<vmem>>, vector<1x8xf32>
      %add3A_86 = vector.broadcast %get3A_85 : vector<1x8xf32> to vector<64x8xf32>
      %add3A_87 = arith.addf %dot_general3A_82, %add3A_86 : vector<64x8xf32>
      %logistic3A = arith.negf %add3A_87 : vector<64x8xf32>
      %logistic3A_88 = math.exp %logistic3A : vector<64x8xf32>
      %logistic3A_89 = arith.constant 1.000000e+00 : f32
      %logistic3A_90 = vector.broadcast %logistic3A_89 : f32 to vector<64x8xf32>
      %logistic3A_91 = arith.addf %logistic3A_90, %logistic3A_88 : vector<64x8xf32>
      %logistic3A_92 = arith.divf %logistic3A_90, %logistic3A_91 : vector<64x8xf32>
      %swap3A_93 = arith.constant 0 : index
      %swap3A_94 = arith.constant 0 : index
      %swap3A_95 = vector.load %arg13[%swap3A_93, %swap3A_94] : memref<64x8xf32, #tpu.memory_space<vmem>>, vector<64x8xf32>
      tpu.vector_store %arg13[%swap3A_93, %swap3A_94], %logistic3A_92 {strides = array<i32>} : memref<64x8xf32, #tpu.memory_space<vmem>>, vector<64x8xf32>,
    } else {
    }
    return
  }
  func.func @transform_0(%arg0: i32) -> (i32, i32) {
    %c0_i32 = arith.constant 0 : i32
    %c0_i32_0 = arith.constant 0 : i32
    return %arg0, %c0_i32 : i32, i32
  }
  func.func @transform_1(%arg0: i32) -> (i32, i32) {
    %c0_i32 = arith.constant 0 : i32
    %c0_i32_0 = arith.constant 0 : i32
    return %arg0, %c0_i32 : i32, i32
  }
  func.func @transform_2(%arg0: i32) -> (i32, i32) {
    %c0_i32 = arith.constant 0 : i32
    %c0_i32_0 = arith.constant 0 : i32
    return %arg0, %c0_i32 : i32, i32
  }
  func.func @transform_3(%arg0: i32) -> (i32, i32, i32) {
    %c0_i32 = arith.constant 0 : i32
    %c0_i32_0 = arith.constant 0 : i32
    %c0_i32_1 = arith.constant 0 : i32
    return %arg0, %c0_i32, %c0_i32_0 : i32, i32, i32
  }
  func.func @transform_4(%arg0: i32) -> (i32, i32) {
    %c0_i32 = arith.constant 0 : i32
    %c0_i32_0 = arith.constant 0 : i32
    %c0_i32_1 = arith.constant 0 : i32
    return %c0_i32, %c0_i32_0 : i32, i32
  }
  func.func @transform_5(%arg0: i32) -> (i32, i32) {
    %c0_i32 = arith.constant 0 : i32
    %c0_i32_0 = arith.constant 0 : i32
    %c0_i32_1 = arith.constant 0 : i32
    return %c0_i32, %c0_i32_0 : i32, i32
  }
  func.func @transform_6(%arg0: i32) -> (i32, i32) {
    %c0_i32 = arith.constant 0 : i32
    %c0_i32_0 = arith.constant 0 : i32
    %c0_i32_1 = arith.constant 0 : i32
    return %c0_i32, %c0_i32_0 : i32, i32
  }
  func.func @transform_7(%arg0: i32) -> (i32, i32) {
    %c0_i32 = arith.constant 0 : i32
    %c0_i32_0 = arith.constant 0 : i32
    %c0_i32_1 = arith.constant 0 : i32
    return %c0_i32, %c0_i32_0 : i32, i32
  }
  func.func @transform_8(%arg0: i32) -> (i32, i32) {
    %c0_i32 = arith.constant 0 : i32
    %c0_i32_0 = arith.constant 0 : i32
    %c0_i32_1 = arith.constant 0 : i32
    return %c0_i32, %c0_i32_0 : i32, i32
  }
  func.func @transform_9(%arg0: i32) -> (i32, i32) {
    %c0_i32 = arith.constant 0 : i32
    %c0_i32_0 = arith.constant 0 : i32
    %c0_i32_1 = arith.constant 0 : i32
    return %c0_i32, %c0_i32_0 : i32, i32
  }
  func.func @transform_10(%arg0: i32) -> (i32, i32) {
    %c0_i32 = arith.constant 0 : i32
    %c0_i32_0 = arith.constant 0 : i32
    %c0_i32_1 = arith.constant 0 : i32
    return %c0_i32, %c0_i32_0 : i32, i32
  }
  func.func @transform_11(%arg0: i32) -> (i32, i32) {
    %c0_i32 = arith.constant 0 : i32
    %c0_i32_0 = arith.constant 0 : i32
    %c0_i32_1 = arith.constant 0 : i32
    return %c0_i32, %c0_i32_0 : i32, i32
  }
  func.func @transform_12(%arg0: i32) -> (i32, i32) {
    %c0_i32 = arith.constant 0 : i32
    %c0_i32_0 = arith.constant 0 : i32
    %c0_i32_1 = arith.constant 0 : i32
    return %c0_i32, %c0_i32_0 : i32, i32
  }
}

</mosaic_0001>

<sc_bundles>
// kernel: kernel.11.cloned.1.call-start
scs
__scs_entry_jumppad:
0x0: {  	(pc) =	sbr.rel $0x88, $3  }
0x1: {  	(tag) =	ssettag $0x0;
	lr =	simm.s32 $0x1  }
0x2: {  	[smem:$0x3F8B] =	sst lr;
	_ =	strace $0xD0000000  }
0x3: {  	_ = 	snop  }
0x4: {  	_ = 	snop  }
0x5: {  	_ = 	snop  }
0x6: {  	_ = 	snop  }
0x7: {  	_ = 	snop  }
__scs_overlays_trampoline_lowered:
0x8: {  	[smem:$0x3F9A] =	sst s0  }
0x9: {  	[smem:$0x3F9B] =	sst s1  }
0xa: {  	[smem:$0x3F9C] =	sst s2  }
0xb: {  	[smem:$0x3F9D] =	sst s3  }
0xc: {  	[smem:$0x3F9E] =	sst s4  }
0xd: {  	[smem:$0x3F9F] =	sst s5  }
0xe: {  	[smem:$0x3FA0] =	sst s6  }
0xf: {  	[smem:$0x3FA1] =	sst s7  }
0x10: {  	[smem:$0x3FA2] =	sst s8  }
0x11: {  	[smem:$0x3FA3] =	sst s9;
	s0 =	simm.s32 @!p0 $0x0  }
0x12: {  	s1 =	sld [smem:$0x3F89];
	s0 =	simm.s32 @p0 $0x1  }
0x13: {  	[smem:$0x3FA4] =	sst s0;
	s0 =	simm.s32 @!p1 $0x0  }
0x14: {  	s2 =	sld [smem:$0x3F88];
	s0 =	simm.s32 @p1 $0x1  }
0x15: {  	[smem:$0x3FA5] =	sst s0;
	s0 =	simm.s32 @!p2 $0x0  }
0x16: {  	s3 =	sld [smem:$0x3FDB];
	s0 =	simm.s32 @p2 $0x1  }
0x17: {  	s4 =	simm.s32 $0x1BF5;
	[smem:$0x3FA7] =	sst s0  }
0x18: {  	s0 =	sld [smem:$0x3F8A];
	_ =	swait.ge [sflag:s4], $0x0  }
0x19: {  	s7 =	sld [smem:$0x3F8B]  }
0x1a: {  	s8 =	sadd.s32 $0xFFFFE003, lr  }
0x1b: {  	s9 =	sadd.s32 $0xFFFFFEF7, lr;
	s5 =	simm.s32 $0xFFFFFFFF;
	p2 =	slt.u32 s8, $0xFFFFF086  }
0x1c: {  	p1 =	slt.u32 s9, $0xF7A;
	s5 =	simm.s32 @!p2 $0x0  }
0x1d: {  	s5 =	simm.s32 @p1 $0x1;
	p0 =	seq.s32 s7, s2  }
0x1e: {  	s7 =	smul.u32 @!p0 $0xF7A, s2;
	p2 =	seq.s32 @!p0 s5, $0x0  }
0x1f: {  	s9 =	smul.u32 $0xF7A, s1;
	s8 =	simm.s32 @!p0 $0x1BF5;
	p2 =	por !p2, p0  }
0x20: {  	[sflag:s8] =	ssyncset.s32 @!p0 $0xFFFFF086;
	s6 =	sadd.s32 @!p0 s3, s7;
	s7 =	simm.s32 @!p0 $0x108  }
0x21: {  	s3 =	sadd.s32 s3, s9;
	s6 =	sadd.s32 @!p0 $0x88, s6;
	s7 =	simm.s32 @p2 $0x1082  }
0x22: {  	[simem:s7], [sflag:s8] =	dma.local @!p0 [hbm:s6], $0xF7A  }
0x23: {  	s9 =	sor.u32 $0xD0000000, s2;
	s6 =	simm.s32 $0x108;
	_ =	swait.ge @!p0 [sflag:s8], $0x0  }
0x24: {  	s3 =	sadd.s32 $0x88, s3;
	s6 =	simm.s32 @!p1 $0x1082;
	[sflag:s4] =	ssyncset.s32 $0xFFFFF086  }
0x25: {  	[simem:s6], [sflag:s4] =	dma.local [hbm:s3], $0xF7A  }
0x26: {  	[smem:$0x3F8B] =	sst s1;
	(tag) =	ssettag s2;
	_ =	strace s9  }
0x27: {  	s1 =	sld [smem:$0x3F9B]  }
0x28: {  	s2 =	sld [smem:$0x3F9C]  }
0x29: {  	s4 =	sld [smem:$0x3F9E]  }
0x2a: {  	p0 =	seq.s32 s5, $0x0;
	s5 =	sld [smem:$0x3F9F]  }
0x2b: {  	s6 =	sld [smem:$0x3FA0]  }
0x2c: {  	s7 =	sld [smem:$0x3FA1]  }
0x2d: {  	s3 =	simm.s32 $0x108;
	s8 =	sld [smem:$0x3FA2]  }
0x2e: {  	s3 =	simm.s32 @!p0 $0x1082;
	s9 =	sld [smem:$0x3FA3]  }
0x2f: {  	lr =	sadd.s32 s0, s3;
	s0 =	sld [smem:$0x3F9A]  }
0x30: {  	s3 =	sld [smem:$0x3F9D]  }
0x31: {  	[smem:$0x3FA6] =	sst s10  }
0x32: {  	s10 =	sld [smem:$0x3FA4];
	_ =	sdelay $0x3  }
0x33: {  	p0 =	seq.s32 s10, $0x1;
	s10 =	sld [smem:$0x3FA6];
	_ =	sdelay $0x3  }
0x34: {  	[smem:$0x3FA6] =	sst s10  }
0x35: {  	s10 =	sld [smem:$0x3FA5];
	_ =	sdelay $0x3  }
0x36: {  	p1 =	seq.s32 s10, $0x1;
	s10 =	sld [smem:$0x3FA6];
	_ =	sdelay $0x3  }
0x37: {  	[smem:$0x3FA6] =	sst s10  }
0x38: {  	s10 =	sld [smem:$0x3FA7]  }
0x39: {  	_ = 	snop;
	(pc) =	sbr.ind lr, $3  }
0x3a: {  	_ = 	snop  }
0x3b: {  	_ = 	snop  }
0x3c: {  	p2 =	seq.s32 s10, $0x1;
	s10 =	sld [smem:$0x3FA6]  }
0x3d: {  	_ =	shalt  }
0x3e: {  	_ =	shalt  }
0x3f: {  	_ =	shalt  }
0x40: {  	_ =	shalt  }
0x41: {  	_ =	shalt  }
0x42: {  	_ =	shalt  }
0x43: {  	_ =	shalt  }
0x44: {  	_ =	shalt  }
0x45: {  	_ =	shalt  }
0x46: {  	_ =	shalt  }
0x47: {  	_ =	shalt  }
0x48: {  	_ =	shalt  }
0x49: {  	_ =	shalt  }
0x4a: {  	_ =	shalt  }
0x4b: {  	_ =	shalt  }
0x4c: {  	_ =	shalt  }
0x4d: {  	_ =	shalt  }
0x4e: {  	_ =	shalt  }
0x4f: {  	_ =	shalt  }
0x50: {  	_ =	shalt  }
0x51: {  	_ =	shalt  }
0x52: {  	_ =	shalt  }
0x53: {  	_ =	shalt  }
0x54: {  	_ =	shalt  }
0x55: {  	_ =	shalt  }
0x56: {  	_ =	shalt  }
0x57: {  	_ =	shalt  }
0x58: {  	_ =	shalt  }
0x59: {  	_ =	shalt  }
0x5a: {  	_ =	shalt  }
0x5b: {  	_ =	shalt  }
0x5c: {  	_ =	shalt  }
0x5d: {  	_ =	shalt  }
0x5e: {  	_ =	shalt  }
0x5f: {  	_ =	shalt  }
0x60: {  	_ =	shalt  }
0x61: {  	_ =	shalt  }
0x62: {  	_ =	shalt  }
0x63: {  	_ =	shalt  }
0x64: {  	_ =	shalt  }
0x65: {  	_ =	shalt  }
0x66: {  	_ =	shalt  }
0x67: {  	_ =	shalt  }
0x68: {  	_ =	shalt  }
0x69: {  	_ =	shalt  }
0x6a: {  	_ =	shalt  }
0x6b: {  	_ =	shalt  }
0x6c: {  	_ =	shalt  }
0x6d: {  	_ =	shalt  }
0x6e: {  	_ =	shalt  }
0x6f: {  	_ =	shalt  }
0x70: {  	_ =	shalt  }
0x71: {  	_ =	shalt  }
0x72: {  	_ =	shalt  }
0x73: {  	_ =	shalt  }
0x74: {  	_ =	shalt  }
0x75: {  	_ =	shalt  }
0x76: {  	_ =	shalt  }
0x77: {  	_ =	shalt  }
0x78: {  	_ =	shalt  }
0x79: {  	_ =	shalt  }
0x7a: {  	_ =	shalt  }
0x7b: {  	_ =	shalt  }
0x7c: {  	_ =	shalt  }
0x7d: {  	_ =	shalt  }
0x7e: {  	_ =	shalt  }
0x7f: {  	_ =	shalt  }
0x80: {  	_ =	shalt  }
0x81: {  	_ =	shalt  }
0x82: {  	_ =	shalt  }
0x83: {  	_ =	shalt  }
0x84: {  	_ =	shalt  }
0x85: {  	_ =	shalt  }
0x86: {  	_ =	shalt  }
0x87: {  	_ =	shalt  }
.Lfunc_end0:
.L_simem_size_0:
called_computation.1_lowered:
.L_overlay_start_0:
0x88: {  	s2 =	sld [smem:$0x3FD9]  }
0x89: {  	s3 =	sld [smem:$0x3FFE];
	_ =	sdelay $0x1  }
0x8a: {  	s1 =	srdreg.scid  }
0x8b: {  	s0 =	sand.u32 $0x1, s1  }
0x8c: {  	s16 =	sshll.u32 s0, $0xA;
	s2 =	sadd.s32 s3, s2  }
0x8d: {  	s2 =	sadd.s32 s2, s16  }
0x8e: {  	[smem:$0x3FB2] =	sst s2  }
0x8f: {  	_ = 	snop  }
0x90: {  	(tm) =	ssettm $0x1  }
0x91: {  	s17 =	sld [smem:$0x3FFB];
	_ =	sdelay $0x3  }
0x92: {  	_ =	strace s17  }
0x93: {  	s2 =	sld [smem:$0x3FFC];
	_ =	sdelay $0x3  }
0x94: {  	_ =	strace s2  }
0x95: {  	s2 =	sld [smem:$0x3FFD];
	_ =	sdelay $0x3  }
0x96: {  	_ =	strace s2  }
0x97: {  	_ =	strace $0x8FFFFFFF  }
0x98: {  	s18 =	sld [smem:$0x3FDB];
	_ =	sdelay $0x1  }
0x99: {  	s19 =	simm.s32 $_scs_section_size  }
0x9a: {  	s4 =	simm.s32 $_size__tile_overlayer_lowered;
	s5 =	simm.s32 $_tile_overlayer_lowered  }
0x9b: {  	s22 =	simm.s32 $0x1BFF;
	s21 =	sshll.u32 s5, $0x1;
	s2 =	sadd.s32 s19, s18  }
0x9c: {  	s6 =	simm.s32 $0x0;
	s20 =	sshll.u32 s4, $0x1;
	s4 =	sadd.s32 s21, s2  }
0x9d: {  	[timem:s6], [sflag:s22] =	dma.local [hbm:s4], s20  }
0x9e: {  	_ =	swait.ge [sflag:s22], s20  }
0x9f: {  	s3 =	ssub.s32 $0x0, s20;
	[sflag:s22] =	ssyncset.done $0x0  }
0xa0: {  	[sflag:s22] =	ssyncadd.s32 s3;
	_ =	sdelay $0x1  }
0xa1: {  	s23 =	simm.s32 $0x1B8B  }
0xa2: {  	_ =	swait.ge [sflag:s23], $0x1  }
0xa3: {  	[sflag:s23] =	ssyncset.done $0x0  }
0xa4: {  	s25 =	simm.s32 $0x1B8E;
	s24 =	sld [smem:$0x3FFE];
	[sflag:s23] =	ssyncadd.s32 $0xFFFFFFFF  }
0xa5: {  	s26 =	simm.s32 $execute0_lowered;
	[smem:$0x3FD2] =	sst s25  }
0xa6: {  	s4 =	sshll.u32 s26, $0x1;
	_ =	strace $0x80000049;
	[dreg:$0x1] =	wrdreg $0xFFFFFFFF  }
0xa7: {  	s28 =	simm.s32 $_size_execute0_lowered;
	s2 =	sadd.s32 s2, s4;
	[dreg:$0x0] =	wrdreg $0x0  }
0xa8: {  	s4 =	sshll.u32 s28, $0x1;
	[dreg:$0x2] =	wrdreg s2  }
0xa9: {  	[dreg:$0x3] =	wrdreg s4  }
0xaa: {  	[dreg:$0x4] =	wrdreg $0xC0  }
0xab: {  	_ =	task [dreg:s6], $0x5FFFF  }
0xac: {  	[dreg:$0x1] =	wrdreg $0xFFFFFFFF  }
0xad: {  	[dreg:$0x0] =	wrdreg $0x60  }
0xae: {  	[dreg:$0x2] =	wrdreg s24  }
0xaf: {  	[dreg:$0x3] =	wrdreg $0x9  }
0xb0: {  	_ =	task.clear_ibuf [dreg:s6], $0x4FFFF;
	_ =	strace $0x90000049  }
0xb1: {  	s29 =	simm.s32 $0x9;
	_ =	strace $0x8000004B  }
0xb2: {  	_ =	swait.ge [sflag:s29], $0x1  }
0xb3: {  	[sflag:s29] =	ssyncadd.s32 $0xFFFFFFFF  }
0xb4: {  	_ =	strace $0x9000004B  }
0xb5: {  	_ =	sfence  }
0xb6: {  	s30 =	sld [smem:$0x0];
	_ =	sdelay $0x2  }
0xb7: {  	s31 =	sshll.u32 s1, $0xD;
	s1 =	sshrl.u32 s1, $0x2  }
0xb8: {  	s3 =	sand.u32 $0x4000, s31;
	s1 =	sadd.s32 s1, s30  }
0xb9: {  	s0 =	sor.u32 s3, s0;
	s1 =	sshll.u32 s1, $0x11  }
0xba: {  	s0 =	sor.u32 s1, s0  }
0xbb: {  	s0 =	sadd.s32 $0x8F2B, s0  }
0xbc: {  	[sflag:s0] =	ssyncadd.remote.s32 $0x1  }
0xbd: {  	_ =	sfence.sel $0xFFFF  }
0xbe: {  	[dreg:$0x0] =	wrdreg $0xFFFFFFFF;
	(pc) =	sbr.abs _section_cstart, $3  }
0xbf: {  	[dreg:$0x1] =	wrdreg $0xFFFFFFFF  }
0xc0: {  	_ =	task.clear_ibuf [dreg:s6], $0x2FFFF;
	_ =	strace $0x9FFFFFFF  }
0xc1: {  	(tm) =	ssettm $0x7FFFFFFF  }
tec
execute0_lowered:
.L_overlay_start_1:
0x0: {  	(tag) =	ssettag $0x1  }
0x1: {  	s0 =	rddreg [dreg:$0x0];
	s3 =	simm.s32 $0x0  }
0x2: {  	s1 =	srdreg.scid;
	s2 =	stileid.u32;
	s9 =	simm.s32 $0x2  }
0x3: {  	s15 =	simm.s32 $0x3580;
	s16 =	simm.s32 $0x3D80;
	s17 =	simm.s32 $0x4580  }
0x4: {  	s18 =	simm.s32 $0x4D80;
	s19 =	simm.s32 $0x5580;
	s20 =	simm.s32 $0x5D80  }
0x5: {  	s21 =	simm.s32 $0x6580;
	s22 =	simm.s32 $0x6D80;
	s23 =	simm.s32 $0x7580  }
0x6: {  	s28 =	simm.s32 $0x9580;
	s29 =	simm.s32 $0x9D80;
	s30 =	simm.s32 $0xA580  }
0x7: {  	s31 =	simm.s32 $0xAD80;
	s5 =	simm.s32 $0x0;
	[smem:$0x7FF] =	sst s3  }
0x8: {  	s1 =	sand.u32 $0x1, s1;
	s2 =	sshll.u32 s2, $0x1;
	s3 =	sadd.s32 $0x7AE00, s0  }
0x9: {  	s4 =	sadd.s32 $0x8400, s0;
	s24 =	sadd.s32 $0x3400, s0;
	s25 =	sadd.s32 $0x17400, s0  }
0xa: {  	_ =	strace $0x8000004A;
	s2 =	sor.u32 s1, s2;
	[dreg:$0x2] =	wrdreg s4  }
0xb: {  	v0 =	vlaneseq.u32;
	s1 =	ssub.s32 $0x2, s1;
	[dreg:$0x3] =	wrdreg s24;
	s7 =	smul.u32 $0xA00, s2  }
.Ltmp0:
0xc: {  	v2 =	vimm.f32 $0.0e+00;
	v3 =	vimm.s32 $0x0;
	vm0 =	vmmov $0xffff;
	[dreg:$0x4] =	wrdreg s25;
	s8 =	sshrl.u32 s1, $0x1;
	(pc) =	sbr.rel .LBB2_1-.Ltmp0, $4  }
0xd: {  	v5 =	vshrl.u32 v0, $0x3;
	v4 =	vand.u32 $0x7, v0;
	v6 =	vor.u32 $0x8, v0;
	s24 =	simm.s32 $0x7D80;
	s25 =	simm.s32 $0x8580;
	s1 =	ssub.s32 s1, s8  }
0xe: {  	v7 =	vor.u32 $0x20, v0;
	v8 =	vor.u32 $0x30, v0;
	v9 =	vor.u32 $0x10, v0;
	s2 =	smul.u32 $0xFFFFFEC0, s2;
	s0 =	sadd.s32 s7, s0;
	s26 =	smax.u32 s1, $0x1  }
0xf: {  	v10 =	vor.u32 $0x40, v0;
	v11 =	vor.u32 $0x50, v0;
	v12 =	vor.u32 $0x60, v0;
	s1 =	simm.s32 $0xB580;
	s0 =	sadd.s32 $0x2AE00, s0;
	[dreg:$0x6] =	wrdreg s26  }
0x10: {  	v13 =	vor.u32 $0x70, v0;
	v5 =	vmul.u32 $0x8, v5;
	v1 =	vmov s2;
	s26 =	simm.s32 $0x8D80;
	[dreg:$0x5] =	wrdreg s0;
	s0 =	simm.s32 $0x1  }
.LBB2_15:
0x11: {  	s2 =	simm.s32 $0x0;
	s4 =	rddreg [dreg:$0x5]  }
0x12: {  	[hbm4b:s4+s2] =	stream.linear.scatter [tilespmem:s1], [sflag:$0x2], $0x5000, $0x38;
	[tilespmem:$0x10600] =	vst v63  }
0x13: {  	_ =	swait.ge [sflag:s9], $0x5000  }
0x14: {  	s5 =	sadd.s32 $0x1, s5;
	s14 =	rddreg [dreg:$0x6]  }
0x15: {  	p0 =	sne.s32 s5, s14  }
.Ltmp1:
0x16: {  	_ = 	snop;
	(pc) =	sbr.rel @!p0 .LBB2_16-.Ltmp1, $3  }
0x17: {  	_ =	sdelay $0x1  }
0x18: {  	[sflag:s9] =	ssyncset.done $0x0  }
0x19: {  	[sflag:s9] =	ssyncadd.s32 $0xFFFFB000  }
.LBB2_1:
0x1a: {  	[dreg:$0x7] =	wrdreg s5;
	s2 =	simm.s32 $0x40;
	s7 =	simm.s32 $0x0  }
.LBB2_2:
0x1b: {  	p0 =	sne.s32 s2, $0x140C0;
	[tilespmem:s7+$0xB580] =	vst v2;
	s7 =	smov.u32 s2;
	s2 =	sadd.s32 $0x40, s2  }
.Ltmp2:
0x1c: {  	(pc) =	sbr.rel @p0 .LBB2_2-.Ltmp2, $2  }
0x1d: {  	_ =	sdelay $0x2  }
0x1e: {  	s7 =	sshra.s32 s7, $0x2  }
.Ltmp3:
0x1f: {  	(pc) =	sbr.rel .LBB2_4-.Ltmp3, $2  }
0x20: {  	_ =	sdelay $0x2  }
0x21: {  	[tilespmem:s7+$0xB580] =	vst v2;
	s8 =	simm.s32 $0x0;
	s7 =	simm.s32 $0x0;
	s2 =	simm.s32 $0x0  }
.LBB2_10:
0x22: {  	s2 =	sadd.s32 $0x1, s2  }
0x23: {  	p0 =	sne.s32 s2, $0x50  }
.Ltmp4:
0x24: {  	_ = 	snop;
	(pc) =	sbr.rel @!p0 .LBB2_11-.Ltmp4, $1  }
0x25: {  	_ =	sdelay $0x3  }
.LBB2_4:
0x26: {  	s10 =	smul.u32 $0x7D0, s2;
	_ =	sdelay $0x1  }
0x27: {  	s4 =	rddreg [dreg:$0x3];
	s10 =	sshrl.u32 s10, $0x3  }
0x28: {  	s11 =	sadd.s32 s4, s10  }
0x29: {  	[tilespmem:s8], [sflag:$0x2] =	stream.linear.gather [hbm4b:s11+s8], $0x7D0, $0x38;
	[tilespmem:$0x10600] =	vst v63  }
0x2a: {  	_ =	swait.ge [sflag:s9], $0x7D0  }
0x2b: {  	[sflag:s9] =	ssyncset.done $0x0;
	s5 =	rddreg [dreg:$0x2]  }
0x2c: {  	s12 =	simm.s32 $0x800;
	[sflag:s9] =	ssyncadd.s32 $0xFFFFF830;
	s6 =	sadd.s32 s5, s10  }
0x2d: {  	[tilespmem:s12], [sflag:$0x2] =	stream.linear.gather [hbm4b:s6+s8], $0x7D0, $0x38;
	[tilespmem:$0x10600] =	vst v63  }
0x2e: {  	_ =	swait.ge [sflag:s9], $0x7D0  }
0x2f: {  	[sflag:s9] =	ssyncset.done $0x0;
	s13 =	rddreg [dreg:$0x4]  }
0x30: {  	s14 =	simm.s32 $0x1000;
	[sflag:s9] =	ssyncadd.s32 $0xFFFFF830;
	s10 =	sadd.s32 s13, s10  }
0x31: {  	[tilespmem:s14], [sflag:$0x2] =	stream.linear.gather [hbm4b:s10+s8], $0x7D0, $0x38;
	[tilespmem:$0x10600] =	vst v63  }
0x32: {  	_ =	swait.ge [sflag:s9], $0x7D0  }
0x33: {  	[sflag:s9] =	ssyncset.done $0x0  }
0x34: {  	s6 =	simm.s32 $0x17D0;
	s5 =	sadd.s32 $0x4E20, s10;
	[sflag:s9] =	ssyncadd.s32 $0xFFFFF830  }
0x35: {  	[tilespmem:s6], [sflag:$0x2] =	stream.linear.gather [hbm4b:s5+s8], $0x7D0, $0x38;
	[tilespmem:$0x10600] =	vst v63  }
0x36: {  	_ =	swait.ge [sflag:s9], $0x7D0  }
0x37: {  	[sflag:s9] =	ssyncset.done $0x0  }
0x38: {  	s13 =	simm.s32 $0x1FA0;
	s12 =	sadd.s32 $0x9C40, s10;
	[sflag:s9] =	ssyncadd.s32 $0xFFFFF830  }
0x39: {  	[tilespmem:s13], [sflag:$0x2] =	stream.linear.gather [hbm4b:s12+s8], $0x7D0, $0x38;
	[tilespmem:$0x10600] =	vst v63  }
0x3a: {  	_ =	swait.ge [sflag:s9], $0x7D0  }
0x3b: {  	s10 =	sadd.s32 $0xEA60, s10;
	[sflag:s9] =	ssyncset.done $0x0  }
.Ltmp5:
0x3c: {  	s14 =	simm.s32 $0x2770;
	[sflag:s9] =	ssyncadd.s32 $0xFFFFF830;
	(pc) =	sbr.rel .LBB2_5-.Ltmp5, $4  }
0x3d: {  	[tilespmem:s14], [sflag:$0x2] =	stream.linear.gather [hbm4b:s10+s8], $0x7D0, $0x38;
	[tilespmem:$0x10600] =	vst v63  }
0x3e: {  	_ =	swait.ge [sflag:s9], $0x7D0  }
0x3f: {  	[sflag:s9] =	ssyncset.done $0x0  }
0x40: {  	s10 =	simm.s32 $0x0;
	[sflag:s9] =	ssyncadd.s32 $0xFFFFF830  }
.LBB2_8:
0x41: {  	v15 =	vld [tilespmem:s12+$0x3590];
	_ =	sdelay $0x4  }
0x42: {  	[tilespmem:v14+s1+$0x0] =	vst.idx.add.f32.msk $0xffff, v15  }
0x43: {  	v14 =	vld [tilespmem:$0x3000]  }
0x44: {  	v15 =	vld [tilespmem:$0x3100]  }
0x45: {  	v16 =	vld [tilespmem:$0x3200]  }
0x46: {  	v17 =	vld [tilespmem:$0x3300]  }
0x47: {  	v18 =	vld [tilespmem:$0x3400]  }
0x48: {  	[tilespmem:$0x2F80] =	vst v14;
	v14 =	vld [tilespmem:$0x3500]  }
0x49: {  	[tilespmem:$0x3080] =	vst v15  }
0x4a: {  	[tilespmem:$0x3180] =	vst v16  }
0x4b: {  	[tilespmem:$0x3280] =	vst v17  }
0x4c: {  	[tilespmem:$0x3380] =	vst v18  }
0x4d: {  	[tilespmem:$0x3480] =	vst v14  }
.LBB2_9:
0x4e: {  	s10 =	sadd.s32 $0x1, s10  }
0x4f: {  	p1 =	sne.s32 s10, $0x7D  }
.Ltmp6:
0x50: {  	_ = 	snop;
	(pc) =	sbr.rel @!p1 .LBB2_10-.Ltmp6, $3  }
0x51: {  	_ =	sdelay $0x1  }
0x52: {  	p0 =	sgt.s32 s7, $0x7F;
	s4 =	sadd.s32 $0xFFFFFF80, s7  }
0x53: {  	s7 =	smov.u32 @p0 s4  }
.LBB2_5:
0x54: {  	s11 =	sshll.u32 s10, $0x4  }
0x55: {  	v14 =	vld [tilespmem:s11+$0x0];
	_ =	sdelay $0x1  }
0x56: {  	v15 =	vld [tilespmem:s11+$0x800];
	_ =	sdelay $0x2  }
0x57: {  	v14 =	vadd.s32 v1, v14  }
0x58: {  	vm1 =	vlt.u32 v14, $0x140  }
0x59: {  	[tilespmem:s7+$0x2F80] =	vst.msk vm1, v15  }
0x5a: {  	v15 =	vsel vm1, $0x1, v3;
	[tilespmem:s7+$0x3080] =	vst.msk vm1, v14  }
0x5b: {  	(xrf0) =	vadd.scan.msk.s32 $0xffff, v15;
	v14 =	vld [tilespmem:s11+$0x1000];
	_ =	sdelay $0x4  }
0x5c: {  	[tilespmem:s7+$0x3180] =	vst.msk vm1, v14  }
0x5d: {  	v15, _, _ =	vpop (xrf0);
	v14 =	vld [tilespmem:s11+$0x17D0]  }
0x5e: {  	(v2sf) =	vpush v15, $0xF;
	_ =	sdelay $0x3  }
0x5f: {  	[tilespmem:s7+$0x3280] =	vst.msk vm1, v14  }
0x60: {  	v14 =	vld [tilespmem:s11+$0x1FA0];
	_ =	sdelay $0x4  }
0x61: {  	[tilespmem:s7+$0x3380] =	vst.msk vm1, v14  }
0x62: {  	v14 =	vld [tilespmem:s11+$0x2770];
	_ =	sdelay $0x3  }
0x63: {  	s14 =	spop (v2sf)  }
0x64: {  	[tilespmem:s7+$0x3480] =	vst.msk vm1, v14;
	s7 =	sadd.s32 s7, s14  }
0x65: {  	p0 =	slt.s32 s7, $0x80  }
.Ltmp7:
0x66: {  	_ = 	snop;
	(pc) =	sbr.rel @p0 .LBB2_9-.Ltmp7, $1  }
0x67: {  	_ =	sdelay $0x3  }
0x68: {  	v14 =	vld [tilespmem:$0x2F80];
	_ =	sdelay $0x4  }
0x69: {  	v15 =	vshll.u32 v14, $0x1  }
0x6a: {  	v14 =	vand.u32 $0x7, v14;
	v15 =	vand.u32 $0xFFFFFFF0, v15  }
0x6b: {  	v14 =	vor.u32 v14, v15  }
0x6c: {  	v15 =	vperm.xlane v14, v4;
	_ =	sdelay $0x1  }
0x6d: {  	v14 =	vperm.xlane v14, v6;
	v15 =	vadd.s32 v5, v15;
	_ =	sdelay $0x1  }
0x6e: {  	v14 =	vadd.s32 v5, v14;
	_ =	sdelay $0x1  }
0x6f: {  	s11 =	simm.s32 $0x0  }
0x70: {  	[tilespmem:s15], [sflag:$0x1] =	stream.indirect_vreg.gather [hbm4b:s3+s11], $0x80, v15, vm0, $0xb8;
	[tilespmem:$0x10600] =	vst v63  }
0x71: {  	_ = 	snop  }
0x72: {  	[tilespmem:s16], [sflag:$0x1] =	stream.indirect_vreg.gather [hbm4b:s3+s11], $0x80, v14, vm0, $0xb8;
	[tilespmem:$0x10600] =	vst v63  }
0x73: {  	v14 =	vld [tilespmem:$0x2F90];
	_ =	sdelay $0x4  }
0x74: {  	v15 =	vshll.u32 v14, $0x1  }
0x75: {  	v14 =	vand.u32 $0x7, v14;
	v15 =	vand.u32 $0xFFFFFFF0, v15  }
0x76: {  	v14 =	vor.u32 v14, v15  }
0x77: {  	v15 =	vperm.xlane v14, v4;
	_ =	sdelay $0x1  }
0x78: {  	v14 =	vperm.xlane v14, v6;
	v15 =	vadd.s32 v5, v15;
	_ =	sdelay $0x1  }
0x79: {  	v14 =	vadd.s32 v5, v14;
	_ =	sdelay $0x2  }
0x7a: {  	[tilespmem:s17], [sflag:$0x1] =	stream.indirect_vreg.gather [hbm4b:s3+s11], $0x80, v15, vm0, $0xb8;
	[tilespmem:$0x10600] =	vst v63  }
0x7b: {  	_ = 	snop  }
0x7c: {  	[tilespmem:s18], [sflag:$0x1] =	stream.indirect_vreg.gather [hbm4b:s3+s11], $0x80, v14, vm0, $0xb8;
	[tilespmem:$0x10600] =	vst v63  }
0x7d: {  	v14 =	vld [tilespmem:$0x2FA0];
	_ =	sdelay $0x4  }
0x7e: {  	v15 =	vshll.u32 v14, $0x1  }
0x7f: {  	v14 =	vand.u32 $0x7, v14;
	v15 =	vand.u32 $0xFFFFFFF0, v15  }
0x80: {  	v14 =	vor.u32 v14, v15  }
0x81: {  	v15 =	vperm.xlane v14, v4;
	_ =	sdelay $0x1  }
0x82: {  	v14 =	vperm.xlane v14, v6;
	v15 =	vadd.s32 v5, v15;
	_ =	sdelay $0x1  }
0x83: {  	v14 =	vadd.s32 v5, v14;
	_ =	sdelay $0x2  }
0x84: {  	[tilespmem:s19], [sflag:$0x1] =	stream.indirect_vreg.gather [hbm4b:s3+s11], $0x80, v15, vm0, $0xb8;
	[tilespmem:$0x10600] =	vst v63  }
0x85: {  	_ = 	snop  }
0x86: {  	[tilespmem:s20], [sflag:$0x1] =	stream.indirect_vreg.gather [hbm4b:s3+s11], $0x80, v14, vm0, $0xb8;
	[tilespmem:$0x10600] =	vst v63  }
0x87: {  	v14 =	vld [tilespmem:$0x2FB0];
	_ =	sdelay $0x4  }
0x88: {  	v15 =	vshll.u32 v14, $0x1  }
0x89: {  	v14 =	vand.u32 $0x7, v14;
	v15 =	vand.u32 $0xFFFFFFF0, v15  }
0x8a: {  	v14 =	vor.u32 v14, v15  }
0x8b: {  	v15 =	vperm.xlane v14, v4;
	_ =	sdelay $0x1  }
0x8c: {  	v14 =	vperm.xlane v14, v6;
	v15 =	vadd.s32 v5, v15;
	_ =	sdelay $0x1  }
0x8d: {  	v14 =	vadd.s32 v5, v14;
	_ =	sdelay $0x2  }
0x8e: {  	[tilespmem:s21], [sflag:$0x1] =	stream.indirect_vreg.gather [hbm4b:s3+s11], $0x80, v15, vm0, $0xb8;
	[tilespmem:$0x10600] =	vst v63  }
0x8f: {  	_ = 	snop  }
0x90: {  	[tilespmem:s22], [sflag:$0x1] =	stream.indirect_vreg.gather [hbm4b:s3+s11], $0x80, v14, vm0, $0xb8;
	[tilespmem:$0x10600] =	vst v63  }
0x91: {  	v14 =	vld [tilespmem:$0x2FC0];
	_ =	sdelay $0x4  }
0x92: {  	v15 =	vshll.u32 v14, $0x1  }
0x93: {  	v14 =	vand.u32 $0x7, v14;
	v15 =	vand.u32 $0xFFFFFFF0, v15  }
0x94: {  	v14 =	vor.u32 v14, v15  }
0x95: {  	v15 =	vperm.xlane v14, v4;
	_ =	sdelay $0x1  }
0x96: {  	v14 =	vperm.xlane v14, v6;
	v15 =	vadd.s32 v5, v15;
	_ =	sdelay $0x1  }
0x97: {  	v14 =	vadd.s32 v5, v14;
	_ =	sdelay $0x2  }
0x98: {  	[tilespmem:s23], [sflag:$0x1] =	stream.indirect_vreg.gather [hbm4b:s3+s11], $0x80, v15, vm0, $0xb8;
	[tilespmem:$0x10600] =	vst v63  }
0x99: {  	_ = 	snop  }
0x9a: {  	[tilespmem:s24], [sflag:$0x1] =	stream.indirect_vreg.gather [hbm4b:s3+s11], $0x80, v14, vm0, $0xb8;
	[tilespmem:$0x10600] =	vst v63  }
0x9b: {  	v14 =	vld [tilespmem:$0x2FD0];
	_ =	sdelay $0x4  }
0x9c: {  	v15 =	vshll.u32 v14, $0x1  }
0x9d: {  	v14 =	vand.u32 $0x7, v14;
	v15 =	vand.u32 $0xFFFFFFF0, v15  }
0x9e: {  	v14 =	vor.u32 v14, v15  }
0x9f: {  	v15 =	vperm.xlane v14, v4;
	_ =	sdelay $0x1  }
0xa0: {  	v14 =	vperm.xlane v14, v6;
	v15 =	vadd.s32 v5, v15;
	_ =	sdelay $0x1  }
0xa1: {  	v14 =	vadd.s32 v5, v14;
	_ =	sdelay $0x2  }
0xa2: {  	[tilespmem:s25], [sflag:$0x1] =	stream.indirect_vreg.gather [hbm4b:s3+s11], $0x80, v15, vm0, $0xb8;
	[tilespmem:$0x10600] =	vst v63  }
0xa3: {  	_ = 	snop  }
0xa4: {  	[tilespmem:s26], [sflag:$0x1] =	stream.indirect_vreg.gather [hbm4b:s3+s11], $0x80, v14, vm0, $0xb8;
	[tilespmem:$0x10600] =	vst v63  }
0xa5: {  	v14 =	vld [tilespmem:$0x2FE0];
	_ =	sdelay $0x4  }
0xa6: {  	v15 =	vshll.u32 v14, $0x1  }
0xa7: {  	v14 =	vand.u32 $0x7, v14;
	v15 =	vand.u32 $0xFFFFFFF0, v15  }
0xa8: {  	v14 =	vor.u32 v14, v15  }
0xa9: {  	v15 =	vperm.xlane v14, v4;
	_ =	sdelay $0x1  }
0xaa: {  	v14 =	vperm.xlane v14, v6;
	v15 =	vadd.s32 v5, v15;
	_ =	sdelay $0x1  }
0xab: {  	v14 =	vadd.s32 v5, v14;
	_ =	sdelay $0x2  }
0xac: {  	[tilespmem:s28], [sflag:$0x1] =	stream.indirect_vreg.gather [hbm4b:s3+s11], $0x80, v15, vm0, $0xb8;
	[tilespmem:$0x10600] =	vst v63  }
0xad: {  	_ = 	snop  }
0xae: {  	[tilespmem:s29], [sflag:$0x1] =	stream.indirect_vreg.gather [hbm4b:s3+s11], $0x80, v14, vm0, $0xb8;
	[tilespmem:$0x10600] =	vst v63  }
0xaf: {  	v14 =	vld [tilespmem:$0x2FF0];
	_ =	sdelay $0x4  }
0xb0: {  	v15 =	vshll.u32 v14, $0x1  }
0xb1: {  	v14 =	vand.u32 $0x7, v14;
	v15 =	vand.u32 $0xFFFFFFF0, v15  }
0xb2: {  	v14 =	vor.u32 v14, v15  }
0xb3: {  	v15 =	vperm.xlane v14, v4;
	_ =	sdelay $0x1  }
0xb4: {  	v14 =	vperm.xlane v14, v6;
	v15 =	vadd.s32 v5, v15;
	_ =	sdelay $0x1  }
0xb5: {  	v14 =	vadd.s32 v5, v14;
	_ =	sdelay $0x2  }
0xb6: {  	[tilespmem:s30], [sflag:$0x1] =	stream.indirect_vreg.gather [hbm4b:s3+s11], $0x80, v15, vm0, $0xb8;
	[tilespmem:$0x10600] =	vst v63  }
0xb7: {  	_ = 	snop  }
0xb8: {  	[tilespmem:s31], [sflag:$0x1] =	stream.indirect_vreg.gather [hbm4b:s3+s11], $0x80, v14, vm0, $0xb8;
	[tilespmem:$0x10600] =	vst v63  }
0xb9: {  	_ =	swait.ge [sflag:s0], $0x8000  }
0xba: {  	[sflag:s0] =	ssyncset.done $0x0  }
0xbb: {  	s13 =	sand.u32 $0x70, s11;
	[sflag:s0] =	ssyncadd.s32 $0xFFFF8000  }
0xbc: {  	v14 =	vld [tilespmem:s13+$0x3380]  }
0xbd: {  	v15 =	vld [tilespmem:s13+$0x3280]  }
0xbe: {  	s12 =	sand.u32 $0x7800, s11;
	s14 =	sand.u32 $0x380, s11;
	v16 =	vld [tilespmem:s13+$0x3180]  }
0xbf: {  	s12 =	sor.u32 s14, s12;
	v17 =	vld [tilespmem:s13+$0x3080]  }
0xc0: {  	v18 =	vld [tilespmem:s12+$0x35A0]  }
0xc1: {  	s6 =	sand.u32 $0xF, s11;
	v19 =	vld [tilespmem:s12+$0x39A0]  }
0xc2: {  	v20 =	vmov s6;
	v21 =	vld [tilespmem:s12+$0x35C0]  }
0xc3: {  	v23 =	vld [tilespmem:s13+$0x3480];
	v16 =	vperm.xlane v16, v20  }
0xc4: {  	v22 =	vld [tilespmem:s12+$0x35E0]  }
0xc5: {  	v15 =	vperm.xlane v15, v20;
	v18 =	vmul.f32 v18, v16  }
0xc6: {  	v24 =	vld [tilespmem:s12+$0x3980];
	v17 =	vperm.xlane v17, v20  }
0xc7: {  	v14 =	vperm.xlane v14, v20;
	v56 =	vmul.f32 v21, v15;
	v18 =	vadd.f32 v18, v19  }
0xc8: {  	v20 =	vperm.xlane v23, v20  }
0xc9: {  	v17 =	vshll.u32 v17, $0x6;
	v57 =	vmul.f32 v22, v14;
	v18 =	vadd.f32 v56, v18  }
0xca: {  	v58 =	vor.u32 v7, v17  }
0xcb: {  	v59 =	vmul.f32 v24, v20;
	v18 =	vadd.f32 v57, v18;
	_ =	sdelay $0x1  }
0xcc: {  	v18 =	vadd.f32 v59, v18;
	_ =	sdelay $0x1  }
0xcd: {  	[tilespmem:v58+s1+$0x0] =	vst.idx.add.f32.msk $0xffff, v18  }
0xce: {  	v18 =	vld [tilespmem:s12+$0x35B0]  }
0xcf: {  	v60 =	vld [tilespmem:s12+$0x35D0]  }
0xd0: {  	v21 =	vld [tilespmem:s12+$0x39B0];
	_ =	sdelay $0x1  }
0xd1: {  	v61 =	vld [tilespmem:s12+$0x35F0]  }
0xd2: {  	v16 =	vmul.f32 v18, v16  }
0xd3: {  	v62 =	vld [tilespmem:s12+$0x3990]  }
0xd4: {  	v15 =	vmul.f32 v60, v15;
	v16 =	vadd.f32 v16, v21;
	_ =	sdelay $0x1  }
0xd5: {  	v14 =	vmul.f32 v61, v14;
	v15 =	vadd.f32 v15, v16  }
0xd6: {  	v63 =	vor.u32 v8, v17  }
0xd7: {  	v14 =	vadd.f32 v14, v15;
	v15 =	vmul.f32 v62, v20;
	_ =	sdelay $0x1  }
0xd8: {  	v14 =	vadd.f32 v15, v14;
	_ =	sdelay $0x1  }
0xd9: {  	[tilespmem:v63+s1+$0x0] =	vst.idx.add.f32.msk $0xffff, v14  }
0xda: {  	v15 =	vor.u32 v0, v17;
	v16 =	vld [tilespmem:s12+$0x3580];
	_ =	sdelay $0x4  }
0xdb: {  	s14 =	simm.s32 $0x0;
	s13 =	simm.s32 $0x1;
	v14 =	vor.u32 v9, v17;
	[tilespmem:v15+s1+$0x0] =	vst.idx.add.f32.msk $0xffff, v16  }
.LBB2_7:
0xdc: {  	p0 =	sne.s32 s13, $0x7F;
	v15 =	vld [tilespmem:s12+$0x3590];
	s11 =	sadd.s32 $0x80, s11;
	s14 =	sadd.s32 $0x100, s14  }
0xdd: {  	s4 =	smov.u32 s13;
	s13 =	sadd.s32 $0x1, s13  }
0xde: {  	s5 =	sand.u32 $0x70, s4  }
0xdf: {  	s12 =	sand.u32 $0x7800, s14;
	s6 =	sand.u32 $0x380, s11  }
0xe0: {  	s12 =	sor.u32 s6, s12  }
0xe1: {  	[tilespmem:v14+s1+$0x0] =	vst.idx.add.f32.msk $0xffff, v15  }
0xe2: {  	v14 =	vld [tilespmem:s5+$0x3380]  }
0xe3: {  	s4 =	sand.u32 $0xF, s4;
	v15 =	vld [tilespmem:s5+$0x3280]  }
0xe4: {  	v16 =	vmov s4;
	v17 =	vld [tilespmem:s5+$0x3180]  }
0xe5: {  	v18 =	vld [tilespmem:s5+$0x3080]  }
0xe6: {  	v19 =	vld [tilespmem:s12+$0x35A0]  }
0xe7: {  	v20 =	vperm.xlane v14, v16;
	v14 =	vld [tilespmem:s12+$0x39A0]  }
0xe8: {  	v15 =	vperm.xlane v15, v16;
	v21 =	vld [tilespmem:s12+$0x35C0]  }
0xe9: {  	v17 =	vperm.xlane v17, v16;
	v22 =	vld [tilespmem:s12+$0x35E0]  }
0xea: {  	v18 =	vperm.xlane v18, v16;
	v23 =	vld [tilespmem:s5+$0x3480]  }
0xeb: {  	v19 =	vmul.f32 v19, v17  }
0xec: {  	v24 =	vld [tilespmem:s12+$0x3980];
	v18 =	vshll.u32 v18, $0x6  }
0xed: {  	v19 =	vadd.f32 v19, v14;
	v21 =	vmul.f32 v21, v15;
	v14 =	vor.u32 v9, v18;
	_ =	sdelay $0x1  }
0xee: {  	v16 =	vperm.xlane v23, v16;
	v19 =	vadd.f32 v21, v19;
	v21 =	vmul.f32 v22, v20  }
0xef: {  	v22 =	vor.u32 v7, v18  }
0xf0: {  	v19 =	vadd.f32 v21, v19;
	v21 =	vmul.f32 v24, v16;
	_ =	sdelay $0x1  }
0xf1: {  	v19 =	vadd.f32 v21, v19;
	_ =	sdelay $0x1  }
0xf2: {  	[tilespmem:v22+s1+$0x0] =	vst.idx.add.f32.msk $0xffff, v19  }
0xf3: {  	v19 =	vld [tilespmem:s12+$0x35B0]  }
0xf4: {  	v21 =	vld [tilespmem:s12+$0x35D0]  }
0xf5: {  	v22 =	vld [tilespmem:s12+$0x39B0];
	_ =	sdelay $0x1  }
0xf6: {  	v23 =	vld [tilespmem:s12+$0x35F0]  }
0xf7: {  	v17 =	vmul.f32 v19, v17  }
0xf8: {  	v19 =	vld [tilespmem:s12+$0x3990]  }
0xf9: {  	v15 =	vmul.f32 v21, v15;
	v17 =	vadd.f32 v17, v22;
	_ =	sdelay $0x1  }
0xfa: {  	v15 =	vadd.f32 v15, v17;
	v17 =	vmul.f32 v23, v20  }
0xfb: {  	v20 =	vor.u32 v8, v18  }
0xfc: {  	v15 =	vadd.f32 v17, v15;
	v16 =	vmul.f32 v19, v16;
	_ =	sdelay $0x1  }
0xfd: {  	v15 =	vadd.f32 v16, v15;
	_ =	sdelay $0x1  }
0xfe: {  	[tilespmem:v20+s1+$0x0] =	vst.idx.add.f32.msk $0xffff, v15  }
0xff: {  	v15 =	vor.u32 v0, v18;
	v16 =	vld [tilespmem:s12+$0x3580]  }
.Ltmp8:
0x100: {  	(pc) =	sbr.rel @p0 .LBB2_7-.Ltmp8, $2  }
0x101: {  	_ =	sdelay $0x2  }
0x102: {  	[tilespmem:v15+s1+$0x0] =	vst.idx.add.f32.msk $0xffff, v16  }
.Ltmp9:
0x103: {  	_ = 	snop;
	(pc) =	sbr.rel .LBB2_8-.Ltmp9, $1  }
0x104: {  	_ =	sdelay $0x3  }
.LBB2_11:
0x105: {  	p0 =	slt.s32 s7, $0x1  }
.Ltmp10:
0x106: {  	_ = 	snop;
	(pc) =	sbr.rel @p0 .LBB2_15-.Ltmp10, $2  }
0x107: {  	_ =	sdelay $0x2  }
0x108: {  	s5 =	rddreg [dreg:$0x7]  }
0x109: {  	v15 =	vld [tilespmem:$0x2F80]  }
0x10a: {  	v16 =	vld [tilespmem:$0x3080]  }
0x10b: {  	v17 =	vld [tilespmem:$0x3180]  }
0x10c: {  	v18 =	vld [tilespmem:$0x3280]  }
0x10d: {  	v14 =	vmov s7;
	v19 =	vld [tilespmem:$0x3380]  }
0x10e: {  	v20 =	vld [tilespmem:$0x3480];
	vm1 =	vgt.s32 v14, v0  }
0x10f: {  	v21 =	vld [tilespmem:$0x2F90];
	v15 =	vnsel vm1, $0x0, v15  }
0x110: {  	v45 =	vld [tilespmem:$0x3090];
	[tilespmem:$0x2F80] =	vst v15;
	v15 =	vnsel vm1, $0x140, v16  }
0x111: {  	v46 =	vld [tilespmem:$0x3190];
	[tilespmem:$0x3080] =	vst v15;
	v15 =	vnsel vm1, $0x0, v17  }
0x112: {  	v47 =	vld [tilespmem:$0x3290];
	[tilespmem:$0x3180] =	vst v15;
	v15 =	vnsel vm1, $0x0, v18  }
0x113: {  	v48 =	vld [tilespmem:$0x3390];
	[tilespmem:$0x3280] =	vst v15;
	v15 =	vnsel vm1, $0x0, v19  }
0x114: {  	v49 =	vld [tilespmem:$0x3490];
	[tilespmem:$0x3380] =	vst v15;
	v15 =	vnsel vm1, $0x0, v20;
	vm1 =	vgt.s32 v14, v9  }
0x115: {  	v50 =	vld [tilespmem:$0x2FA0];
	[tilespmem:$0x3480] =	vst v15;
	v15 =	vnsel vm1, $0x0, v21  }
0x116: {  	v51 =	vld [tilespmem:$0x30A0];
	[tilespmem:$0x2F90] =	vst v15;
	v15 =	vnsel vm1, $0x140, v45  }
0x117: {  	v52 =	vld [tilespmem:$0x31A0];
	[tilespmem:$0x3090] =	vst v15;
	v15 =	vnsel vm1, $0x0, v46  }
0x118: {  	v53 =	vld [tilespmem:$0x32A0];
	[tilespmem:$0x3190] =	vst v15;
	v15 =	vnsel vm1, $0x0, v47  }
0x119: {  	v54 =	vld [tilespmem:$0x33A0];
	[tilespmem:$0x3290] =	vst v15;
	v15 =	vnsel vm1, $0x0, v48  }
0x11a: {  	v55 =	vld [tilespmem:$0x34A0];
	[tilespmem:$0x3390] =	vst v15;
	v15 =	vnsel vm1, $0x0, v49;
	vm1 =	vgt.s32 v14, v7  }
0x11b: {  	v56 =	vld [tilespmem:$0x2FB0];
	[tilespmem:$0x3490] =	vst v15;
	v15 =	vnsel vm1, $0x0, v50  }
0x11c: {  	v57 =	vld [tilespmem:$0x30B0];
	[tilespmem:$0x2FA0] =	vst v15;
	v15 =	vnsel vm1, $0x140, v51  }
0x11d: {  	v58 =	vld [tilespmem:$0x31B0];
	[tilespmem:$0x30A0] =	vst v15;
	v15 =	vnsel vm1, $0x0, v52  }
0x11e: {  	v59 =	vld [tilespmem:$0x32B0];
	[tilespmem:$0x31A0] =	vst v15;
	v15 =	vnsel vm1, $0x0, v53  }
0x11f: {  	v60 =	vld [tilespmem:$0x33B0];
	[tilespmem:$0x32A0] =	vst v15;
	v15 =	vnsel vm1, $0x0, v54  }
0x120: {  	v61 =	vld [tilespmem:$0x34B0];
	[tilespmem:$0x33A0] =	vst v15;
	v15 =	vnsel vm1, $0x0, v55;
	vm1 =	vgt.s32 v14, v8  }
0x121: {  	v62 =	vld [tilespmem:$0x2FC0];
	[tilespmem:$0x34A0] =	vst v15;
	v15 =	vnsel vm1, $0x0, v56  }
0x122: {  	v63 =	vld [tilespmem:$0x30C0];
	[tilespmem:$0x2FB0] =	vst v15;
	v15 =	vnsel vm1, $0x140, v57  }
0x123: {  	v24 =	vld [tilespmem:$0x31C0];
	[tilespmem:$0x30B0] =	vst v15;
	v15 =	vnsel vm1, $0x0, v58  }
0x124: {  	v25 =	vld [tilespmem:$0x32C0];
	[tilespmem:$0x31B0] =	vst v15;
	v15 =	vnsel vm1, $0x0, v59  }
0x125: {  	v26 =	vld [tilespmem:$0x33C0];
	[tilespmem:$0x32B0] =	vst v15;
	v15 =	vnsel vm1, $0x0, v60  }
0x126: {  	v27 =	vld [tilespmem:$0x34C0];
	[tilespmem:$0x33B0] =	vst v15;
	v15 =	vnsel vm1, $0x0, v61;
	vm1 =	vgt.s32 v14, v10  }
0x127: {  	v28 =	vld [tilespmem:$0x2FD0];
	[tilespmem:$0x34B0] =	vst v15;
	v15 =	vnsel vm1, $0x0, v62  }
0x128: {  	v29 =	vld [tilespmem:$0x30D0];
	[tilespmem:$0x2FC0] =	vst v15;
	v15 =	vnsel vm1, $0x140, v63  }
0x129: {  	v30 =	vld [tilespmem:$0x31D0];
	[tilespmem:$0x30C0] =	vst v15;
	v15 =	vnsel vm1, $0x0, v24  }
0x12a: {  	v31 =	vld [tilespmem:$0x32D0];
	[tilespmem:$0x31C0] =	vst v15;
	v15 =	vnsel vm1, $0x0, v25  }
0x12b: {  	v32 =	vld [tilespmem:$0x33D0];
	[tilespmem:$0x32C0] =	vst v15;
	v15 =	vnsel vm1, $0x0, v26  }
0x12c: {  	v33 =	vld [tilespmem:$0x34D0];
	[tilespmem:$0x33C0] =	vst v15;
	v15 =	vnsel vm1, $0x0, v27;
	vm1 =	vgt.s32 v14, v11  }
0x12d: {  	v34 =	vld [tilespmem:$0x2FE0];
	[tilespmem:$0x34C0] =	vst v15;
	v15 =	vnsel vm1, $0x0, v28  }
0x12e: {  	v35 =	vld [tilespmem:$0x30E0];
	[tilespmem:$0x2FD0] =	vst v15;
	v15 =	vnsel vm1, $0x140, v29  }
0x12f: {  	v36 =	vld [tilespmem:$0x31E0];
	[tilespmem:$0x30D0] =	vst v15;
	v15 =	vnsel vm1, $0x0, v30  }
0x130: {  	v37 =	vld [tilespmem:$0x32E0];
	[tilespmem:$0x31D0] =	vst v15;
	v15 =	vnsel vm1, $0x0, v31  }
0x131: {  	v38 =	vld [tilespmem:$0x2F80];
	[tilespmem:$0x32D0] =	vst v15;
	v15 =	vnsel vm1, $0x0, v32  }
0x132: {  	v39 =	vld [tilespmem:$0x33E0];
	[tilespmem:$0x33D0] =	vst v15;
	v15 =	vnsel vm1, $0x0, v33;
	vm1 =	vgt.s32 v14, v12  }
0x133: {  	v40 =	vld [tilespmem:$0x34E0];
	[tilespmem:$0x34D0] =	vst v15;
	v15 =	vnsel vm1, $0x0, v34  }
0x134: {  	v41 =	vld [tilespmem:$0x2FF0];
	[tilespmem:$0x2FE0] =	vst v15;
	v15 =	vnsel vm1, $0x140, v35  }
0x135: {  	v42 =	vld [tilespmem:$0x30F0];
	[tilespmem:$0x30E0] =	vst v15;
	v15 =	vnsel vm1, $0x0, v36  }
0x136: {  	v43 =	vld [tilespmem:$0x31F0];
	v22 =	vshll.u32 v38, $0x1;
	[tilespmem:$0x31E0] =	vst v15;
	v15 =	vnsel vm1, $0x0, v37  }
0x137: {  	v44 =	vld [tilespmem:$0x32F0];
	v19 =	vand.u32 $0x7, v38;
	v22 =	vand.u32 $0xFFFFFFF0, v22;
	[tilespmem:$0x32E0] =	vst v15;
	v15 =	vnsel vm1, $0x0, v39  }
0x138: {  	v19 =	vor.u32 v19, v22;
	[tilespmem:$0x33E0] =	vst v15;
	v15 =	vnsel vm1, $0x0, v40;
	vm1 =	vgt.s32 v14, v13;
	v14 =	vld [tilespmem:$0x33F0]  }
0x139: {  	v45 =	vld [tilespmem:$0x34F0];
	v46 =	vperm.xlane v19, v4;
	[tilespmem:$0x34E0] =	vst v15;
	v15 =	vnsel vm1, $0x0, v41  }
0x13a: {  	[tilespmem:$0x2FF0] =	vst v15;
	v15 =	vnsel vm1, $0x140, v42  }
0x13b: {  	v48 =	vperm.xlane v19, v6;
	v47 =	vadd.s32 v5, v46;
	[tilespmem:$0x30F0] =	vst v15;
	v15 =	vnsel vm1, $0x0, v43  }
0x13c: {  	[tilespmem:$0x31F0] =	vst v15;
	v15 =	vnsel vm1, $0x0, v44  }
0x13d: {  	[tilespmem:$0x32F0] =	vst v15;
	v14 =	vnsel vm1, $0x0, v14;
	v15 =	vadd.s32 v5, v48  }
0x13e: {  	[tilespmem:$0x33F0] =	vst v14;
	v14 =	vnsel vm1, $0x0, v45  }
0x13f: {  	s2 =	simm.s32 $0x0;
	[tilespmem:$0x34F0] =	vst v14  }
0x140: {  	[tilespmem:s15], [sflag:$0x1] =	stream.indirect_vreg.gather [hbm4b:s3+s2], $0x80, v47, vm0, $0xb8;
	[tilespmem:$0x10600] =	vst v63  }
0x141: {  	_ = 	snop  }
0x142: {  	[tilespmem:s16], [sflag:$0x1] =	stream.indirect_vreg.gather [hbm4b:s3+s2], $0x80, v15, vm0, $0xb8;
	[tilespmem:$0x10600] =	vst v63  }
0x143: {  	v14 =	vld [tilespmem:$0x2F90];
	_ =	sdelay $0x4  }
0x144: {  	v15 =	vshll.u32 v14, $0x1  }
0x145: {  	v14 =	vand.u32 $0x7, v14;
	v15 =	vand.u32 $0xFFFFFFF0, v15  }
0x146: {  	v14 =	vor.u32 v14, v15  }
0x147: {  	v15 =	vperm.xlane v14, v4;
	_ =	sdelay $0x1  }
0x148: {  	v14 =	vperm.xlane v14, v6;
	v15 =	vadd.s32 v5, v15;
	_ =	sdelay $0x1  }
0x149: {  	v14 =	vadd.s32 v5, v14;
	_ =	sdelay $0x2  }
0x14a: {  	[tilespmem:s17], [sflag:$0x1] =	stream.indirect_vreg.gather [hbm4b:s3+s2], $0x80, v15, vm0, $0xb8;
	[tilespmem:$0x10600] =	vst v63  }
0x14b: {  	_ = 	snop  }
0x14c: {  	[tilespmem:s18], [sflag:$0x1] =	stream.indirect_vreg.gather [hbm4b:s3+s2], $0x80, v14, vm0, $0xb8;
	[tilespmem:$0x10600] =	vst v63  }
0x14d: {  	v14 =	vld [tilespmem:$0x2FA0];
	_ =	sdelay $0x4  }
0x14e: {  	v15 =	vshll.u32 v14, $0x1  }
0x14f: {  	v14 =	vand.u32 $0x7, v14;
	v15 =	vand.u32 $0xFFFFFFF0, v15  }
0x150: {  	v14 =	vor.u32 v14, v15  }
0x151: {  	v15 =	vperm.xlane v14, v4;
	_ =	sdelay $0x1  }
0x152: {  	v14 =	vperm.xlane v14, v6;
	v15 =	vadd.s32 v5, v15;
	_ =	sdelay $0x1  }
0x153: {  	v14 =	vadd.s32 v5, v14;
	_ =	sdelay $0x2  }
0x154: {  	[tilespmem:s19], [sflag:$0x1] =	stream.indirect_vreg.gather [hbm4b:s3+s2], $0x80, v15, vm0, $0xb8;
	[tilespmem:$0x10600] =	vst v63  }
0x155: {  	_ = 	snop  }
0x156: {  	[tilespmem:s20], [sflag:$0x1] =	stream.indirect_vreg.gather [hbm4b:s3+s2], $0x80, v14, vm0, $0xb8;
	[tilespmem:$0x10600] =	vst v63  }
0x157: {  	v14 =	vld [tilespmem:$0x2FB0];
	_ =	sdelay $0x4  }
0x158: {  	v15 =	vshll.u32 v14, $0x1  }
0x159: {  	v14 =	vand.u32 $0x7, v14;
	v15 =	vand.u32 $0xFFFFFFF0, v15  }
0x15a: {  	v14 =	vor.u32 v14, v15  }
0x15b: {  	v15 =	vperm.xlane v14, v4;
	_ =	sdelay $0x1  }
0x15c: {  	v14 =	vperm.xlane v14, v6;
	v15 =	vadd.s32 v5, v15;
	_ =	sdelay $0x1  }
0x15d: {  	v14 =	vadd.s32 v5, v14;
	_ =	sdelay $0x2  }
0x15e: {  	[tilespmem:s21], [sflag:$0x1] =	stream.indirect_vreg.gather [hbm4b:s3+s2], $0x80, v15, vm0, $0xb8;
	[tilespmem:$0x10600] =	vst v63  }
0x15f: {  	_ = 	snop  }
0x160: {  	[tilespmem:s22], [sflag:$0x1] =	stream.indirect_vreg.gather [hbm4b:s3+s2], $0x80, v14, vm0, $0xb8;
	[tilespmem:$0x10600] =	vst v63  }
0x161: {  	v14 =	vld [tilespmem:$0x2FC0];
	_ =	sdelay $0x4  }
0x162: {  	v15 =	vshll.u32 v14, $0x1  }
0x163: {  	v14 =	vand.u32 $0x7, v14;
	v15 =	vand.u32 $0xFFFFFFF0, v15  }
0x164: {  	v14 =	vor.u32 v14, v15  }
0x165: {  	v15 =	vperm.xlane v14, v4;
	_ =	sdelay $0x1  }
0x166: {  	v14 =	vperm.xlane v14, v6;
	v15 =	vadd.s32 v5, v15;
	_ =	sdelay $0x1  }
0x167: {  	v14 =	vadd.s32 v5, v14;
	_ =	sdelay $0x2  }
0x168: {  	[tilespmem:s23], [sflag:$0x1] =	stream.indirect_vreg.gather [hbm4b:s3+s2], $0x80, v15, vm0, $0xb8;
	[tilespmem:$0x10600] =	vst v63  }
0x169: {  	_ = 	snop  }
0x16a: {  	[tilespmem:s24], [sflag:$0x1] =	stream.indirect_vreg.gather [hbm4b:s3+s2], $0x80, v14, vm0, $0xb8;
	[tilespmem:$0x10600] =	vst v63  }
0x16b: {  	v14 =	vld [tilespmem:$0x2FD0];
	_ =	sdelay $0x4  }
0x16c: {  	v15 =	vshll.u32 v14, $0x1  }
0x16d: {  	v14 =	vand.u32 $0x7, v14;
	v15 =	vand.u32 $0xFFFFFFF0, v15  }
0x16e: {  	v14 =	vor.u32 v14, v15  }
0x16f: {  	v15 =	vperm.xlane v14, v4;
	_ =	sdelay $0x1  }
0x170: {  	v14 =	vperm.xlane v14, v6;
	v15 =	vadd.s32 v5, v15;
	_ =	sdelay $0x1  }
0x171: {  	v14 =	vadd.s32 v5, v14;
	_ =	sdelay $0x2  }
0x172: {  	[tilespmem:s25], [sflag:$0x1] =	stream.indirect_vreg.gather [hbm4b:s3+s2], $0x80, v15, vm0, $0xb8;
	[tilespmem:$0x10600] =	vst v63  }
0x173: {  	_ = 	snop  }
0x174: {  	[tilespmem:s26], [sflag:$0x1] =	stream.indirect_vreg.gather [hbm4b:s3+s2], $0x80, v14, vm0, $0xb8;
	[tilespmem:$0x10600] =	vst v63  }
0x175: {  	v14 =	vld [tilespmem:$0x2FE0];
	_ =	sdelay $0x4  }
0x176: {  	v15 =	vshll.u32 v14, $0x1  }
0x177: {  	v14 =	vand.u32 $0x7, v14;
	v15 =	vand.u32 $0xFFFFFFF0, v15  }
0x178: {  	v14 =	vor.u32 v14, v15  }
0x179: {  	v15 =	vperm.xlane v14, v4;
	_ =	sdelay $0x1  }
0x17a: {  	v14 =	vperm.xlane v14, v6;
	v15 =	vadd.s32 v5, v15;
	_ =	sdelay $0x1  }
0x17b: {  	v14 =	vadd.s32 v5, v14;
	_ =	sdelay $0x2  }
0x17c: {  	[tilespmem:s28], [sflag:$0x1] =	stream.indirect_vreg.gather [hbm4b:s3+s2], $0x80, v15, vm0, $0xb8;
	[tilespmem:$0x10600] =	vst v63  }
0x17d: {  	_ = 	snop  }
0x17e: {  	[tilespmem:s29], [sflag:$0x1] =	stream.indirect_vreg.gather [hbm4b:s3+s2], $0x80, v14, vm0, $0xb8;
	[tilespmem:$0x10600] =	vst v63  }
0x17f: {  	v14 =	vld [tilespmem:$0x2FF0];
	_ =	sdelay $0x4  }
0x180: {  	v15 =	vshll.u32 v14, $0x1  }
0x181: {  	v14 =	vand.u32 $0x7, v14;
	v15 =	vand.u32 $0xFFFFFFF0, v15  }
0x182: {  	v14 =	vor.u32 v14, v15  }
0x183: {  	v15 =	vperm.xlane v14, v4;
	_ =	sdelay $0x1  }
0x184: {  	v14 =	vperm.xlane v14, v6;
	v15 =	vadd.s32 v5, v15;
	_ =	sdelay $0x1  }
0x185: {  	v14 =	vadd.s32 v5, v14;
	_ =	sdelay $0x2  }
0x186: {  	[tilespmem:s30], [sflag:$0x1] =	stream.indirect_vreg.gather [hbm4b:s3+s2], $0x80, v15, vm0, $0xb8;
	[tilespmem:$0x10600] =	vst v63  }
0x187: {  	_ = 	snop  }
0x188: {  	[tilespmem:s31], [sflag:$0x1] =	stream.indirect_vreg.gather [hbm4b:s3+s2], $0x80, v14, vm0, $0xb8;
	[tilespmem:$0x10600] =	vst v63  }
0x189: {  	_ =	swait.ge [sflag:s0], $0x8000  }
0x18a: {  	[sflag:s0] =	ssyncset.done $0x0  }
0x18b: {  	s4 =	sand.u32 $0x70, s2;
	[sflag:s0] =	ssyncadd.s32 $0xFFFF8000  }
0x18c: {  	v14 =	vld [tilespmem:s4+$0x3380]  }
0x18d: {  	v15 =	vld [tilespmem:s4+$0x3280]  }
0x18e: {  	s5 =	sand.u32 $0x7800, s2;
	s6 =	sand.u32 $0x380, s2;
	v49 =	vld [tilespmem:s4+$0x3180]  }
0x18f: {  	s7 =	sor.u32 s6, s5;
	v50 =	vld [tilespmem:s4+$0x3080]  }
0x190: {  	v51 =	vld [tilespmem:s7+$0x35A0]  }
0x191: {  	s14 =	sand.u32 $0xF, s2;
	v52 =	vld [tilespmem:s7+$0x39A0]  }
0x192: {  	v53 =	vmov s14;
	v54 =	vld [tilespmem:s7+$0x35C0]  }
0x193: {  	v23 =	vld [tilespmem:s4+$0x3480];
	v16 =	vperm.xlane v49, v53  }
0x194: {  	v55 =	vld [tilespmem:s7+$0x35E0]  }
0x195: {  	v15 =	vperm.xlane v15, v53;
	v18 =	vmul.f32 v51, v16  }
0x196: {  	v24 =	vld [tilespmem:s7+$0x3980];
	v17 =	vperm.xlane v50, v53  }
0x197: {  	v14 =	vperm.xlane v14, v53;
	v56 =	vmul.f32 v54, v15;
	v18 =	vadd.f32 v18, v52  }
0x198: {  	v20 =	vperm.xlane v23, v53  }
0x199: {  	v17 =	vshll.u32 v17, $0x6;
	v57 =	vmul.f32 v55, v14;
	v18 =	vadd.f32 v56, v18  }
0x19a: {  	v58 =	vor.u32 v7, v17  }
0x19b: {  	v59 =	vmul.f32 v24, v20;
	v18 =	vadd.f32 v57, v18;
	_ =	sdelay $0x1  }
0x19c: {  	v18 =	vadd.f32 v59, v18;
	_ =	sdelay $0x1  }
0x19d: {  	[tilespmem:v58+s1+$0x0] =	vst.idx.add.f32.msk $0xffff, v18  }
0x19e: {  	v18 =	vld [tilespmem:s7+$0x35B0]  }
0x19f: {  	v60 =	vld [tilespmem:s7+$0x35D0]  }
0x1a0: {  	v21 =	vld [tilespmem:s7+$0x39B0];
	_ =	sdelay $0x1  }
0x1a1: {  	v61 =	vld [tilespmem:s7+$0x35F0]  }
0x1a2: {  	v16 =	vmul.f32 v18, v16  }
0x1a3: {  	v62 =	vld [tilespmem:s7+$0x3990]  }
0x1a4: {  	v15 =	vmul.f32 v60, v15;
	v16 =	vadd.f32 v16, v21;
	_ =	sdelay $0x1  }
0x1a5: {  	v14 =	vmul.f32 v61, v14;
	v15 =	vadd.f32 v15, v16  }
0x1a6: {  	v63 =	vor.u32 v8, v17  }
0x1a7: {  	v14 =	vadd.f32 v14, v15;
	v15 =	vmul.f32 v62, v20;
	_ =	sdelay $0x1  }
0x1a8: {  	v14 =	vadd.f32 v15, v14;
	_ =	sdelay $0x1  }
0x1a9: {  	[tilespmem:v63+s1+$0x0] =	vst.idx.add.f32.msk $0xffff, v14  }
0x1aa: {  	v15 =	vor.u32 v0, v17;
	v16 =	vld [tilespmem:s7+$0x3580];
	_ =	sdelay $0x4  }
0x1ab: {  	s8 =	simm.s32 $0x1;
	s10 =	simm.s32 $0x0;
	v14 =	vor.u32 v9, v17;
	[tilespmem:v15+s1+$0x0] =	vst.idx.add.f32.msk $0xffff, v16  }
.LBB2_13:
0x1ac: {  	p0 =	sne.s32 s8, $0x7F;
	v15 =	vld [tilespmem:s7+$0x3590];
	s2 =	sadd.s32 $0x80, s2;
	s10 =	sadd.s32 $0x100, s10  }
0x1ad: {  	s4 =	smov.u32 s8;
	s8 =	sadd.s32 $0x1, s8  }
0x1ae: {  	s5 =	sand.u32 $0x70, s4  }
0x1af: {  	s6 =	sand.u32 $0x7800, s10;
	s7 =	sand.u32 $0x380, s2  }
0x1b0: {  	s7 =	sor.u32 s7, s6  }
0x1b1: {  	[tilespmem:v14+s1+$0x0] =	vst.idx.add.f32.msk $0xffff, v15  }
0x1b2: {  	v14 =	vld [tilespmem:s5+$0x3380]  }
0x1b3: {  	s4 =	sand.u32 $0xF, s4;
	v15 =	vld [tilespmem:s5+$0x3280]  }
0x1b4: {  	v16 =	vmov s4;
	v17 =	vld [tilespmem:s5+$0x3180]  }
0x1b5: {  	v18 =	vld [tilespmem:s5+$0x3080]  }
0x1b6: {  	v19 =	vld [tilespmem:s7+$0x35A0]  }
0x1b7: {  	v20 =	vperm.xlane v14, v16;
	v14 =	vld [tilespmem:s7+$0x39A0]  }
0x1b8: {  	v15 =	vperm.xlane v15, v16;
	v21 =	vld [tilespmem:s7+$0x35C0]  }
0x1b9: {  	v17 =	vperm.xlane v17, v16;
	v22 =	vld [tilespmem:s7+$0x35E0]  }
0x1ba: {  	v18 =	vperm.xlane v18, v16;
	v23 =	vld [tilespmem:s5+$0x3480]  }
0x1bb: {  	v19 =	vmul.f32 v19, v17  }
0x1bc: {  	v24 =	vld [tilespmem:s7+$0x3980];
	v18 =	vshll.u32 v18, $0x6  }
0x1bd: {  	v19 =	vadd.f32 v19, v14;
	v21 =	vmul.f32 v21, v15;
	v14 =	vor.u32 v9, v18;
	_ =	sdelay $0x1  }
0x1be: {  	v16 =	vperm.xlane v23, v16;
	v19 =	vadd.f32 v21, v19;
	v21 =	vmul.f32 v22, v20  }
0x1bf: {  	v22 =	vor.u32 v7, v18  }
0x1c0: {  	v19 =	vadd.f32 v21, v19;
	v21 =	vmul.f32 v24, v16;
	_ =	sdelay $0x1  }
0x1c1: {  	v19 =	vadd.f32 v21, v19;
	_ =	sdelay $0x1  }
0x1c2: {  	[tilespmem:v22+s1+$0x0] =	vst.idx.add.f32.msk $0xffff, v19  }
0x1c3: {  	v19 =	vld [tilespmem:s7+$0x35B0]  }
0x1c4: {  	v21 =	vld [tilespmem:s7+$0x35D0]  }
0x1c5: {  	v22 =	vld [tilespmem:s7+$0x39B0];
	_ =	sdelay $0x1  }
0x1c6: {  	v23 =	vld [tilespmem:s7+$0x35F0]  }
0x1c7: {  	v17 =	vmul.f32 v19, v17  }
0x1c8: {  	v19 =	vld [tilespmem:s7+$0x3990]  }
0x1c9: {  	v15 =	vmul.f32 v21, v15;
	v17 =	vadd.f32 v17, v22;
	_ =	sdelay $0x1  }
0x1ca: {  	v15 =	vadd.f32 v15, v17;
	v17 =	vmul.f32 v23, v20  }
0x1cb: {  	v20 =	vor.u32 v8, v18  }
0x1cc: {  	v15 =	vadd.f32 v17, v15;
	v16 =	vmul.f32 v19, v16;
	_ =	sdelay $0x1  }
0x1cd: {  	v15 =	vadd.f32 v16, v15;
	_ =	sdelay $0x1  }
0x1ce: {  	[tilespmem:v20+s1+$0x0] =	vst.idx.add.f32.msk $0xffff, v15  }
0x1cf: {  	v15 =	vor.u32 v0, v18;
	v16 =	vld [tilespmem:s7+$0x3580]  }
.Ltmp11:
0x1d0: {  	(pc) =	sbr.rel @p0 .LBB2_13-.Ltmp11, $2  }
0x1d1: {  	_ =	sdelay $0x2  }
0x1d2: {  	[tilespmem:v15+s1+$0x0] =	vst.idx.add.f32.msk $0xffff, v16  }
0x1d3: {  	v15 =	vld [tilespmem:s7+$0x3590];
	_ =	sdelay $0x4  }
0x1d4: {  	[tilespmem:v14+s1+$0x0] =	vst.idx.add.f32.msk $0xffff, v15  }
0x1d5: {  	v14 =	vld [tilespmem:$0x3000]  }
0x1d6: {  	v15 =	vld [tilespmem:$0x3100]  }
0x1d7: {  	v16 =	vld [tilespmem:$0x3200]  }
0x1d8: {  	v17 =	vld [tilespmem:$0x3300]  }
0x1d9: {  	v18 =	vld [tilespmem:$0x3400]  }
0x1da: {  	[tilespmem:$0x2F80] =	vst v14;
	v14 =	vld [tilespmem:$0x3500]  }
.Ltmp12:
0x1db: {  	[tilespmem:$0x3080] =	vst v15;
	(pc) =	sbr.rel .LBB2_15-.Ltmp12, $4  }
0x1dc: {  	[tilespmem:$0x3180] =	vst v16  }
0x1dd: {  	[tilespmem:$0x3280] =	vst v17  }
0x1de: {  	[tilespmem:$0x3380] =	vst v18  }
0x1df: {  	s5 =	rddreg [dreg:$0x7];
	[tilespmem:$0x3480] =	vst v14  }
.LBB2_16:
0x1e0: {  	_ =	sfence.sel $0x180000  }
0x1e1: {  	[bflag:$0x0] =	sbarrier.arrive $0xFFFF  }
0x1e2: {  	_ =	strace $0x9000004A  }
0x1e3: {  	s0 =	stileid.u32;
	[bflag:$0x2] =	sbarrier.arrive $0xFFFF  }
0x1e4: {  	p0 =	sne.s32 s0, $0x0;
	s0 =	rddreg [dreg:$0x1]  }
0x1e5: {  	s0 =	sadd.s32 @!p0 $0x100000, s0  }
0x1e6: {  	[sflag:s0] =	ssyncadd.tile.s32 @!p0 $0x1;
	_ =	shalt  }
.Lfunc_end2:
_tile_overlayer_lowered:
.L_overlay_start_2:
0x1e7: {  	(tag) =	ssettag $0x2  }
0x1e8: {  	s0 =	rddreg [dreg:$0x0];
	s2 =	stileid.u32  }
0x1e9: {  	s1 =	rddreg [dreg:$0x1];
	p0 =	sne.s32 s2, $0x0  }
0x1ea: {  	s3 =	rddreg [dreg:$0x2];
	[bflag:$0x3] =	sbarrier.arrive $0xFFFF;
	s2 =	simm.s32 @!p0 $0x1C02  }
0x1eb: {  	[timem:s3], [sflag:s2] =	dma.local @!p0 [hbm:s0], s1  }
0x1ec: {  	s0 =	simm.s32 @!p0 $0x2  }
0x1ed: {  	_ =	swait.ge @!p0 [sflag:s0], s1  }
0x1ee: {  	s1 =	ssub.s32 @!p0 $0x0, s1;
	[sflag:s0] =	ssyncset.done @!p0 $0x0  }
0x1ef: {  	[sflag:s0] =	ssyncadd.s32 @!p0 s1  }
0x1f0: {  	[bflag:$0x3] =	sbarrier.arrive $0xFFFF  }
0x1f1: {  	_ =	shalt  }

// kernel: kernel.14.cloned.1.call-start
scs
__scs_entry_jumppad:
0x0: {  	(pc) =	sbr.rel $0x88, $3  }
0x1: {  	(tag) =	ssettag $0x0;
	lr =	simm.s32 $0x1  }
0x2: {  	[smem:$0x3F8B] =	sst lr;
	_ =	strace $0xD0000000  }
0x3: {  	_ = 	snop  }
0x4: {  	_ = 	snop  }
0x5: {  	_ = 	snop  }
0x6: {  	_ = 	snop  }
0x7: {  	_ = 	snop  }
__scs_overlays_trampoline_lowered:
0x8: {  	[smem:$0x3F9A] =	sst s0  }
0x9: {  	[smem:$0x3F9B] =	sst s1  }
0xa: {  	[smem:$0x3F9C] =	sst s2  }
0xb: {  	[smem:$0x3F9D] =	sst s3  }
0xc: {  	[smem:$0x3F9E] =	sst s4  }
0xd: {  	[smem:$0x3F9F] =	sst s5  }
0xe: {  	[smem:$0x3FA0] =	sst s6  }
0xf: {  	[smem:$0x3FA1] =	sst s7  }
0x10: {  	[smem:$0x3FA2] =	sst s8  }
0x11: {  	[smem:$0x3FA3] =	sst s9;
	s0 =	simm.s32 @!p0 $0x0  }
0x12: {  	s1 =	sld [smem:$0x3F89];
	s0 =	simm.s32 @p0 $0x1  }
0x13: {  	[smem:$0x3FA4] =	sst s0;
	s0 =	simm.s32 @!p1 $0x0  }
0x14: {  	s2 =	sld [smem:$0x3F88];
	s0 =	simm.s32 @p1 $0x1  }
0x15: {  	[smem:$0x3FA5] =	sst s0;
	s0 =	simm.s32 @!p2 $0x0  }
0x16: {  	s3 =	sld [smem:$0x3FDB];
	s0 =	simm.s32 @p2 $0x1  }
0x17: {  	s4 =	simm.s32 $0x1BF5;
	[smem:$0x3FA7] =	sst s0  }
0x18: {  	s0 =	sld [smem:$0x3F8A];
	_ =	swait.ge [sflag:s4], $0x0  }
0x19: {  	s7 =	sld [smem:$0x3F8B]  }
0x1a: {  	s8 =	sadd.s32 $0xFFFFE003, lr  }
0x1b: {  	s9 =	sadd.s32 $0xFFFFFEF7, lr;
	s5 =	simm.s32 $0xFFFFFFFF;
	p2 =	slt.u32 s8, $0xFFFFF086  }
0x1c: {  	p1 =	slt.u32 s9, $0xF7A;
	s5 =	simm.s32 @!p2 $0x0  }
0x1d: {  	s5 =	simm.s32 @p1 $0x1;
	p0 =	seq.s32 s7, s2  }
0x1e: {  	s7 =	smul.u32 @!p0 $0xF7A, s2;
	p2 =	seq.s32 @!p0 s5, $0x0  }
0x1f: {  	s9 =	smul.u32 $0xF7A, s1;
	s8 =	simm.s32 @!p0 $0x1BF5;
	p2 =	por !p2, p0  }
0x20: {  	[sflag:s8] =	ssyncset.s32 @!p0 $0xFFFFF086;
	s6 =	sadd.s32 @!p0 s3, s7;
	s7 =	simm.s32 @!p0 $0x108  }
0x21: {  	s3 =	sadd.s32 s3, s9;
	s6 =	sadd.s32 @!p0 $0x88, s6;
	s7 =	simm.s32 @p2 $0x1082  }
0x22: {  	[simem:s7], [sflag:s8] =	dma.local @!p0 [hbm:s6], $0xF7A  }
0x23: {  	s9 =	sor.u32 $0xD0000000, s2;
	s6 =	simm.s32 $0x108;
	_ =	swait.ge @!p0 [sflag:s8], $0x0  }
0x24: {  	s3 =	sadd.s32 $0x88, s3;
	s6 =	simm.s32 @!p1 $0x1082;
	[sflag:s4] =	ssyncset.s32 $0xFFFFF086  }
0x25: {  	[simem:s6], [sflag:s4] =	dma.local [hbm:s3], $0xF7A  }
0x26: {  	[smem:$0x3F8B] =	sst s1;
	(tag) =	ssettag s2;
	_ =	strace s9  }
0x27: {  	s1 =	sld [smem:$0x3F9B]  }
0x28: {  	s2 =	sld [smem:$0x3F9C]  }
0x29: {  	s4 =	sld [smem:$0x3F9E]  }
0x2a: {  	p0 =	seq.s32 s5, $0x0;
	s5 =	sld [smem:$0x3F9F]  }
0x2b: {  	s6 =	sld [smem:$0x3FA0]  }
0x2c: {  	s7 =	sld [smem:$0x3FA1]  }
0x2d: {  	s3 =	simm.s32 $0x108;
	s8 =	sld [smem:$0x3FA2]  }
0x2e: {  	s3 =	simm.s32 @!p0 $0x1082;
	s9 =	sld [smem:$0x3FA3]  }
0x2f: {  	lr =	sadd.s32 s0, s3;
	s0 =	sld [smem:$0x3F9A]  }
0x30: {  	s3 =	sld [smem:$0x3F9D]  }
0x31: {  	[smem:$0x3FA6] =	sst s10  }
0x32: {  	s10 =	sld [smem:$0x3FA4];
	_ =	sdelay $0x3  }
0x33: {  	p0 =	seq.s32 s10, $0x1;
	s10 =	sld [smem:$0x3FA6];
	_ =	sdelay $0x3  }
0x34: {  	[smem:$0x3FA6] =	sst s10  }
0x35: {  	s10 =	sld [smem:$0x3FA5];
	_ =	sdelay $0x3  }
0x36: {  	p1 =	seq.s32 s10, $0x1;
	s10 =	sld [smem:$0x3FA6];
	_ =	sdelay $0x3  }
0x37: {  	[smem:$0x3FA6] =	sst s10  }
0x38: {  	s10 =	sld [smem:$0x3FA7]  }
0x39: {  	_ = 	snop;
	(pc) =	sbr.ind lr, $3  }
0x3a: {  	_ = 	snop  }
0x3b: {  	_ = 	snop  }
0x3c: {  	p2 =	seq.s32 s10, $0x1;
	s10 =	sld [smem:$0x3FA6]  }
0x3d: {  	_ =	shalt  }
0x3e: {  	_ =	shalt  }
0x3f: {  	_ =	shalt  }
0x40: {  	_ =	shalt  }
0x41: {  	_ =	shalt  }
0x42: {  	_ =	shalt  }
0x43: {  	_ =	shalt  }
0x44: {  	_ =	shalt  }
0x45: {  	_ =	shalt  }
0x46: {  	_ =	shalt  }
0x47: {  	_ =	shalt  }
0x48: {  	_ =	shalt  }
0x49: {  	_ =	shalt  }
0x4a: {  	_ =	shalt  }
0x4b: {  	_ =	shalt  }
0x4c: {  	_ =	shalt  }
0x4d: {  	_ =	shalt  }
0x4e: {  	_ =	shalt  }
0x4f: {  	_ =	shalt  }
0x50: {  	_ =	shalt  }
0x51: {  	_ =	shalt  }
0x52: {  	_ =	shalt  }
0x53: {  	_ =	shalt  }
0x54: {  	_ =	shalt  }
0x55: {  	_ =	shalt  }
0x56: {  	_ =	shalt  }
0x57: {  	_ =	shalt  }
0x58: {  	_ =	shalt  }
0x59: {  	_ =	shalt  }
0x5a: {  	_ =	shalt  }
0x5b: {  	_ =	shalt  }
0x5c: {  	_ =	shalt  }
0x5d: {  	_ =	shalt  }
0x5e: {  	_ =	shalt  }
0x5f: {  	_ =	shalt  }
0x60: {  	_ =	shalt  }
0x61: {  	_ =	shalt  }
0x62: {  	_ =	shalt  }
0x63: {  	_ =	shalt  }
0x64: {  	_ =	shalt  }
0x65: {  	_ =	shalt  }
0x66: {  	_ =	shalt  }
0x67: {  	_ =	shalt  }
0x68: {  	_ =	shalt  }
0x69: {  	_ =	shalt  }
0x6a: {  	_ =	shalt  }
0x6b: {  	_ =	shalt  }
0x6c: {  	_ =	shalt  }
0x6d: {  	_ =	shalt  }
0x6e: {  	_ =	shalt  }
0x6f: {  	_ =	shalt  }
0x70: {  	_ =	shalt  }
0x71: {  	_ =	shalt  }
0x72: {  	_ =	shalt  }
0x73: {  	_ =	shalt  }
0x74: {  	_ =	shalt  }
0x75: {  	_ =	shalt  }
0x76: {  	_ =	shalt  }
0x77: {  	_ =	shalt  }
0x78: {  	_ =	shalt  }
0x79: {  	_ =	shalt  }
0x7a: {  	_ =	shalt  }
0x7b: {  	_ =	shalt  }
0x7c: {  	_ =	shalt  }
0x7d: {  	_ =	shalt  }
0x7e: {  	_ =	shalt  }
0x7f: {  	_ =	shalt  }
0x80: {  	_ =	shalt  }
0x81: {  	_ =	shalt  }
0x82: {  	_ =	shalt  }
0x83: {  	_ =	shalt  }
0x84: {  	_ =	shalt  }
0x85: {  	_ =	shalt  }
0x86: {  	_ =	shalt  }
0x87: {  	_ =	shalt  }
.Lfunc_end0:
.L_simem_size_0:
called_computation.2_lowered:
.L_overlay_start_0:
0x88: {  	s2 =	sld [smem:$0x3FD9]  }
0x89: {  	s3 =	sld [smem:$0x3FFE];
	_ =	sdelay $0x1  }
0x8a: {  	s1 =	srdreg.scid  }
0x8b: {  	s0 =	sand.u32 $0x1, s1  }
0x8c: {  	s16 =	sshll.u32 s0, $0xA;
	s2 =	sadd.s32 s3, s2  }
0x8d: {  	s2 =	sadd.s32 s2, s16  }
0x8e: {  	[smem:$0x3FB2] =	sst s2  }
0x8f: {  	_ = 	snop  }
0x90: {  	(tm) =	ssettm $0x1  }
0x91: {  	s17 =	sld [smem:$0x3FFB];
	_ =	sdelay $0x3  }
0x92: {  	_ =	strace s17  }
0x93: {  	s2 =	sld [smem:$0x3FFC];
	_ =	sdelay $0x3  }
0x94: {  	_ =	strace s2  }
0x95: {  	s2 =	sld [smem:$0x3FFD];
	_ =	sdelay $0x3  }
0x96: {  	_ =	strace s2  }
0x97: {  	_ =	strace $0x8FFFFFFF  }
0x98: {  	s18 =	sld [smem:$0x3FDB];
	_ =	sdelay $0x1  }
0x99: {  	s19 =	simm.s32 $_scs_section_size  }
0x9a: {  	s4 =	simm.s32 $_size__tile_overlayer_lowered;
	s5 =	simm.s32 $_tile_overlayer_lowered  }
0x9b: {  	s22 =	simm.s32 $0x1BFF;
	s21 =	sshll.u32 s5, $0x1;
	s2 =	sadd.s32 s19, s18  }
0x9c: {  	s6 =	simm.s32 $0x0;
	s20 =	sshll.u32 s4, $0x1;
	s4 =	sadd.s32 s21, s2  }
0x9d: {  	[timem:s6], [sflag:s22] =	dma.local [hbm:s4], s20  }
0x9e: {  	_ =	swait.ge [sflag:s22], s20  }
0x9f: {  	s3 =	ssub.s32 $0x0, s20;
	[sflag:s22] =	ssyncset.done $0x0  }
0xa0: {  	[sflag:s22] =	ssyncadd.s32 s3;
	_ =	sdelay $0x1  }
0xa1: {  	s23 =	simm.s32 $0x1B8B  }
0xa2: {  	_ =	swait.ge [sflag:s23], $0x1  }
0xa3: {  	[sflag:s23] =	ssyncset.done $0x0  }
0xa4: {  	s25 =	simm.s32 $0x1B8E;
	s24 =	sld [smem:$0x3FFE];
	[sflag:s23] =	ssyncadd.s32 $0xFFFFFFFF  }
0xa5: {  	s26 =	simm.s32 $execute0_lowered;
	[smem:$0x3FD2] =	sst s25  }
0xa6: {  	s4 =	sshll.u32 s26, $0x1;
	_ =	strace $0x8000004C;
	[dreg:$0x1] =	wrdreg $0xFFFFFFFF  }
0xa7: {  	s28 =	simm.s32 $_size_execute0_lowered;
	s2 =	sadd.s32 s2, s4;
	[dreg:$0x0] =	wrdreg $0x0  }
0xa8: {  	s4 =	sshll.u32 s28, $0x1;
	[dreg:$0x2] =	wrdreg s2  }
0xa9: {  	[dreg:$0x3] =	wrdreg s4  }
0xaa: {  	[dreg:$0x4] =	wrdreg $0xC0  }
0xab: {  	_ =	task [dreg:s6], $0x5FFFF  }
0xac: {  	[dreg:$0x1] =	wrdreg $0xFFFFFFFF  }
0xad: {  	[dreg:$0x0] =	wrdreg $0x60  }
0xae: {  	[dreg:$0x2] =	wrdreg s24  }
0xaf: {  	[dreg:$0x3] =	wrdreg $0x9  }
0xb0: {  	_ =	task.clear_ibuf [dreg:s6], $0x4FFFF;
	_ =	strace $0x9000004C  }
0xb1: {  	s29 =	simm.s32 $0x9;
	_ =	strace $0x8000004E  }
0xb2: {  	_ =	swait.ge [sflag:s29], $0x1  }
0xb3: {  	[sflag:s29] =	ssyncadd.s32 $0xFFFFFFFF  }
0xb4: {  	_ =	strace $0x9000004E  }
0xb5: {  	_ =	sfence  }
0xb6: {  	s30 =	sld [smem:$0x0];
	_ =	sdelay $0x2  }
0xb7: {  	s31 =	sshll.u32 s1, $0xD;
	s1 =	sshrl.u32 s1, $0x2  }
0xb8: {  	s3 =	sand.u32 $0x4000, s31;
	s1 =	sadd.s32 s1, s30  }
0xb9: {  	s0 =	sor.u32 s3, s0;
	s1 =	sshll.u32 s1, $0x11  }
0xba: {  	s0 =	sor.u32 s1, s0  }
0xbb: {  	s0 =	sadd.s32 $0x8F2B, s0  }
0xbc: {  	[sflag:s0] =	ssyncadd.remote.s32 $0x1  }
0xbd: {  	_ =	sfence.sel $0xFFFF  }
0xbe: {  	[dreg:$0x0] =	wrdreg $0xFFFFFFFF;
	(pc) =	sbr.abs _section_cstart, $3  }
0xbf: {  	[dreg:$0x1] =	wrdreg $0xFFFFFFFF  }
0xc0: {  	_ =	task.clear_ibuf [dreg:s6], $0x2FFFF;
	_ =	strace $0x9FFFFFFF  }
0xc1: {  	(tm) =	ssettm $0x7FFFFFFF  }
tec
execute0_lowered:
.L_overlay_start_1:
0x0: {  	(tag) =	ssettag $0x1  }
0x1: {  	s0 =	rddreg [dreg:$0x0];
	s3 =	simm.s32 $0x0  }
0x2: {  	s1 =	srdreg.scid;
	s2 =	stileid.u32;
	s10 =	simm.s32 $0x2  }
0x3: {  	s8 =	simm.s32 $0xA180;
	s9 =	simm.s32 $0xA980;
	s11 =	simm.s32 $0xAD80  }
0x4: {  	s12 =	simm.s32 $0xB580;
	s13 =	simm.s32 $0xB980;
	s14 =	simm.s32 $0xC180  }
0x5: {  	s15 =	simm.s32 $0xC580;
	s16 =	simm.s32 $0xDD80;
	s17 =	simm.s32 $0xE580  }
0x6: {  	s18 =	simm.s32 $0xE980;
	s19 =	simm.s32 $0xF180;
	s20 =	simm.s32 $0x1  }
0x7: {  	s21 =	simm.s32 $0xF580;
	s23 =	simm.s32 $0x0;
	[smem:$0x7FF] =	sst s3  }
0x8: {  	s1 =	sand.u32 $0x1, s1;
	s2 =	sshll.u32 s2, $0x1;
	s3 =	sadd.s32 $0x2AE00, s0  }
0x9: {  	s5 =	sadd.s32 $0x8400, s0;
	s28 =	sadd.s32 $0x3400, s0;
	s6 =	sadd.s32 $0x17400, s0  }
0xa: {  	s7 =	sadd.s32 $0x2AF00, s0;
	_ =	strace $0x8000004D;
	s2 =	sor.u32 s1, s2  }
0xb: {  	v1 =	vlaneseq.u32;
	v2 =	vimm.f32 $0.0e+00;
	s1 =	ssub.s32 $0x2, s1;
	[dreg:$0x2] =	wrdreg s5;
	s4 =	smul.u32 $0x1400, s2  }
.Ltmp0:
0xc: {  	v3 =	vimm.s32 $0x0;
	vm0 =	vmmov $0xffff;
	vm1 =	vmmov $0xff;
	[dreg:$0x3] =	wrdreg s28;
	s29 =	sshrl.u32 s1, $0x1;
	(pc) =	sbr.rel .LBB2_1-.Ltmp0, $4  }
0xd: {  	v5 =	vshrl.u32 v1, $0x3;
	v4 =	vand.u32 $0x7, v1;
	v6 =	vor.u32 $0x8, v1;
	[dreg:$0x4] =	wrdreg s6;
	s5 =	simm.s32 $0xD180;
	s1 =	ssub.s32 s1, s29  }
0xe: {  	v7 =	vor.u32 $0x40, v1;
	v8 =	vor.u32 $0x50, v1;
	v9 =	vor.u32 $0x60, v1;
	s2 =	smul.u32 $0xFFFFFEC0, s2;
	s4 =	sadd.s32 s4, s0;
	s31 =	smax.u32 s1, $0x1  }
0xf: {  	v10 =	vor.u32 $0x70, v1;
	v11 =	vor.u32 $0x10, v1;
	v12 =	vor.u32 $0x20, v1;
	s6 =	simm.s32 $0xD980;
	s30 =	sadd.s32 $0xA0200, s4;
	[dreg:$0x6] =	wrdreg s31  }
0x10: {  	v13 =	vor.u32 $0x30, v1;
	v5 =	vmul.u32 $0x8, v5;
	v0 =	vmov s2;
	s2 =	simm.s32 $0x9D80;
	s4 =	simm.s32 $0xCD80;
	[dreg:$0x5] =	wrdreg s30  }
.LBB2_15:
0x11: {  	s0 =	simm.s32 $0x0;
	s1 =	rddreg [dreg:$0x5]  }
0x12: {  	[hbm4b:s1+s0] =	stream.linear.scatter [tilespmem:s21], [sflag:$0x2], $0xA000, $0x38;
	[tilespmem:$0x19600] =	vst v63  }
0x13: {  	_ =	swait.ge [sflag:s10], $0xA000  }
0x14: {  	s23 =	sadd.s32 $0x1, s23;
	s31 =	rddreg [dreg:$0x6]  }
0x15: {  	p0 =	sne.s32 s23, s31  }
.Ltmp1:
0x16: {  	_ = 	snop;
	(pc) =	sbr.rel @!p0 .LBB2_16-.Ltmp1, $3  }
0x17: {  	_ =	sdelay $0x1  }
0x18: {  	[sflag:s10] =	ssyncset.done $0x0  }
0x19: {  	[sflag:s10] =	ssyncadd.s32 $0xFFFF6000  }
.LBB2_1:
0x1a: {  	[dreg:$0x7] =	wrdreg s23;
	s22 =	simm.s32 $0x40;
	s23 =	simm.s32 $0x0  }
.LBB2_2:
0x1b: {  	p0 =	sne.s32 s22, $0x281C0;
	[tilespmem:s23+$0xF580] =	vst v2;
	s23 =	smov.u32 s22;
	s22 =	sadd.s32 $0x40, s22  }
.Ltmp2:
0x1c: {  	(pc) =	sbr.rel @p0 .LBB2_2-.Ltmp2, $2  }
0x1d: {  	_ =	sdelay $0x2  }
0x1e: {  	s23 =	sshra.s32 s23, $0x2  }
.Ltmp3:
0x1f: {  	(pc) =	sbr.rel .LBB2_4-.Ltmp3, $2  }
0x20: {  	_ =	sdelay $0x2  }
0x21: {  	[tilespmem:s23+$0xF580] =	vst v2;
	s22 =	simm.s32 $0x0;
	s23 =	simm.s32 $0x0  }
.LBB2_10:
0x22: {  	s23 =	sadd.s32 $0x1, s23  }
0x23: {  	p0 =	sne.s32 s23, $0x50  }
.Ltmp4:
0x24: {  	_ = 	snop;
	(pc) =	sbr.rel @!p0 .LBB2_11-.Ltmp4, $1  }
0x25: {  	_ =	sdelay $0x3  }
.LBB2_4:
0x26: {  	s24 =	smul.u32 $0x7D0, s23;
	_ =	sdelay $0x1  }
0x27: {  	s0 =	rddreg [dreg:$0x3];
	s24 =	sshrl.u32 s24, $0x3  }
0x28: {  	s1 =	simm.s32 $0x0;
	s25 =	sadd.s32 s0, s24  }
0x29: {  	[tilespmem:s1], [sflag:$0x2] =	stream.linear.gather [hbm4b:s25+s1], $0x7D0, $0x38;
	[tilespmem:$0x19600] =	vst v63  }
0x2a: {  	_ =	swait.ge [sflag:s10], $0x7D0  }
0x2b: {  	[sflag:s10] =	ssyncset.done $0x0;
	s28 =	rddreg [dreg:$0x2]  }
0x2c: {  	s30 =	simm.s32 $0x800;
	[sflag:s10] =	ssyncadd.s32 $0xFFFFF830;
	s29 =	sadd.s32 s28, s24  }
0x2d: {  	[tilespmem:s30], [sflag:$0x2] =	stream.linear.gather [hbm4b:s29+s1], $0x7D0, $0x38;
	[tilespmem:$0x19600] =	vst v63  }
0x2e: {  	_ =	swait.ge [sflag:s10], $0x7D0  }
0x2f: {  	[sflag:s10] =	ssyncset.done $0x0;
	s31 =	rddreg [dreg:$0x4]  }
0x30: {  	s25 =	simm.s32 $0x1000;
	[sflag:s10] =	ssyncadd.s32 $0xFFFFF830;
	s24 =	sadd.s32 s31, s24  }
0x31: {  	[tilespmem:s25], [sflag:$0x2] =	stream.linear.gather [hbm4b:s24+s1], $0x7D0, $0x38;
	[tilespmem:$0x19600] =	vst v63  }
0x32: {  	_ =	swait.ge [sflag:s10], $0x7D0  }
0x33: {  	[sflag:s10] =	ssyncset.done $0x0  }
0x34: {  	s28 =	simm.s32 $0x17D0;
	s26 =	sadd.s32 $0x4E20, s24;
	[sflag:s10] =	ssyncadd.s32 $0xFFFFF830  }
0x35: {  	[tilespmem:s28], [sflag:$0x2] =	stream.linear.gather [hbm4b:s26+s1], $0x7D0, $0x38;
	[tilespmem:$0x19600] =	vst v63  }
0x36: {  	_ =	swait.ge [sflag:s10], $0x7D0  }
0x37: {  	[sflag:s10] =	ssyncset.done $0x0  }
0x38: {  	s30 =	simm.s32 $0x1FA0;
	s29 =	sadd.s32 $0x9C40, s24;
	[sflag:s10] =	ssyncadd.s32 $0xFFFFF830  }
0x39: {  	[tilespmem:s30], [sflag:$0x2] =	stream.linear.gather [hbm4b:s29+s1], $0x7D0, $0x38;
	[tilespmem:$0x19600] =	vst v63  }
0x3a: {  	_ =	swait.ge [sflag:s10], $0x7D0  }
0x3b: {  	s31 =	simm.s32 $0x2770;
	[sflag:s10] =	ssyncset.done $0x0  }
.Ltmp5:
0x3c: {  	s24 =	sadd.s32 $0xEA60, s24;
	[sflag:s10] =	ssyncadd.s32 $0xFFFFF830;
	(pc) =	sbr.rel .LBB2_5-.Ltmp5, $4  }
0x3d: {  	[tilespmem:s31], [sflag:$0x2] =	stream.linear.gather [hbm4b:s24+s1], $0x7D0, $0x38;
	[tilespmem:$0x19600] =	vst v63  }
0x3e: {  	_ =	swait.ge [sflag:s10], $0x7D0  }
0x3f: {  	[sflag:s10] =	ssyncset.done $0x0  }
0x40: {  	s24 =	simm.s32 $0x0;
	[sflag:s10] =	ssyncadd.s32 $0xFFFFF830  }
.LBB2_8:
0x41: {  	_ =	sdelay $0x3  }
0x42: {  	s0 =	sshrl.u32 s26, $0x3;
	[tilespmem:v14+s21+$0x0] =	vst.idx.add.f32.msk $0xffff, v15  }
0x43: {  	v14 =	vld [tilespmem:s25+$0x3380];
	s0 =	smul.u32 $0x3000, s0  }
0x44: {  	v15 =	vld [tilespmem:s25+$0x3080]  }
0x45: {  	s1 =	sand.u32 $0x380, s28;
	v16 =	vld [tilespmem:s25+$0x3180];
	s0 =	sshra.s32 s0, $0x2  }
0x46: {  	v17 =	vld [tilespmem:s25+$0x3280];
	s28 =	sor.u32 s1, s0  }
0x47: {  	v18 =	vld [tilespmem:s28+$0x35C0]  }
0x48: {  	s31 =	sand.u32 $0xF, s26;
	v19 =	vld [tilespmem:s28+$0x3980]  }
0x49: {  	v20 =	vmov s31;
	v21 =	vld [tilespmem:s28+$0x3DC0]  }
0x4a: {  	v22 =	vld [tilespmem:s25+$0x3480];
	v16 =	vperm.xlane v16, v20  }
0x4b: {  	v23 =	vld [tilespmem:s28+$0x39C0]  }
0x4c: {  	v17 =	vperm.xlane v17, v20;
	v18 =	vmul.f32 v18, v16  }
0x4d: {  	v24 =	vld [tilespmem:s28+$0x3D80];
	v15 =	vperm.xlane v15, v20  }
0x4e: {  	v14 =	vperm.xlane v14, v20;
	v19 =	vmul.f32 v19, v17;
	v18 =	vadd.f32 v18, v21  }
0x4f: {  	v20 =	vperm.xlane v22, v20  }
0x50: {  	v15 =	vshll.u32 v15, $0x7;
	v40 =	vmul.f32 v23, v14;
	v18 =	vadd.f32 v19, v18  }
0x51: {  	v41 =	vor.u32 v7, v15  }
0x52: {  	v42 =	vmul.f32 v24, v20;
	v18 =	vadd.f32 v40, v18;
	_ =	sdelay $0x1  }
0x53: {  	v18 =	vadd.f32 v42, v18;
	_ =	sdelay $0x1  }
0x54: {  	[tilespmem:v41+s21+$0x0] =	vst.idx.add.f32.msk $0xffff, v18  }
0x55: {  	v18 =	vld [tilespmem:s28+$0x35D0]  }
0x56: {  	v43 =	vld [tilespmem:s28+$0x3990]  }
0x57: {  	v21 =	vld [tilespmem:s28+$0x3DD0];
	_ =	sdelay $0x1  }
0x58: {  	v44 =	vld [tilespmem:s28+$0x39D0]  }
0x59: {  	v18 =	vmul.f32 v18, v16  }
0x5a: {  	v45 =	vld [tilespmem:s28+$0x3D90]  }
0x5b: {  	v19 =	vmul.f32 v43, v17;
	v18 =	vadd.f32 v18, v21;
	_ =	sdelay $0x1  }
0x5c: {  	v46 =	vmul.f32 v44, v14;
	v18 =	vadd.f32 v19, v18  }
0x5d: {  	v47 =	vor.u32 v8, v15  }
0x5e: {  	v48 =	vmul.f32 v45, v20;
	v18 =	vadd.f32 v46, v18;
	_ =	sdelay $0x1  }
0x5f: {  	v18 =	vadd.f32 v48, v18;
	_ =	sdelay $0x1  }
0x60: {  	[tilespmem:v47+s21+$0x0] =	vst.idx.add.f32.msk $0xffff, v18  }
0x61: {  	v18 =	vld [tilespmem:s28+$0x35E0]  }
0x62: {  	v49 =	vld [tilespmem:s28+$0x39A0]  }
0x63: {  	v21 =	vld [tilespmem:s28+$0x3DE0];
	_ =	sdelay $0x1  }
0x64: {  	v50 =	vld [tilespmem:s28+$0x39E0]  }
0x65: {  	v18 =	vmul.f32 v18, v16  }
0x66: {  	v51 =	vld [tilespmem:s28+$0x3DA0]  }
0x67: {  	v19 =	vmul.f32 v49, v17;
	v18 =	vadd.f32 v18, v21;
	_ =	sdelay $0x1  }
0x68: {  	v52 =	vmul.f32 v50, v14;
	v18 =	vadd.f32 v19, v18  }
0x69: {  	v53 =	vor.u32 v9, v15  }
0x6a: {  	v54 =	vmul.f32 v51, v20;
	v18 =	vadd.f32 v52, v18;
	_ =	sdelay $0x1  }
0x6b: {  	v18 =	vadd.f32 v54, v18;
	_ =	sdelay $0x1  }
0x6c: {  	[tilespmem:v53+s21+$0x0] =	vst.idx.add.f32.msk $0xffff, v18  }
0x6d: {  	v18 =	vld [tilespmem:s28+$0x35F0]  }
0x6e: {  	v55 =	vld [tilespmem:s28+$0x39B0]  }
0x6f: {  	v21 =	vld [tilespmem:s28+$0x3DF0];
	_ =	sdelay $0x1  }
0x70: {  	v56 =	vld [tilespmem:s28+$0x39F0]  }
0x71: {  	v16 =	vmul.f32 v18, v16  }
0x72: {  	v57 =	vld [tilespmem:s28+$0x3DB0]  }
0x73: {  	v17 =	vmul.f32 v55, v17;
	v16 =	vadd.f32 v16, v21;
	_ =	sdelay $0x1  }
0x74: {  	v14 =	vmul.f32 v56, v14;
	v16 =	vadd.f32 v17, v16  }
0x75: {  	v58 =	vor.u32 v10, v15  }
0x76: {  	v59 =	vmul.f32 v57, v20;
	v14 =	vadd.f32 v14, v16;
	_ =	sdelay $0x1  }
0x77: {  	v14 =	vadd.f32 v59, v14;
	_ =	sdelay $0x1  }
0x78: {  	[tilespmem:v58+s21+$0x0] =	vst.idx.add.f32.msk $0xffff, v14  }
0x79: {  	v60 =	vor.u32 v1, v15;
	v14 =	vld [tilespmem:s28+$0x3580];
	_ =	sdelay $0x4  }
0x7a: {  	[tilespmem:v60+s21+$0x0] =	vst.idx.add.f32.msk $0xffff, v14  }
0x7b: {  	v61 =	vor.u32 v11, v15;
	v14 =	vld [tilespmem:s28+$0x3590];
	_ =	sdelay $0x4  }
0x7c: {  	[tilespmem:v61+s21+$0x0] =	vst.idx.add.f32.msk $0xffff, v14  }
0x7d: {  	v62 =	vor.u32 v12, v15;
	v14 =	vld [tilespmem:s28+$0x35A0];
	_ =	sdelay $0x4  }
0x7e: {  	[tilespmem:v62+s21+$0x0] =	vst.idx.add.f32.msk $0xffff, v14  }
0x7f: {  	v15 =	vor.u32 v13, v15;
	v14 =	vld [tilespmem:s28+$0x35B0];
	_ =	sdelay $0x4  }
0x80: {  	[tilespmem:v15+s21+$0x0] =	vst.idx.add.f32.msk $0xffff, v14  }
0x81: {  	v14 =	vld [tilespmem:$0x3000]  }
0x82: {  	v15 =	vld [tilespmem:$0x3100]  }
0x83: {  	v16 =	vld [tilespmem:$0x3200]  }
0x84: {  	v17 =	vld [tilespmem:$0x3300]  }
0x85: {  	v63 =	vld [tilespmem:$0x3400]  }
0x86: {  	[tilespmem:$0x2F80] =	vst v14;
	v14 =	vld [tilespmem:$0x3500]  }
0x87: {  	[tilespmem:$0x3080] =	vst v15  }
0x88: {  	[tilespmem:$0x3180] =	vst v16  }
0x89: {  	[tilespmem:$0x3280] =	vst v17  }
0x8a: {  	[tilespmem:$0x3380] =	vst v63  }
0x8b: {  	[tilespmem:$0x3480] =	vst v14  }
.LBB2_9:
0x8c: {  	s24 =	sadd.s32 $0x1, s24  }
0x8d: {  	p1 =	sne.s32 s24, $0x7D  }
.Ltmp6:
0x8e: {  	_ = 	snop;
	(pc) =	sbr.rel @!p1 .LBB2_10-.Ltmp6, $3  }
0x8f: {  	_ =	sdelay $0x1  }
0x90: {  	p0 =	sgt.s32 s22, $0x7F;
	s0 =	sadd.s32 $0xFFFFFF80, s22  }
0x91: {  	s22 =	smov.u32 @p0 s0  }
.LBB2_5:
0x92: {  	s25 =	sshll.u32 s24, $0x4  }
0x93: {  	v14 =	vld [tilespmem:s25+$0x0];
	_ =	sdelay $0x1  }
0x94: {  	v15 =	vld [tilespmem:s25+$0x800];
	_ =	sdelay $0x2  }
0x95: {  	v14 =	vadd.s32 v0, v14  }
0x96: {  	vm2 =	vlt.u32 v14, $0x140  }
0x97: {  	[tilespmem:s22+$0x2F80] =	vst.msk vm2, v15  }
0x98: {  	v15 =	vsel vm2, $0x1, v3;
	[tilespmem:s22+$0x3080] =	vst.msk vm2, v14  }
0x99: {  	(xrf0) =	vadd.scan.msk.s32 $0xffff, v15;
	v14 =	vld [tilespmem:s25+$0x1000];
	_ =	sdelay $0x4  }
0x9a: {  	[tilespmem:s22+$0x3180] =	vst.msk vm2, v14  }
0x9b: {  	v15, _, _ =	vpop (xrf0);
	v14 =	vld [tilespmem:s25+$0x17D0]  }
0x9c: {  	(v2sf) =	vpush v15, $0xF;
	_ =	sdelay $0x3  }
0x9d: {  	[tilespmem:s22+$0x3280] =	vst.msk vm2, v14  }
0x9e: {  	v14 =	vld [tilespmem:s25+$0x1FA0];
	_ =	sdelay $0x4  }
0x9f: {  	[tilespmem:s22+$0x3380] =	vst.msk vm2, v14  }
0xa0: {  	v14 =	vld [tilespmem:s25+$0x2770];
	_ =	sdelay $0x3  }
0xa1: {  	s31 =	spop (v2sf)  }
0xa2: {  	[tilespmem:s22+$0x3480] =	vst.msk vm2, v14;
	s22 =	sadd.s32 s22, s31  }
0xa3: {  	p0 =	slt.s32 s22, $0x80  }
.Ltmp7:
0xa4: {  	_ = 	snop;
	(pc) =	sbr.rel @p0 .LBB2_9-.Ltmp7, $1  }
0xa5: {  	_ =	sdelay $0x3  }
0xa6: {  	v14 =	vld [tilespmem:$0x2F80];
	_ =	sdelay $0x4  }
0xa7: {  	v15 =	vshrl.u32 v14, $0x3  }
0xa8: {  	v15 =	vmul.u32 $0x18, v15  }
0xa9: {  	v14 =	vand.u32 $0x7, v14  }
0xaa: {  	v14 =	vor.u32 v14, v15  }
0xab: {  	v15 =	vperm.xlane v14, v4;
	_ =	sdelay $0x1  }
0xac: {  	v15 =	vadd.s32 v5, v15;
	_ =	sdelay $0x1  }
0xad: {  	v14 =	vperm.xlane v14, v6;
	_ =	sdelay $0x1  }
0xae: {  	s25 =	simm.s32 $0x0;
	s0 =	simm.s32 $0x3580;
	v14 =	vadd.s32 v5, v14  }
0xaf: {  	[tilespmem:s0], [sflag:$0x1] =	stream.indirect_vreg.gather [hbm4b:s3+s25], $0x80, v15, vm0, $0xb8;
	[tilespmem:$0x19600] =	vst v63  }
0xb0: {  	s1 =	simm.s32 $0x3D80  }
0xb1: {  	[tilespmem:s1], [sflag:$0x1] =	stream.indirect_vreg.gather [hbm4b:s7+s25], $0x80, v15, vm1, $0xb8;
	[tilespmem:$0x19600] =	vst v63  }
0xb2: {  	s26 =	simm.s32 $0x4180  }
0xb3: {  	[tilespmem:s26], [sflag:$0x1] =	stream.indirect_vreg.gather [hbm4b:s3+s25], $0x80, v14, vm0, $0xb8;
	[tilespmem:$0x19600] =	vst v63  }
0xb4: {  	s29 =	simm.s32 $0x4980  }
0xb5: {  	[tilespmem:s29], [sflag:$0x1] =	stream.indirect_vreg.gather [hbm4b:s7+s25], $0x80, v14, vm1, $0xb8;
	[tilespmem:$0x19600] =	vst v63  }
0xb6: {  	v14 =	vld [tilespmem:$0x2F90];
	_ =	sdelay $0x4  }
0xb7: {  	v15 =	vshrl.u32 v14, $0x3  }
0xb8: {  	v15 =	vmul.u32 $0x18, v15  }
0xb9: {  	v14 =	vand.u32 $0x7, v14  }
0xba: {  	v14 =	vor.u32 v14, v15  }
0xbb: {  	v15 =	vperm.xlane v14, v4;
	_ =	sdelay $0x1  }
0xbc: {  	v15 =	vadd.s32 v5, v15;
	_ =	sdelay $0x1  }
0xbd: {  	v14 =	vperm.xlane v14, v6;
	_ =	sdelay $0x1  }
0xbe: {  	s31 =	simm.s32 $0x4D80;
	v14 =	vadd.s32 v5, v14  }
0xbf: {  	[tilespmem:s31], [sflag:$0x1] =	stream.indirect_vreg.gather [hbm4b:s3+s25], $0x80, v15, vm0, $0xb8;
	[tilespmem:$0x19600] =	vst v63  }
0xc0: {  	s1 =	simm.s32 $0x5580  }
0xc1: {  	[tilespmem:s1], [sflag:$0x1] =	stream.indirect_vreg.gather [hbm4b:s7+s25], $0x80, v15, vm1, $0xb8;
	[tilespmem:$0x19600] =	vst v63  }
0xc2: {  	s26 =	simm.s32 $0x5980  }
0xc3: {  	[tilespmem:s26], [sflag:$0x1] =	stream.indirect_vreg.gather [hbm4b:s3+s25], $0x80, v14, vm0, $0xb8;
	[tilespmem:$0x19600] =	vst v63  }
0xc4: {  	s29 =	simm.s32 $0x6180  }
0xc5: {  	[tilespmem:s29], [sflag:$0x1] =	stream.indirect_vreg.gather [hbm4b:s7+s25], $0x80, v14, vm1, $0xb8;
	[tilespmem:$0x19600] =	vst v63  }
0xc6: {  	v14 =	vld [tilespmem:$0x2FA0];
	_ =	sdelay $0x4  }
0xc7: {  	v15 =	vshrl.u32 v14, $0x3  }
0xc8: {  	v15 =	vmul.u32 $0x18, v15  }
0xc9: {  	v14 =	vand.u32 $0x7, v14  }
0xca: {  	v14 =	vor.u32 v14, v15  }
0xcb: {  	v15 =	vperm.xlane v14, v4;
	_ =	sdelay $0x1  }
0xcc: {  	v15 =	vadd.s32 v5, v15;
	_ =	sdelay $0x1  }
0xcd: {  	v14 =	vperm.xlane v14, v6;
	_ =	sdelay $0x1  }
0xce: {  	s31 =	simm.s32 $0x6580;
	v14 =	vadd.s32 v5, v14  }
0xcf: {  	[tilespmem:s31], [sflag:$0x1] =	stream.indirect_vreg.gather [hbm4b:s3+s25], $0x80, v15, vm0, $0xb8;
	[tilespmem:$0x19600] =	vst v63  }
0xd0: {  	s1 =	simm.s32 $0x6D80  }
0xd1: {  	[tilespmem:s1], [sflag:$0x1] =	stream.indirect_vreg.gather [hbm4b:s7+s25], $0x80, v15, vm1, $0xb8;
	[tilespmem:$0x19600] =	vst v63  }
0xd2: {  	s26 =	simm.s32 $0x7180  }
0xd3: {  	[tilespmem:s26], [sflag:$0x1] =	stream.indirect_vreg.gather [hbm4b:s3+s25], $0x80, v14, vm0, $0xb8;
	[tilespmem:$0x19600] =	vst v63  }
0xd4: {  	s29 =	simm.s32 $0x7980  }
0xd5: {  	[tilespmem:s29], [sflag:$0x1] =	stream.indirect_vreg.gather [hbm4b:s7+s25], $0x80, v14, vm1, $0xb8;
	[tilespmem:$0x19600] =	vst v63  }
0xd6: {  	v14 =	vld [tilespmem:$0x2FB0];
	_ =	sdelay $0x4  }
0xd7: {  	v15 =	vshrl.u32 v14, $0x3  }
0xd8: {  	v15 =	vmul.u32 $0x18, v15  }
0xd9: {  	v14 =	vand.u32 $0x7, v14  }
0xda: {  	v14 =	vor.u32 v14, v15  }
0xdb: {  	v15 =	vperm.xlane v14, v4;
	_ =	sdelay $0x1  }
0xdc: {  	v15 =	vadd.s32 v5, v15;
	_ =	sdelay $0x1  }
0xdd: {  	v14 =	vperm.xlane v14, v6;
	_ =	sdelay $0x1  }
0xde: {  	s31 =	simm.s32 $0x7D80;
	v14 =	vadd.s32 v5, v14  }
0xdf: {  	[tilespmem:s31], [sflag:$0x1] =	stream.indirect_vreg.gather [hbm4b:s3+s25], $0x80, v15, vm0, $0xb8;
	[tilespmem:$0x19600] =	vst v63  }
0xe0: {  	s1 =	simm.s32 $0x8580  }
0xe1: {  	[tilespmem:s1], [sflag:$0x1] =	stream.indirect_vreg.gather [hbm4b:s7+s25], $0x80, v15, vm1, $0xb8;
	[tilespmem:$0x19600] =	vst v63  }
0xe2: {  	s26 =	simm.s32 $0x8980  }
0xe3: {  	[tilespmem:s26], [sflag:$0x1] =	stream.indirect_vreg.gather [hbm4b:s3+s25], $0x80, v14, vm0, $0xb8;
	[tilespmem:$0x19600] =	vst v63  }
0xe4: {  	s29 =	simm.s32 $0x9180  }
0xe5: {  	[tilespmem:s29], [sflag:$0x1] =	stream.indirect_vreg.gather [hbm4b:s7+s25], $0x80, v14, vm1, $0xb8;
	[tilespmem:$0x19600] =	vst v63  }
0xe6: {  	v14 =	vld [tilespmem:$0x2FC0];
	_ =	sdelay $0x4  }
0xe7: {  	v15 =	vshrl.u32 v14, $0x3  }
0xe8: {  	v15 =	vmul.u32 $0x18, v15  }
0xe9: {  	v14 =	vand.u32 $0x7, v14  }
0xea: {  	v14 =	vor.u32 v14, v15  }
0xeb: {  	v15 =	vperm.xlane v14, v4;
	_ =	sdelay $0x1  }
0xec: {  	v15 =	vadd.s32 v5, v15;
	_ =	sdelay $0x1  }
0xed: {  	v14 =	vperm.xlane v14, v6;
	_ =	sdelay $0x1  }
0xee: {  	s31 =	simm.s32 $0x9580;
	v14 =	vadd.s32 v5, v14  }
0xef: {  	[tilespmem:s31], [sflag:$0x1] =	stream.indirect_vreg.gather [hbm4b:s3+s25], $0x80, v15, vm0, $0xb8;
	[tilespmem:$0x19600] =	vst v63  }
0xf0: {  	_ = 	snop  }
0xf1: {  	[tilespmem:s2], [sflag:$0x1] =	stream.indirect_vreg.gather [hbm4b:s7+s25], $0x80, v15, vm1, $0xb8;
	[tilespmem:$0x19600] =	vst v63  }
0xf2: {  	_ = 	snop  }
0xf3: {  	[tilespmem:s8], [sflag:$0x1] =	stream.indirect_vreg.gather [hbm4b:s3+s25], $0x80, v14, vm0, $0xb8;
	[tilespmem:$0x19600] =	vst v63  }
0xf4: {  	_ = 	snop  }
0xf5: {  	[tilespmem:s9], [sflag:$0x1] =	stream.indirect_vreg.gather [hbm4b:s7+s25], $0x80, v14, vm1, $0xb8;
	[tilespmem:$0x19600] =	vst v63  }
0xf6: {  	v14 =	vld [tilespmem:$0x2FD0];
	_ =	sdelay $0x4  }
0xf7: {  	v15 =	vshrl.u32 v14, $0x3  }
0xf8: {  	v15 =	vmul.u32 $0x18, v15  }
0xf9: {  	v14 =	vand.u32 $0x7, v14  }
0xfa: {  	v14 =	vor.u32 v14, v15  }
0xfb: {  	v15 =	vperm.xlane v14, v4;
	_ =	sdelay $0x1  }
0xfc: {  	v15 =	vadd.s32 v5, v15;
	_ =	sdelay $0x1  }
0xfd: {  	v14 =	vperm.xlane v14, v6;
	_ =	sdelay $0x1  }
0xfe: {  	v14 =	vadd.s32 v5, v14  }
0xff: {  	[tilespmem:s11], [sflag:$0x1] =	stream.indirect_vreg.gather [hbm4b:s3+s25], $0x80, v15, vm0, $0xb8;
	[tilespmem:$0x19600] =	vst v63  }
0x100: {  	_ = 	snop  }
0x101: {  	[tilespmem:s12], [sflag:$0x1] =	stream.indirect_vreg.gather [hbm4b:s7+s25], $0x80, v15, vm1, $0xb8;
	[tilespmem:$0x19600] =	vst v63  }
0x102: {  	_ = 	snop  }
0x103: {  	[tilespmem:s13], [sflag:$0x1] =	stream.indirect_vreg.gather [hbm4b:s3+s25], $0x80, v14, vm0, $0xb8;
	[tilespmem:$0x19600] =	vst v63  }
0x104: {  	_ = 	snop  }
0x105: {  	[tilespmem:s14], [sflag:$0x1] =	stream.indirect_vreg.gather [hbm4b:s7+s25], $0x80, v14, vm1, $0xb8;
	[tilespmem:$0x19600] =	vst v63  }
0x106: {  	v14 =	vld [tilespmem:$0x2FE0];
	_ =	sdelay $0x4  }
0x107: {  	v15 =	vshrl.u32 v14, $0x3  }
0x108: {  	v15 =	vmul.u32 $0x18, v15  }
0x109: {  	v14 =	vand.u32 $0x7, v14  }
0x10a: {  	v14 =	vor.u32 v14, v15  }
0x10b: {  	v15 =	vperm.xlane v14, v4;
	_ =	sdelay $0x1  }
0x10c: {  	v15 =	vadd.s32 v5, v15;
	_ =	sdelay $0x1  }
0x10d: {  	v14 =	vperm.xlane v14, v6;
	_ =	sdelay $0x1  }
0x10e: {  	v14 =	vadd.s32 v5, v14  }
0x10f: {  	[tilespmem:s15], [sflag:$0x1] =	stream.indirect_vreg.gather [hbm4b:s3+s25], $0x80, v15, vm0, $0xb8;
	[tilespmem:$0x19600] =	vst v63  }
0x110: {  	_ = 	snop  }
0x111: {  	[tilespmem:s4], [sflag:$0x1] =	stream.indirect_vreg.gather [hbm4b:s7+s25], $0x80, v15, vm1, $0xb8;
	[tilespmem:$0x19600] =	vst v63  }
0x112: {  	_ = 	snop  }
0x113: {  	[tilespmem:s5], [sflag:$0x1] =	stream.indirect_vreg.gather [hbm4b:s3+s25], $0x80, v14, vm0, $0xb8;
	[tilespmem:$0x19600] =	vst v63  }
0x114: {  	_ = 	snop  }
0x115: {  	[tilespmem:s6], [sflag:$0x1] =	stream.indirect_vreg.gather [hbm4b:s7+s25], $0x80, v14, vm1, $0xb8;
	[tilespmem:$0x19600] =	vst v63  }
0x116: {  	v14 =	vld [tilespmem:$0x2FF0];
	_ =	sdelay $0x4  }
0x117: {  	v15 =	vshrl.u32 v14, $0x3  }
0x118: {  	v15 =	vmul.u32 $0x18, v15  }
0x119: {  	v14 =	vand.u32 $0x7, v14  }
0x11a: {  	v14 =	vor.u32 v14, v15  }
0x11b: {  	v15 =	vperm.xlane v14, v4;
	_ =	sdelay $0x1  }
0x11c: {  	v15 =	vadd.s32 v5, v15;
	_ =	sdelay $0x1  }
0x11d: {  	v14 =	vperm.xlane v14, v6;
	_ =	sdelay $0x1  }
0x11e: {  	v14 =	vadd.s32 v5, v14  }
0x11f: {  	[tilespmem:s16], [sflag:$0x1] =	stream.indirect_vreg.gather [hbm4b:s3+s25], $0x80, v15, vm0, $0xb8;
	[tilespmem:$0x19600] =	vst v63  }
0x120: {  	_ = 	snop  }
0x121: {  	[tilespmem:s17], [sflag:$0x1] =	stream.indirect_vreg.gather [hbm4b:s7+s25], $0x80, v15, vm1, $0xb8;
	[tilespmem:$0x19600] =	vst v63  }
0x122: {  	_ = 	snop  }
0x123: {  	[tilespmem:s18], [sflag:$0x1] =	stream.indirect_vreg.gather [hbm4b:s3+s25], $0x80, v14, vm0, $0xb8;
	[tilespmem:$0x19600] =	vst v63  }
0x124: {  	_ = 	snop  }
0x125: {  	[tilespmem:s19], [sflag:$0x1] =	stream.indirect_vreg.gather [hbm4b:s7+s25], $0x80, v14, vm1, $0xb8;
	[tilespmem:$0x19600] =	vst v63  }
0x126: {  	_ =	swait.ge [sflag:s20], $0xC000  }
0x127: {  	[sflag:s20] =	ssyncset.done $0x0  }
0x128: {  	s28 =	simm.s32 $0x0;
	s26 =	sand.u32 $0x70, s25;
	[sflag:s20] =	ssyncadd.s32 $0xFFFF4000  }
0x129: {  	s28 =	smul.u32 $0x3000, s28;
	v14 =	vld [tilespmem:s26+$0x3380]  }
0x12a: {  	v15 =	vld [tilespmem:s26+$0x3080]  }
0x12b: {  	s28 =	sshra.s32 s28, $0x2;
	s29 =	sand.u32 $0x380, s25;
	v16 =	vld [tilespmem:s26+$0x3180]  }
0x12c: {  	s28 =	sor.u32 s29, s28;
	v17 =	vld [tilespmem:s26+$0x3280]  }
0x12d: {  	v18 =	vld [tilespmem:s28+$0x35C0]  }
0x12e: {  	s25 =	sand.u32 $0xF, s25;
	v19 =	vld [tilespmem:s28+$0x3980]  }
0x12f: {  	v20 =	vmov s25;
	v21 =	vld [tilespmem:s28+$0x3DC0]  }
0x130: {  	v22 =	vld [tilespmem:s26+$0x3480];
	v16 =	vperm.xlane v16, v20  }
0x131: {  	v23 =	vld [tilespmem:s28+$0x39C0]  }
0x132: {  	v17 =	vperm.xlane v17, v20;
	v18 =	vmul.f32 v18, v16  }
0x133: {  	v24 =	vld [tilespmem:s28+$0x3D80];
	v15 =	vperm.xlane v15, v20  }
0x134: {  	v14 =	vperm.xlane v14, v20;
	v19 =	vmul.f32 v19, v17;
	v18 =	vadd.f32 v18, v21  }
0x135: {  	v45 =	vshll.u32 v15, $0x7  }
0x136: {  	v15 =	vperm.xlane v22, v20;
	v46 =	vmul.f32 v23, v14;
	v18 =	vadd.f32 v19, v18  }
0x137: {  	v47 =	vor.u32 v7, v45  }
0x138: {  	v48 =	vmul.f32 v24, v15;
	v18 =	vadd.f32 v46, v18;
	_ =	sdelay $0x1  }
0x139: {  	v18 =	vadd.f32 v48, v18;
	_ =	sdelay $0x1  }
0x13a: {  	[tilespmem:v47+s21+$0x0] =	vst.idx.add.f32.msk $0xffff, v18  }
0x13b: {  	v18 =	vld [tilespmem:s28+$0x35D0]  }
0x13c: {  	v49 =	vld [tilespmem:s28+$0x3990]  }
0x13d: {  	v20 =	vld [tilespmem:s28+$0x3DD0];
	_ =	sdelay $0x1  }
0x13e: {  	v50 =	vld [tilespmem:s28+$0x39D0]  }
0x13f: {  	v18 =	vmul.f32 v18, v16  }
0x140: {  	v51 =	vld [tilespmem:s28+$0x3D90]  }
0x141: {  	v19 =	vmul.f32 v49, v17;
	v18 =	vadd.f32 v18, v20;
	_ =	sdelay $0x1  }
0x142: {  	v52 =	vmul.f32 v50, v14;
	v18 =	vadd.f32 v19, v18  }
0x143: {  	v53 =	vor.u32 v8, v45  }
0x144: {  	v54 =	vmul.f32 v51, v15;
	v18 =	vadd.f32 v52, v18;
	_ =	sdelay $0x1  }
0x145: {  	v18 =	vadd.f32 v54, v18;
	_ =	sdelay $0x1  }
0x146: {  	[tilespmem:v53+s21+$0x0] =	vst.idx.add.f32.msk $0xffff, v18  }
0x147: {  	v18 =	vld [tilespmem:s28+$0x35E0]  }
0x148: {  	v55 =	vld [tilespmem:s28+$0x39A0]  }
0x149: {  	v20 =	vld [tilespmem:s28+$0x3DE0];
	_ =	sdelay $0x1  }
0x14a: {  	v56 =	vld [tilespmem:s28+$0x39E0]  }
0x14b: {  	v18 =	vmul.f32 v18, v16  }
0x14c: {  	v57 =	vld [tilespmem:s28+$0x3DA0]  }
0x14d: {  	v19 =	vmul.f32 v55, v17;
	v18 =	vadd.f32 v18, v20;
	_ =	sdelay $0x1  }
0x14e: {  	v58 =	vmul.f32 v56, v14;
	v18 =	vadd.f32 v19, v18  }
0x14f: {  	v59 =	vor.u32 v9, v45  }
0x150: {  	v60 =	vmul.f32 v57, v15;
	v18 =	vadd.f32 v58, v18;
	_ =	sdelay $0x1  }
0x151: {  	v18 =	vadd.f32 v60, v18;
	_ =	sdelay $0x1  }
0x152: {  	[tilespmem:v59+s21+$0x0] =	vst.idx.add.f32.msk $0xffff, v18  }
0x153: {  	v18 =	vld [tilespmem:s28+$0x35F0]  }
0x154: {  	v61 =	vld [tilespmem:s28+$0x39B0]  }
0x155: {  	v20 =	vld [tilespmem:s28+$0x3DF0];
	_ =	sdelay $0x1  }
0x156: {  	v62 =	vld [tilespmem:s28+$0x39F0]  }
0x157: {  	v16 =	vmul.f32 v18, v16  }
0x158: {  	v63 =	vld [tilespmem:s28+$0x3DB0]  }
0x159: {  	v17 =	vmul.f32 v61, v17;
	v16 =	vadd.f32 v16, v20;
	_ =	sdelay $0x1  }
0x15a: {  	v14 =	vmul.f32 v62, v14;
	v16 =	vadd.f32 v17, v16  }
0x15b: {  	v17 =	vor.u32 v10, v45  }
0x15c: {  	v15 =	vmul.f32 v63, v15;
	v14 =	vadd.f32 v14, v16;
	_ =	sdelay $0x1  }
0x15d: {  	v14 =	vadd.f32 v15, v14;
	_ =	sdelay $0x1  }
0x15e: {  	[tilespmem:v17+s21+$0x0] =	vst.idx.add.f32.msk $0xffff, v14  }
0x15f: {  	v15 =	vor.u32 v1, v45;
	v14 =	vld [tilespmem:s28+$0x3580];
	_ =	sdelay $0x4  }
0x160: {  	[tilespmem:v15+s21+$0x0] =	vst.idx.add.f32.msk $0xffff, v14  }
0x161: {  	v15 =	vor.u32 v11, v45;
	v14 =	vld [tilespmem:s28+$0x3590];
	_ =	sdelay $0x4  }
0x162: {  	[tilespmem:v15+s21+$0x0] =	vst.idx.add.f32.msk $0xffff, v14  }
0x163: {  	v15 =	vor.u32 v12, v45;
	v14 =	vld [tilespmem:s28+$0x35A0];
	_ =	sdelay $0x4  }
0x164: {  	[tilespmem:v15+s21+$0x0] =	vst.idx.add.f32.msk $0xffff, v14  }
0x165: {  	v14 =	vor.u32 v13, v45;
	v15 =	vld [tilespmem:s28+$0x35B0];
	_ =	sdelay $0x1  }
0x166: {  	s26 =	simm.s32 $0x1  }
0x167: {  	s30 =	simm.s32 $0x2;
	s25 =	sand.u32 $0x70, s26;
	s28 =	simm.s32 $0x80  }
.LBB2_7:
0x168: {  	s31 =	sand.u32 $0x70, s30  }
0x169: {  	s0 =	sshrl.u32 s26, $0x3;
	[tilespmem:v14+s21+$0x0] =	vst.idx.add.f32.msk $0xffff, v15;
	s1 =	smov.u32 s30;
	s29 =	sadd.s32 $0x1, s30  }
0x16a: {  	p0 =	sne.s32 s30, $0x7F;
	v15 =	vld [tilespmem:s25+$0x3380];
	s0 =	smul.u32 $0x3000, s0  }
0x16b: {  	v14 =	vld [tilespmem:s25+$0x3080]  }
0x16c: {  	s30 =	sand.u32 $0x380, s28;
	v16 =	vld [tilespmem:s25+$0x3180];
	s0 =	sshra.s32 s0, $0x2  }
0x16d: {  	v17 =	vld [tilespmem:s25+$0x3280];
	s30 =	sor.u32 s30, s0  }
0x16e: {  	s0 =	sand.u32 $0xF, s26;
	s26 =	smov.u32 s1;
	v18 =	vld [tilespmem:s30+$0x35C0]  }
0x16f: {  	v19 =	vmov s0;
	v20 =	vld [tilespmem:s30+$0x3980]  }
0x170: {  	v14 =	vperm.xlane v14, v19;
	v21 =	vld [tilespmem:s30+$0x3DC0]  }
0x171: {  	v16 =	vperm.xlane v16, v19;
	v22 =	vld [tilespmem:s25+$0x3480];
	s25 =	smov.u32 s31  }
0x172: {  	v23 =	vld [tilespmem:s30+$0x39C0];
	v14 =	vshll.u32 v14, $0x7  }
0x173: {  	v17 =	vperm.xlane v17, v19;
	v18 =	vmul.f32 v18, v16  }
0x174: {  	v24 =	vld [tilespmem:s30+$0x3D80]  }
0x175: {  	v15 =	vperm.xlane v15, v19;
	v20 =	vmul.f32 v20, v17;
	v18 =	vadd.f32 v18, v21;
	_ =	sdelay $0x1  }
0x176: {  	v19 =	vperm.xlane v22, v19;
	v18 =	vadd.f32 v20, v18;
	v20 =	vmul.f32 v23, v15  }
0x177: {  	v21 =	vor.u32 v7, v14  }
0x178: {  	v18 =	vadd.f32 v20, v18;
	v20 =	vmul.f32 v24, v19;
	_ =	sdelay $0x1  }
0x179: {  	v18 =	vadd.f32 v20, v18;
	_ =	sdelay $0x1  }
0x17a: {  	[tilespmem:v21+s21+$0x0] =	vst.idx.add.f32.msk $0xffff, v18  }
0x17b: {  	v18 =	vld [tilespmem:s30+$0x35D0]  }
0x17c: {  	v20 =	vld [tilespmem:s30+$0x3990]  }
0x17d: {  	v21 =	vld [tilespmem:s30+$0x3DD0];
	_ =	sdelay $0x1  }
0x17e: {  	v22 =	vld [tilespmem:s30+$0x39D0]  }
0x17f: {  	v18 =	vmul.f32 v18, v16  }
0x180: {  	v23 =	vld [tilespmem:s30+$0x3D90]  }
0x181: {  	v20 =	vmul.f32 v20, v17;
	v18 =	vadd.f32 v18, v21;
	_ =	sdelay $0x1  }
0x182: {  	v18 =	vadd.f32 v20, v18;
	v20 =	vmul.f32 v22, v15  }
0x183: {  	v21 =	vor.u32 v8, v14  }
0x184: {  	v18 =	vadd.f32 v20, v18;
	v20 =	vmul.f32 v23, v19;
	_ =	sdelay $0x1  }
0x185: {  	v18 =	vadd.f32 v20, v18;
	_ =	sdelay $0x1  }
0x186: {  	[tilespmem:v21+s21+$0x0] =	vst.idx.add.f32.msk $0xffff, v18  }
0x187: {  	v18 =	vld [tilespmem:s30+$0x35E0]  }
0x188: {  	v20 =	vld [tilespmem:s30+$0x39A0]  }
0x189: {  	v21 =	vld [tilespmem:s30+$0x3DE0];
	_ =	sdelay $0x1  }
0x18a: {  	v22 =	vld [tilespmem:s30+$0x39E0]  }
0x18b: {  	v18 =	vmul.f32 v18, v16  }
0x18c: {  	v23 =	vld [tilespmem:s30+$0x3DA0]  }
0x18d: {  	v20 =	vmul.f32 v20, v17;
	v18 =	vadd.f32 v18, v21;
	_ =	sdelay $0x1  }
0x18e: {  	v18 =	vadd.f32 v20, v18;
	v20 =	vmul.f32 v22, v15  }
0x18f: {  	v21 =	vor.u32 v9, v14  }
0x190: {  	v18 =	vadd.f32 v20, v18;
	v20 =	vmul.f32 v23, v19;
	_ =	sdelay $0x1  }
0x191: {  	v18 =	vadd.f32 v20, v18;
	_ =	sdelay $0x1  }
0x192: {  	[tilespmem:v21+s21+$0x0] =	vst.idx.add.f32.msk $0xffff, v18  }
0x193: {  	v18 =	vld [tilespmem:s30+$0x35F0]  }
0x194: {  	v20 =	vld [tilespmem:s30+$0x39B0]  }
0x195: {  	v21 =	vld [tilespmem:s30+$0x3DF0];
	_ =	sdelay $0x1  }
0x196: {  	v22 =	vld [tilespmem:s30+$0x39F0]  }
0x197: {  	v16 =	vmul.f32 v18, v16  }
0x198: {  	v18 =	vld [tilespmem:s30+$0x3DB0]  }
0x199: {  	v17 =	vmul.f32 v20, v17;
	v16 =	vadd.f32 v16, v21;
	_ =	sdelay $0x1  }
0x19a: {  	v16 =	vadd.f32 v17, v16;
	v15 =	vmul.f32 v22, v15  }
0x19b: {  	v17 =	vor.u32 v10, v14  }
0x19c: {  	v15 =	vadd.f32 v15, v16;
	v16 =	vmul.f32 v18, v19;
	_ =	sdelay $0x1  }
0x19d: {  	v15 =	vadd.f32 v16, v15;
	_ =	sdelay $0x1  }
0x19e: {  	[tilespmem:v17+s21+$0x0] =	vst.idx.add.f32.msk $0xffff, v15  }
0x19f: {  	v16 =	vor.u32 v1, v14;
	v15 =	vld [tilespmem:s30+$0x3580];
	_ =	sdelay $0x4  }
0x1a0: {  	[tilespmem:v16+s21+$0x0] =	vst.idx.add.f32.msk $0xffff, v15  }
0x1a1: {  	v16 =	vor.u32 v11, v14;
	v15 =	vld [tilespmem:s30+$0x3590];
	_ =	sdelay $0x4  }
0x1a2: {  	[tilespmem:v16+s21+$0x0] =	vst.idx.add.f32.msk $0xffff, v15  }
0x1a3: {  	v16 =	vor.u32 v12, v14;
	v15 =	vld [tilespmem:s30+$0x35A0];
	_ =	sdelay $0x4  }
0x1a4: {  	[tilespmem:v16+s21+$0x0] =	vst.idx.add.f32.msk $0xffff, v15  }
.Ltmp8:
0x1a5: {  	v14 =	vor.u32 v13, v14;
	v15 =	vld [tilespmem:s30+$0x35B0];
	(pc) =	sbr.rel @p0 .LBB2_7-.Ltmp8, $2  }
0x1a6: {  	_ =	sdelay $0x2  }
0x1a7: {  	s28 =	sadd.s32 $0x80, s28;
	s30 =	smov.u32 s29  }
.Ltmp9:
0x1a8: {  	_ = 	snop;
	(pc) =	sbr.rel .LBB2_8-.Ltmp9, $1  }
0x1a9: {  	_ =	sdelay $0x3  }
.LBB2_11:
0x1aa: {  	p0 =	slt.s32 s22, $0x1  }
.Ltmp10:
0x1ab: {  	_ = 	snop;
	(pc) =	sbr.rel @p0 .LBB2_15-.Ltmp10, $2  }
0x1ac: {  	_ =	sdelay $0x2  }
0x1ad: {  	s23 =	rddreg [dreg:$0x7]  }
0x1ae: {  	v15 =	vld [tilespmem:$0x2F80]  }
0x1af: {  	v16 =	vld [tilespmem:$0x3080]  }
0x1b0: {  	v17 =	vld [tilespmem:$0x3180]  }
0x1b1: {  	v18 =	vld [tilespmem:$0x3280]  }
0x1b2: {  	v14 =	vmov s22;
	v19 =	vld [tilespmem:$0x3380]  }
0x1b3: {  	v20 =	vld [tilespmem:$0x3480];
	vm2 =	vgt.s32 v14, v1  }
0x1b4: {  	v21 =	vld [tilespmem:$0x2F90];
	v15 =	vnsel vm2, $0x0, v15  }
0x1b5: {  	v53 =	vld [tilespmem:$0x3290];
	[tilespmem:$0x2F80] =	vst v15;
	v15 =	vnsel vm2, $0x140, v16  }
0x1b6: {  	v16 =	vld [tilespmem:$0x3090];
	[tilespmem:$0x3080] =	vst v15;
	v15 =	vnsel vm2, $0x0, v17  }
0x1b7: {  	v17 =	vld [tilespmem:$0x3190];
	[tilespmem:$0x3180] =	vst v15;
	v15 =	vnsel vm2, $0x0, v18  }
0x1b8: {  	v54 =	vld [tilespmem:$0x3390];
	[tilespmem:$0x3280] =	vst v15;
	v15 =	vnsel vm2, $0x0, v19  }
0x1b9: {  	v55 =	vld [tilespmem:$0x3490];
	[tilespmem:$0x3380] =	vst v15;
	v15 =	vnsel vm2, $0x0, v20;
	vm2 =	vgt.s32 v14, v11  }
0x1ba: {  	v56 =	vld [tilespmem:$0x2FA0];
	[tilespmem:$0x3480] =	vst v15;
	v15 =	vnsel vm2, $0x0, v21  }
0x1bb: {  	v57 =	vld [tilespmem:$0x32A0];
	[tilespmem:$0x2F90] =	vst v15;
	v15 =	vnsel vm2, $0x140, v16  }
0x1bc: {  	v16 =	vld [tilespmem:$0x30A0];
	[tilespmem:$0x3090] =	vst v15;
	v15 =	vnsel vm2, $0x0, v17  }
0x1bd: {  	v17 =	vld [tilespmem:$0x31A0];
	[tilespmem:$0x3190] =	vst v15;
	v15 =	vnsel vm2, $0x0, v53  }
0x1be: {  	v58 =	vld [tilespmem:$0x33A0];
	[tilespmem:$0x3290] =	vst v15;
	v15 =	vnsel vm2, $0x0, v54  }
0x1bf: {  	v59 =	vld [tilespmem:$0x34A0];
	[tilespmem:$0x3390] =	vst v15;
	v15 =	vnsel vm2, $0x0, v55;
	vm2 =	vgt.s32 v14, v12  }
0x1c0: {  	v60 =	vld [tilespmem:$0x2FB0];
	[tilespmem:$0x3490] =	vst v15;
	v15 =	vnsel vm2, $0x0, v56  }
0x1c1: {  	v61 =	vld [tilespmem:$0x32B0];
	[tilespmem:$0x2FA0] =	vst v15;
	v15 =	vnsel vm2, $0x140, v16  }
0x1c2: {  	v16 =	vld [tilespmem:$0x30B0];
	[tilespmem:$0x30A0] =	vst v15;
	v15 =	vnsel vm2, $0x0, v17  }
0x1c3: {  	v17 =	vld [tilespmem:$0x31B0];
	[tilespmem:$0x31A0] =	vst v15;
	v15 =	vnsel vm2, $0x0, v57  }
0x1c4: {  	v62 =	vld [tilespmem:$0x33B0];
	[tilespmem:$0x32A0] =	vst v15;
	v15 =	vnsel vm2, $0x0, v58  }
0x1c5: {  	v63 =	vld [tilespmem:$0x34B0];
	[tilespmem:$0x33A0] =	vst v15;
	v15 =	vnsel vm2, $0x0, v59;
	vm2 =	vgt.s32 v14, v13  }
0x1c6: {  	v24 =	vld [tilespmem:$0x2FC0];
	[tilespmem:$0x34A0] =	vst v15;
	v15 =	vnsel vm2, $0x0, v60  }
0x1c7: {  	v25 =	vld [tilespmem:$0x32C0];
	[tilespmem:$0x2FB0] =	vst v15;
	v15 =	vnsel vm2, $0x140, v16  }
0x1c8: {  	v16 =	vld [tilespmem:$0x30C0];
	[tilespmem:$0x30B0] =	vst v15;
	v15 =	vnsel vm2, $0x0, v17  }
0x1c9: {  	v17 =	vld [tilespmem:$0x31C0];
	[tilespmem:$0x31B0] =	vst v15;
	v15 =	vnsel vm2, $0x0, v61  }
0x1ca: {  	v26 =	vld [tilespmem:$0x33C0];
	[tilespmem:$0x32B0] =	vst v15;
	v15 =	vnsel vm2, $0x0, v62  }
0x1cb: {  	v27 =	vld [tilespmem:$0x34C0];
	[tilespmem:$0x33B0] =	vst v15;
	v15 =	vnsel vm2, $0x0, v63;
	vm2 =	vgt.s32 v14, v7  }
0x1cc: {  	v28 =	vld [tilespmem:$0x2FD0];
	[tilespmem:$0x34B0] =	vst v15;
	v15 =	vnsel vm2, $0x0, v24  }
0x1cd: {  	v29 =	vld [tilespmem:$0x32D0];
	[tilespmem:$0x2FC0] =	vst v15;
	v15 =	vnsel vm2, $0x140, v16  }
0x1ce: {  	v16 =	vld [tilespmem:$0x30D0];
	[tilespmem:$0x30C0] =	vst v15;
	v15 =	vnsel vm2, $0x0, v17  }
0x1cf: {  	v17 =	vld [tilespmem:$0x31D0];
	[tilespmem:$0x31C0] =	vst v15;
	v15 =	vnsel vm2, $0x0, v25  }
0x1d0: {  	v30 =	vld [tilespmem:$0x33D0];
	[tilespmem:$0x32C0] =	vst v15;
	v15 =	vnsel vm2, $0x0, v26  }
0x1d1: {  	v31 =	vld [tilespmem:$0x34D0];
	[tilespmem:$0x33C0] =	vst v15;
	v15 =	vnsel vm2, $0x0, v27;
	vm2 =	vgt.s32 v14, v8  }
0x1d2: {  	v32 =	vld [tilespmem:$0x2FE0];
	[tilespmem:$0x34C0] =	vst v15;
	v15 =	vnsel vm2, $0x0, v28  }
0x1d3: {  	v33 =	vld [tilespmem:$0x2F80];
	[tilespmem:$0x2FD0] =	vst v15;
	v15 =	vnsel vm2, $0x140, v16  }
0x1d4: {  	v16 =	vld [tilespmem:$0x30E0];
	[tilespmem:$0x30D0] =	vst v15;
	v15 =	vnsel vm2, $0x0, v17  }
0x1d5: {  	v17 =	vld [tilespmem:$0x31E0];
	[tilespmem:$0x31D0] =	vst v15;
	v15 =	vnsel vm2, $0x0, v29  }
0x1d6: {  	v34 =	vld [tilespmem:$0x32E0];
	[tilespmem:$0x32D0] =	vst v15;
	v15 =	vnsel vm2, $0x0, v30  }
0x1d7: {  	v35 =	vld [tilespmem:$0x33E0];
	[tilespmem:$0x33D0] =	vst v15;
	v15 =	vnsel vm2, $0x0, v31;
	vm2 =	vgt.s32 v14, v9  }
0x1d8: {  	v36 =	vld [tilespmem:$0x34E0];
	[tilespmem:$0x34D0] =	vst v15;
	v15 =	vnsel vm2, $0x0, v32  }
0x1d9: {  	[tilespmem:$0x2FE0] =	vst v15;
	v15 =	vnsel vm2, $0x140, v16;
	v16 =	vld [tilespmem:$0x2FF0]  }
0x1da: {  	v22 =	vshrl.u32 v33, $0x3;
	[tilespmem:$0x30E0] =	vst v15;
	v15 =	vnsel vm2, $0x0, v17;
	v17 =	vld [tilespmem:$0x30F0]  }
0x1db: {  	v37 =	vld [tilespmem:$0x31F0];
	v22 =	vmul.u32 $0x18, v22;
	[tilespmem:$0x31E0] =	vst v15;
	v15 =	vnsel vm2, $0x0, v34  }
0x1dc: {  	v38 =	vld [tilespmem:$0x32F0];
	v18 =	vand.u32 $0x7, v33;
	[tilespmem:$0x32E0] =	vst v15;
	v15 =	vnsel vm2, $0x0, v35  }
0x1dd: {  	v18 =	vor.u32 v18, v22;
	[tilespmem:$0x33E0] =	vst v15;
	v15 =	vnsel vm2, $0x0, v36;
	vm2 =	vgt.s32 v14, v10;
	v14 =	vld [tilespmem:$0x33F0]  }
0x1de: {  	v39 =	vperm.xlane v18, v4;
	[tilespmem:$0x34E0] =	vst v15;
	v15 =	vnsel vm2, $0x0, v16;
	v16 =	vld [tilespmem:$0x34F0]  }
0x1df: {  	[tilespmem:$0x2FF0] =	vst v15;
	v15 =	vnsel vm2, $0x140, v17  }
0x1e0: {  	v17 =	vadd.s32 v5, v39;
	[tilespmem:$0x30F0] =	vst v15;
	v15 =	vnsel vm2, $0x0, v37  }
0x1e1: {  	[tilespmem:$0x31F0] =	vst v15;
	v15 =	vnsel vm2, $0x0, v38  }
0x1e2: {  	[tilespmem:$0x32F0] =	vst v15;
	v14 =	vnsel vm2, $0x0, v14;
	v15 =	vperm.xlane v18, v6  }
0x1e3: {  	[tilespmem:$0x33F0] =	vst v14;
	v14 =	vnsel vm2, $0x0, v16  }
0x1e4: {  	s22 =	simm.s32 $0x0;
	s0 =	simm.s32 $0x3580;
	[tilespmem:$0x34F0] =	vst v14;
	v14 =	vadd.s32 v5, v15  }
0x1e5: {  	[tilespmem:s0], [sflag:$0x1] =	stream.indirect_vreg.gather [hbm4b:s3+s22], $0x80, v17, vm0, $0xb8;
	[tilespmem:$0x19600] =	vst v63  }
0x1e6: {  	s1 =	simm.s32 $0x3D80  }
0x1e7: {  	[tilespmem:s1], [sflag:$0x1] =	stream.indirect_vreg.gather [hbm4b:s7+s22], $0x80, v17, vm1, $0xb8;
	[tilespmem:$0x19600] =	vst v63  }
0x1e8: {  	s23 =	simm.s32 $0x4180  }
0x1e9: {  	[tilespmem:s23], [sflag:$0x1] =	stream.indirect_vreg.gather [hbm4b:s3+s22], $0x80, v14, vm0, $0xb8;
	[tilespmem:$0x19600] =	vst v63  }
0x1ea: {  	s24 =	simm.s32 $0x4980  }
0x1eb: {  	[tilespmem:s24], [sflag:$0x1] =	stream.indirect_vreg.gather [hbm4b:s7+s22], $0x80, v14, vm1, $0xb8;
	[tilespmem:$0x19600] =	vst v63  }
0x1ec: {  	v14 =	vld [tilespmem:$0x2F90];
	_ =	sdelay $0x4  }
0x1ed: {  	v15 =	vshrl.u32 v14, $0x3  }
0x1ee: {  	v15 =	vmul.u32 $0x18, v15  }
0x1ef: {  	v14 =	vand.u32 $0x7, v14  }
0x1f0: {  	v14 =	vor.u32 v14, v15  }
0x1f1: {  	v15 =	vperm.xlane v14, v4;
	_ =	sdelay $0x1  }
0x1f2: {  	v15 =	vadd.s32 v5, v15;
	_ =	sdelay $0x1  }
0x1f3: {  	v14 =	vperm.xlane v14, v6;
	_ =	sdelay $0x1  }
0x1f4: {  	s25 =	simm.s32 $0x4D80;
	v14 =	vadd.s32 v5, v14  }
0x1f5: {  	[tilespmem:s25], [sflag:$0x1] =	stream.indirect_vreg.gather [hbm4b:s3+s22], $0x80, v15, vm0, $0xb8;
	[tilespmem:$0x19600] =	vst v63  }
0x1f6: {  	s26 =	simm.s32 $0x5580  }
0x1f7: {  	[tilespmem:s26], [sflag:$0x1] =	stream.indirect_vreg.gather [hbm4b:s7+s22], $0x80, v15, vm1, $0xb8;
	[tilespmem:$0x19600] =	vst v63  }
0x1f8: {  	s28 =	simm.s32 $0x5980  }
0x1f9: {  	[tilespmem:s28], [sflag:$0x1] =	stream.indirect_vreg.gather [hbm4b:s3+s22], $0x80, v14, vm0, $0xb8;
	[tilespmem:$0x19600] =	vst v63  }
0x1fa: {  	s29 =	simm.s32 $0x6180  }
0x1fb: {  	[tilespmem:s29], [sflag:$0x1] =	stream.indirect_vreg.gather [hbm4b:s7+s22], $0x80, v14, vm1, $0xb8;
	[tilespmem:$0x19600] =	vst v63  }
0x1fc: {  	v14 =	vld [tilespmem:$0x2FA0];
	_ =	sdelay $0x4  }
0x1fd: {  	v15 =	vshrl.u32 v14, $0x3  }
0x1fe: {  	v15 =	vmul.u32 $0x18, v15  }
0x1ff: {  	v14 =	vand.u32 $0x7, v14  }
0x200: {  	v14 =	vor.u32 v14, v15  }
0x201: {  	v15 =	vperm.xlane v14, v4;
	_ =	sdelay $0x1  }
0x202: {  	v15 =	vadd.s32 v5, v15;
	_ =	sdelay $0x1  }
0x203: {  	v14 =	vperm.xlane v14, v6;
	_ =	sdelay $0x1  }
0x204: {  	s30 =	simm.s32 $0x6580;
	v14 =	vadd.s32 v5, v14  }
0x205: {  	[tilespmem:s30], [sflag:$0x1] =	stream.indirect_vreg.gather [hbm4b:s3+s22], $0x80, v15, vm0, $0xb8;
	[tilespmem:$0x19600] =	vst v63  }
0x206: {  	s31 =	simm.s32 $0x6D80  }
0x207: {  	[tilespmem:s31], [sflag:$0x1] =	stream.indirect_vreg.gather [hbm4b:s7+s22], $0x80, v15, vm1, $0xb8;
	[tilespmem:$0x19600] =	vst v63  }
0x208: {  	s1 =	simm.s32 $0x7180  }
0x209: {  	[tilespmem:s1], [sflag:$0x1] =	stream.indirect_vreg.gather [hbm4b:s3+s22], $0x80, v14, vm0, $0xb8;
	[tilespmem:$0x19600] =	vst v63  }
0x20a: {  	s23 =	simm.s32 $0x7980  }
0x20b: {  	[tilespmem:s23], [sflag:$0x1] =	stream.indirect_vreg.gather [hbm4b:s7+s22], $0x80, v14, vm1, $0xb8;
	[tilespmem:$0x19600] =	vst v63  }
0x20c: {  	v14 =	vld [tilespmem:$0x2FB0];
	_ =	sdelay $0x4  }
0x20d: {  	v15 =	vshrl.u32 v14, $0x3  }
0x20e: {  	v15 =	vmul.u32 $0x18, v15  }
0x20f: {  	v14 =	vand.u32 $0x7, v14  }
0x210: {  	v14 =	vor.u32 v14, v15  }
0x211: {  	v15 =	vperm.xlane v14, v4;
	_ =	sdelay $0x1  }
0x212: {  	v15 =	vadd.s32 v5, v15;
	_ =	sdelay $0x1  }
0x213: {  	v14 =	vperm.xlane v14, v6;
	_ =	sdelay $0x1  }
0x214: {  	s24 =	simm.s32 $0x7D80;
	v14 =	vadd.s32 v5, v14  }
0x215: {  	[tilespmem:s24], [sflag:$0x1] =	stream.indirect_vreg.gather [hbm4b:s3+s22], $0x80, v15, vm0, $0xb8;
	[tilespmem:$0x19600] =	vst v63  }
0x216: {  	s25 =	simm.s32 $0x8580  }
0x217: {  	[tilespmem:s25], [sflag:$0x1] =	stream.indirect_vreg.gather [hbm4b:s7+s22], $0x80, v15, vm1, $0xb8;
	[tilespmem:$0x19600] =	vst v63  }
0x218: {  	s26 =	simm.s32 $0x8980  }
0x219: {  	[tilespmem:s26], [sflag:$0x1] =	stream.indirect_vreg.gather [hbm4b:s3+s22], $0x80, v14, vm0, $0xb8;
	[tilespmem:$0x19600] =	vst v63  }
0x21a: {  	s28 =	simm.s32 $0x9180  }
0x21b: {  	[tilespmem:s28], [sflag:$0x1] =	stream.indirect_vreg.gather [hbm4b:s7+s22], $0x80, v14, vm1, $0xb8;
	[tilespmem:$0x19600] =	vst v63  }
0x21c: {  	v14 =	vld [tilespmem:$0x2FC0];
	_ =	sdelay $0x4  }
0x21d: {  	v15 =	vshrl.u32 v14, $0x3  }
0x21e: {  	v15 =	vmul.u32 $0x18, v15  }
0x21f: {  	v14 =	vand.u32 $0x7, v14  }
0x220: {  	v14 =	vor.u32 v14, v15  }
0x221: {  	v15 =	vperm.xlane v14, v4;
	_ =	sdelay $0x1  }
0x222: {  	v15 =	vadd.s32 v5, v15;
	_ =	sdelay $0x1  }
0x223: {  	v14 =	vperm.xlane v14, v6;
	_ =	sdelay $0x1  }
0x224: {  	s29 =	simm.s32 $0x9580;
	v14 =	vadd.s32 v5, v14  }
0x225: {  	[tilespmem:s29], [sflag:$0x1] =	stream.indirect_vreg.gather [hbm4b:s3+s22], $0x80, v15, vm0, $0xb8;
	[tilespmem:$0x19600] =	vst v63  }
0x226: {  	_ = 	snop  }
0x227: {  	[tilespmem:s2], [sflag:$0x1] =	stream.indirect_vreg.gather [hbm4b:s7+s22], $0x80, v15, vm1, $0xb8;
	[tilespmem:$0x19600] =	vst v63  }
0x228: {  	_ = 	snop  }
0x229: {  	[tilespmem:s8], [sflag:$0x1] =	stream.indirect_vreg.gather [hbm4b:s3+s22], $0x80, v14, vm0, $0xb8;
	[tilespmem:$0x19600] =	vst v63  }
0x22a: {  	_ = 	snop  }
0x22b: {  	[tilespmem:s9], [sflag:$0x1] =	stream.indirect_vreg.gather [hbm4b:s7+s22], $0x80, v14, vm1, $0xb8;
	[tilespmem:$0x19600] =	vst v63  }
0x22c: {  	v14 =	vld [tilespmem:$0x2FD0];
	_ =	sdelay $0x4  }
0x22d: {  	v15 =	vshrl.u32 v14, $0x3  }
0x22e: {  	v15 =	vmul.u32 $0x18, v15  }
0x22f: {  	v14 =	vand.u32 $0x7, v14  }
0x230: {  	v14 =	vor.u32 v14, v15  }
0x231: {  	v15 =	vperm.xlane v14, v4;
	_ =	sdelay $0x1  }
0x232: {  	v15 =	vadd.s32 v5, v15;
	_ =	sdelay $0x1  }
0x233: {  	v14 =	vperm.xlane v14, v6;
	_ =	sdelay $0x1  }
0x234: {  	v14 =	vadd.s32 v5, v14  }
0x235: {  	[tilespmem:s11], [sflag:$0x1] =	stream.indirect_vreg.gather [hbm4b:s3+s22], $0x80, v15, vm0, $0xb8;
	[tilespmem:$0x19600] =	vst v63  }
0x236: {  	_ = 	snop  }
0x237: {  	[tilespmem:s12], [sflag:$0x1] =	stream.indirect_vreg.gather [hbm4b:s7+s22], $0x80, v15, vm1, $0xb8;
	[tilespmem:$0x19600] =	vst v63  }
0x238: {  	_ = 	snop  }
0x239: {  	[tilespmem:s13], [sflag:$0x1] =	stream.indirect_vreg.gather [hbm4b:s3+s22], $0x80, v14, vm0, $0xb8;
	[tilespmem:$0x19600] =	vst v63  }
0x23a: {  	_ = 	snop  }
0x23b: {  	[tilespmem:s14], [sflag:$0x1] =	stream.indirect_vreg.gather [hbm4b:s7+s22], $0x80, v14, vm1, $0xb8;
	[tilespmem:$0x19600] =	vst v63  }
0x23c: {  	v14 =	vld [tilespmem:$0x2FE0];
	_ =	sdelay $0x4  }
0x23d: {  	v15 =	vshrl.u32 v14, $0x3  }
0x23e: {  	v15 =	vmul.u32 $0x18, v15  }
0x23f: {  	v14 =	vand.u32 $0x7, v14  }
0x240: {  	v14 =	vor.u32 v14, v15  }
0x241: {  	v15 =	vperm.xlane v14, v4;
	_ =	sdelay $0x1  }
0x242: {  	v15 =	vadd.s32 v5, v15;
	_ =	sdelay $0x1  }
0x243: {  	v14 =	vperm.xlane v14, v6;
	_ =	sdelay $0x1  }
0x244: {  	v14 =	vadd.s32 v5, v14  }
0x245: {  	[tilespmem:s15], [sflag:$0x1] =	stream.indirect_vreg.gather [hbm4b:s3+s22], $0x80, v15, vm0, $0xb8;
	[tilespmem:$0x19600] =	vst v63  }
0x246: {  	_ = 	snop  }
0x247: {  	[tilespmem:s4], [sflag:$0x1] =	stream.indirect_vreg.gather [hbm4b:s7+s22], $0x80, v15, vm1, $0xb8;
	[tilespmem:$0x19600] =	vst v63  }
0x248: {  	_ = 	snop  }
0x249: {  	[tilespmem:s5], [sflag:$0x1] =	stream.indirect_vreg.gather [hbm4b:s3+s22], $0x80, v14, vm0, $0xb8;
	[tilespmem:$0x19600] =	vst v63  }
0x24a: {  	_ = 	snop  }
0x24b: {  	[tilespmem:s6], [sflag:$0x1] =	stream.indirect_vreg.gather [hbm4b:s7+s22], $0x80, v14, vm1, $0xb8;
	[tilespmem:$0x19600] =	vst v63  }
0x24c: {  	v14 =	vld [tilespmem:$0x2FF0];
	_ =	sdelay $0x4  }
0x24d: {  	v15 =	vshrl.u32 v14, $0x3  }
0x24e: {  	v15 =	vmul.u32 $0x18, v15  }
0x24f: {  	v14 =	vand.u32 $0x7, v14  }
0x250: {  	v14 =	vor.u32 v14, v15  }
0x251: {  	v15 =	vperm.xlane v14, v4;
	_ =	sdelay $0x1  }
0x252: {  	v15 =	vadd.s32 v5, v15;
	_ =	sdelay $0x1  }
0x253: {  	v14 =	vperm.xlane v14, v6;
	_ =	sdelay $0x1  }
0x254: {  	v14 =	vadd.s32 v5, v14  }
0x255: {  	[tilespmem:s16], [sflag:$0x1] =	stream.indirect_vreg.gather [hbm4b:s3+s22], $0x80, v15, vm0, $0xb8;
	[tilespmem:$0x19600] =	vst v63  }
0x256: {  	_ = 	snop  }
0x257: {  	[tilespmem:s17], [sflag:$0x1] =	stream.indirect_vreg.gather [hbm4b:s7+s22], $0x80, v15, vm1, $0xb8;
	[tilespmem:$0x19600] =	vst v63  }
0x258: {  	_ = 	snop  }
0x259: {  	[tilespmem:s18], [sflag:$0x1] =	stream.indirect_vreg.gather [hbm4b:s3+s22], $0x80, v14, vm0, $0xb8;
	[tilespmem:$0x19600] =	vst v63  }
0x25a: {  	_ = 	snop  }
0x25b: {  	[tilespmem:s19], [sflag:$0x1] =	stream.indirect_vreg.gather [hbm4b:s7+s22], $0x80, v14, vm1, $0xb8;
	[tilespmem:$0x19600] =	vst v63  }
0x25c: {  	_ =	swait.ge [sflag:s20], $0xC000  }
0x25d: {  	[sflag:s20] =	ssyncset.done $0x0  }
0x25e: {  	s30 =	sand.u32 $0x70, s22;
	s1 =	simm.s32 $0x0;
	[sflag:s20] =	ssyncadd.s32 $0xFFFF4000  }
0x25f: {  	s1 =	smul.u32 $0x3000, s1;
	v14 =	vld [tilespmem:s30+$0x3380]  }
0x260: {  	v15 =	vld [tilespmem:s30+$0x3080]  }
0x261: {  	s23 =	sand.u32 $0x380, s22;
	s1 =	sshra.s32 s1, $0x2;
	v16 =	vld [tilespmem:s30+$0x3180]  }
0x262: {  	s24 =	sor.u32 s23, s1;
	v17 =	vld [tilespmem:s30+$0x3280]  }
0x263: {  	v40 =	vld [tilespmem:s24+$0x35C0]  }
0x264: {  	s31 =	sand.u32 $0xF, s22;
	v41 =	vld [tilespmem:s24+$0x3980]  }
0x265: {  	v42 =	vmov s31;
	v43 =	vld [tilespmem:s24+$0x3DC0]  }
0x266: {  	v44 =	vld [tilespmem:s30+$0x3480];
	v16 =	vperm.xlane v16, v42  }
0x267: {  	v23 =	vld [tilespmem:s24+$0x39C0]  }
0x268: {  	v17 =	vperm.xlane v17, v42;
	v18 =	vmul.f32 v40, v16  }
0x269: {  	v24 =	vld [tilespmem:s24+$0x3D80];
	v15 =	vperm.xlane v15, v42  }
0x26a: {  	v14 =	vperm.xlane v14, v42;
	v19 =	vmul.f32 v41, v17;
	v18 =	vadd.f32 v18, v43  }
0x26b: {  	v45 =	vshll.u32 v15, $0x7  }
0x26c: {  	v15 =	vperm.xlane v44, v42;
	v46 =	vmul.f32 v23, v14;
	v18 =	vadd.f32 v19, v18  }
0x26d: {  	v47 =	vor.u32 v7, v45  }
0x26e: {  	v48 =	vmul.f32 v24, v15;
	v18 =	vadd.f32 v46, v18;
	_ =	sdelay $0x1  }
0x26f: {  	v18 =	vadd.f32 v48, v18;
	_ =	sdelay $0x1  }
0x270: {  	[tilespmem:v47+s21+$0x0] =	vst.idx.add.f32.msk $0xffff, v18  }
0x271: {  	v18 =	vld [tilespmem:s24+$0x35D0]  }
0x272: {  	v49 =	vld [tilespmem:s24+$0x3990]  }
0x273: {  	v20 =	vld [tilespmem:s24+$0x3DD0];
	_ =	sdelay $0x1  }
0x274: {  	v50 =	vld [tilespmem:s24+$0x39D0]  }
0x275: {  	v18 =	vmul.f32 v18, v16  }
0x276: {  	v51 =	vld [tilespmem:s24+$0x3D90]  }
0x277: {  	v19 =	vmul.f32 v49, v17;
	v18 =	vadd.f32 v18, v20;
	_ =	sdelay $0x1  }
0x278: {  	v52 =	vmul.f32 v50, v14;
	v18 =	vadd.f32 v19, v18  }
0x279: {  	v53 =	vor.u32 v8, v45  }
0x27a: {  	v54 =	vmul.f32 v51, v15;
	v18 =	vadd.f32 v52, v18;
	_ =	sdelay $0x1  }
0x27b: {  	v18 =	vadd.f32 v54, v18;
	_ =	sdelay $0x1  }
0x27c: {  	[tilespmem:v53+s21+$0x0] =	vst.idx.add.f32.msk $0xffff, v18  }
0x27d: {  	v18 =	vld [tilespmem:s24+$0x35E0]  }
0x27e: {  	v55 =	vld [tilespmem:s24+$0x39A0]  }
0x27f: {  	v20 =	vld [tilespmem:s24+$0x3DE0];
	_ =	sdelay $0x1  }
0x280: {  	v56 =	vld [tilespmem:s24+$0x39E0]  }
0x281: {  	v18 =	vmul.f32 v18, v16  }
0x282: {  	v57 =	vld [tilespmem:s24+$0x3DA0]  }
0x283: {  	v19 =	vmul.f32 v55, v17;
	v18 =	vadd.f32 v18, v20;
	_ =	sdelay $0x1  }
0x284: {  	v58 =	vmul.f32 v56, v14;
	v18 =	vadd.f32 v19, v18  }
0x285: {  	v59 =	vor.u32 v9, v45  }
0x286: {  	v60 =	vmul.f32 v57, v15;
	v18 =	vadd.f32 v58, v18;
	_ =	sdelay $0x1  }
0x287: {  	v18 =	vadd.f32 v60, v18;
	_ =	sdelay $0x1  }
0x288: {  	[tilespmem:v59+s21+$0x0] =	vst.idx.add.f32.msk $0xffff, v18  }
0x289: {  	v18 =	vld [tilespmem:s24+$0x35F0]  }
0x28a: {  	v61 =	vld [tilespmem:s24+$0x39B0]  }
0x28b: {  	v20 =	vld [tilespmem:s24+$0x3DF0];
	_ =	sdelay $0x1  }
0x28c: {  	v62 =	vld [tilespmem:s24+$0x39F0]  }
0x28d: {  	v16 =	vmul.f32 v18, v16  }
0x28e: {  	v63 =	vld [tilespmem:s24+$0x3DB0]  }
0x28f: {  	v17 =	vmul.f32 v61, v17;
	v16 =	vadd.f32 v16, v20;
	_ =	sdelay $0x1  }
0x290: {  	v14 =	vmul.f32 v62, v14;
	v16 =	vadd.f32 v17, v16  }
0x291: {  	v17 =	vor.u32 v10, v45  }
0x292: {  	v15 =	vmul.f32 v63, v15;
	v14 =	vadd.f32 v14, v16;
	_ =	sdelay $0x1  }
0x293: {  	v14 =	vadd.f32 v15, v14;
	_ =	sdelay $0x1  }
0x294: {  	[tilespmem:v17+s21+$0x0] =	vst.idx.add.f32.msk $0xffff, v14  }
0x295: {  	v15 =	vor.u32 v1, v45;
	v14 =	vld [tilespmem:s24+$0x3580];
	_ =	sdelay $0x4  }
0x296: {  	[tilespmem:v15+s21+$0x0] =	vst.idx.add.f32.msk $0xffff, v14  }
0x297: {  	v15 =	vor.u32 v11, v45;
	v14 =	vld [tilespmem:s24+$0x3590];
	_ =	sdelay $0x4  }
0x298: {  	[tilespmem:v15+s21+$0x0] =	vst.idx.add.f32.msk $0xffff, v14  }
0x299: {  	v15 =	vor.u32 v12, v45;
	v14 =	vld [tilespmem:s24+$0x35A0];
	_ =	sdelay $0x4  }
0x29a: {  	[tilespmem:v15+s21+$0x0] =	vst.idx.add.f32.msk $0xffff, v14  }
0x29b: {  	v14 =	vor.u32 v13, v45;
	v15 =	vld [tilespmem:s24+$0x35B0];
	_ =	sdelay $0x1  }
0x29c: {  	s23 =	simm.s32 $0x1  }
0x29d: {  	s26 =	simm.s32 $0x2;
	s22 =	sand.u32 $0x70, s23;
	s24 =	simm.s32 $0x80  }
.LBB2_13:
0x29e: {  	s0 =	sand.u32 $0x70, s26  }
0x29f: {  	s1 =	sshrl.u32 s23, $0x3;
	[tilespmem:v14+s21+$0x0] =	vst.idx.add.f32.msk $0xffff, v15;
	s28 =	smov.u32 s26;
	s25 =	sadd.s32 $0x1, s26  }
0x2a0: {  	p0 =	sne.s32 s26, $0x7F;
	v15 =	vld [tilespmem:s22+$0x3380];
	s1 =	smul.u32 $0x3000, s1  }
0x2a1: {  	v14 =	vld [tilespmem:s22+$0x3080]  }
0x2a2: {  	s26 =	sand.u32 $0x380, s24;
	v16 =	vld [tilespmem:s22+$0x3180];
	s1 =	sshra.s32 s1, $0x2  }
0x2a3: {  	v17 =	vld [tilespmem:s22+$0x3280];
	s26 =	sor.u32 s26, s1  }
0x2a4: {  	s1 =	sand.u32 $0xF, s23;
	s23 =	smov.u32 s28;
	v18 =	vld [tilespmem:s26+$0x35C0]  }
0x2a5: {  	v19 =	vmov s1;
	v20 =	vld [tilespmem:s26+$0x3980]  }
0x2a6: {  	v14 =	vperm.xlane v14, v19;
	v21 =	vld [tilespmem:s26+$0x3DC0]  }
0x2a7: {  	v16 =	vperm.xlane v16, v19;
	v22 =	vld [tilespmem:s22+$0x3480];
	s22 =	smov.u32 s0  }
0x2a8: {  	v23 =	vld [tilespmem:s26+$0x39C0];
	v14 =	vshll.u32 v14, $0x7  }
0x2a9: {  	v17 =	vperm.xlane v17, v19;
	v18 =	vmul.f32 v18, v16  }
0x2aa: {  	v24 =	vld [tilespmem:s26+$0x3D80]  }
0x2ab: {  	v15 =	vperm.xlane v15, v19;
	v20 =	vmul.f32 v20, v17;
	v18 =	vadd.f32 v18, v21;
	_ =	sdelay $0x1  }
0x2ac: {  	v19 =	vperm.xlane v22, v19;
	v18 =	vadd.f32 v20, v18;
	v20 =	vmul.f32 v23, v15  }
0x2ad: {  	v21 =	vor.u32 v7, v14  }
0x2ae: {  	v18 =	vadd.f32 v20, v18;
	v20 =	vmul.f32 v24, v19;
	_ =	sdelay $0x1  }
0x2af: {  	v18 =	vadd.f32 v20, v18;
	_ =	sdelay $0x1  }
0x2b0: {  	[tilespmem:v21+s21+$0x0] =	vst.idx.add.f32.msk $0xffff, v18  }
0x2b1: {  	v18 =	vld [tilespmem:s26+$0x35D0]  }
0x2b2: {  	v20 =	vld [tilespmem:s26+$0x3990]  }
0x2b3: {  	v21 =	vld [tilespmem:s26+$0x3DD0];
	_ =	sdelay $0x1  }
0x2b4: {  	v22 =	vld [tilespmem:s26+$0x39D0]  }
0x2b5: {  	v18 =	vmul.f32 v18, v16  }
0x2b6: {  	v23 =	vld [tilespmem:s26+$0x3D90]  }
0x2b7: {  	v20 =	vmul.f32 v20, v17;
	v18 =	vadd.f32 v18, v21;
	_ =	sdelay $0x1  }
0x2b8: {  	v18 =	vadd.f32 v20, v18;
	v20 =	vmul.f32 v22, v15  }
0x2b9: {  	v21 =	vor.u32 v8, v14  }
0x2ba: {  	v18 =	vadd.f32 v20, v18;
	v20 =	vmul.f32 v23, v19;
	_ =	sdelay $0x1  }
0x2bb: {  	v18 =	vadd.f32 v20, v18;
	_ =	sdelay $0x1  }
0x2bc: {  	[tilespmem:v21+s21+$0x0] =	vst.idx.add.f32.msk $0xffff, v18  }
0x2bd: {  	v18 =	vld [tilespmem:s26+$0x35E0]  }
0x2be: {  	v20 =	vld [tilespmem:s26+$0x39A0]  }
0x2bf: {  	v21 =	vld [tilespmem:s26+$0x3DE0];
	_ =	sdelay $0x1  }
0x2c0: {  	v22 =	vld [tilespmem:s26+$0x39E0]  }
0x2c1: {  	v18 =	vmul.f32 v18, v16  }
0x2c2: {  	v23 =	vld [tilespmem:s26+$0x3DA0]  }
0x2c3: {  	v20 =	vmul.f32 v20, v17;
	v18 =	vadd.f32 v18, v21;
	_ =	sdelay $0x1  }
0x2c4: {  	v18 =	vadd.f32 v20, v18;
	v20 =	vmul.f32 v22, v15  }
0x2c5: {  	v21 =	vor.u32 v9, v14  }
0x2c6: {  	v18 =	vadd.f32 v20, v18;
	v20 =	vmul.f32 v23, v19;
	_ =	sdelay $0x1  }
0x2c7: {  	v18 =	vadd.f32 v20, v18;
	_ =	sdelay $0x1  }
0x2c8: {  	[tilespmem:v21+s21+$0x0] =	vst.idx.add.f32.msk $0xffff, v18  }
0x2c9: {  	v18 =	vld [tilespmem:s26+$0x35F0]  }
0x2ca: {  	v20 =	vld [tilespmem:s26+$0x39B0]  }
0x2cb: {  	v21 =	vld [tilespmem:s26+$0x3DF0];
	_ =	sdelay $0x1  }
0x2cc: {  	v22 =	vld [tilespmem:s26+$0x39F0]  }
0x2cd: {  	v16 =	vmul.f32 v18, v16  }
0x2ce: {  	v18 =	vld [tilespmem:s26+$0x3DB0]  }
0x2cf: {  	v17 =	vmul.f32 v20, v17;
	v16 =	vadd.f32 v16, v21;
	_ =	sdelay $0x1  }
0x2d0: {  	v16 =	vadd.f32 v17, v16;
	v15 =	vmul.f32 v22, v15  }
0x2d1: {  	v17 =	vor.u32 v10, v14  }
0x2d2: {  	v15 =	vadd.f32 v15, v16;
	v16 =	vmul.f32 v18, v19;
	_ =	sdelay $0x1  }
0x2d3: {  	v15 =	vadd.f32 v16, v15;
	_ =	sdelay $0x1  }
0x2d4: {  	[tilespmem:v17+s21+$0x0] =	vst.idx.add.f32.msk $0xffff, v15  }
0x2d5: {  	v16 =	vor.u32 v1, v14;
	v15 =	vld [tilespmem:s26+$0x3580];
	_ =	sdelay $0x4  }
0x2d6: {  	[tilespmem:v16+s21+$0x0] =	vst.idx.add.f32.msk $0xffff, v15  }
0x2d7: {  	v16 =	vor.u32 v11, v14;
	v15 =	vld [tilespmem:s26+$0x3590];
	_ =	sdelay $0x4  }
0x2d8: {  	[tilespmem:v16+s21+$0x0] =	vst.idx.add.f32.msk $0xffff, v15  }
0x2d9: {  	v16 =	vor.u32 v12, v14;
	v15 =	vld [tilespmem:s26+$0x35A0];
	_ =	sdelay $0x4  }
0x2da: {  	[tilespmem:v16+s21+$0x0] =	vst.idx.add.f32.msk $0xffff, v15  }
.Ltmp11:
0x2db: {  	v14 =	vor.u32 v13, v14;
	v15 =	vld [tilespmem:s26+$0x35B0];
	(pc) =	sbr.rel @p0 .LBB2_13-.Ltmp11, $2  }
0x2dc: {  	_ =	sdelay $0x2  }
0x2dd: {  	s24 =	sadd.s32 $0x80, s24;
	s26 =	smov.u32 s25  }
0x2de: {  	_ =	sdelay $0x3  }
0x2df: {  	s0 =	sshrl.u32 s23, $0x3;
	[tilespmem:v14+s21+$0x0] =	vst.idx.add.f32.msk $0xffff, v15  }
0x2e0: {  	v14 =	vld [tilespmem:s22+$0x3380];
	s0 =	smul.u32 $0x3000, s0  }
0x2e1: {  	v15 =	vld [tilespmem:s22+$0x3080]  }
0x2e2: {  	s1 =	sand.u32 $0x380, s24;
	v16 =	vld [tilespmem:s22+$0x3180];
	s0 =	sshra.s32 s0, $0x2  }
0x2e3: {  	v17 =	vld [tilespmem:s22+$0x3280];
	s24 =	sor.u32 s1, s0  }
0x2e4: {  	v18 =	vld [tilespmem:s24+$0x35C0]  }
0x2e5: {  	s31 =	sand.u32 $0xF, s23;
	v19 =	vld [tilespmem:s24+$0x3980]  }
0x2e6: {  	v20 =	vmov s31;
	v21 =	vld [tilespmem:s24+$0x3DC0]  }
0x2e7: {  	v22 =	vld [tilespmem:s22+$0x3480];
	v16 =	vperm.xlane v16, v20  }
0x2e8: {  	v23 =	vld [tilespmem:s24+$0x39C0]  }
0x2e9: {  	v17 =	vperm.xlane v17, v20;
	v18 =	vmul.f32 v18, v16  }
0x2ea: {  	v24 =	vld [tilespmem:s24+$0x3D80];
	v15 =	vperm.xlane v15, v20  }
0x2eb: {  	v14 =	vperm.xlane v14, v20;
	v19 =	vmul.f32 v19, v17;
	v18 =	vadd.f32 v18, v21  }
0x2ec: {  	v20 =	vperm.xlane v22, v20  }
0x2ed: {  	v15 =	vshll.u32 v15, $0x7;
	v40 =	vmul.f32 v23, v14;
	v18 =	vadd.f32 v19, v18  }
0x2ee: {  	v41 =	vor.u32 v7, v15  }
0x2ef: {  	v42 =	vmul.f32 v24, v20;
	v18 =	vadd.f32 v40, v18;
	_ =	sdelay $0x1  }
0x2f0: {  	v18 =	vadd.f32 v42, v18;
	_ =	sdelay $0x1  }
0x2f1: {  	[tilespmem:v41+s21+$0x0] =	vst.idx.add.f32.msk $0xffff, v18  }
0x2f2: {  	v18 =	vld [tilespmem:s24+$0x35D0]  }
0x2f3: {  	v43 =	vld [tilespmem:s24+$0x3990]  }
0x2f4: {  	v21 =	vld [tilespmem:s24+$0x3DD0];
	_ =	sdelay $0x1  }
0x2f5: {  	v44 =	vld [tilespmem:s24+$0x39D0]  }
0x2f6: {  	v18 =	vmul.f32 v18, v16  }
0x2f7: {  	v45 =	vld [tilespmem:s24+$0x3D90]  }
0x2f8: {  	v19 =	vmul.f32 v43, v17;
	v18 =	vadd.f32 v18, v21;
	_ =	sdelay $0x1  }
0x2f9: {  	v46 =	vmul.f32 v44, v14;
	v18 =	vadd.f32 v19, v18  }
0x2fa: {  	v47 =	vor.u32 v8, v15  }
0x2fb: {  	v48 =	vmul.f32 v45, v20;
	v18 =	vadd.f32 v46, v18;
	_ =	sdelay $0x1  }
0x2fc: {  	v18 =	vadd.f32 v48, v18;
	_ =	sdelay $0x1  }
0x2fd: {  	[tilespmem:v47+s21+$0x0] =	vst.idx.add.f32.msk $0xffff, v18  }
0x2fe: {  	v18 =	vld [tilespmem:s24+$0x35E0]  }
0x2ff: {  	v49 =	vld [tilespmem:s24+$0x39A0]  }
0x300: {  	v21 =	vld [tilespmem:s24+$0x3DE0];
	_ =	sdelay $0x1  }
0x301: {  	v50 =	vld [tilespmem:s24+$0x39E0]  }
0x302: {  	v18 =	vmul.f32 v18, v16  }
0x303: {  	v51 =	vld [tilespmem:s24+$0x3DA0]  }
0x304: {  	v19 =	vmul.f32 v49, v17;
	v18 =	vadd.f32 v18, v21;
	_ =	sdelay $0x1  }
0x305: {  	v52 =	vmul.f32 v50, v14;
	v18 =	vadd.f32 v19, v18  }
0x306: {  	v53 =	vor.u32 v9, v15  }
0x307: {  	v54 =	vmul.f32 v51, v20;
	v18 =	vadd.f32 v52, v18;
	_ =	sdelay $0x1  }
0x308: {  	v18 =	vadd.f32 v54, v18;
	_ =	sdelay $0x1  }
0x309: {  	[tilespmem:v53+s21+$0x0] =	vst.idx.add.f32.msk $0xffff, v18  }
0x30a: {  	v18 =	vld [tilespmem:s24+$0x35F0]  }
0x30b: {  	v55 =	vld [tilespmem:s24+$0x39B0]  }
0x30c: {  	v21 =	vld [tilespmem:s24+$0x3DF0];
	_ =	sdelay $0x1  }
0x30d: {  	v56 =	vld [tilespmem:s24+$0x39F0]  }
0x30e: {  	v16 =	vmul.f32 v18, v16  }
0x30f: {  	v57 =	vld [tilespmem:s24+$0x3DB0]  }
0x310: {  	v17 =	vmul.f32 v55, v17;
	v16 =	vadd.f32 v16, v21;
	_ =	sdelay $0x1  }
0x311: {  	v14 =	vmul.f32 v56, v14;
	v16 =	vadd.f32 v17, v16  }
0x312: {  	v58 =	vor.u32 v10, v15  }
0x313: {  	v59 =	vmul.f32 v57, v20;
	v14 =	vadd.f32 v14, v16;
	_ =	sdelay $0x1  }
0x314: {  	v14 =	vadd.f32 v59, v14;
	_ =	sdelay $0x1  }
0x315: {  	[tilespmem:v58+s21+$0x0] =	vst.idx.add.f32.msk $0xffff, v14  }
0x316: {  	v60 =	vor.u32 v1, v15;
	v14 =	vld [tilespmem:s24+$0x3580];
	_ =	sdelay $0x4  }
0x317: {  	[tilespmem:v60+s21+$0x0] =	vst.idx.add.f32.msk $0xffff, v14  }
0x318: {  	v61 =	vor.u32 v11, v15;
	v14 =	vld [tilespmem:s24+$0x3590];
	_ =	sdelay $0x4  }
0x319: {  	[tilespmem:v61+s21+$0x0] =	vst.idx.add.f32.msk $0xffff, v14  }
0x31a: {  	v62 =	vor.u32 v12, v15;
	v14 =	vld [tilespmem:s24+$0x35A0];
	_ =	sdelay $0x4  }
0x31b: {  	[tilespmem:v62+s21+$0x0] =	vst.idx.add.f32.msk $0xffff, v14  }
0x31c: {  	v15 =	vor.u32 v13, v15;
	v14 =	vld [tilespmem:s24+$0x35B0];
	_ =	sdelay $0x4  }
0x31d: {  	[tilespmem:v15+s21+$0x0] =	vst.idx.add.f32.msk $0xffff, v14  }
0x31e: {  	v14 =	vld [tilespmem:$0x3000]  }
0x31f: {  	v15 =	vld [tilespmem:$0x3100]  }
0x320: {  	v16 =	vld [tilespmem:$0x3200]  }
0x321: {  	v17 =	vld [tilespmem:$0x3300]  }
0x322: {  	v63 =	vld [tilespmem:$0x3400]  }
0x323: {  	[tilespmem:$0x2F80] =	vst v14;
	v14 =	vld [tilespmem:$0x3500]  }
.Ltmp12:
0x324: {  	[tilespmem:$0x3080] =	vst v15;
	(pc) =	sbr.rel .LBB2_15-.Ltmp12, $4  }
0x325: {  	[tilespmem:$0x3180] =	vst v16  }
0x326: {  	[tilespmem:$0x3280] =	vst v17  }
0x327: {  	[tilespmem:$0x3380] =	vst v63  }
0x328: {  	s23 =	rddreg [dreg:$0x7];
	[tilespmem:$0x3480] =	vst v14  }
.LBB2_16:
0x329: {  	_ =	sfence.sel $0x180000  }
0x32a: {  	[bflag:$0x0] =	sbarrier.arrive $0xFFFF  }
0x32b: {  	_ =	strace $0x9000004D  }
0x32c: {  	s0 =	stileid.u32;
	[bflag:$0x2] =	sbarrier.arrive $0xFFFF  }
0x32d: {  	p0 =	sne.s32 s0, $0x0;
	s0 =	rddreg [dreg:$0x1]  }
0x32e: {  	s0 =	sadd.s32 @!p0 $0x100000, s0  }
0x32f: {  	[sflag:s0] =	ssyncadd.tile.s32 @!p0 $0x1;
	_ =	shalt  }
.Lfunc_end2:
_tile_overlayer_lowered:
.L_overlay_start_2:
0x330: {  	(tag) =	ssettag $0x2  }
0x331: {  	s0 =	rddreg [dreg:$0x0];
	s2 =	stileid.u32  }
0x332: {  	s1 =	rddreg [dreg:$0x1];
	p0 =	sne.s32 s2, $0x0  }
0x333: {  	s3 =	rddreg [dreg:$0x2];
	[bflag:$0x3] =	sbarrier.arrive $0xFFFF;
	s2 =	simm.s32 @!p0 $0x1C02  }
0x334: {  	[timem:s3], [sflag:s2] =	dma.local @!p0 [hbm:s0], s1  }
0x335: {  	s0 =	simm.s32 @!p0 $0x2  }
0x336: {  	_ =	swait.ge @!p0 [sflag:s0], s1  }
0x337: {  	s1 =	ssub.s32 @!p0 $0x0, s1;
	[sflag:s0] =	ssyncset.done @!p0 $0x0  }
0x338: {  	[sflag:s0] =	ssyncadd.s32 @!p0 s1  }
0x339: {  	[bflag:$0x3] =	sbarrier.arrive $0xFFFF  }
0x33a: {  	_ =	shalt  }

// kernel: kernel.8.cloned.1.call-start
scs
__scs_entry_jumppad:
0x0: {  	(pc) =	sbr.rel $0x88, $3  }
0x1: {  	(tag) =	ssettag $0x0;
	lr =	simm.s32 $0x1  }
0x2: {  	[smem:$0x3F8B] =	sst lr;
	_ =	strace $0xD0000000  }
0x3: {  	_ = 	snop  }
0x4: {  	_ = 	snop  }
0x5: {  	_ = 	snop  }
0x6: {  	_ = 	snop  }
0x7: {  	_ = 	snop  }
__scs_overlays_trampoline_lowered:
0x8: {  	[smem:$0x3F9A] =	sst s0  }
0x9: {  	[smem:$0x3F9B] =	sst s1  }
0xa: {  	[smem:$0x3F9C] =	sst s2  }
0xb: {  	[smem:$0x3F9D] =	sst s3  }
0xc: {  	[smem:$0x3F9E] =	sst s4  }
0xd: {  	[smem:$0x3F9F] =	sst s5  }
0xe: {  	[smem:$0x3FA0] =	sst s6  }
0xf: {  	[smem:$0x3FA1] =	sst s7  }
0x10: {  	[smem:$0x3FA2] =	sst s8  }
0x11: {  	[smem:$0x3FA3] =	sst s9;
	s0 =	simm.s32 @!p0 $0x0  }
0x12: {  	s1 =	sld [smem:$0x3F89];
	s0 =	simm.s32 @p0 $0x1  }
0x13: {  	[smem:$0x3FA4] =	sst s0;
	s0 =	simm.s32 @!p1 $0x0  }
0x14: {  	s2 =	sld [smem:$0x3F88];
	s0 =	simm.s32 @p1 $0x1  }
0x15: {  	[smem:$0x3FA5] =	sst s0;
	s0 =	simm.s32 @!p2 $0x0  }
0x16: {  	s3 =	sld [smem:$0x3FDB];
	s0 =	simm.s32 @p2 $0x1  }
0x17: {  	s4 =	simm.s32 $0x1BF5;
	[smem:$0x3FA7] =	sst s0  }
0x18: {  	s0 =	sld [smem:$0x3F8A];
	_ =	swait.ge [sflag:s4], $0x0  }
0x19: {  	s7 =	sld [smem:$0x3F8B]  }
0x1a: {  	s8 =	sadd.s32 $0xFFFFE003, lr  }
0x1b: {  	s9 =	sadd.s32 $0xFFFFFEF7, lr;
	s5 =	simm.s32 $0xFFFFFFFF;
	p2 =	slt.u32 s8, $0xFFFFF086  }
0x1c: {  	p1 =	slt.u32 s9, $0xF7A;
	s5 =	simm.s32 @!p2 $0x0  }
0x1d: {  	s5 =	simm.s32 @p1 $0x1;
	p0 =	seq.s32 s7, s2  }
0x1e: {  	s7 =	smul.u32 @!p0 $0xF7A, s2;
	p2 =	seq.s32 @!p0 s5, $0x0  }
0x1f: {  	s9 =	smul.u32 $0xF7A, s1;
	s8 =	simm.s32 @!p0 $0x1BF5;
	p2 =	por !p2, p0  }
0x20: {  	[sflag:s8] =	ssyncset.s32 @!p0 $0xFFFFF086;
	s6 =	sadd.s32 @!p0 s3, s7;
	s7 =	simm.s32 @!p0 $0x108  }
0x21: {  	s3 =	sadd.s32 s3, s9;
	s6 =	sadd.s32 @!p0 $0x88, s6;
	s7 =	simm.s32 @p2 $0x1082  }
0x22: {  	[simem:s7], [sflag:s8] =	dma.local @!p0 [hbm:s6], $0xF7A  }
0x23: {  	s9 =	sor.u32 $0xD0000000, s2;
	s6 =	simm.s32 $0x108;
	_ =	swait.ge @!p0 [sflag:s8], $0x0  }
0x24: {  	s3 =	sadd.s32 $0x88, s3;
	s6 =	simm.s32 @!p1 $0x1082;
	[sflag:s4] =	ssyncset.s32 $0xFFFFF086  }
0x25: {  	[simem:s6], [sflag:s4] =	dma.local [hbm:s3], $0xF7A  }
0x26: {  	[smem:$0x3F8B] =	sst s1;
	(tag) =	ssettag s2;
	_ =	strace s9  }
0x27: {  	s1 =	sld [smem:$0x3F9B]  }
0x28: {  	s2 =	sld [smem:$0x3F9C]  }
0x29: {  	s4 =	sld [smem:$0x3F9E]  }
0x2a: {  	p0 =	seq.s32 s5, $0x0;
	s5 =	sld [smem:$0x3F9F]  }
0x2b: {  	s6 =	sld [smem:$0x3FA0]  }
0x2c: {  	s7 =	sld [smem:$0x3FA1]  }
0x2d: {  	s3 =	simm.s32 $0x108;
	s8 =	sld [smem:$0x3FA2]  }
0x2e: {  	s3 =	simm.s32 @!p0 $0x1082;
	s9 =	sld [smem:$0x3FA3]  }
0x2f: {  	lr =	sadd.s32 s0, s3;
	s0 =	sld [smem:$0x3F9A]  }
0x30: {  	s3 =	sld [smem:$0x3F9D]  }
0x31: {  	[smem:$0x3FA6] =	sst s10  }
0x32: {  	s10 =	sld [smem:$0x3FA4];
	_ =	sdelay $0x3  }
0x33: {  	p0 =	seq.s32 s10, $0x1;
	s10 =	sld [smem:$0x3FA6];
	_ =	sdelay $0x3  }
0x34: {  	[smem:$0x3FA6] =	sst s10  }
0x35: {  	s10 =	sld [smem:$0x3FA5];
	_ =	sdelay $0x3  }
0x36: {  	p1 =	seq.s32 s10, $0x1;
	s10 =	sld [smem:$0x3FA6];
	_ =	sdelay $0x3  }
0x37: {  	[smem:$0x3FA6] =	sst s10  }
0x38: {  	s10 =	sld [smem:$0x3FA7]  }
0x39: {  	_ = 	snop;
	(pc) =	sbr.ind lr, $3  }
0x3a: {  	_ = 	snop  }
0x3b: {  	_ = 	snop  }
0x3c: {  	p2 =	seq.s32 s10, $0x1;
	s10 =	sld [smem:$0x3FA6]  }
0x3d: {  	_ =	shalt  }
0x3e: {  	_ =	shalt  }
0x3f: {  	_ =	shalt  }
0x40: {  	_ =	shalt  }
0x41: {  	_ =	shalt  }
0x42: {  	_ =	shalt  }
0x43: {  	_ =	shalt  }
0x44: {  	_ =	shalt  }
0x45: {  	_ =	shalt  }
0x46: {  	_ =	shalt  }
0x47: {  	_ =	shalt  }
0x48: {  	_ =	shalt  }
0x49: {  	_ =	shalt  }
0x4a: {  	_ =	shalt  }
0x4b: {  	_ =	shalt  }
0x4c: {  	_ =	shalt  }
0x4d: {  	_ =	shalt  }
0x4e: {  	_ =	shalt  }
0x4f: {  	_ =	shalt  }
0x50: {  	_ =	shalt  }
0x51: {  	_ =	shalt  }
0x52: {  	_ =	shalt  }
0x53: {  	_ =	shalt  }
0x54: {  	_ =	shalt  }
0x55: {  	_ =	shalt  }
0x56: {  	_ =	shalt  }
0x57: {  	_ =	shalt  }
0x58: {  	_ =	shalt  }
0x59: {  	_ =	shalt  }
0x5a: {  	_ =	shalt  }
0x5b: {  	_ =	shalt  }
0x5c: {  	_ =	shalt  }
0x5d: {  	_ =	shalt  }
0x5e: {  	_ =	shalt  }
0x5f: {  	_ =	shalt  }
0x60: {  	_ =	shalt  }
0x61: {  	_ =	shalt  }
0x62: {  	_ =	shalt  }
0x63: {  	_ =	shalt  }
0x64: {  	_ =	shalt  }
0x65: {  	_ =	shalt  }
0x66: {  	_ =	shalt  }
0x67: {  	_ =	shalt  }
0x68: {  	_ =	shalt  }
0x69: {  	_ =	shalt  }
0x6a: {  	_ =	shalt  }
0x6b: {  	_ =	shalt  }
0x6c: {  	_ =	shalt  }
0x6d: {  	_ =	shalt  }
0x6e: {  	_ =	shalt  }
0x6f: {  	_ =	shalt  }
0x70: {  	_ =	shalt  }
0x71: {  	_ =	shalt  }
0x72: {  	_ =	shalt  }
0x73: {  	_ =	shalt  }
0x74: {  	_ =	shalt  }
0x75: {  	_ =	shalt  }
0x76: {  	_ =	shalt  }
0x77: {  	_ =	shalt  }
0x78: {  	_ =	shalt  }
0x79: {  	_ =	shalt  }
0x7a: {  	_ =	shalt  }
0x7b: {  	_ =	shalt  }
0x7c: {  	_ =	shalt  }
0x7d: {  	_ =	shalt  }
0x7e: {  	_ =	shalt  }
0x7f: {  	_ =	shalt  }
0x80: {  	_ =	shalt  }
0x81: {  	_ =	shalt  }
0x82: {  	_ =	shalt  }
0x83: {  	_ =	shalt  }
0x84: {  	_ =	shalt  }
0x85: {  	_ =	shalt  }
0x86: {  	_ =	shalt  }
0x87: {  	_ =	shalt  }
.Lfunc_end0:
.L_simem_size_0:
called_computation_lowered:
.L_overlay_start_0:
0x88: {  	s2 =	sld [smem:$0x3FD9]  }
0x89: {  	s3 =	sld [smem:$0x3FFE];
	_ =	sdelay $0x1  }
0x8a: {  	s1 =	srdreg.scid  }
0x8b: {  	s0 =	sand.u32 $0x1, s1  }
0x8c: {  	s16 =	sshll.u32 s0, $0xA;
	s2 =	sadd.s32 s3, s2  }
0x8d: {  	s2 =	sadd.s32 s2, s16  }
0x8e: {  	[smem:$0x3FB2] =	sst s2  }
0x8f: {  	_ = 	snop  }
0x90: {  	(tm) =	ssettm $0x1  }
0x91: {  	s17 =	sld [smem:$0x3FFB];
	_ =	sdelay $0x3  }
0x92: {  	_ =	strace s17  }
0x93: {  	s2 =	sld [smem:$0x3FFC];
	_ =	sdelay $0x3  }
0x94: {  	_ =	strace s2  }
0x95: {  	s2 =	sld [smem:$0x3FFD];
	_ =	sdelay $0x3  }
0x96: {  	_ =	strace s2  }
0x97: {  	_ =	strace $0x8FFFFFFF  }
0x98: {  	s18 =	sld [smem:$0x3FDB];
	_ =	sdelay $0x1  }
0x99: {  	s19 =	simm.s32 $_scs_section_size  }
0x9a: {  	s4 =	simm.s32 $_size__tile_overlayer_lowered;
	s5 =	simm.s32 $_tile_overlayer_lowered  }
0x9b: {  	s22 =	simm.s32 $0x1BFF;
	s21 =	sshll.u32 s5, $0x1;
	s2 =	sadd.s32 s19, s18  }
0x9c: {  	s6 =	simm.s32 $0x0;
	s20 =	sshll.u32 s4, $0x1;
	s4 =	sadd.s32 s21, s2  }
0x9d: {  	[timem:s6], [sflag:s22] =	dma.local [hbm:s4], s20  }
0x9e: {  	_ =	swait.ge [sflag:s22], s20  }
0x9f: {  	s3 =	ssub.s32 $0x0, s20;
	[sflag:s22] =	ssyncset.done $0x0  }
0xa0: {  	[sflag:s22] =	ssyncadd.s32 s3;
	_ =	sdelay $0x1  }
0xa1: {  	s23 =	simm.s32 $0x1B8B  }
0xa2: {  	_ =	swait.ge [sflag:s23], $0x1  }
0xa3: {  	[sflag:s23] =	ssyncset.done $0x0  }
0xa4: {  	s25 =	simm.s32 $0x1B8E;
	s24 =	sld [smem:$0x3FFE];
	[sflag:s23] =	ssyncadd.s32 $0xFFFFFFFF  }
0xa5: {  	s26 =	simm.s32 $execute0_lowered;
	[smem:$0x3FD2] =	sst s25  }
0xa6: {  	s4 =	sshll.u32 s26, $0x1;
	_ =	strace $0x80000046;
	[dreg:$0x1] =	wrdreg $0xFFFFFFFF  }
0xa7: {  	s28 =	simm.s32 $_size_execute0_lowered;
	s2 =	sadd.s32 s2, s4;
	[dreg:$0x0] =	wrdreg $0x0  }
0xa8: {  	s4 =	sshll.u32 s28, $0x1;
	[dreg:$0x2] =	wrdreg s2  }
0xa9: {  	[dreg:$0x3] =	wrdreg s4  }
0xaa: {  	[dreg:$0x4] =	wrdreg $0xC0  }
0xab: {  	_ =	task [dreg:s6], $0x5FFFF  }
0xac: {  	[dreg:$0x1] =	wrdreg $0xFFFFFFFF  }
0xad: {  	[dreg:$0x0] =	wrdreg $0x60  }
0xae: {  	[dreg:$0x2] =	wrdreg s24  }
0xaf: {  	[dreg:$0x3] =	wrdreg $0x9  }
0xb0: {  	_ =	task.clear_ibuf [dreg:s6], $0x4FFFF;
	_ =	strace $0x90000046  }
0xb1: {  	s29 =	simm.s32 $0x9;
	_ =	strace $0x80000048  }
0xb2: {  	_ =	swait.ge [sflag:s29], $0x1  }
0xb3: {  	[sflag:s29] =	ssyncadd.s32 $0xFFFFFFFF  }
0xb4: {  	_ =	strace $0x90000048  }
0xb5: {  	_ =	sfence  }
0xb6: {  	s30 =	sld [smem:$0x0];
	_ =	sdelay $0x2  }
0xb7: {  	s31 =	sshll.u32 s1, $0xD;
	s1 =	sshrl.u32 s1, $0x2  }
0xb8: {  	s3 =	sand.u32 $0x4000, s31;
	s1 =	sadd.s32 s1, s30  }
0xb9: {  	s0 =	sor.u32 s3, s0;
	s1 =	sshll.u32 s1, $0x11  }
0xba: {  	s0 =	sor.u32 s1, s0  }
0xbb: {  	s0 =	sadd.s32 $0x8F2B, s0  }
0xbc: {  	[sflag:s0] =	ssyncadd.remote.s32 $0x1  }
0xbd: {  	_ =	sfence.sel $0xFFFF  }
0xbe: {  	[dreg:$0x0] =	wrdreg $0xFFFFFFFF;
	(pc) =	sbr.abs _section_cstart, $3  }
0xbf: {  	[dreg:$0x1] =	wrdreg $0xFFFFFFFF  }
0xc0: {  	_ =	task.clear_ibuf [dreg:s6], $0x2FFFF;
	_ =	strace $0x9FFFFFFF  }
0xc1: {  	(tm) =	ssettm $0x7FFFFFFF  }
tec
execute0_lowered:
.L_overlay_start_1:
0x0: {  	(tag) =	ssettag $0x1  }
0x1: {  	s5 =	rddreg [dreg:$0x0]  }
0x2: {  	s0 =	rddreg [dreg:$0x1]  }
0x3: {  	s3 =	srdreg.scid;
	s1 =	stileid.u32;
	s2 =	simm.s32 $0x0  }
0x4: {  	s10 =	simm.s32 $0x1C80;
	s6 =	sand.u32 $0x1, s3;
	s30 =	sshll.u32 s1, $0x1  }
0x5: {  	s11 =	simm.s32 $0x80;
	s12 =	simm.s32 $0x100;
	s7 =	sor.u32 s6, s30  }
0x6: {  	[smem:$0x7FF] =	sst s2;
	s6 =	ssub.s32 $0x2, s6;
	s8 =	smul.u32 $0x500, s7  }
0x7: {  	s3 =	sadd.s32 $0x8400, s5;
	s31 =	sshrl.u32 s6, $0x1;
	s7 =	smul.u32 $0x140, s7  }
0x8: {  	s4 =	sadd.s32 $0x3400, s5;
	_ =	strace $0x80000047;
	s9 =	ssub.s32 s6, s31  }
0x9: {  	s8 =	sadd.s32 s8, s5;
	v0 =	vmov s7;
	s7 =	smax.u32 s9, $0x1;
	s9 =	simm.s32 $0x800  }
0xa: {  	v1 =	vimm.f32 $0.0e+00;
	v2 =	vlaneseq.u32;
	v3 =	vimm.f32 $1.000000000e+00;
	s5 =	sadd.s32 $0xD400, s8;
	s6 =	sadd.s32 $0xD410, s8;
	s8 =	simm.s32 $0x1  }
.LBB2_1:
0xb: {  	s13 =	simm.s32 $0x40;
	s15 =	simm.s32 $0x0  }
.LBB2_2:
0xc: {  	p0 =	sne.s32 s13, $0x5000;
	[tilespmem:s15+$0x800] =	vst v1;
	s14 =	smov.u32 s13;
	s13 =	sadd.s32 $0x40, s13  }
.Ltmp0:
0xd: {  	[tilespmem:s15+$0x1C80] =	vst v1;
	(pc) =	sbr.rel @p0 .LBB2_2-.Ltmp0, $2  }
0xe: {  	_ =	sdelay $0x2  }
0xf: {  	s15 =	sshra.s32 s14, $0x2  }
0x10: {  	[tilespmem:s15+$0x800] =	vst v1  }
0x11: {  	s14 =	simm.s32 $0x0;
	[tilespmem:s15+$0x1C80] =	vst v1;
	s15 =	simm.s32 $0x0  }
.LBB2_4:
0x12: {  	s13 =	smul.u32 $0xFA, s15;
	_ =	sdelay $0x1  }
0x13: {  	s13 =	sadd.s32 s3, s13  }
0x14: {  	[tilespmem:s14], [sflag:$0x1] =	stream.linear.gather [hbm4b:s13+s14], $0x7D0, $0x38;
	[tilespmem:$0x3100] =	vst v63  }
0x15: {  	_ =	swait.ge [sflag:s8], $0x7D0  }
0x16: {  	[sflag:s8] =	ssyncset.done $0x0  }
0x17: {  	s16 =	simm.s32 $0x0;
	s13 =	simm.s32 $0x40;
	[sflag:s8] =	ssyncadd.s32 $0xFFFFF830  }
.LBB2_5:
0x18: {  	p0 =	sne.s32 s13, $0x1F00;
	v4 =	vld [tilespmem:s16+$0x0];
	_ =	sdelay $0x4  }
0x19: {  	v4 =	vsub.s32 v4, v0  }
0x1a: {  	v4 =	vmin.u32 v4, $0x140  }
0x1b: {  	v4 =	vshll.u32 v4, $0x4  }
0x1c: {  	v4 =	vor.u32 v2, v4  }
.Ltmp1:
0x1d: {  	(pc) =	sbr.rel @p0 .LBB2_5-.Ltmp1, $2  }
0x1e: {  	_ =	sdelay $0x2  }
0x1f: {  	s16 =	sshra.s32 s13, $0x2;
	s13 =	sadd.s32 $0x40, s13;
	[tilespmem:v4+s9+$0x0] =	vst.idx.add.f32.msk $0xffff, v3  }
0x20: {  	v4 =	vld [tilespmem:s16+$0x0];
	_ =	sdelay $0x4  }
0x21: {  	v4 =	vsub.s32 v4, v0  }
0x22: {  	v4 =	vmin.u32 v4, $0x140  }
0x23: {  	s15 =	sadd.s32 $0x1, s15;
	v4 =	vshll.u32 v4, $0x4  }
0x24: {  	p0 =	sne.s32 s15, $0x50;
	v4 =	vor.u32 v2, v4  }
.Ltmp2:
0x25: {  	_ = 	snop;
	(pc) =	sbr.rel @p0 .LBB2_4-.Ltmp2, $2  }
0x26: {  	_ =	sdelay $0x2  }
0x27: {  	s13 =	simm.s32 $0x0;
	[tilespmem:v4+s9+$0x0] =	vst.idx.add.f32.msk $0xffff, v3  }
0x28: {  	s14 =	simm.s32 $0x0  }
.LBB2_8:
0x29: {  	s15 =	smul.u32 $0xFA, s14;
	_ =	sdelay $0x1  }
0x2a: {  	s15 =	sadd.s32 s4, s15  }
0x2b: {  	[tilespmem:s13], [sflag:$0x1] =	stream.linear.gather [hbm4b:s15+s13], $0x7D0, $0x38;
	[tilespmem:$0x3100] =	vst v63  }
0x2c: {  	_ =	swait.ge [sflag:s8], $0x7D0  }
0x2d: {  	[sflag:s8] =	ssyncset.done $0x0  }
0x2e: {  	s16 =	simm.s32 $0x0;
	s15 =	simm.s32 $0x40;
	[sflag:s8] =	ssyncadd.s32 $0xFFFFF830  }
.LBB2_9:
0x2f: {  	p0 =	sne.s32 s15, $0x1F00;
	v4 =	vld [tilespmem:s16+$0x0];
	_ =	sdelay $0x4  }
0x30: {  	v4 =	vsub.s32 v4, v0  }
0x31: {  	v4 =	vmin.u32 v4, $0x140  }
0x32: {  	v4 =	vshll.u32 v4, $0x4  }
0x33: {  	v4 =	vor.u32 v2, v4  }
.Ltmp3:
0x34: {  	(pc) =	sbr.rel @p0 .LBB2_9-.Ltmp3, $2  }
0x35: {  	_ =	sdelay $0x2  }
0x36: {  	s16 =	sshra.s32 s15, $0x2;
	s15 =	sadd.s32 $0x40, s15;
	[tilespmem:v4+s10+$0x0] =	vst.idx.add.f32.msk $0xffff, v3  }
0x37: {  	v4 =	vld [tilespmem:s16+$0x0];
	_ =	sdelay $0x4  }
0x38: {  	v4 =	vsub.s32 v4, v0  }
0x39: {  	v4 =	vmin.u32 v4, $0x140  }
0x3a: {  	s14 =	sadd.s32 $0x1, s14;
	v4 =	vshll.u32 v4, $0x4  }
0x3b: {  	p0 =	sne.s32 s14, $0x50;
	v4 =	vor.u32 v2, v4  }
.Ltmp4:
0x3c: {  	_ = 	snop;
	(pc) =	sbr.rel @p0 .LBB2_8-.Ltmp4, $2  }
0x3d: {  	_ =	sdelay $0x2  }
0x3e: {  	[tilespmem:v4+s10+$0x0] =	vst.idx.add.f32.msk $0xffff, v3  }
0x3f: {  	[hbm4b:s5+s11] =	stream.strided.scatter [tilespmem:s9], [sflag:$0x1], $0x1400, s12, s11, $0x38;
	[tilespmem:$0x3100] =	vst v63  }
0x40: {  	s2 =	sadd.s32 $0x1, s2;
	_ =	swait.ge [sflag:s8], $0x1400  }
0x41: {  	p0 =	sne.s32 s2, s7;
	[sflag:s8] =	ssyncset.done $0x0  }
.Ltmp5:
0x42: {  	[sflag:s8] =	ssyncadd.s32 $0xFFFFEC00;
	(pc) =	sbr.rel @p0 .LBB2_1-.Ltmp5, $4  }
0x43: {  	[hbm4b:s6+s11] =	stream.strided.scatter [tilespmem:s10], [sflag:$0x1], $0x1400, s12, s11, $0x38;
	[tilespmem:$0x3100] =	vst v63  }
0x44: {  	_ =	swait.ge [sflag:s8], $0x1400  }
0x45: {  	[sflag:s8] =	ssyncset.done $0x0  }
0x46: {  	[sflag:s8] =	ssyncadd.s32 $0xFFFFEC00  }
0x47: {  	_ =	sfence.sel $0x180000  }
0x48: {  	[bflag:$0x0] =	sbarrier.arrive $0xFFFF  }
0x49: {  	p0 =	sne.s32 s1, $0x0;
	_ =	strace $0x90000047  }
0x4a: {  	s0 =	sadd.s32 @!p0 $0x100000, s0;
	[bflag:$0x2] =	sbarrier.arrive $0xFFFF  }
0x4b: {  	[sflag:s0] =	ssyncadd.tile.s32 @!p0 $0x1;
	_ =	shalt  }
.Lfunc_end2:
_tile_overlayer_lowered:
.L_overlay_start_2:
0x4c: {  	(tag) =	ssettag $0x2  }
0x4d: {  	s0 =	rddreg [dreg:$0x0];
	s2 =	stileid.u32  }
0x4e: {  	s1 =	rddreg [dreg:$0x1];
	p0 =	sne.s32 s2, $0x0  }
0x4f: {  	s3 =	rddreg [dreg:$0x2];
	[bflag:$0x3] =	sbarrier.arrive $0xFFFF;
	s2 =	simm.s32 @!p0 $0x1C01  }
0x50: {  	[timem:s3], [sflag:s2] =	dma.local @!p0 [hbm:s0], s1  }
0x51: {  	s0 =	simm.s32 @!p0 $0x1  }
0x52: {  	_ =	swait.ge @!p0 [sflag:s0], s1  }
0x53: {  	s1 =	ssub.s32 @!p0 $0x0, s1;
	[sflag:s0] =	ssyncset.done @!p0 $0x0  }
0x54: {  	[sflag:s0] =	ssyncadd.s32 @!p0 s1  }
0x55: {  	[bflag:$0x3] =	sbarrier.arrive $0xFFFF  }
0x56: {  	_ =	shalt  }

</sc_bundles>
